<compile_context>
chip_gen: v7x
topology: tpu7x:2x2x1
jax: 0.10.2.dev20260603
libtpu: 0.0.44.dev20260713+nightly
codegen_flags: <defaults>
</compile_context>

<pallas_src>
import functools

import jax
import jax.numpy as jnp
from jax import lax
from jax.experimental import pallas as pl
from jax.experimental.pallas import tpu as pltpu
from jax.experimental.pallas import tpu_sc as plsc

D = 200
B = 16384

NC = 2
NS = 16
L = 16
NW = NC * NS
PER_W = B // NW
CB = 8
N_CHUNK = PER_W // CB

HEAD = 128
TAIL = D - HEAD
HEAD_CHUNKS = HEAD // L
TAIL_CHUNKS = TAIL // L
TAIL_MOFF = TAIL - L

_ROW_BUFS = (
    [((CB, HEAD), jnp.float32)] * 8
    + [((CB, 512), jnp.float32)] * 2
    + [((CB, 1536), jnp.float32), ((CB, 1024), jnp.float32)]
)


def _score_kernel(e_re, e_im, e2_re, e2_im, etailp, rcatp, tcatp,
                  s_idx, r_idx, o_idx, t_idx, out,
                  s_iv, r_iv, o_iv, t_iv, bufs_a, bufs_b, out_v,
                  sem_a, sem_b, idx_sem):
    wid = lax.axis_index("s") * NC + lax.axis_index("c")
    base = pl.multiple_of(wid * PER_W, 8)

    lane = lax.broadcasted_iota(jnp.int32, (L,), 0)
    tail_mask = lane >= (L - (TAIL - TAIL_CHUNKS * L))
    perms = [((lane + sh) % L)[:, None] for sh in (8, 4, 2, 1)]
    _dn = lax.GatherDimensionNumbers(
        offset_dims=(), collapsed_slice_dims=(0,), start_index_map=(0,))

    def _lane_sum(v):
        for p in perms:
            v = v + lax.gather(v, p, _dn, slice_sizes=(1,),
                               mode=lax.GatherScatterMode.PROMISE_IN_BOUNDS)
        return v

    cps = [pltpu.async_copy(s_idx.at[pl.ds(base, PER_W)], s_iv, idx_sem),
           pltpu.async_copy(r_idx.at[pl.ds(base, PER_W)], r_iv, idx_sem),
           pltpu.async_copy(o_idx.at[pl.ds(base, PER_W)], o_iv, idx_sem),
           pltpu.async_copy(t_idx.at[pl.ds(base, PER_W)], t_iv, idx_sem)]
    for cp in cps:
        cp.wait()

    def descriptors(ch, bufs, sem):
        off = pl.multiple_of(ch * CB, 8)
        (b_sre, b_sim, b_s2re, b_s2im, b_ore, b_oim, b_o2re, b_o2im,
         b_st, b_ot, b_r, b_t) = bufs
        s_i = s_iv.at[pl.ds(off, CB)]
        o_i = o_iv.at[pl.ds(off, CB)]
        hd = pl.ds(0, HEAD)
        return [
            pltpu.make_async_copy(e_re.at[s_i, hd], b_sre, sem),
            pltpu.make_async_copy(e_im.at[s_i, hd], b_sim, sem),
            pltpu.make_async_copy(e2_re.at[s_i, hd], b_s2re, sem),
            pltpu.make_async_copy(e2_im.at[s_i, hd], b_s2im, sem),
            pltpu.make_async_copy(e_re.at[o_i, hd], b_ore, sem),
            pltpu.make_async_copy(e_im.at[o_i, hd], b_oim, sem),
            pltpu.make_async_copy(e2_re.at[o_i, hd], b_o2re, sem),
            pltpu.make_async_copy(e2_im.at[o_i, hd], b_o2im, sem),
            pltpu.make_async_copy(etailp.at[s_i], b_st, sem),
            pltpu.make_async_copy(etailp.at[o_i], b_ot, sem),
            pltpu.make_async_copy(rcatp.at[r_iv.at[pl.ds(off, CB)]], b_r, sem),
            pltpu.make_async_copy(tcatp.at[t_iv.at[pl.ds(off, CB)]], b_t, sem),
        ]

    def gathers(ch, bufs, sem):
        for cp in descriptors(ch, bufs, sem):
            cp.start()

    def wait_gathers(ch, bufs, sem):
        for cp in descriptors(ch, bufs, sem):
            cp.wait()

    def compute(ch, bufs, lane_base, vec):
        (b_sre, b_sim, b_s2re, b_s2im, b_ore, b_oim, b_o2re, b_o2im,
         b_st, b_ot, b_r, b_t) = bufs

        def cross_terms(e, s_re, s_im, s2_re, s2_im, o_re, o_im, o2_re,
                        o2_im, rt0, tail):
            r_re = b_r[e, pl.ds(rt0, L)]
            r_im = b_r[e, pl.ds(256 + rt0, L)]
            rs_re = b_r[e, pl.ds(512 + rt0, L)]
            rs_im = b_r[e, pl.ds(768 + rt0, L)]
            ro_re = b_r[e, pl.ds(1024 + rt0, L)]
            ro_im = b_r[e, pl.ds(1280 + rt0, L)]
            ts_re = b_t[e, pl.ds(rt0, L)]
            ts_im = b_t[e, pl.ds(256 + rt0, L)]
            to_re = b_t[e, pl.ds(512 + rt0, L)]
            to_im = b_t[e, pl.ds(768 + rt0, L)]
            sro = ((s_im * r_re + s_re * r_im) * o_im
                   + (s_re * r_re - s_im * r_im) * o_re)
            srt = ((s_im * rs_re + s_re * rs_im) * ts_im
                   + (s_re * rs_re - s_im * rs_im) * ts_re)
            ort = ((o_im * ro_re + o_re * ro_im) * to_im
                   + (o_re * ro_re - o_im * ro_im) * to_re)
            sot = ((s2_im * ts_re + s2_re * ts_im) * o2_im
                   + (s2_re * ts_re - s2_im * ts_im) * o2_re)
            w5 = srt + ort + sot
            if tail:
                sro = jnp.where(tail_mask, sro, 0.0)
                w5 = jnp.where(tail_mask, w5, 0.0)
            return sro, w5

        def head_terms(e, c, accs):
            d0 = c * L
            sro, w5 = cross_terms(
                e,
                b_sre[e, pl.ds(d0, L)], b_sim[e, pl.ds(d0, L)],
                b_s2re[e, pl.ds(d0, L)], b_s2im[e, pl.ds(d0, L)],
                b_ore[e, pl.ds(d0, L)], b_oim[e, pl.ds(d0, L)],
                b_o2re[e, pl.ds(d0, L)], b_o2im[e, pl.ds(d0, L)],
                d0, False)
            return (accs[0] + sro, accs[1] + w5)

        def tail_terms(e, toff, tail, accs):
            sro, w5 = cross_terms(
                e,
                b_st[e, pl.ds(toff, L)], b_st[e, pl.ds(128 + toff, L)],
                b_st[e, pl.ds(256 + toff, L)], b_st[e, pl.ds(384 + toff, L)],
                b_ot[e, pl.ds(toff, L)], b_ot[e, pl.ds(128 + toff, L)],
                b_ot[e, pl.ds(256 + toff, L)], b_ot[e, pl.ds(384 + toff, L)],
                HEAD + toff, tail)
            if tail:
                return (accs[0] + sro, accs[1] + w5)
            return (accs[0] + sro, accs[1] + w5)

        def elem_body(e, vec):
            z = (jnp.zeros((L,), jnp.float32), jnp.zeros((L,), jnp.float32))
            accs = lax.fori_loop(
                0, HEAD_CHUNKS, lambda c, a: head_terms(e, c, a), z,
                unroll=False)
            accs = lax.fori_loop(
                0, TAIL_CHUNKS, lambda c, a: tail_terms(e, c * L, False, a),
                accs, unroll=False)
            accs = tail_terms(e, TAIL_MOFF, True, accs)
            tot = _lane_sum(accs[0] + 5.0 * accs[1])
            return jnp.where(lane == e + lane_base, tot, vec)

        return lax.fori_loop(0, CB, elem_body, vec, unroll=False)

    gathers(0, bufs_a, sem_a)
    gathers(1, bufs_b, sem_b)

    def pair_body(p, _):
        ch = 2 * p
        wait_gathers(ch, bufs_a, sem_a)
        vec = compute(ch, bufs_a, 0, jnp.zeros((L,), jnp.float32))

        @pl.when(ch + 2 < N_CHUNK)
        def _():
            gathers(ch + 2, bufs_a, sem_a)

        wait_gathers(ch + 1, bufs_b, sem_b)
        vec = compute(ch + 1, bufs_b, CB, vec)
        out_v[pl.ds(pl.multiple_of(p * L, L), L)] = vec

        @pl.when(ch + 3 < N_CHUNK)
        def _():
            gathers(ch + 3, bufs_b, sem_b)

        return ()

    lax.fori_loop(0, N_CHUNK // 2, pair_body, (), unroll=False)
    pltpu.sync_copy(out_v, out.at[pl.ds(base, PER_W)])


@jax.jit
def _timeplex_sc(e_re, e_im, e2_re, e2_im, etailp, rcatp, tcatp, s, r, o, t):
    mesh = plsc.VectorSubcoreMesh(core_axis_name="c", subcore_axis_name="s")
    kfn = functools.partial(
        pl.kernel,
        mesh=mesh,
        out_type=jax.ShapeDtypeStruct((B,), jnp.float32),
        scratch_types=[
            pltpu.VMEM((PER_W,), jnp.int32),
            pltpu.VMEM((PER_W,), jnp.int32),
            pltpu.VMEM((PER_W,), jnp.int32),
            pltpu.VMEM((PER_W,), jnp.int32),
            [pltpu.VMEM(shape, dt) for shape, dt in _ROW_BUFS],
            [pltpu.VMEM(shape, dt) for shape, dt in _ROW_BUFS],
            pltpu.VMEM((PER_W,), jnp.float32),
            pltpu.SemaphoreType.DMA,
            pltpu.SemaphoreType.DMA,
            pltpu.SemaphoreType.DMA,
        ],
        compiler_params=pltpu.CompilerParams(use_tc_tiling_on_sc=True),
    )(_score_kernel)
    return kfn(e_re, e_im, e2_re, e2_im, etailp, rcatp, tcatp, s, r, o, t)


def kernel(E_re, E_im, E2_re, E2_im, R_re, R_im, Rs_re, Rs_im, Ro_re,
           Ro_im, Ts_re, Ts_im, To_re, To_im, s, r, o, t):
    ze = jnp.zeros((E_re.shape[0], HEAD - TAIL), jnp.float32)
    etailp = jnp.concatenate(
        [E_re[:, HEAD:], ze, E_im[:, HEAD:], ze,
         E2_re[:, HEAD:], ze, E2_im[:, HEAD:], ze], axis=1)
    zr = jnp.zeros((R_re.shape[0], 56), jnp.float32)
    rcatp = jnp.concatenate(
        [R_re, zr, R_im, zr, Rs_re, zr, Rs_im, zr, Ro_re, zr, Ro_im, zr],
        axis=1)
    zt = jnp.zeros((Ts_re.shape[0], 56), jnp.float32)
    tcatp = jnp.concatenate(
        [Ts_re, zt, Ts_im, zt, To_re, zt, To_im, zt], axis=1)
    return _timeplex_sc(E_re, E_im, E2_re, E2_im, etailp, rcatp, tcatp,
                        s, r, o, t)

# --- scband reference (transcript-rebuilt; emitter-appended) ---
"""Pipeline reference for scband-timeplex-base-87084756893796 (READ-ONLY COPY).

The authoritative reference and input builder live on the scoring server;
editing this copy changes nothing except your own understanding.
"""

import jax, jax.numpy as jnp
import numpy as np

N_ENT = 100000
N_REL = 200
N_TIME = 365
D = 200
B = 16384


def setup_inputs(seed: int = 0) -> dict:
    key = jax.random.key(seed)
    ks = jax.random.split(key, 18)
    def tbl(k, n):
        return jax.random.normal(k, (n, D), dtype=jnp.float32) * 0.05
    inp = {
        'E_re': tbl(ks[0], N_ENT), 'E_im': tbl(ks[1], N_ENT),
        'E2_re': tbl(ks[2], N_ENT), 'E2_im': tbl(ks[3], N_ENT),
        'R_re': tbl(ks[4], 2 * N_REL), 'R_im': tbl(ks[5], 2 * N_REL),
        'Rs_re': tbl(ks[6], 2 * N_REL), 'Rs_im': tbl(ks[7], 2 * N_REL),
        'Ro_re': tbl(ks[8], 2 * N_REL), 'Ro_im': tbl(ks[9], 2 * N_REL),
        'Ts_re': tbl(ks[10], N_TIME + 2), 'Ts_im': tbl(ks[11], N_TIME + 2),
        'To_re': tbl(ks[12], N_TIME + 2), 'To_im': tbl(ks[13], N_TIME + 2),
        's': jax.random.randint(ks[14], (B,), 0, N_ENT, dtype=jnp.int32),
        'r': jax.random.randint(ks[15], (B,), 0, 2 * N_REL, dtype=jnp.int32),
        'o': jax.random.randint(ks[16], (B,), 0, N_ENT, dtype=jnp.int32),
        't': jax.random.randint(ks[17], (B,), 0, N_TIME + 2, dtype=jnp.int32),
    }
    return inp


def _c3(a_re, a_im, b_re, b_im, c_re, c_im):
    # faithful to complex_3way_fullsoftmax branch with o provided
    tmp1 = a_im * b_re + a_re * b_im
    tmp2 = a_re * b_re - a_im * b_im
    return (tmp1 * c_im + tmp2 * c_re).sum(axis=-1)


def reference(E_re, E_im, E2_re, E2_im, R_re, R_im, Rs_re, Rs_im, Ro_re, Ro_im,
              Ts_re, Ts_im, To_re, To_im, s, r, o, t):
    # embedding lookups (gathers) -- mirrors the torch nn.Embedding calls
    s_re = jnp.take(E_re, s, axis=0); s_im = jnp.take(E_im, s, axis=0)
    o_re = jnp.take(E_re, o, axis=0); o_im = jnp.take(E_im, o, axis=0)
    r_re = jnp.take(R_re, r, axis=0); r_im = jnp.take(R_im, r, axis=0)
    rs_re = jnp.take(Rs_re, r, axis=0); rs_im = jnp.take(Rs_im, r, axis=0)
    ro_re = jnp.take(Ro_re, r, axis=0); ro_im = jnp.take(Ro_im, r, axis=0)
    ts_re = jnp.take(Ts_re, t, axis=0); ts_im = jnp.take(Ts_im, t, axis=0)
    to_re = jnp.take(To_re, t, axis=0); to_im = jnp.take(To_im, t, axis=0)
    s2_re = jnp.take(E2_re, s, axis=0); s2_im = jnp.take(E2_im, s, axis=0)
    o2_re = jnp.take(E2_re, o, axis=0); o2_im = jnp.take(E2_im, o, axis=0)
    # TimePlex base score: SRO + srt_wt*SRT + ort_wt*ORT + sot_wt*SOT
    sro = _c3(s_re, s_im, r_re, r_im, o_re, o_im)
    srt = _c3(s_re, s_im, rs_re, rs_im, ts_re, ts_im)
    ort = _c3(o_re, o_im, ro_re, ro_im, to_re, to_im)
    sot = _c3(s2_re, s2_im, ts_re, ts_im, o2_re, o2_im)
    return sro + 5.0 * srt + 5.0 * ort + 5.0 * sot


if False:  # reference __main__ guard neutralized (emitter)
    out = reference(**setup_inputs())
    print(out.shape, out.dtype)

if __name__ == "__main__":
    import jax
    _d = setup_inputs()
    print(jax.jit(kernel)(*tuple(_d.values())))

</pallas_src>

<mosaic_0001>
#map = affine_map<(d0, d1) -> (0, 0)>
#map1 = affine_map<(d0, d1) -> (0)>
module attributes {stable_mosaic.version = 14 : i64} {
  func.func @_score_kernel(%arg0: i32, %arg1: i32, %arg2: memref<100000x200xf32, #tpu.memory_space<hbm>>, %arg3: memref<100000x200xf32, #tpu.memory_space<hbm>>, %arg4: memref<100000x200xf32, #tpu.memory_space<hbm>>, %arg5: memref<100000x200xf32, #tpu.memory_space<hbm>>, %arg6: memref<100000x512xf32, #tpu.memory_space<hbm>>, %arg7: memref<400x1536xf32, #tpu.memory_space<hbm>>, %arg8: memref<367x1024xf32, #tpu.memory_space<hbm>>, %arg9: memref<16384xi32, #tpu.memory_space<hbm>>, %arg10: memref<16384xi32, #tpu.memory_space<hbm>>, %arg11: memref<16384xi32, #tpu.memory_space<hbm>>, %arg12: memref<16384xi32, #tpu.memory_space<hbm>>, %arg13: memref<16384xf32, #tpu.memory_space<hbm>>, %arg14: memref<512xi32, #tpu.memory_space<vmem>>, %arg15: memref<512xi32, #tpu.memory_space<vmem>>, %arg16: memref<512xi32, #tpu.memory_space<vmem>>, %arg17: memref<512xi32, #tpu.memory_space<vmem>>, %arg18: memref<8x128xf32, #tpu.memory_space<vmem>>, %arg19: memref<8x128xf32, #tpu.memory_space<vmem>>, %arg20: memref<8x128xf32, #tpu.memory_space<vmem>>, %arg21: memref<8x128xf32, #tpu.memory_space<vmem>>, %arg22: memref<8x128xf32, #tpu.memory_space<vmem>>, %arg23: memref<8x128xf32, #tpu.memory_space<vmem>>, %arg24: memref<8x128xf32, #tpu.memory_space<vmem>>, %arg25: memref<8x128xf32, #tpu.memory_space<vmem>>, %arg26: memref<8x512xf32, #tpu.memory_space<vmem>>, %arg27: memref<8x512xf32, #tpu.memory_space<vmem>>, %arg28: memref<8x1536xf32, #tpu.memory_space<vmem>>, %arg29: memref<8x1024xf32, #tpu.memory_space<vmem>>, %arg30: memref<8x128xf32, #tpu.memory_space<vmem>>, %arg31: memref<8x128xf32, #tpu.memory_space<vmem>>, %arg32: memref<8x128xf32, #tpu.memory_space<vmem>>, %arg33: memref<8x128xf32, #tpu.memory_space<vmem>>, %arg34: memref<8x128xf32, #tpu.memory_space<vmem>>, %arg35: memref<8x128xf32, #tpu.memory_space<vmem>>, %arg36: memref<8x128xf32, #tpu.memory_space<vmem>>, %arg37: memref<8x128xf32, #tpu.memory_space<vmem>>, %arg38: memref<8x512xf32, #tpu.memory_space<vmem>>, %arg39: memref<8x512xf32, #tpu.memory_space<vmem>>, %arg40: memref<8x1536xf32, #tpu.memory_space<vmem>>, %arg41: memref<8x1024xf32, #tpu.memory_space<vmem>>, %arg42: memref<512xf32, #tpu.memory_space<vmem>>, %arg43: memref<!tpu.dma_semaphore, #tpu.memory_space<semaphore_mem>>, %arg44: memref<!tpu.dma_semaphore, #tpu.memory_space<semaphore_mem>>, %arg45: memref<!tpu.dma_semaphore, #tpu.memory_space<semaphore_mem>>) attributes {dimension_semantics = [#tpu.dimension_semantics<core_parallel>, #tpu.dimension_semantics<subcore_parallel>], iteration_bounds = array<i64: 2, 16>, scalar_prefetch = 0 : i64, scratch_operands = 32 : i64, tpu.core_type = #tpu.core_type<sc_vector_subcore>, window_params = [{transform_indices = #map}, {transform_indices = #map}, {transform_indices = #map}, {transform_indices = #map}, {transform_indices = #map}, {transform_indices = #map}, {transform_indices = #map}, {transform_indices = #map1}, {transform_indices = #map1}, {transform_indices = #map1}, {transform_indices = #map1}, {transform_indices = #map1}]} {
    %mul3A = arith.constant 2 : i32
    %mul3A_0 = arith.muli %arg1, %mul3A : i32
    %add3A = arith.addi %mul3A_0, %arg0 : i32
    %mul3A_1 = arith.constant 512 : i32
    %mul3A_2 = arith.muli %add3A, %mul3A_1 : i32
    %multiple_of3A = tpu.assume_multiple %mul3A_2, 8 : i32
    %iota3A = tpu.iota {dimensions = array<i32: 0>} : vector<16xi32>
    %ge3A = arith.constant 8 : i32
    %ge3A_3 = vector.broadcast %ge3A : i32 to vector<16xi32>
    %ge3A_4 = arith.cmpi sge, %iota3A, %ge3A_3 : vector<16xi32>
    %add3A_5 = arith.constant 8 : i32
    %add3A_6 = vector.broadcast %add3A_5 : i32 to vector<16xi32>
    %add3A_7 = arith.addi %iota3A, %add3A_6 : vector<16xi32>
    %jit3A = arith.constant 16 : i32
    %eq3A = arith.constant 0 : i32
    %eq3A_8 = arith.cmpi eq, %jit3A, %eq3A : i32
    %jit3A_9 = arith.constant 1 : i32
    %select_n3A = arith.select %eq3A_8, %jit3A_9, %jit3A : i32
    %rem3A = vector.broadcast %select_n3A : i32 to vector<16xi32>
    %rem3A_10 = arith.remsi %add3A_7, %rem3A : vector<16xi32>
    %ne3A = arith.constant 0 : i32
    %ne3A_11 = vector.broadcast %ne3A : i32 to vector<16xi32>
    %ne3A_12 = arith.cmpi ne, %rem3A_10, %ne3A_11 : vector<16xi32>
    %lt3A = arith.constant 0 : i32
    %lt3A_13 = vector.broadcast %lt3A : i32 to vector<16xi32>
    %lt3A_14 = arith.cmpi slt, %rem3A_10, %lt3A_13 : vector<16xi32>
    %lt3A_15 = arith.constant 0 : i32
    %lt3A_16 = arith.cmpi slt, %select_n3A, %lt3A_15 : i32
    %ne3A_17 = vector.broadcast %lt3A_16 : i1 to vector<16xi1>
    %ne3A_18 = vector.broadcast %ne3A_17 : vector<16xi1> to vector<16xi1>
    %ne3A_19 = arith.xori %lt3A_14, %ne3A_18 : vector<16xi1>
    %and3A = arith.andi %ne3A_19, %ne3A_12 : vector<16xi1>
    %add3A_20 = vector.broadcast %select_n3A : i32 to vector<16xi32>
    %add3A_21 = arith.addi %rem3A_10, %add3A_20 : vector<16xi32>
    %select_n3A_22 = arith.select %and3A, %add3A_21, %rem3A_10 : vector<16xi1>, vector<16xi32>
    %broadcast_in_dim3A = vector.shape_cast %select_n3A_22 : vector<16xi32> to vector<16x1xi32>
    %add3A_23 = arith.constant 4 : i32
    %add3A_24 = vector.broadcast %add3A_23 : i32 to vector<16xi32>
    %add3A_25 = arith.addi %iota3A, %add3A_24 : vector<16xi32>
    %jit3A_26 = arith.constant 16 : i32
    %eq3A_27 = arith.constant 0 : i32
    %eq3A_28 = arith.cmpi eq, %jit3A_26, %eq3A_27 : i32
    %jit3A_29 = arith.constant 1 : i32
    %select_n3A_30 = arith.select %eq3A_28, %jit3A_29, %jit3A_26 : i32
    %rem3A_31 = vector.broadcast %select_n3A_30 : i32 to vector<16xi32>
    %rem3A_32 = arith.remsi %add3A_25, %rem3A_31 : vector<16xi32>
    %ne3A_33 = arith.constant 0 : i32
    %ne3A_34 = vector.broadcast %ne3A_33 : i32 to vector<16xi32>
    %ne3A_35 = arith.cmpi ne, %rem3A_32, %ne3A_34 : vector<16xi32>
    %lt3A_36 = arith.constant 0 : i32
    %lt3A_37 = vector.broadcast %lt3A_36 : i32 to vector<16xi32>
    %lt3A_38 = arith.cmpi slt, %rem3A_32, %lt3A_37 : vector<16xi32>
    %lt3A_39 = arith.constant 0 : i32
    %lt3A_40 = arith.cmpi slt, %select_n3A_30, %lt3A_39 : i32
    %ne3A_41 = vector.broadcast %lt3A_40 : i1 to vector<16xi1>
    %ne3A_42 = vector.broadcast %ne3A_41 : vector<16xi1> to vector<16xi1>
    %ne3A_43 = arith.xori %lt3A_38, %ne3A_42 : vector<16xi1>
    %and3A_44 = arith.andi %ne3A_43, %ne3A_35 : vector<16xi1>
    %add3A_45 = vector.broadcast %select_n3A_30 : i32 to vector<16xi32>
    %add3A_46 = arith.addi %rem3A_32, %add3A_45 : vector<16xi32>
    %select_n3A_47 = arith.select %and3A_44, %add3A_46, %rem3A_32 : vector<16xi1>, vector<16xi32>
    %broadcast_in_dim3A_48 = vector.shape_cast %select_n3A_47 : vector<16xi32> to vector<16x1xi32>
    %add3A_49 = arith.constant 2 : i32
    %add3A_50 = vector.broadcast %add3A_49 : i32 to vector<16xi32>
    %add3A_51 = arith.addi %iota3A, %add3A_50 : vector<16xi32>
    %jit3A_52 = arith.constant 16 : i32
    %eq3A_53 = arith.constant 0 : i32
    %eq3A_54 = arith.cmpi eq, %jit3A_52, %eq3A_53 : i32
    %jit3A_55 = arith.constant 1 : i32
    %select_n3A_56 = arith.select %eq3A_54, %jit3A_55, %jit3A_52 : i32
    %rem3A_57 = vector.broadcast %select_n3A_56 : i32 to vector<16xi32>
    %rem3A_58 = arith.remsi %add3A_51, %rem3A_57 : vector<16xi32>
    %ne3A_59 = arith.constant 0 : i32
    %ne3A_60 = vector.broadcast %ne3A_59 : i32 to vector<16xi32>
    %ne3A_61 = arith.cmpi ne, %rem3A_58, %ne3A_60 : vector<16xi32>
    %lt3A_62 = arith.constant 0 : i32
    %lt3A_63 = vector.broadcast %lt3A_62 : i32 to vector<16xi32>
    %lt3A_64 = arith.cmpi slt, %rem3A_58, %lt3A_63 : vector<16xi32>
    %lt3A_65 = arith.constant 0 : i32
    %lt3A_66 = arith.cmpi slt, %select_n3A_56, %lt3A_65 : i32
    %ne3A_67 = vector.broadcast %lt3A_66 : i1 to vector<16xi1>
    %ne3A_68 = vector.broadcast %ne3A_67 : vector<16xi1> to vector<16xi1>
    %ne3A_69 = arith.xori %lt3A_64, %ne3A_68 : vector<16xi1>
    %and3A_70 = arith.andi %ne3A_69, %ne3A_61 : vector<16xi1>
    %add3A_71 = vector.broadcast %select_n3A_56 : i32 to vector<16xi32>
    %add3A_72 = arith.addi %rem3A_58, %add3A_71 : vector<16xi32>
    %select_n3A_73 = arith.select %and3A_70, %add3A_72, %rem3A_58 : vector<16xi1>, vector<16xi32>
    %broadcast_in_dim3A_74 = vector.shape_cast %select_n3A_73 : vector<16xi32> to vector<16x1xi32>
    %add3A_75 = arith.constant 1 : i32
    %add3A_76 = vector.broadcast %add3A_75 : i32 to vector<16xi32>
    %add3A_77 = arith.addi %iota3A, %add3A_76 : vector<16xi32>
    %jit3A_78 = arith.constant 16 : i32
    %eq3A_79 = arith.constant 0 : i32
    %eq3A_80 = arith.cmpi eq, %jit3A_78, %eq3A_79 : i32
    %jit3A_81 = arith.constant 1 : i32
    %select_n3A_82 = arith.select %eq3A_80, %jit3A_81, %jit3A_78 : i32
    %rem3A_83 = vector.broadcast %select_n3A_82 : i32 to vector<16xi32>
    %rem3A_84 = arith.remsi %add3A_77, %rem3A_83 : vector<16xi32>
    %ne3A_85 = arith.constant 0 : i32
    %ne3A_86 = vector.broadcast %ne3A_85 : i32 to vector<16xi32>
    %ne3A_87 = arith.cmpi ne, %rem3A_84, %ne3A_86 : vector<16xi32>
    %lt3A_88 = arith.constant 0 : i32
    %lt3A_89 = vector.broadcast %lt3A_88 : i32 to vector<16xi32>
    %lt3A_90 = arith.cmpi slt, %rem3A_84, %lt3A_89 : vector<16xi32>
    %lt3A_91 = arith.constant 0 : i32
    %lt3A_92 = arith.cmpi slt, %select_n3A_82, %lt3A_91 : i32
    %ne3A_93 = vector.broadcast %lt3A_92 : i1 to vector<16xi1>
    %ne3A_94 = vector.broadcast %ne3A_93 : vector<16xi1> to vector<16xi1>
    %ne3A_95 = arith.xori %lt3A_90, %ne3A_94 : vector<16xi1>
    %and3A_96 = arith.andi %ne3A_95, %ne3A_87 : vector<16xi1>
    %add3A_97 = vector.broadcast %select_n3A_82 : i32 to vector<16xi32>
    %add3A_98 = arith.addi %rem3A_84, %add3A_97 : vector<16xi32>
    %select_n3A_99 = arith.select %and3A_96, %add3A_98, %rem3A_84 : vector<16xi1>, vector<16xi32>
    %broadcast_in_dim3A_100 = vector.shape_cast %select_n3A_99 : vector<16xi32> to vector<16x1xi32>
    %dma_start3A = tpu.memref_slice %arg9[%multiple_of3A] : memref<16384xi32, #tpu.memory_space<hbm>> -> memref<512xi32, #tpu.memory_space<hbm>>
    %dma_start3A_101 = tpu.memref_slice %arg9[%multiple_of3A] : memref<16384xi32, #tpu.memory_space<hbm>> -> memref<512xi32, #tpu.memory_space<hbm>>
    tpu.enqueue_dma source(%dma_start3A_101 : memref<512xi32, #tpu.memory_space<hbm>>) target(%arg14 : memref<512xi32, #tpu.memory_space<vmem>>) target_semaphore(%arg45 : memref<!tpu.dma_semaphore, #tpu.memory_space<semaphore_mem>>)
    %dma_start3A_102 = tpu.memref_slice %arg10[%multiple_of3A] : memref<16384xi32, #tpu.memory_space<hbm>> -> memref<512xi32, #tpu.memory_space<hbm>>
    %dma_start3A_103 = tpu.memref_slice %arg10[%multiple_of3A] : memref<16384xi32, #tpu.memory_space<hbm>> -> memref<512xi32, #tpu.memory_space<hbm>>
    tpu.enqueue_dma source(%dma_start3A_103 : memref<512xi32, #tpu.memory_space<hbm>>) target(%arg15 : memref<512xi32, #tpu.memory_space<vmem>>) target_semaphore(%arg45 : memref<!tpu.dma_semaphore, #tpu.memory_space<semaphore_mem>>)
    %dma_start3A_104 = tpu.memref_slice %arg11[%multiple_of3A] : memref<16384xi32, #tpu.memory_space<hbm>> -> memref<512xi32, #tpu.memory_space<hbm>>
    %dma_start3A_105 = tpu.memref_slice %arg11[%multiple_of3A] : memref<16384xi32, #tpu.memory_space<hbm>> -> memref<512xi32, #tpu.memory_space<hbm>>
    tpu.enqueue_dma source(%dma_start3A_105 : memref<512xi32, #tpu.memory_space<hbm>>) target(%arg16 : memref<512xi32, #tpu.memory_space<vmem>>) target_semaphore(%arg45 : memref<!tpu.dma_semaphore, #tpu.memory_space<semaphore_mem>>)
    %dma_start3A_106 = tpu.memref_slice %arg12[%multiple_of3A] : memref<16384xi32, #tpu.memory_space<hbm>> -> memref<512xi32, #tpu.memory_space<hbm>>
    %dma_start3A_107 = tpu.memref_slice %arg12[%multiple_of3A] : memref<16384xi32, #tpu.memory_space<hbm>> -> memref<512xi32, #tpu.memory_space<hbm>>
    tpu.enqueue_dma source(%dma_start3A_107 : memref<512xi32, #tpu.memory_space<hbm>>) target(%arg17 : memref<512xi32, #tpu.memory_space<vmem>>) target_semaphore(%arg45 : memref<!tpu.dma_semaphore, #tpu.memory_space<semaphore_mem>>)
    %dma_wait3A = tpu.memref_slice %arg9[%multiple_of3A] : memref<16384xi32, #tpu.memory_space<hbm>> -> memref<512xi32, #tpu.memory_space<hbm>>
    %dma_wait3A_108 = tpu.memref_slice %arg9[%multiple_of3A] : memref<16384xi32, #tpu.memory_space<hbm>> -> memref<512xi32, #tpu.memory_space<hbm>>
    tpu.wait_dma2 semaphore(%arg45 : memref<!tpu.dma_semaphore, #tpu.memory_space<semaphore_mem>>) src(%dma_wait3A_108 : memref<512xi32, #tpu.memory_space<hbm>>) dst(%arg14 : memref<512xi32, #tpu.memory_space<vmem>>)
    %dma_wait3A_109 = tpu.memref_slice %arg10[%multiple_of3A] : memref<16384xi32, #tpu.memory_space<hbm>> -> memref<512xi32, #tpu.memory_space<hbm>>
    %dma_wait3A_110 = tpu.memref_slice %arg10[%multiple_of3A] : memref<16384xi32, #tpu.memory_space<hbm>> -> memref<512xi32, #tpu.memory_space<hbm>>
    tpu.wait_dma2 semaphore(%arg45 : memref<!tpu.dma_semaphore, #tpu.memory_space<semaphore_mem>>) src(%dma_wait3A_110 : memref<512xi32, #tpu.memory_space<hbm>>) dst(%arg15 : memref<512xi32, #tpu.memory_space<vmem>>)
    %dma_wait3A_111 = tpu.memref_slice %arg11[%multiple_of3A] : memref<16384xi32, #tpu.memory_space<hbm>> -> memref<512xi32, #tpu.memory_space<hbm>>
    %dma_wait3A_112 = tpu.memref_slice %arg11[%multiple_of3A] : memref<16384xi32, #tpu.memory_space<hbm>> -> memref<512xi32, #tpu.memory_space<hbm>>
    tpu.wait_dma2 semaphore(%arg45 : memref<!tpu.dma_semaphore, #tpu.memory_space<semaphore_mem>>) src(%dma_wait3A_112 : memref<512xi32, #tpu.memory_space<hbm>>) dst(%arg16 : memref<512xi32, #tpu.memory_space<vmem>>)
    %dma_wait3A_113 = tpu.memref_slice %arg12[%multiple_of3A] : memref<16384xi32, #tpu.memory_space<hbm>> -> memref<512xi32, #tpu.memory_space<hbm>>
    %dma_wait3A_114 = tpu.memref_slice %arg12[%multiple_of3A] : memref<16384xi32, #tpu.memory_space<hbm>> -> memref<512xi32, #tpu.memory_space<hbm>>
    tpu.wait_dma2 semaphore(%arg45 : memref<!tpu.dma_semaphore, #tpu.memory_space<semaphore_mem>>) src(%dma_wait3A_114 : memref<512xi32, #tpu.memory_space<hbm>>) dst(%arg17 : memref<512xi32, #tpu.memory_space<vmem>>)
    %multiple_of3A_115 = arith.constant 0 : i32
    %multiple_of3A_116 = tpu.assume_multiple %multiple_of3A_115, 8 : i32
    %dma_start3A_117 = tpu.memref_slice %arg14[%multiple_of3A_116] : memref<512xi32, #tpu.memory_space<vmem>> -> memref<8xi32, #tpu.memory_space<vmem>>
    %dma_start3A_118 = arith.constant 0 : i32
    %dma_start3A_119 = arith.constant 0 : i32
    %dma_start3A_120 = tpu.memref_slice %arg2[%dma_start3A_118, %dma_start3A_119] : memref<100000x200xf32, #tpu.memory_space<hbm>> -> memref<100000x128xf32, #tpu.memory_space<hbm>>
    tpu.enqueue_indirect_dma source(%dma_start3A_120 : memref<100000x128xf32, #tpu.memory_space<hbm>>) target(%arg18 : memref<8x128xf32, #tpu.memory_space<vmem>>) offsets(%dma_start3A_117 : memref<8xi32, #tpu.memory_space<vmem>>) semaphore(%arg43 : memref<!tpu.dma_semaphore, #tpu.memory_space<semaphore_mem>>)
    %dma_start3A_121 = tpu.memref_slice %arg14[%multiple_of3A_116] : memref<512xi32, #tpu.memory_space<vmem>> -> memref<8xi32, #tpu.memory_space<vmem>>
    %dma_start3A_122 = arith.constant 0 : i32
    %dma_start3A_123 = arith.constant 0 : i32
    %dma_start3A_124 = tpu.memref_slice %arg3[%dma_start3A_122, %dma_start3A_123] : memref<100000x200xf32, #tpu.memory_space<hbm>> -> memref<100000x128xf32, #tpu.memory_space<hbm>>
    tpu.enqueue_indirect_dma source(%dma_start3A_124 : memref<100000x128xf32, #tpu.memory_space<hbm>>) target(%arg19 : memref<8x128xf32, #tpu.memory_space<vmem>>) offsets(%dma_start3A_121 : memref<8xi32, #tpu.memory_space<vmem>>) semaphore(%arg43 : memref<!tpu.dma_semaphore, #tpu.memory_space<semaphore_mem>>)
    %dma_start3A_125 = tpu.memref_slice %arg14[%multiple_of3A_116] : memref<512xi32, #tpu.memory_space<vmem>> -> memref<8xi32, #tpu.memory_space<vmem>>
    %dma_start3A_126 = arith.constant 0 : i32
    %dma_start3A_127 = arith.constant 0 : i32
    %dma_start3A_128 = tpu.memref_slice %arg4[%dma_start3A_126, %dma_start3A_127] : memref<100000x200xf32, #tpu.memory_space<hbm>> -> memref<100000x128xf32, #tpu.memory_space<hbm>>
    tpu.enqueue_indirect_dma source(%dma_start3A_128 : memref<100000x128xf32, #tpu.memory_space<hbm>>) target(%arg20 : memref<8x128xf32, #tpu.memory_space<vmem>>) offsets(%dma_start3A_125 : memref<8xi32, #tpu.memory_space<vmem>>) semaphore(%arg43 : memref<!tpu.dma_semaphore, #tpu.memory_space<semaphore_mem>>)
    %dma_start3A_129 = tpu.memref_slice %arg14[%multiple_of3A_116] : memref<512xi32, #tpu.memory_space<vmem>> -> memref<8xi32, #tpu.memory_space<vmem>>
    %dma_start3A_130 = arith.constant 0 : i32
    %dma_start3A_131 = arith.constant 0 : i32
    %dma_start3A_132 = tpu.memref_slice %arg5[%dma_start3A_130, %dma_start3A_131] : memref<100000x200xf32, #tpu.memory_space<hbm>> -> memref<100000x128xf32, #tpu.memory_space<hbm>>
    tpu.enqueue_indirect_dma source(%dma_start3A_132 : memref<100000x128xf32, #tpu.memory_space<hbm>>) target(%arg21 : memref<8x128xf32, #tpu.memory_space<vmem>>) offsets(%dma_start3A_129 : memref<8xi32, #tpu.memory_space<vmem>>) semaphore(%arg43 : memref<!tpu.dma_semaphore, #tpu.memory_space<semaphore_mem>>)
    %dma_start3A_133 = tpu.memref_slice %arg16[%multiple_of3A_116] : memref<512xi32, #tpu.memory_space<vmem>> -> memref<8xi32, #tpu.memory_space<vmem>>
    %dma_start3A_134 = arith.constant 0 : i32
    %dma_start3A_135 = arith.constant 0 : i32
    %dma_start3A_136 = tpu.memref_slice %arg2[%dma_start3A_134, %dma_start3A_135] : memref<100000x200xf32, #tpu.memory_space<hbm>> -> memref<100000x128xf32, #tpu.memory_space<hbm>>
    tpu.enqueue_indirect_dma source(%dma_start3A_136 : memref<100000x128xf32, #tpu.memory_space<hbm>>) target(%arg22 : memref<8x128xf32, #tpu.memory_space<vmem>>) offsets(%dma_start3A_133 : memref<8xi32, #tpu.memory_space<vmem>>) semaphore(%arg43 : memref<!tpu.dma_semaphore, #tpu.memory_space<semaphore_mem>>)
    %dma_start3A_137 = tpu.memref_slice %arg16[%multiple_of3A_116] : memref<512xi32, #tpu.memory_space<vmem>> -> memref<8xi32, #tpu.memory_space<vmem>>
    %dma_start3A_138 = arith.constant 0 : i32
    %dma_start3A_139 = arith.constant 0 : i32
    %dma_start3A_140 = tpu.memref_slice %arg3[%dma_start3A_138, %dma_start3A_139] : memref<100000x200xf32, #tpu.memory_space<hbm>> -> memref<100000x128xf32, #tpu.memory_space<hbm>>
    tpu.enqueue_indirect_dma source(%dma_start3A_140 : memref<100000x128xf32, #tpu.memory_space<hbm>>) target(%arg23 : memref<8x128xf32, #tpu.memory_space<vmem>>) offsets(%dma_start3A_137 : memref<8xi32, #tpu.memory_space<vmem>>) semaphore(%arg43 : memref<!tpu.dma_semaphore, #tpu.memory_space<semaphore_mem>>)
    %dma_start3A_141 = tpu.memref_slice %arg16[%multiple_of3A_116] : memref<512xi32, #tpu.memory_space<vmem>> -> memref<8xi32, #tpu.memory_space<vmem>>
    %dma_start3A_142 = arith.constant 0 : i32
    %dma_start3A_143 = arith.constant 0 : i32
    %dma_start3A_144 = tpu.memref_slice %arg4[%dma_start3A_142, %dma_start3A_143] : memref<100000x200xf32, #tpu.memory_space<hbm>> -> memref<100000x128xf32, #tpu.memory_space<hbm>>
    tpu.enqueue_indirect_dma source(%dma_start3A_144 : memref<100000x128xf32, #tpu.memory_space<hbm>>) target(%arg24 : memref<8x128xf32, #tpu.memory_space<vmem>>) offsets(%dma_start3A_141 : memref<8xi32, #tpu.memory_space<vmem>>) semaphore(%arg43 : memref<!tpu.dma_semaphore, #tpu.memory_space<semaphore_mem>>)
    %dma_start3A_145 = tpu.memref_slice %arg16[%multiple_of3A_116] : memref<512xi32, #tpu.memory_space<vmem>> -> memref<8xi32, #tpu.memory_space<vmem>>
    %dma_start3A_146 = arith.constant 0 : i32
    %dma_start3A_147 = arith.constant 0 : i32
    %dma_start3A_148 = tpu.memref_slice %arg5[%dma_start3A_146, %dma_start3A_147] : memref<100000x200xf32, #tpu.memory_space<hbm>> -> memref<100000x128xf32, #tpu.memory_space<hbm>>
    tpu.enqueue_indirect_dma source(%dma_start3A_148 : memref<100000x128xf32, #tpu.memory_space<hbm>>) target(%arg25 : memref<8x128xf32, #tpu.memory_space<vmem>>) offsets(%dma_start3A_145 : memref<8xi32, #tpu.memory_space<vmem>>) semaphore(%arg43 : memref<!tpu.dma_semaphore, #tpu.memory_space<semaphore_mem>>)
    %dma_start3A_149 = tpu.memref_slice %arg14[%multiple_of3A_116] : memref<512xi32, #tpu.memory_space<vmem>> -> memref<8xi32, #tpu.memory_space<vmem>>
    %dma_start3A_150 = arith.constant 0 : i32
    %dma_start3A_151 = arith.constant 0 : i32
    %dma_start3A_152 = tpu.memref_slice %arg6[%dma_start3A_150, %dma_start3A_151] : memref<100000x512xf32, #tpu.memory_space<hbm>> -> memref<100000x512xf32, #tpu.memory_space<hbm>>
    tpu.enqueue_indirect_dma source(%dma_start3A_152 : memref<100000x512xf32, #tpu.memory_space<hbm>>) target(%arg26 : memref<8x512xf32, #tpu.memory_space<vmem>>) offsets(%dma_start3A_149 : memref<8xi32, #tpu.memory_space<vmem>>) semaphore(%arg43 : memref<!tpu.dma_semaphore, #tpu.memory_space<semaphore_mem>>)
    %dma_start3A_153 = tpu.memref_slice %arg16[%multiple_of3A_116] : memref<512xi32, #tpu.memory_space<vmem>> -> memref<8xi32, #tpu.memory_space<vmem>>
    %dma_start3A_154 = arith.constant 0 : i32
    %dma_start3A_155 = arith.constant 0 : i32
    %dma_start3A_156 = tpu.memref_slice %arg6[%dma_start3A_154, %dma_start3A_155] : memref<100000x512xf32, #tpu.memory_space<hbm>> -> memref<100000x512xf32, #tpu.memory_space<hbm>>
    tpu.enqueue_indirect_dma source(%dma_start3A_156 : memref<100000x512xf32, #tpu.memory_space<hbm>>) target(%arg27 : memref<8x512xf32, #tpu.memory_space<vmem>>) offsets(%dma_start3A_153 : memref<8xi32, #tpu.memory_space<vmem>>) semaphore(%arg43 : memref<!tpu.dma_semaphore, #tpu.memory_space<semaphore_mem>>)
    %dma_start3A_157 = tpu.memref_slice %arg15[%multiple_of3A_116] : memref<512xi32, #tpu.memory_space<vmem>> -> memref<8xi32, #tpu.memory_space<vmem>>
    %dma_start3A_158 = arith.constant 0 : i32
    %dma_start3A_159 = arith.constant 0 : i32
    %dma_start3A_160 = tpu.memref_slice %arg7[%dma_start3A_158, %dma_start3A_159] : memref<400x1536xf32, #tpu.memory_space<hbm>> -> memref<400x1536xf32, #tpu.memory_space<hbm>>
    tpu.enqueue_indirect_dma source(%dma_start3A_160 : memref<400x1536xf32, #tpu.memory_space<hbm>>) target(%arg28 : memref<8x1536xf32, #tpu.memory_space<vmem>>) offsets(%dma_start3A_157 : memref<8xi32, #tpu.memory_space<vmem>>) semaphore(%arg43 : memref<!tpu.dma_semaphore, #tpu.memory_space<semaphore_mem>>)
    %dma_start3A_161 = tpu.memref_slice %arg17[%multiple_of3A_116] : memref<512xi32, #tpu.memory_space<vmem>> -> memref<8xi32, #tpu.memory_space<vmem>>
    %dma_start3A_162 = arith.constant 0 : i32
    %dma_start3A_163 = arith.constant 0 : i32
    %dma_start3A_164 = tpu.memref_slice %arg8[%dma_start3A_162, %dma_start3A_163] : memref<367x1024xf32, #tpu.memory_space<hbm>> -> memref<367x1024xf32, #tpu.memory_space<hbm>>
    tpu.enqueue_indirect_dma source(%dma_start3A_164 : memref<367x1024xf32, #tpu.memory_space<hbm>>) target(%arg29 : memref<8x1024xf32, #tpu.memory_space<vmem>>) offsets(%dma_start3A_161 : memref<8xi32, #tpu.memory_space<vmem>>) semaphore(%arg43 : memref<!tpu.dma_semaphore, #tpu.memory_space<semaphore_mem>>)
    %multiple_of3A_165 = arith.constant 8 : i32
    %multiple_of3A_166 = tpu.assume_multiple %multiple_of3A_165, 8 : i32
    %dma_start3A_167 = tpu.memref_slice %arg14[%multiple_of3A_166] : memref<512xi32, #tpu.memory_space<vmem>> -> memref<8xi32, #tpu.memory_space<vmem>>
    %dma_start3A_168 = arith.constant 0 : i32
    %dma_start3A_169 = arith.constant 0 : i32
    %dma_start3A_170 = tpu.memref_slice %arg2[%dma_start3A_168, %dma_start3A_169] : memref<100000x200xf32, #tpu.memory_space<hbm>> -> memref<100000x128xf32, #tpu.memory_space<hbm>>
    tpu.enqueue_indirect_dma source(%dma_start3A_170 : memref<100000x128xf32, #tpu.memory_space<hbm>>) target(%arg30 : memref<8x128xf32, #tpu.memory_space<vmem>>) offsets(%dma_start3A_167 : memref<8xi32, #tpu.memory_space<vmem>>) semaphore(%arg44 : memref<!tpu.dma_semaphore, #tpu.memory_space<semaphore_mem>>)
    %dma_start3A_171 = tpu.memref_slice %arg14[%multiple_of3A_166] : memref<512xi32, #tpu.memory_space<vmem>> -> memref<8xi32, #tpu.memory_space<vmem>>
    %dma_start3A_172 = arith.constant 0 : i32
    %dma_start3A_173 = arith.constant 0 : i32
    %dma_start3A_174 = tpu.memref_slice %arg3[%dma_start3A_172, %dma_start3A_173] : memref<100000x200xf32, #tpu.memory_space<hbm>> -> memref<100000x128xf32, #tpu.memory_space<hbm>>
    tpu.enqueue_indirect_dma source(%dma_start3A_174 : memref<100000x128xf32, #tpu.memory_space<hbm>>) target(%arg31 : memref<8x128xf32, #tpu.memory_space<vmem>>) offsets(%dma_start3A_171 : memref<8xi32, #tpu.memory_space<vmem>>) semaphore(%arg44 : memref<!tpu.dma_semaphore, #tpu.memory_space<semaphore_mem>>)
    %dma_start3A_175 = tpu.memref_slice %arg14[%multiple_of3A_166] : memref<512xi32, #tpu.memory_space<vmem>> -> memref<8xi32, #tpu.memory_space<vmem>>
    %dma_start3A_176 = arith.constant 0 : i32
    %dma_start3A_177 = arith.constant 0 : i32
    %dma_start3A_178 = tpu.memref_slice %arg4[%dma_start3A_176, %dma_start3A_177] : memref<100000x200xf32, #tpu.memory_space<hbm>> -> memref<100000x128xf32, #tpu.memory_space<hbm>>
    tpu.enqueue_indirect_dma source(%dma_start3A_178 : memref<100000x128xf32, #tpu.memory_space<hbm>>) target(%arg32 : memref<8x128xf32, #tpu.memory_space<vmem>>) offsets(%dma_start3A_175 : memref<8xi32, #tpu.memory_space<vmem>>) semaphore(%arg44 : memref<!tpu.dma_semaphore, #tpu.memory_space<semaphore_mem>>)
    %dma_start3A_179 = tpu.memref_slice %arg14[%multiple_of3A_166] : memref<512xi32, #tpu.memory_space<vmem>> -> memref<8xi32, #tpu.memory_space<vmem>>
    %dma_start3A_180 = arith.constant 0 : i32
    %dma_start3A_181 = arith.constant 0 : i32
    %dma_start3A_182 = tpu.memref_slice %arg5[%dma_start3A_180, %dma_start3A_181] : memref<100000x200xf32, #tpu.memory_space<hbm>> -> memref<100000x128xf32, #tpu.memory_space<hbm>>
    tpu.enqueue_indirect_dma source(%dma_start3A_182 : memref<100000x128xf32, #tpu.memory_space<hbm>>) target(%arg33 : memref<8x128xf32, #tpu.memory_space<vmem>>) offsets(%dma_start3A_179 : memref<8xi32, #tpu.memory_space<vmem>>) semaphore(%arg44 : memref<!tpu.dma_semaphore, #tpu.memory_space<semaphore_mem>>)
    %dma_start3A_183 = tpu.memref_slice %arg16[%multiple_of3A_166] : memref<512xi32, #tpu.memory_space<vmem>> -> memref<8xi32, #tpu.memory_space<vmem>>
    %dma_start3A_184 = arith.constant 0 : i32
    %dma_start3A_185 = arith.constant 0 : i32
    %dma_start3A_186 = tpu.memref_slice %arg2[%dma_start3A_184, %dma_start3A_185] : memref<100000x200xf32, #tpu.memory_space<hbm>> -> memref<100000x128xf32, #tpu.memory_space<hbm>>
    tpu.enqueue_indirect_dma source(%dma_start3A_186 : memref<100000x128xf32, #tpu.memory_space<hbm>>) target(%arg34 : memref<8x128xf32, #tpu.memory_space<vmem>>) offsets(%dma_start3A_183 : memref<8xi32, #tpu.memory_space<vmem>>) semaphore(%arg44 : memref<!tpu.dma_semaphore, #tpu.memory_space<semaphore_mem>>)
    %dma_start3A_187 = tpu.memref_slice %arg16[%multiple_of3A_166] : memref<512xi32, #tpu.memory_space<vmem>> -> memref<8xi32, #tpu.memory_space<vmem>>
    %dma_start3A_188 = arith.constant 0 : i32
    %dma_start3A_189 = arith.constant 0 : i32
    %dma_start3A_190 = tpu.memref_slice %arg3[%dma_start3A_188, %dma_start3A_189] : memref<100000x200xf32, #tpu.memory_space<hbm>> -> memref<100000x128xf32, #tpu.memory_space<hbm>>
    tpu.enqueue_indirect_dma source(%dma_start3A_190 : memref<100000x128xf32, #tpu.memory_space<hbm>>) target(%arg35 : memref<8x128xf32, #tpu.memory_space<vmem>>) offsets(%dma_start3A_187 : memref<8xi32, #tpu.memory_space<vmem>>) semaphore(%arg44 : memref<!tpu.dma_semaphore, #tpu.memory_space<semaphore_mem>>)
    %dma_start3A_191 = tpu.memref_slice %arg16[%multiple_of3A_166] : memref<512xi32, #tpu.memory_space<vmem>> -> memref<8xi32, #tpu.memory_space<vmem>>
    %dma_start3A_192 = arith.constant 0 : i32
    %dma_start3A_193 = arith.constant 0 : i32
    %dma_start3A_194 = tpu.memref_slice %arg4[%dma_start3A_192, %dma_start3A_193] : memref<100000x200xf32, #tpu.memory_space<hbm>> -> memref<100000x128xf32, #tpu.memory_space<hbm>>
    tpu.enqueue_indirect_dma source(%dma_start3A_194 : memref<100000x128xf32, #tpu.memory_space<hbm>>) target(%arg36 : memref<8x128xf32, #tpu.memory_space<vmem>>) offsets(%dma_start3A_191 : memref<8xi32, #tpu.memory_space<vmem>>) semaphore(%arg44 : memref<!tpu.dma_semaphore, #tpu.memory_space<semaphore_mem>>)
    %dma_start3A_195 = tpu.memref_slice %arg16[%multiple_of3A_166] : memref<512xi32, #tpu.memory_space<vmem>> -> memref<8xi32, #tpu.memory_space<vmem>>
    %dma_start3A_196 = arith.constant 0 : i32
    %dma_start3A_197 = arith.constant 0 : i32
    %dma_start3A_198 = tpu.memref_slice %arg5[%dma_start3A_196, %dma_start3A_197] : memref<100000x200xf32, #tpu.memory_space<hbm>> -> memref<100000x128xf32, #tpu.memory_space<hbm>>
    tpu.enqueue_indirect_dma source(%dma_start3A_198 : memref<100000x128xf32, #tpu.memory_space<hbm>>) target(%arg37 : memref<8x128xf32, #tpu.memory_space<vmem>>) offsets(%dma_start3A_195 : memref<8xi32, #tpu.memory_space<vmem>>) semaphore(%arg44 : memref<!tpu.dma_semaphore, #tpu.memory_space<semaphore_mem>>)
    %dma_start3A_199 = tpu.memref_slice %arg14[%multiple_of3A_166] : memref<512xi32, #tpu.memory_space<vmem>> -> memref<8xi32, #tpu.memory_space<vmem>>
    %dma_start3A_200 = arith.constant 0 : i32
    %dma_start3A_201 = arith.constant 0 : i32
    %dma_start3A_202 = tpu.memref_slice %arg6[%dma_start3A_200, %dma_start3A_201] : memref<100000x512xf32, #tpu.memory_space<hbm>> -> memref<100000x512xf32, #tpu.memory_space<hbm>>
    tpu.enqueue_indirect_dma source(%dma_start3A_202 : memref<100000x512xf32, #tpu.memory_space<hbm>>) target(%arg38 : memref<8x512xf32, #tpu.memory_space<vmem>>) offsets(%dma_start3A_199 : memref<8xi32, #tpu.memory_space<vmem>>) semaphore(%arg44 : memref<!tpu.dma_semaphore, #tpu.memory_space<semaphore_mem>>)
    %dma_start3A_203 = tpu.memref_slice %arg16[%multiple_of3A_166] : memref<512xi32, #tpu.memory_space<vmem>> -> memref<8xi32, #tpu.memory_space<vmem>>
    %dma_start3A_204 = arith.constant 0 : i32
    %dma_start3A_205 = arith.constant 0 : i32
    %dma_start3A_206 = tpu.memref_slice %arg6[%dma_start3A_204, %dma_start3A_205] : memref<100000x512xf32, #tpu.memory_space<hbm>> -> memref<100000x512xf32, #tpu.memory_space<hbm>>
    tpu.enqueue_indirect_dma source(%dma_start3A_206 : memref<100000x512xf32, #tpu.memory_space<hbm>>) target(%arg39 : memref<8x512xf32, #tpu.memory_space<vmem>>) offsets(%dma_start3A_203 : memref<8xi32, #tpu.memory_space<vmem>>) semaphore(%arg44 : memref<!tpu.dma_semaphore, #tpu.memory_space<semaphore_mem>>)
    %dma_start3A_207 = tpu.memref_slice %arg15[%multiple_of3A_166] : memref<512xi32, #tpu.memory_space<vmem>> -> memref<8xi32, #tpu.memory_space<vmem>>
    %dma_start3A_208 = arith.constant 0 : i32
    %dma_start3A_209 = arith.constant 0 : i32
    %dma_start3A_210 = tpu.memref_slice %arg7[%dma_start3A_208, %dma_start3A_209] : memref<400x1536xf32, #tpu.memory_space<hbm>> -> memref<400x1536xf32, #tpu.memory_space<hbm>>
    tpu.enqueue_indirect_dma source(%dma_start3A_210 : memref<400x1536xf32, #tpu.memory_space<hbm>>) target(%arg40 : memref<8x1536xf32, #tpu.memory_space<vmem>>) offsets(%dma_start3A_207 : memref<8xi32, #tpu.memory_space<vmem>>) semaphore(%arg44 : memref<!tpu.dma_semaphore, #tpu.memory_space<semaphore_mem>>)
    %dma_start3A_211 = tpu.memref_slice %arg17[%multiple_of3A_166] : memref<512xi32, #tpu.memory_space<vmem>> -> memref<8xi32, #tpu.memory_space<vmem>>
    %dma_start3A_212 = arith.constant 0 : i32
    %dma_start3A_213 = arith.constant 0 : i32
    %dma_start3A_214 = tpu.memref_slice %arg8[%dma_start3A_212, %dma_start3A_213] : memref<367x1024xf32, #tpu.memory_space<hbm>> -> memref<367x1024xf32, #tpu.memory_space<hbm>>
    tpu.enqueue_indirect_dma source(%dma_start3A_214 : memref<367x1024xf32, #tpu.memory_space<hbm>>) target(%arg41 : memref<8x1024xf32, #tpu.memory_space<vmem>>) offsets(%dma_start3A_211 : memref<8xi32, #tpu.memory_space<vmem>>) semaphore(%arg44 : memref<!tpu.dma_semaphore, #tpu.memory_space<semaphore_mem>>)
    %scan3A = arith.constant 0 : i32
    %scan3A_215 = arith.constant 32 : i32
    %scan3A_216 = arith.addi %scan3A, %scan3A_215 : i32
    %scan3A_217 = arith.constant 1 : i32
    scf.for %scan3A_219 = %scan3A to %scan3A_216 step %scan3A_217  : i32 {
      %mul3A_220 = arith.constant 2 : i32
      %mul3A_221 = arith.muli %mul3A_220, %scan3A_219 : i32
      %mul3A_222 = arith.constant 8 : i32
      %mul3A_223 = arith.muli %mul3A_221, %mul3A_222 : i32
      %multiple_of3A_224 = tpu.assume_multiple %mul3A_223, 8 : i32
      %dma_wait3A_225 = tpu.memref_slice %arg14[%multiple_of3A_224] : memref<512xi32, #tpu.memory_space<vmem>> -> memref<8xi32, #tpu.memory_space<vmem>>
      %dma_wait3A_226 = arith.constant 0 : i32
      %dma_wait3A_227 = arith.constant 0 : i32
      %dma_wait3A_228 = tpu.memref_slice %arg2[%dma_wait3A_226, %dma_wait3A_227] : memref<100000x200xf32, #tpu.memory_space<hbm>> -> memref<100000x128xf32, #tpu.memory_space<hbm>>
      tpu.wait_indirect_dma semaphore(%arg43 : memref<!tpu.dma_semaphore, #tpu.memory_space<semaphore_mem>>) src(%dma_wait3A_228 : memref<100000x128xf32, #tpu.memory_space<hbm>>) dst(%arg18 : memref<8x128xf32, #tpu.memory_space<vmem>>)
      %dma_wait3A_229 = tpu.memref_slice %arg14[%multiple_of3A_224] : memref<512xi32, #tpu.memory_space<vmem>> -> memref<8xi32, #tpu.memory_space<vmem>>
      %dma_wait3A_230 = arith.constant 0 : i32
      %dma_wait3A_231 = arith.constant 0 : i32
      %dma_wait3A_232 = tpu.memref_slice %arg3[%dma_wait3A_230, %dma_wait3A_231] : memref<100000x200xf32, #tpu.memory_space<hbm>> -> memref<100000x128xf32, #tpu.memory_space<hbm>>
      tpu.wait_indirect_dma semaphore(%arg43 : memref<!tpu.dma_semaphore, #tpu.memory_space<semaphore_mem>>) src(%dma_wait3A_232 : memref<100000x128xf32, #tpu.memory_space<hbm>>) dst(%arg19 : memref<8x128xf32, #tpu.memory_space<vmem>>)
      %dma_wait3A_233 = tpu.memref_slice %arg14[%multiple_of3A_224] : memref<512xi32, #tpu.memory_space<vmem>> -> memref<8xi32, #tpu.memory_space<vmem>>
      %dma_wait3A_234 = arith.constant 0 : i32
      %dma_wait3A_235 = arith.constant 0 : i32
      %dma_wait3A_236 = tpu.memref_slice %arg4[%dma_wait3A_234, %dma_wait3A_235] : memref<100000x200xf32, #tpu.memory_space<hbm>> -> memref<100000x128xf32, #tpu.memory_space<hbm>>
      tpu.wait_indirect_dma semaphore(%arg43 : memref<!tpu.dma_semaphore, #tpu.memory_space<semaphore_mem>>) src(%dma_wait3A_236 : memref<100000x128xf32, #tpu.memory_space<hbm>>) dst(%arg20 : memref<8x128xf32, #tpu.memory_space<vmem>>)
      %dma_wait3A_237 = tpu.memref_slice %arg14[%multiple_of3A_224] : memref<512xi32, #tpu.memory_space<vmem>> -> memref<8xi32, #tpu.memory_space<vmem>>
      %dma_wait3A_238 = arith.constant 0 : i32
      %dma_wait3A_239 = arith.constant 0 : i32
      %dma_wait3A_240 = tpu.memref_slice %arg5[%dma_wait3A_238, %dma_wait3A_239] : memref<100000x200xf32, #tpu.memory_space<hbm>> -> memref<100000x128xf32, #tpu.memory_space<hbm>>
      tpu.wait_indirect_dma semaphore(%arg43 : memref<!tpu.dma_semaphore, #tpu.memory_space<semaphore_mem>>) src(%dma_wait3A_240 : memref<100000x128xf32, #tpu.memory_space<hbm>>) dst(%arg21 : memref<8x128xf32, #tpu.memory_space<vmem>>)
      %dma_wait3A_241 = tpu.memref_slice %arg16[%multiple_of3A_224] : memref<512xi32, #tpu.memory_space<vmem>> -> memref<8xi32, #tpu.memory_space<vmem>>
      %dma_wait3A_242 = arith.constant 0 : i32
      %dma_wait3A_243 = arith.constant 0 : i32
      %dma_wait3A_244 = tpu.memref_slice %arg2[%dma_wait3A_242, %dma_wait3A_243] : memref<100000x200xf32, #tpu.memory_space<hbm>> -> memref<100000x128xf32, #tpu.memory_space<hbm>>
      tpu.wait_indirect_dma semaphore(%arg43 : memref<!tpu.dma_semaphore, #tpu.memory_space<semaphore_mem>>) src(%dma_wait3A_244 : memref<100000x128xf32, #tpu.memory_space<hbm>>) dst(%arg22 : memref<8x128xf32, #tpu.memory_space<vmem>>)
      %dma_wait3A_245 = tpu.memref_slice %arg16[%multiple_of3A_224] : memref<512xi32, #tpu.memory_space<vmem>> -> memref<8xi32, #tpu.memory_space<vmem>>
      %dma_wait3A_246 = arith.constant 0 : i32
      %dma_wait3A_247 = arith.constant 0 : i32
      %dma_wait3A_248 = tpu.memref_slice %arg3[%dma_wait3A_246, %dma_wait3A_247] : memref<100000x200xf32, #tpu.memory_space<hbm>> -> memref<100000x128xf32, #tpu.memory_space<hbm>>
      tpu.wait_indirect_dma semaphore(%arg43 : memref<!tpu.dma_semaphore, #tpu.memory_space<semaphore_mem>>) src(%dma_wait3A_248 : memref<100000x128xf32, #tpu.memory_space<hbm>>) dst(%arg23 : memref<8x128xf32, #tpu.memory_space<vmem>>)
      %dma_wait3A_249 = tpu.memref_slice %arg16[%multiple_of3A_224] : memref<512xi32, #tpu.memory_space<vmem>> -> memref<8xi32, #tpu.memory_space<vmem>>
      %dma_wait3A_250 = arith.constant 0 : i32
      %dma_wait3A_251 = arith.constant 0 : i32
      %dma_wait3A_252 = tpu.memref_slice %arg4[%dma_wait3A_250, %dma_wait3A_251] : memref<100000x200xf32, #tpu.memory_space<hbm>> -> memref<100000x128xf32, #tpu.memory_space<hbm>>
      tpu.wait_indirect_dma semaphore(%arg43 : memref<!tpu.dma_semaphore, #tpu.memory_space<semaphore_mem>>) src(%dma_wait3A_252 : memref<100000x128xf32, #tpu.memory_space<hbm>>) dst(%arg24 : memref<8x128xf32, #tpu.memory_space<vmem>>)
      %dma_wait3A_253 = tpu.memref_slice %arg16[%multiple_of3A_224] : memref<512xi32, #tpu.memory_space<vmem>> -> memref<8xi32, #tpu.memory_space<vmem>>
      %dma_wait3A_254 = arith.constant 0 : i32
      %dma_wait3A_255 = arith.constant 0 : i32
      %dma_wait3A_256 = tpu.memref_slice %arg5[%dma_wait3A_254, %dma_wait3A_255] : memref<100000x200xf32, #tpu.memory_space<hbm>> -> memref<100000x128xf32, #tpu.memory_space<hbm>>
      tpu.wait_indirect_dma semaphore(%arg43 : memref<!tpu.dma_semaphore, #tpu.memory_space<semaphore_mem>>) src(%dma_wait3A_256 : memref<100000x128xf32, #tpu.memory_space<hbm>>) dst(%arg25 : memref<8x128xf32, #tpu.memory_space<vmem>>)
      %dma_wait3A_257 = tpu.memref_slice %arg14[%multiple_of3A_224] : memref<512xi32, #tpu.memory_space<vmem>> -> memref<8xi32, #tpu.memory_space<vmem>>
      %dma_wait3A_258 = arith.constant 0 : i32
      %dma_wait3A_259 = arith.constant 0 : i32
      %dma_wait3A_260 = tpu.memref_slice %arg6[%dma_wait3A_258, %dma_wait3A_259] : memref<100000x512xf32, #tpu.memory_space<hbm>> -> memref<100000x512xf32, #tpu.memory_space<hbm>>
      tpu.wait_indirect_dma semaphore(%arg43 : memref<!tpu.dma_semaphore, #tpu.memory_space<semaphore_mem>>) src(%dma_wait3A_260 : memref<100000x512xf32, #tpu.memory_space<hbm>>) dst(%arg26 : memref<8x512xf32, #tpu.memory_space<vmem>>)
      %dma_wait3A_261 = tpu.memref_slice %arg16[%multiple_of3A_224] : memref<512xi32, #tpu.memory_space<vmem>> -> memref<8xi32, #tpu.memory_space<vmem>>
      %dma_wait3A_262 = arith.constant 0 : i32
      %dma_wait3A_263 = arith.constant 0 : i32
      %dma_wait3A_264 = tpu.memref_slice %arg6[%dma_wait3A_262, %dma_wait3A_263] : memref<100000x512xf32, #tpu.memory_space<hbm>> -> memref<100000x512xf32, #tpu.memory_space<hbm>>
      tpu.wait_indirect_dma semaphore(%arg43 : memref<!tpu.dma_semaphore, #tpu.memory_space<semaphore_mem>>) src(%dma_wait3A_264 : memref<100000x512xf32, #tpu.memory_space<hbm>>) dst(%arg27 : memref<8x512xf32, #tpu.memory_space<vmem>>)
      %dma_wait3A_265 = tpu.memref_slice %arg15[%multiple_of3A_224] : memref<512xi32, #tpu.memory_space<vmem>> -> memref<8xi32, #tpu.memory_space<vmem>>
      %dma_wait3A_266 = arith.constant 0 : i32
      %dma_wait3A_267 = arith.constant 0 : i32
      %dma_wait3A_268 = tpu.memref_slice %arg7[%dma_wait3A_266, %dma_wait3A_267] : memref<400x1536xf32, #tpu.memory_space<hbm>> -> memref<400x1536xf32, #tpu.memory_space<hbm>>
      tpu.wait_indirect_dma semaphore(%arg43 : memref<!tpu.dma_semaphore, #tpu.memory_space<semaphore_mem>>) src(%dma_wait3A_268 : memref<400x1536xf32, #tpu.memory_space<hbm>>) dst(%arg28 : memref<8x1536xf32, #tpu.memory_space<vmem>>)
      %dma_wait3A_269 = tpu.memref_slice %arg17[%multiple_of3A_224] : memref<512xi32, #tpu.memory_space<vmem>> -> memref<8xi32, #tpu.memory_space<vmem>>
      %dma_wait3A_270 = arith.constant 0 : i32
      %dma_wait3A_271 = arith.constant 0 : i32
      %dma_wait3A_272 = tpu.memref_slice %arg8[%dma_wait3A_270, %dma_wait3A_271] : memref<367x1024xf32, #tpu.memory_space<hbm>> -> memref<367x1024xf32, #tpu.memory_space<hbm>>
      tpu.wait_indirect_dma semaphore(%arg43 : memref<!tpu.dma_semaphore, #tpu.memory_space<semaphore_mem>>) src(%dma_wait3A_272 : memref<367x1024xf32, #tpu.memory_space<hbm>>) dst(%arg29 : memref<8x1024xf32, #tpu.memory_space<vmem>>)
      %broadcast_in_dim3A_273 = arith.constant 0.000000e+00 : f32
      %broadcast_in_dim3A_274 = vector.broadcast %broadcast_in_dim3A_273 : f32 to vector<16xf32>
      %scan3A_275 = arith.constant 0 : i32
      %scan3A_276 = arith.constant 8 : i32
      %scan3A_277 = arith.addi %scan3A_275, %scan3A_276 : i32
      %scan3A_278 = arith.constant 1 : i32
      %scan3A_279 = scf.for %scan3A_360 = %scan3A_275 to %scan3A_277 step %scan3A_278 iter_args(%scan3A_361 = %broadcast_in_dim3A_274) -> (vector<16xf32>)  : i32 {
        %broadcast_in_dim3A_362 = arith.constant 0.000000e+00 : f32
        %broadcast_in_dim3A_363 = vector.broadcast %broadcast_in_dim3A_362 : f32 to vector<16xf32>
        %broadcast_in_dim3A_364 = arith.constant 0.000000e+00 : f32
        %broadcast_in_dim3A_365 = vector.broadcast %broadcast_in_dim3A_364 : f32 to vector<16xf32>
        %scan3A_366 = arith.constant 0 : i32
        %scan3A_367 = arith.constant 8 : i32
        %scan3A_368 = arith.addi %scan3A_366, %scan3A_367 : i32
        %scan3A_369 = arith.constant 1 : i32
        %scan3A_370:2 = scf.for %scan3A_514 = %scan3A_366 to %scan3A_368 step %scan3A_369 iter_args(%scan3A_515 = %broadcast_in_dim3A_363, %scan3A_516 = %broadcast_in_dim3A_365) -> (vector<16xf32>, vector<16xf32>)  : i32 {
          %mul3A_517 = arith.constant 16 : i32
          %mul3A_518 = arith.muli %scan3A_514, %mul3A_517 : i32
          %get3A_519 = arith.index_cast %scan3A_360 : i32 to index
          %get3A_520 = arith.index_cast %mul3A_518 : i32 to index
          %get3A_521 = tpu.vector_load %arg18[%get3A_519, %get3A_520] {strides = array<i32>} : memref<8x128xf32, #tpu.memory_space<vmem>>, vector<1x16xf32>,
          %get3A_522 = vector.shape_cast %get3A_521 : vector<1x16xf32> to vector<16xf32>
          %get3A_523 = arith.index_cast %scan3A_360 : i32 to index
          %get3A_524 = arith.index_cast %mul3A_518 : i32 to index
          %get3A_525 = tpu.vector_load %arg19[%get3A_523, %get3A_524] {strides = array<i32>} : memref<8x128xf32, #tpu.memory_space<vmem>>, vector<1x16xf32>,
          %get3A_526 = vector.shape_cast %get3A_525 : vector<1x16xf32> to vector<16xf32>
          %get3A_527 = arith.index_cast %scan3A_360 : i32 to index
          %get3A_528 = arith.index_cast %mul3A_518 : i32 to index
          %get3A_529 = tpu.vector_load %arg20[%get3A_527, %get3A_528] {strides = array<i32>} : memref<8x128xf32, #tpu.memory_space<vmem>>, vector<1x16xf32>,
          %get3A_530 = vector.shape_cast %get3A_529 : vector<1x16xf32> to vector<16xf32>
          %get3A_531 = arith.index_cast %scan3A_360 : i32 to index
          %get3A_532 = arith.index_cast %mul3A_518 : i32 to index
          %get3A_533 = tpu.vector_load %arg21[%get3A_531, %get3A_532] {strides = array<i32>} : memref<8x128xf32, #tpu.memory_space<vmem>>, vector<1x16xf32>,
          %get3A_534 = vector.shape_cast %get3A_533 : vector<1x16xf32> to vector<16xf32>
          %get3A_535 = arith.index_cast %scan3A_360 : i32 to index
          %get3A_536 = arith.index_cast %mul3A_518 : i32 to index
          %get3A_537 = tpu.vector_load %arg22[%get3A_535, %get3A_536] {strides = array<i32>} : memref<8x128xf32, #tpu.memory_space<vmem>>, vector<1x16xf32>,
          %get3A_538 = vector.shape_cast %get3A_537 : vector<1x16xf32> to vector<16xf32>
          %get3A_539 = arith.index_cast %scan3A_360 : i32 to index
          %get3A_540 = arith.index_cast %mul3A_518 : i32 to index
          %get3A_541 = tpu.vector_load %arg23[%get3A_539, %get3A_540] {strides = array<i32>} : memref<8x128xf32, #tpu.memory_space<vmem>>, vector<1x16xf32>,
          %get3A_542 = vector.shape_cast %get3A_541 : vector<1x16xf32> to vector<16xf32>
          %get3A_543 = arith.index_cast %scan3A_360 : i32 to index
          %get3A_544 = arith.index_cast %mul3A_518 : i32 to index
          %get3A_545 = tpu.vector_load %arg24[%get3A_543, %get3A_544] {strides = array<i32>} : memref<8x128xf32, #tpu.memory_space<vmem>>, vector<1x16xf32>,
          %get3A_546 = vector.shape_cast %get3A_545 : vector<1x16xf32> to vector<16xf32>
          %get3A_547 = arith.index_cast %scan3A_360 : i32 to index
          %get3A_548 = arith.index_cast %mul3A_518 : i32 to index
          %get3A_549 = tpu.vector_load %arg25[%get3A_547, %get3A_548] {strides = array<i32>} : memref<8x128xf32, #tpu.memory_space<vmem>>, vector<1x16xf32>,
          %get3A_550 = vector.shape_cast %get3A_549 : vector<1x16xf32> to vector<16xf32>
          %get3A_551 = arith.index_cast %scan3A_360 : i32 to index
          %get3A_552 = arith.index_cast %mul3A_518 : i32 to index
          %get3A_553 = tpu.vector_load %arg28[%get3A_551, %get3A_552] {strides = array<i32>} : memref<8x1536xf32, #tpu.memory_space<vmem>>, vector<1x16xf32>,
          %get3A_554 = vector.shape_cast %get3A_553 : vector<1x16xf32> to vector<16xf32>
          %add3A_555 = arith.constant 256 : i32
          %add3A_556 = arith.addi %add3A_555, %mul3A_518 : i32
          %get3A_557 = arith.index_cast %scan3A_360 : i32 to index
          %get3A_558 = arith.index_cast %add3A_556 : i32 to index
          %get3A_559 = tpu.vector_load %arg28[%get3A_557, %get3A_558] {strides = array<i32>} : memref<8x1536xf32, #tpu.memory_space<vmem>>, vector<1x16xf32>,
          %get3A_560 = vector.shape_cast %get3A_559 : vector<1x16xf32> to vector<16xf32>
          %add3A_561 = arith.constant 512 : i32
          %add3A_562 = arith.addi %add3A_561, %mul3A_518 : i32
          %get3A_563 = arith.index_cast %scan3A_360 : i32 to index
          %get3A_564 = arith.index_cast %add3A_562 : i32 to index
          %get3A_565 = tpu.vector_load %arg28[%get3A_563, %get3A_564] {strides = array<i32>} : memref<8x1536xf32, #tpu.memory_space<vmem>>, vector<1x16xf32>,
          %get3A_566 = vector.shape_cast %get3A_565 : vector<1x16xf32> to vector<16xf32>
          %add3A_567 = arith.constant 768 : i32
          %add3A_568 = arith.addi %add3A_567, %mul3A_518 : i32
          %get3A_569 = arith.index_cast %scan3A_360 : i32 to index
          %get3A_570 = arith.index_cast %add3A_568 : i32 to index
          %get3A_571 = tpu.vector_load %arg28[%get3A_569, %get3A_570] {strides = array<i32>} : memref<8x1536xf32, #tpu.memory_space<vmem>>, vector<1x16xf32>,
          %get3A_572 = vector.shape_cast %get3A_571 : vector<1x16xf32> to vector<16xf32>
          %add3A_573 = arith.constant 1024 : i32
          %add3A_574 = arith.addi %add3A_573, %mul3A_518 : i32
          %get3A_575 = arith.index_cast %scan3A_360 : i32 to index
          %get3A_576 = arith.index_cast %add3A_574 : i32 to index
          %get3A_577 = tpu.vector_load %arg28[%get3A_575, %get3A_576] {strides = array<i32>} : memref<8x1536xf32, #tpu.memory_space<vmem>>, vector<1x16xf32>,
          %get3A_578 = vector.shape_cast %get3A_577 : vector<1x16xf32> to vector<16xf32>
          %add3A_579 = arith.constant 1280 : i32
          %add3A_580 = arith.addi %add3A_579, %mul3A_518 : i32
          %get3A_581 = arith.index_cast %scan3A_360 : i32 to index
          %get3A_582 = arith.index_cast %add3A_580 : i32 to index
          %get3A_583 = tpu.vector_load %arg28[%get3A_581, %get3A_582] {strides = array<i32>} : memref<8x1536xf32, #tpu.memory_space<vmem>>, vector<1x16xf32>,
          %get3A_584 = vector.shape_cast %get3A_583 : vector<1x16xf32> to vector<16xf32>
          %get3A_585 = arith.index_cast %scan3A_360 : i32 to index
          %get3A_586 = arith.index_cast %mul3A_518 : i32 to index
          %get3A_587 = tpu.vector_load %arg29[%get3A_585, %get3A_586] {strides = array<i32>} : memref<8x1024xf32, #tpu.memory_space<vmem>>, vector<1x16xf32>,
          %get3A_588 = vector.shape_cast %get3A_587 : vector<1x16xf32> to vector<16xf32>
          %add3A_589 = arith.constant 256 : i32
          %add3A_590 = arith.addi %add3A_589, %mul3A_518 : i32
          %get3A_591 = arith.index_cast %scan3A_360 : i32 to index
          %get3A_592 = arith.index_cast %add3A_590 : i32 to index
          %get3A_593 = tpu.vector_load %arg29[%get3A_591, %get3A_592] {strides = array<i32>} : memref<8x1024xf32, #tpu.memory_space<vmem>>, vector<1x16xf32>,
          %get3A_594 = vector.shape_cast %get3A_593 : vector<1x16xf32> to vector<16xf32>
          %add3A_595 = arith.constant 512 : i32
          %add3A_596 = arith.addi %add3A_595, %mul3A_518 : i32
          %get3A_597 = arith.index_cast %scan3A_360 : i32 to index
          %get3A_598 = arith.index_cast %add3A_596 : i32 to index
          %get3A_599 = tpu.vector_load %arg29[%get3A_597, %get3A_598] {strides = array<i32>} : memref<8x1024xf32, #tpu.memory_space<vmem>>, vector<1x16xf32>,
          %get3A_600 = vector.shape_cast %get3A_599 : vector<1x16xf32> to vector<16xf32>
          %add3A_601 = arith.constant 768 : i32
          %add3A_602 = arith.addi %add3A_601, %mul3A_518 : i32
          %get3A_603 = arith.index_cast %scan3A_360 : i32 to index
          %get3A_604 = arith.index_cast %add3A_602 : i32 to index
          %get3A_605 = tpu.vector_load %arg29[%get3A_603, %get3A_604] {strides = array<i32>} : memref<8x1024xf32, #tpu.memory_space<vmem>>, vector<1x16xf32>,
          %get3A_606 = vector.shape_cast %get3A_605 : vector<1x16xf32> to vector<16xf32>
          %mul3A_607 = arith.mulf %get3A_526, %get3A_554 : vector<16xf32>
          %mul3A_608 = arith.mulf %get3A_522, %get3A_560 : vector<16xf32>
          %add3A_609 = arith.addf %mul3A_607, %mul3A_608 : vector<16xf32>
          %mul3A_610 = arith.mulf %add3A_609, %get3A_542 : vector<16xf32>
          %mul3A_611 = arith.mulf %get3A_522, %get3A_554 : vector<16xf32>
          %mul3A_612 = arith.mulf %get3A_526, %get3A_560 : vector<16xf32>
          %sub3A_613 = arith.subf %mul3A_611, %mul3A_612 : vector<16xf32>
          %mul3A_614 = arith.mulf %sub3A_613, %get3A_538 : vector<16xf32>
          %add3A_615 = arith.addf %mul3A_610, %mul3A_614 : vector<16xf32>
          %mul3A_616 = arith.mulf %get3A_526, %get3A_566 : vector<16xf32>
          %mul3A_617 = arith.mulf %get3A_522, %get3A_572 : vector<16xf32>
          %add3A_618 = arith.addf %mul3A_616, %mul3A_617 : vector<16xf32>
          %mul3A_619 = arith.mulf %add3A_618, %get3A_594 : vector<16xf32>
          %mul3A_620 = arith.mulf %get3A_522, %get3A_566 : vector<16xf32>
          %mul3A_621 = arith.mulf %get3A_526, %get3A_572 : vector<16xf32>
          %sub3A_622 = arith.subf %mul3A_620, %mul3A_621 : vector<16xf32>
          %mul3A_623 = arith.mulf %sub3A_622, %get3A_588 : vector<16xf32>
          %add3A_624 = arith.addf %mul3A_619, %mul3A_623 : vector<16xf32>
          %mul3A_625 = arith.mulf %get3A_542, %get3A_578 : vector<16xf32>
          %mul3A_626 = arith.mulf %get3A_538, %get3A_584 : vector<16xf32>
          %add3A_627 = arith.addf %mul3A_625, %mul3A_626 : vector<16xf32>
          %mul3A_628 = arith.mulf %add3A_627, %get3A_606 : vector<16xf32>
          %mul3A_629 = arith.mulf %get3A_538, %get3A_578 : vector<16xf32>
          %mul3A_630 = arith.mulf %get3A_542, %get3A_584 : vector<16xf32>
          %sub3A_631 = arith.subf %mul3A_629, %mul3A_630 : vector<16xf32>
          %mul3A_632 = arith.mulf %sub3A_631, %get3A_600 : vector<16xf32>
          %add3A_633 = arith.addf %mul3A_628, %mul3A_632 : vector<16xf32>
          %mul3A_634 = arith.mulf %get3A_534, %get3A_588 : vector<16xf32>
          %mul3A_635 = arith.mulf %get3A_530, %get3A_594 : vector<16xf32>
          %add3A_636 = arith.addf %mul3A_634, %mul3A_635 : vector<16xf32>
          %mul3A_637 = arith.mulf %add3A_636, %get3A_550 : vector<16xf32>
          %mul3A_638 = arith.mulf %get3A_530, %get3A_588 : vector<16xf32>
          %mul3A_639 = arith.mulf %get3A_534, %get3A_594 : vector<16xf32>
          %sub3A_640 = arith.subf %mul3A_638, %mul3A_639 : vector<16xf32>
          %mul3A_641 = arith.mulf %sub3A_640, %get3A_546 : vector<16xf32>
          %add3A_642 = arith.addf %mul3A_637, %mul3A_641 : vector<16xf32>
          %add3A_643 = arith.addf %add3A_624, %add3A_633 : vector<16xf32>
          %add3A_644 = arith.addf %add3A_643, %add3A_642 : vector<16xf32>
          %add3A_645 = arith.addf %scan3A_515, %add3A_615 : vector<16xf32>
          %add3A_646 = arith.addf %scan3A_516, %add3A_644 : vector<16xf32>
          scf.yield %add3A_645, %add3A_646 : vector<16xf32>, vector<16xf32>
        }
        %scan3A_371 = arith.constant 8 : i32
        %scan3A_372 = arith.constant 0 : i32
        %scan3A_373 = arith.constant 4 : i32
        %scan3A_374 = arith.addi %scan3A_372, %scan3A_373 : i32
        %scan3A_375 = arith.constant 1 : i32
        %scan3A_376:2 = scf.for %scan3A_514 = %scan3A_372 to %scan3A_374 step %scan3A_375 iter_args(%scan3A_515 = %scan3A_370#0, %scan3A_516 = %scan3A_370#1) -> (vector<16xf32>, vector<16xf32>)  : i32 {
          %mul3A_517 = arith.constant 16 : i32
          %mul3A_518 = arith.muli %scan3A_514, %mul3A_517 : i32
          %get3A_519 = arith.index_cast %scan3A_360 : i32 to index
          %get3A_520 = arith.index_cast %mul3A_518 : i32 to index
          %get3A_521 = tpu.vector_load %arg26[%get3A_519, %get3A_520] {strides = array<i32>} : memref<8x512xf32, #tpu.memory_space<vmem>>, vector<1x16xf32>,
          %get3A_522 = vector.shape_cast %get3A_521 : vector<1x16xf32> to vector<16xf32>
          %add3A_523 = arith.constant 128 : i32
          %add3A_524 = arith.addi %add3A_523, %mul3A_518 : i32
          %get3A_525 = arith.index_cast %scan3A_360 : i32 to index
          %get3A_526 = arith.index_cast %add3A_524 : i32 to index
          %get3A_527 = tpu.vector_load %arg26[%get3A_525, %get3A_526] {strides = array<i32>} : memref<8x512xf32, #tpu.memory_space<vmem>>, vector<1x16xf32>,
          %get3A_528 = vector.shape_cast %get3A_527 : vector<1x16xf32> to vector<16xf32>
          %add3A_529 = arith.constant 256 : i32
          %add3A_530 = arith.addi %add3A_529, %mul3A_518 : i32
          %get3A_531 = arith.index_cast %scan3A_360 : i32 to index
          %get3A_532 = arith.index_cast %add3A_530 : i32 to index
          %get3A_533 = tpu.vector_load %arg26[%get3A_531, %get3A_532] {strides = array<i32>} : memref<8x512xf32, #tpu.memory_space<vmem>>, vector<1x16xf32>,
          %get3A_534 = vector.shape_cast %get3A_533 : vector<1x16xf32> to vector<16xf32>
          %add3A_535 = arith.constant 384 : i32
          %add3A_536 = arith.addi %add3A_535, %mul3A_518 : i32
          %get3A_537 = arith.index_cast %scan3A_360 : i32 to index
          %get3A_538 = arith.index_cast %add3A_536 : i32 to index
          %get3A_539 = tpu.vector_load %arg26[%get3A_537, %get3A_538] {strides = array<i32>} : memref<8x512xf32, #tpu.memory_space<vmem>>, vector<1x16xf32>,
          %get3A_540 = vector.shape_cast %get3A_539 : vector<1x16xf32> to vector<16xf32>
          %get3A_541 = arith.index_cast %scan3A_360 : i32 to index
          %get3A_542 = arith.index_cast %mul3A_518 : i32 to index
          %get3A_543 = tpu.vector_load %arg27[%get3A_541, %get3A_542] {strides = array<i32>} : memref<8x512xf32, #tpu.memory_space<vmem>>, vector<1x16xf32>,
          %get3A_544 = vector.shape_cast %get3A_543 : vector<1x16xf32> to vector<16xf32>
          %add3A_545 = arith.constant 128 : i32
          %add3A_546 = arith.addi %add3A_545, %mul3A_518 : i32
          %get3A_547 = arith.index_cast %scan3A_360 : i32 to index
          %get3A_548 = arith.index_cast %add3A_546 : i32 to index
          %get3A_549 = tpu.vector_load %arg27[%get3A_547, %get3A_548] {strides = array<i32>} : memref<8x512xf32, #tpu.memory_space<vmem>>, vector<1x16xf32>,
          %get3A_550 = vector.shape_cast %get3A_549 : vector<1x16xf32> to vector<16xf32>
          %add3A_551 = arith.constant 256 : i32
          %add3A_552 = arith.addi %add3A_551, %mul3A_518 : i32
          %get3A_553 = arith.index_cast %scan3A_360 : i32 to index
          %get3A_554 = arith.index_cast %add3A_552 : i32 to index
          %get3A_555 = tpu.vector_load %arg27[%get3A_553, %get3A_554] {strides = array<i32>} : memref<8x512xf32, #tpu.memory_space<vmem>>, vector<1x16xf32>,
          %get3A_556 = vector.shape_cast %get3A_555 : vector<1x16xf32> to vector<16xf32>
          %add3A_557 = arith.constant 384 : i32
          %add3A_558 = arith.addi %add3A_557, %mul3A_518 : i32
          %get3A_559 = arith.index_cast %scan3A_360 : i32 to index
          %get3A_560 = arith.index_cast %add3A_558 : i32 to index
          %get3A_561 = tpu.vector_load %arg27[%get3A_559, %get3A_560] {strides = array<i32>} : memref<8x512xf32, #tpu.memory_space<vmem>>, vector<1x16xf32>,
          %get3A_562 = vector.shape_cast %get3A_561 : vector<1x16xf32> to vector<16xf32>
          %add3A_563 = arith.constant 128 : i32
          %add3A_564 = arith.addi %add3A_563, %mul3A_518 : i32
          %get3A_565 = arith.index_cast %scan3A_360 : i32 to index
          %get3A_566 = arith.index_cast %add3A_564 : i32 to index
          %get3A_567 = tpu.vector_load %arg28[%get3A_565, %get3A_566] {strides = array<i32>} : memref<8x1536xf32, #tpu.memory_space<vmem>>, vector<1x16xf32>,
          %get3A_568 = vector.shape_cast %get3A_567 : vector<1x16xf32> to vector<16xf32>
          %add3A_569 = arith.constant 256 : i32
          %add3A_570 = arith.addi %add3A_569, %add3A_564 : i32
          %get3A_571 = arith.index_cast %scan3A_360 : i32 to index
          %get3A_572 = arith.index_cast %add3A_570 : i32 to index
          %get3A_573 = tpu.vector_load %arg28[%get3A_571, %get3A_572] {strides = array<i32>} : memref<8x1536xf32, #tpu.memory_space<vmem>>, vector<1x16xf32>,
          %get3A_574 = vector.shape_cast %get3A_573 : vector<1x16xf32> to vector<16xf32>
          %add3A_575 = arith.constant 512 : i32
          %add3A_576 = arith.addi %add3A_575, %add3A_564 : i32
          %get3A_577 = arith.index_cast %scan3A_360 : i32 to index
          %get3A_578 = arith.index_cast %add3A_576 : i32 to index
          %get3A_579 = tpu.vector_load %arg28[%get3A_577, %get3A_578] {strides = array<i32>} : memref<8x1536xf32, #tpu.memory_space<vmem>>, vector<1x16xf32>,
          %get3A_580 = vector.shape_cast %get3A_579 : vector<1x16xf32> to vector<16xf32>
          %add3A_581 = arith.constant 768 : i32
          %add3A_582 = arith.addi %add3A_581, %add3A_564 : i32
          %get3A_583 = arith.index_cast %scan3A_360 : i32 to index
          %get3A_584 = arith.index_cast %add3A_582 : i32 to index
          %get3A_585 = tpu.vector_load %arg28[%get3A_583, %get3A_584] {strides = array<i32>} : memref<8x1536xf32, #tpu.memory_space<vmem>>, vector<1x16xf32>,
          %get3A_586 = vector.shape_cast %get3A_585 : vector<1x16xf32> to vector<16xf32>
          %add3A_587 = arith.constant 1024 : i32
          %add3A_588 = arith.addi %add3A_587, %add3A_564 : i32
          %get3A_589 = arith.index_cast %scan3A_360 : i32 to index
          %get3A_590 = arith.index_cast %add3A_588 : i32 to index
          %get3A_591 = tpu.vector_load %arg28[%get3A_589, %get3A_590] {strides = array<i32>} : memref<8x1536xf32, #tpu.memory_space<vmem>>, vector<1x16xf32>,
          %get3A_592 = vector.shape_cast %get3A_591 : vector<1x16xf32> to vector<16xf32>
          %add3A_593 = arith.constant 1280 : i32
          %add3A_594 = arith.addi %add3A_593, %add3A_564 : i32
          %get3A_595 = arith.index_cast %scan3A_360 : i32 to index
          %get3A_596 = arith.index_cast %add3A_594 : i32 to index
          %get3A_597 = tpu.vector_load %arg28[%get3A_595, %get3A_596] {strides = array<i32>} : memref<8x1536xf32, #tpu.memory_space<vmem>>, vector<1x16xf32>,
          %get3A_598 = vector.shape_cast %get3A_597 : vector<1x16xf32> to vector<16xf32>
          %get3A_599 = arith.index_cast %scan3A_360 : i32 to index
          %get3A_600 = arith.index_cast %add3A_564 : i32 to index
          %get3A_601 = tpu.vector_load %arg29[%get3A_599, %get3A_600] {strides = array<i32>} : memref<8x1024xf32, #tpu.memory_space<vmem>>, vector<1x16xf32>,
          %get3A_602 = vector.shape_cast %get3A_601 : vector<1x16xf32> to vector<16xf32>
          %add3A_603 = arith.constant 256 : i32
          %add3A_604 = arith.addi %add3A_603, %add3A_564 : i32
          %get3A_605 = arith.index_cast %scan3A_360 : i32 to index
          %get3A_606 = arith.index_cast %add3A_604 : i32 to index
          %get3A_607 = tpu.vector_load %arg29[%get3A_605, %get3A_606] {strides = array<i32>} : memref<8x1024xf32, #tpu.memory_space<vmem>>, vector<1x16xf32>,
          %get3A_608 = vector.shape_cast %get3A_607 : vector<1x16xf32> to vector<16xf32>
          %add3A_609 = arith.constant 512 : i32
          %add3A_610 = arith.addi %add3A_609, %add3A_564 : i32
          %get3A_611 = arith.index_cast %scan3A_360 : i32 to index
          %get3A_612 = arith.index_cast %add3A_610 : i32 to index
          %get3A_613 = tpu.vector_load %arg29[%get3A_611, %get3A_612] {strides = array<i32>} : memref<8x1024xf32, #tpu.memory_space<vmem>>, vector<1x16xf32>,
          %get3A_614 = vector.shape_cast %get3A_613 : vector<1x16xf32> to vector<16xf32>
          %add3A_615 = arith.constant 768 : i32
          %add3A_616 = arith.addi %add3A_615, %add3A_564 : i32
          %get3A_617 = arith.index_cast %scan3A_360 : i32 to index
          %get3A_618 = arith.index_cast %add3A_616 : i32 to index
          %get3A_619 = tpu.vector_load %arg29[%get3A_617, %get3A_618] {strides = array<i32>} : memref<8x1024xf32, #tpu.memory_space<vmem>>, vector<1x16xf32>,
          %get3A_620 = vector.shape_cast %get3A_619 : vector<1x16xf32> to vector<16xf32>
          %mul3A_621 = arith.mulf %get3A_528, %get3A_568 : vector<16xf32>
          %mul3A_622 = arith.mulf %get3A_522, %get3A_574 : vector<16xf32>
          %add3A_623 = arith.addf %mul3A_621, %mul3A_622 : vector<16xf32>
          %mul3A_624 = arith.mulf %add3A_623, %get3A_550 : vector<16xf32>
          %mul3A_625 = arith.mulf %get3A_522, %get3A_568 : vector<16xf32>
          %mul3A_626 = arith.mulf %get3A_528, %get3A_574 : vector<16xf32>
          %sub3A_627 = arith.subf %mul3A_625, %mul3A_626 : vector<16xf32>
          %mul3A_628 = arith.mulf %sub3A_627, %get3A_544 : vector<16xf32>
          %add3A_629 = arith.addf %mul3A_624, %mul3A_628 : vector<16xf32>
          %mul3A_630 = arith.mulf %get3A_528, %get3A_580 : vector<16xf32>
          %mul3A_631 = arith.mulf %get3A_522, %get3A_586 : vector<16xf32>
          %add3A_632 = arith.addf %mul3A_630, %mul3A_631 : vector<16xf32>
          %mul3A_633 = arith.mulf %add3A_632, %get3A_608 : vector<16xf32>
          %mul3A_634 = arith.mulf %get3A_522, %get3A_580 : vector<16xf32>
          %mul3A_635 = arith.mulf %get3A_528, %get3A_586 : vector<16xf32>
          %sub3A_636 = arith.subf %mul3A_634, %mul3A_635 : vector<16xf32>
          %mul3A_637 = arith.mulf %sub3A_636, %get3A_602 : vector<16xf32>
          %add3A_638 = arith.addf %mul3A_633, %mul3A_637 : vector<16xf32>
          %mul3A_639 = arith.mulf %get3A_550, %get3A_592 : vector<16xf32>
          %mul3A_640 = arith.mulf %get3A_544, %get3A_598 : vector<16xf32>
          %add3A_641 = arith.addf %mul3A_639, %mul3A_640 : vector<16xf32>
          %mul3A_642 = arith.mulf %add3A_641, %get3A_620 : vector<16xf32>
          %mul3A_643 = arith.mulf %get3A_544, %get3A_592 : vector<16xf32>
          %mul3A_644 = arith.mulf %get3A_550, %get3A_598 : vector<16xf32>
          %sub3A_645 = arith.subf %mul3A_643, %mul3A_644 : vector<16xf32>
          %mul3A_646 = arith.mulf %sub3A_645, %get3A_614 : vector<16xf32>
          %add3A_647 = arith.addf %mul3A_642, %mul3A_646 : vector<16xf32>
          %mul3A_648 = arith.mulf %get3A_540, %get3A_602 : vector<16xf32>
          %mul3A_649 = arith.mulf %get3A_534, %get3A_608 : vector<16xf32>
          %add3A_650 = arith.addf %mul3A_648, %mul3A_649 : vector<16xf32>
          %mul3A_651 = arith.mulf %add3A_650, %get3A_562 : vector<16xf32>
          %mul3A_652 = arith.mulf %get3A_534, %get3A_602 : vector<16xf32>
          %mul3A_653 = arith.mulf %get3A_540, %get3A_608 : vector<16xf32>
          %sub3A_654 = arith.subf %mul3A_652, %mul3A_653 : vector<16xf32>
          %mul3A_655 = arith.mulf %sub3A_654, %get3A_556 : vector<16xf32>
          %add3A_656 = arith.addf %mul3A_651, %mul3A_655 : vector<16xf32>
          %add3A_657 = arith.addf %add3A_638, %add3A_647 : vector<16xf32>
          %add3A_658 = arith.addf %add3A_657, %add3A_656 : vector<16xf32>
          %add3A_659 = arith.addf %scan3A_515, %add3A_629 : vector<16xf32>
          %add3A_660 = arith.addf %scan3A_516, %add3A_658 : vector<16xf32>
          scf.yield %add3A_659, %add3A_660 : vector<16xf32>, vector<16xf32>
        }
        %scan3A_377 = arith.constant 4 : i32
        %get3A = arith.index_cast %scan3A_360 : i32 to index
        %get3A_378 = arith.constant 56 : index
        %get3A_379 = tpu.vector_load %arg26[%get3A, %get3A_378] {strides = array<i32>} : memref<8x512xf32, #tpu.memory_space<vmem>>, vector<1x16xf32>,
        %get3A_380 = vector.shape_cast %get3A_379 : vector<1x16xf32> to vector<16xf32>
        %get3A_381 = arith.index_cast %scan3A_360 : i32 to index
        %get3A_382 = arith.constant 184 : index
        %get3A_383 = tpu.vector_load %arg26[%get3A_381, %get3A_382] {strides = array<i32>} : memref<8x512xf32, #tpu.memory_space<vmem>>, vector<1x16xf32>,
        %get3A_384 = vector.shape_cast %get3A_383 : vector<1x16xf32> to vector<16xf32>
        %get3A_385 = arith.index_cast %scan3A_360 : i32 to index
        %get3A_386 = arith.constant 312 : index
        %get3A_387 = tpu.vector_load %arg26[%get3A_385, %get3A_386] {strides = array<i32>} : memref<8x512xf32, #tpu.memory_space<vmem>>, vector<1x16xf32>,
        %get3A_388 = vector.shape_cast %get3A_387 : vector<1x16xf32> to vector<16xf32>
        %get3A_389 = arith.index_cast %scan3A_360 : i32 to index
        %get3A_390 = arith.constant 440 : index
        %get3A_391 = tpu.vector_load %arg26[%get3A_389, %get3A_390] {strides = array<i32>} : memref<8x512xf32, #tpu.memory_space<vmem>>, vector<1x16xf32>,
        %get3A_392 = vector.shape_cast %get3A_391 : vector<1x16xf32> to vector<16xf32>
        %get3A_393 = arith.index_cast %scan3A_360 : i32 to index
        %get3A_394 = arith.constant 56 : index
        %get3A_395 = tpu.vector_load %arg27[%get3A_393, %get3A_394] {strides = array<i32>} : memref<8x512xf32, #tpu.memory_space<vmem>>, vector<1x16xf32>,
        %get3A_396 = vector.shape_cast %get3A_395 : vector<1x16xf32> to vector<16xf32>
        %get3A_397 = arith.index_cast %scan3A_360 : i32 to index
        %get3A_398 = arith.constant 184 : index
        %get3A_399 = tpu.vector_load %arg27[%get3A_397, %get3A_398] {strides = array<i32>} : memref<8x512xf32, #tpu.memory_space<vmem>>, vector<1x16xf32>,
        %get3A_400 = vector.shape_cast %get3A_399 : vector<1x16xf32> to vector<16xf32>
        %get3A_401 = arith.index_cast %scan3A_360 : i32 to index
        %get3A_402 = arith.constant 312 : index
        %get3A_403 = tpu.vector_load %arg27[%get3A_401, %get3A_402] {strides = array<i32>} : memref<8x512xf32, #tpu.memory_space<vmem>>, vector<1x16xf32>,
        %get3A_404 = vector.shape_cast %get3A_403 : vector<1x16xf32> to vector<16xf32>
        %get3A_405 = arith.index_cast %scan3A_360 : i32 to index
        %get3A_406 = arith.constant 440 : index
        %get3A_407 = tpu.vector_load %arg27[%get3A_405, %get3A_406] {strides = array<i32>} : memref<8x512xf32, #tpu.memory_space<vmem>>, vector<1x16xf32>,
        %get3A_408 = vector.shape_cast %get3A_407 : vector<1x16xf32> to vector<16xf32>
        %get3A_409 = arith.index_cast %scan3A_360 : i32 to index
        %get3A_410 = arith.constant 184 : index
        %get3A_411 = tpu.vector_load %arg28[%get3A_409, %get3A_410] {strides = array<i32>} : memref<8x1536xf32, #tpu.memory_space<vmem>>, vector<1x16xf32>,
        %get3A_412 = vector.shape_cast %get3A_411 : vector<1x16xf32> to vector<16xf32>
        %get3A_413 = arith.index_cast %scan3A_360 : i32 to index
        %get3A_414 = arith.constant 440 : index
        %get3A_415 = tpu.vector_load %arg28[%get3A_413, %get3A_414] {strides = array<i32>} : memref<8x1536xf32, #tpu.memory_space<vmem>>, vector<1x16xf32>,
        %get3A_416 = vector.shape_cast %get3A_415 : vector<1x16xf32> to vector<16xf32>
        %get3A_417 = arith.index_cast %scan3A_360 : i32 to index
        %get3A_418 = arith.constant 696 : index
        %get3A_419 = tpu.vector_load %arg28[%get3A_417, %get3A_418] {strides = array<i32>} : memref<8x1536xf32, #tpu.memory_space<vmem>>, vector<1x16xf32>,
        %get3A_420 = vector.shape_cast %get3A_419 : vector<1x16xf32> to vector<16xf32>
        %get3A_421 = arith.index_cast %scan3A_360 : i32 to index
        %get3A_422 = arith.constant 952 : index
        %get3A_423 = tpu.vector_load %arg28[%get3A_421, %get3A_422] {strides = array<i32>} : memref<8x1536xf32, #tpu.memory_space<vmem>>, vector<1x16xf32>,
        %get3A_424 = vector.shape_cast %get3A_423 : vector<1x16xf32> to vector<16xf32>
        %get3A_425 = arith.index_cast %scan3A_360 : i32 to index
        %get3A_426 = arith.constant 1208 : index
        %get3A_427 = tpu.vector_load %arg28[%get3A_425, %get3A_426] {strides = array<i32>} : memref<8x1536xf32, #tpu.memory_space<vmem>>, vector<1x16xf32>,
        %get3A_428 = vector.shape_cast %get3A_427 : vector<1x16xf32> to vector<16xf32>
        %get3A_429 = arith.index_cast %scan3A_360 : i32 to index
        %get3A_430 = arith.constant 1464 : index
        %get3A_431 = tpu.vector_load %arg28[%get3A_429, %get3A_430] {strides = array<i32>} : memref<8x1536xf32, #tpu.memory_space<vmem>>, vector<1x16xf32>,
        %get3A_432 = vector.shape_cast %get3A_431 : vector<1x16xf32> to vector<16xf32>
        %get3A_433 = arith.index_cast %scan3A_360 : i32 to index
        %get3A_434 = arith.constant 184 : index
        %get3A_435 = tpu.vector_load %arg29[%get3A_433, %get3A_434] {strides = array<i32>} : memref<8x1024xf32, #tpu.memory_space<vmem>>, vector<1x16xf32>,
        %get3A_436 = vector.shape_cast %get3A_435 : vector<1x16xf32> to vector<16xf32>
        %get3A_437 = arith.index_cast %scan3A_360 : i32 to index
        %get3A_438 = arith.constant 440 : index
        %get3A_439 = tpu.vector_load %arg29[%get3A_437, %get3A_438] {strides = array<i32>} : memref<8x1024xf32, #tpu.memory_space<vmem>>, vector<1x16xf32>,
        %get3A_440 = vector.shape_cast %get3A_439 : vector<1x16xf32> to vector<16xf32>
        %get3A_441 = arith.index_cast %scan3A_360 : i32 to index
        %get3A_442 = arith.constant 696 : index
        %get3A_443 = tpu.vector_load %arg29[%get3A_441, %get3A_442] {strides = array<i32>} : memref<8x1024xf32, #tpu.memory_space<vmem>>, vector<1x16xf32>,
        %get3A_444 = vector.shape_cast %get3A_443 : vector<1x16xf32> to vector<16xf32>
        %get3A_445 = arith.index_cast %scan3A_360 : i32 to index
        %get3A_446 = arith.constant 952 : index
        %get3A_447 = tpu.vector_load %arg29[%get3A_445, %get3A_446] {strides = array<i32>} : memref<8x1024xf32, #tpu.memory_space<vmem>>, vector<1x16xf32>,
        %get3A_448 = vector.shape_cast %get3A_447 : vector<1x16xf32> to vector<16xf32>
        %mul3A_449 = arith.mulf %get3A_384, %get3A_412 : vector<16xf32>
        %mul3A_450 = arith.mulf %get3A_380, %get3A_416 : vector<16xf32>
        %add3A_451 = arith.addf %mul3A_449, %mul3A_450 : vector<16xf32>
        %mul3A_452 = arith.mulf %add3A_451, %get3A_400 : vector<16xf32>
        %mul3A_453 = arith.mulf %get3A_380, %get3A_412 : vector<16xf32>
        %mul3A_454 = arith.mulf %get3A_384, %get3A_416 : vector<16xf32>
        %sub3A = arith.subf %mul3A_453, %mul3A_454 : vector<16xf32>
        %mul3A_455 = arith.mulf %sub3A, %get3A_396 : vector<16xf32>
        %add3A_456 = arith.addf %mul3A_452, %mul3A_455 : vector<16xf32>
        %mul3A_457 = arith.mulf %get3A_384, %get3A_420 : vector<16xf32>
        %mul3A_458 = arith.mulf %get3A_380, %get3A_424 : vector<16xf32>
        %add3A_459 = arith.addf %mul3A_457, %mul3A_458 : vector<16xf32>
        %mul3A_460 = arith.mulf %add3A_459, %get3A_440 : vector<16xf32>
        %mul3A_461 = arith.mulf %get3A_380, %get3A_420 : vector<16xf32>
        %mul3A_462 = arith.mulf %get3A_384, %get3A_424 : vector<16xf32>
        %sub3A_463 = arith.subf %mul3A_461, %mul3A_462 : vector<16xf32>
        %mul3A_464 = arith.mulf %sub3A_463, %get3A_436 : vector<16xf32>
        %add3A_465 = arith.addf %mul3A_460, %mul3A_464 : vector<16xf32>
        %mul3A_466 = arith.mulf %get3A_400, %get3A_428 : vector<16xf32>
        %mul3A_467 = arith.mulf %get3A_396, %get3A_432 : vector<16xf32>
        %add3A_468 = arith.addf %mul3A_466, %mul3A_467 : vector<16xf32>
        %mul3A_469 = arith.mulf %add3A_468, %get3A_448 : vector<16xf32>
        %mul3A_470 = arith.mulf %get3A_396, %get3A_428 : vector<16xf32>
        %mul3A_471 = arith.mulf %get3A_400, %get3A_432 : vector<16xf32>
        %sub3A_472 = arith.subf %mul3A_470, %mul3A_471 : vector<16xf32>
        %mul3A_473 = arith.mulf %sub3A_472, %get3A_444 : vector<16xf32>
        %add3A_474 = arith.addf %mul3A_469, %mul3A_473 : vector<16xf32>
        %mul3A_475 = arith.mulf %get3A_392, %get3A_436 : vector<16xf32>
        %mul3A_476 = arith.mulf %get3A_388, %get3A_440 : vector<16xf32>
        %add3A_477 = arith.addf %mul3A_475, %mul3A_476 : vector<16xf32>
        %mul3A_478 = arith.mulf %add3A_477, %get3A_408 : vector<16xf32>
        %mul3A_479 = arith.mulf %get3A_388, %get3A_436 : vector<16xf32>
        %mul3A_480 = arith.mulf %get3A_392, %get3A_440 : vector<16xf32>
        %sub3A_481 = arith.subf %mul3A_479, %mul3A_480 : vector<16xf32>
        %mul3A_482 = arith.mulf %sub3A_481, %get3A_404 : vector<16xf32>
        %add3A_483 = arith.addf %mul3A_478, %mul3A_482 : vector<16xf32>
        %add3A_484 = arith.addf %add3A_465, %add3A_474 : vector<16xf32>
        %add3A_485 = arith.addf %add3A_484, %add3A_483 : vector<16xf32>
        %jit3A_486 = arith.constant 0.000000e+00 : f32
        %broadcast_in_dim3A_487 = vector.broadcast %jit3A_486 : f32 to vector<16xf32>
        %select_n3A_488 = arith.select %ge3A_4, %add3A_456, %broadcast_in_dim3A_487 : vector<16xi1>, vector<16xf32>
        %jit3A_489 = arith.constant 0.000000e+00 : f32
        %broadcast_in_dim3A_490 = vector.broadcast %jit3A_489 : f32 to vector<16xf32>
        %select_n3A_491 = arith.select %ge3A_4, %add3A_485, %broadcast_in_dim3A_490 : vector<16xi1>, vector<16xf32>
        %add3A_492 = arith.addf %scan3A_376#0, %select_n3A_488 : vector<16xf32>
        %add3A_493 = arith.addf %scan3A_376#1, %select_n3A_491 : vector<16xf32>
        %mul3A_494 = arith.constant 5.000000e+00 : f32
        %mul3A_495 = vector.broadcast %mul3A_494 : f32 to vector<16xf32>
        %mul3A_496 = arith.mulf %mul3A_495, %add3A_493 : vector<16xf32>
        %add3A_497 = arith.addf %add3A_492, %mul3A_496 : vector<16xf32>
        %gather3A = vector.shape_cast %broadcast_in_dim3A : vector<16x1xi32> to vector<16xi32>
        %gather3A_498 = tpu.dynamic_gather %add3A_497[%gather3A] in [0] : vector<16xf32>, vector<16xi32> -> vector<16xf32>
        %add3A_499 = arith.addf %add3A_497, %gather3A_498 : vector<16xf32>
        %gather3A_500 = vector.shape_cast %broadcast_in_dim3A_48 : vector<16x1xi32> to vector<16xi32>
        %gather3A_501 = tpu.dynamic_gather %add3A_499[%gather3A_500] in [0] : vector<16xf32>, vector<16xi32> -> vector<16xf32>
        %add3A_502 = arith.addf %add3A_499, %gather3A_501 : vector<16xf32>
        %gather3A_503 = vector.shape_cast %broadcast_in_dim3A_74 : vector<16x1xi32> to vector<16xi32>
        %gather3A_504 = tpu.dynamic_gather %add3A_502[%gather3A_503] in [0] : vector<16xf32>, vector<16xi32> -> vector<16xf32>
        %add3A_505 = arith.addf %add3A_502, %gather3A_504 : vector<16xf32>
        %gather3A_506 = vector.shape_cast %broadcast_in_dim3A_100 : vector<16x1xi32> to vector<16xi32>
        %gather3A_507 = tpu.dynamic_gather %add3A_505[%gather3A_506] in [0] : vector<16xf32>, vector<16xi32> -> vector<16xf32>
        %add3A_508 = arith.addf %add3A_505, %gather3A_507 : vector<16xf32>
        %add3A_509 = arith.constant 0 : i32
        %add3A_510 = arith.addi %scan3A_360, %add3A_509 : i32
        %eq3A_511 = vector.broadcast %add3A_510 : i32 to vector<16xi32>
        %eq3A_512 = arith.cmpi eq, %iota3A, %eq3A_511 : vector<16xi32>
        %select_n3A_513 = arith.select %eq3A_512, %add3A_508, %scan3A_361 : vector<16xi1>, vector<16xf32>
        scf.yield %select_n3A_513 : vector<16xf32>
      }
      %scan3A_280 = arith.constant 8 : i32
      %add3A_281 = arith.constant 2 : i32
      %add3A_282 = arith.addi %mul3A_221, %add3A_281 : i32
      %lt3A_283 = arith.constant 64 : i32
      %lt3A_284 = arith.cmpi slt, %add3A_282, %lt3A_283 : i32
      %convert_element_type3A = arith.extui %lt3A_284 : i1 to i32
      %cond3A = arith.constant 0 : i32
      %cond3A_285 = arith.cmpi ne, %convert_element_type3A, %cond3A : i32
      scf.if %cond3A_285 {
        %add3A_360 = arith.constant 2 : i32
        %add3A_361 = arith.addi %mul3A_221, %add3A_360 : i32
        %mul3A_362 = arith.constant 8 : i32
        %mul3A_363 = arith.muli %add3A_361, %mul3A_362 : i32
        %multiple_of3A_364 = tpu.assume_multiple %mul3A_363, 8 : i32
        %dma_start3A_365 = tpu.memref_slice %arg14[%multiple_of3A_364] : memref<512xi32, #tpu.memory_space<vmem>> -> memref<8xi32, #tpu.memory_space<vmem>>
        %dma_start3A_366 = arith.constant 0 : i32
        %dma_start3A_367 = arith.constant 0 : i32
        %dma_start3A_368 = tpu.memref_slice %arg2[%dma_start3A_366, %dma_start3A_367] : memref<100000x200xf32, #tpu.memory_space<hbm>> -> memref<100000x128xf32, #tpu.memory_space<hbm>>
        tpu.enqueue_indirect_dma source(%dma_start3A_368 : memref<100000x128xf32, #tpu.memory_space<hbm>>) target(%arg18 : memref<8x128xf32, #tpu.memory_space<vmem>>) offsets(%dma_start3A_365 : memref<8xi32, #tpu.memory_space<vmem>>) semaphore(%arg43 : memref<!tpu.dma_semaphore, #tpu.memory_space<semaphore_mem>>)
        %dma_start3A_369 = tpu.memref_slice %arg14[%multiple_of3A_364] : memref<512xi32, #tpu.memory_space<vmem>> -> memref<8xi32, #tpu.memory_space<vmem>>
        %dma_start3A_370 = arith.constant 0 : i32
        %dma_start3A_371 = arith.constant 0 : i32
        %dma_start3A_372 = tpu.memref_slice %arg3[%dma_start3A_370, %dma_start3A_371] : memref<100000x200xf32, #tpu.memory_space<hbm>> -> memref<100000x128xf32, #tpu.memory_space<hbm>>
        tpu.enqueue_indirect_dma source(%dma_start3A_372 : memref<100000x128xf32, #tpu.memory_space<hbm>>) target(%arg19 : memref<8x128xf32, #tpu.memory_space<vmem>>) offsets(%dma_start3A_369 : memref<8xi32, #tpu.memory_space<vmem>>) semaphore(%arg43 : memref<!tpu.dma_semaphore, #tpu.memory_space<semaphore_mem>>)
        %dma_start3A_373 = tpu.memref_slice %arg14[%multiple_of3A_364] : memref<512xi32, #tpu.memory_space<vmem>> -> memref<8xi32, #tpu.memory_space<vmem>>
        %dma_start3A_374 = arith.constant 0 : i32
        %dma_start3A_375 = arith.constant 0 : i32
        %dma_start3A_376 = tpu.memref_slice %arg4[%dma_start3A_374, %dma_start3A_375] : memref<100000x200xf32, #tpu.memory_space<hbm>> -> memref<100000x128xf32, #tpu.memory_space<hbm>>
        tpu.enqueue_indirect_dma source(%dma_start3A_376 : memref<100000x128xf32, #tpu.memory_space<hbm>>) target(%arg20 : memref<8x128xf32, #tpu.memory_space<vmem>>) offsets(%dma_start3A_373 : memref<8xi32, #tpu.memory_space<vmem>>) semaphore(%arg43 : memref<!tpu.dma_semaphore, #tpu.memory_space<semaphore_mem>>)
        %dma_start3A_377 = tpu.memref_slice %arg14[%multiple_of3A_364] : memref<512xi32, #tpu.memory_space<vmem>> -> memref<8xi32, #tpu.memory_space<vmem>>
        %dma_start3A_378 = arith.constant 0 : i32
        %dma_start3A_379 = arith.constant 0 : i32
        %dma_start3A_380 = tpu.memref_slice %arg5[%dma_start3A_378, %dma_start3A_379] : memref<100000x200xf32, #tpu.memory_space<hbm>> -> memref<100000x128xf32, #tpu.memory_space<hbm>>
        tpu.enqueue_indirect_dma source(%dma_start3A_380 : memref<100000x128xf32, #tpu.memory_space<hbm>>) target(%arg21 : memref<8x128xf32, #tpu.memory_space<vmem>>) offsets(%dma_start3A_377 : memref<8xi32, #tpu.memory_space<vmem>>) semaphore(%arg43 : memref<!tpu.dma_semaphore, #tpu.memory_space<semaphore_mem>>)
        %dma_start3A_381 = tpu.memref_slice %arg16[%multiple_of3A_364] : memref<512xi32, #tpu.memory_space<vmem>> -> memref<8xi32, #tpu.memory_space<vmem>>
        %dma_start3A_382 = arith.constant 0 : i32
        %dma_start3A_383 = arith.constant 0 : i32
        %dma_start3A_384 = tpu.memref_slice %arg2[%dma_start3A_382, %dma_start3A_383] : memref<100000x200xf32, #tpu.memory_space<hbm>> -> memref<100000x128xf32, #tpu.memory_space<hbm>>
        tpu.enqueue_indirect_dma source(%dma_start3A_384 : memref<100000x128xf32, #tpu.memory_space<hbm>>) target(%arg22 : memref<8x128xf32, #tpu.memory_space<vmem>>) offsets(%dma_start3A_381 : memref<8xi32, #tpu.memory_space<vmem>>) semaphore(%arg43 : memref<!tpu.dma_semaphore, #tpu.memory_space<semaphore_mem>>)
        %dma_start3A_385 = tpu.memref_slice %arg16[%multiple_of3A_364] : memref<512xi32, #tpu.memory_space<vmem>> -> memref<8xi32, #tpu.memory_space<vmem>>
        %dma_start3A_386 = arith.constant 0 : i32
        %dma_start3A_387 = arith.constant 0 : i32
        %dma_start3A_388 = tpu.memref_slice %arg3[%dma_start3A_386, %dma_start3A_387] : memref<100000x200xf32, #tpu.memory_space<hbm>> -> memref<100000x128xf32, #tpu.memory_space<hbm>>
        tpu.enqueue_indirect_dma source(%dma_start3A_388 : memref<100000x128xf32, #tpu.memory_space<hbm>>) target(%arg23 : memref<8x128xf32, #tpu.memory_space<vmem>>) offsets(%dma_start3A_385 : memref<8xi32, #tpu.memory_space<vmem>>) semaphore(%arg43 : memref<!tpu.dma_semaphore, #tpu.memory_space<semaphore_mem>>)
        %dma_start3A_389 = tpu.memref_slice %arg16[%multiple_of3A_364] : memref<512xi32, #tpu.memory_space<vmem>> -> memref<8xi32, #tpu.memory_space<vmem>>
        %dma_start3A_390 = arith.constant 0 : i32
        %dma_start3A_391 = arith.constant 0 : i32
        %dma_start3A_392 = tpu.memref_slice %arg4[%dma_start3A_390, %dma_start3A_391] : memref<100000x200xf32, #tpu.memory_space<hbm>> -> memref<100000x128xf32, #tpu.memory_space<hbm>>
        tpu.enqueue_indirect_dma source(%dma_start3A_392 : memref<100000x128xf32, #tpu.memory_space<hbm>>) target(%arg24 : memref<8x128xf32, #tpu.memory_space<vmem>>) offsets(%dma_start3A_389 : memref<8xi32, #tpu.memory_space<vmem>>) semaphore(%arg43 : memref<!tpu.dma_semaphore, #tpu.memory_space<semaphore_mem>>)
        %dma_start3A_393 = tpu.memref_slice %arg16[%multiple_of3A_364] : memref<512xi32, #tpu.memory_space<vmem>> -> memref<8xi32, #tpu.memory_space<vmem>>
        %dma_start3A_394 = arith.constant 0 : i32
        %dma_start3A_395 = arith.constant 0 : i32
        %dma_start3A_396 = tpu.memref_slice %arg5[%dma_start3A_394, %dma_start3A_395] : memref<100000x200xf32, #tpu.memory_space<hbm>> -> memref<100000x128xf32, #tpu.memory_space<hbm>>
        tpu.enqueue_indirect_dma source(%dma_start3A_396 : memref<100000x128xf32, #tpu.memory_space<hbm>>) target(%arg25 : memref<8x128xf32, #tpu.memory_space<vmem>>) offsets(%dma_start3A_393 : memref<8xi32, #tpu.memory_space<vmem>>) semaphore(%arg43 : memref<!tpu.dma_semaphore, #tpu.memory_space<semaphore_mem>>)
        %dma_start3A_397 = tpu.memref_slice %arg14[%multiple_of3A_364] : memref<512xi32, #tpu.memory_space<vmem>> -> memref<8xi32, #tpu.memory_space<vmem>>
        %dma_start3A_398 = arith.constant 0 : i32
        %dma_start3A_399 = arith.constant 0 : i32
        %dma_start3A_400 = tpu.memref_slice %arg6[%dma_start3A_398, %dma_start3A_399] : memref<100000x512xf32, #tpu.memory_space<hbm>> -> memref<100000x512xf32, #tpu.memory_space<hbm>>
        tpu.enqueue_indirect_dma source(%dma_start3A_400 : memref<100000x512xf32, #tpu.memory_space<hbm>>) target(%arg26 : memref<8x512xf32, #tpu.memory_space<vmem>>) offsets(%dma_start3A_397 : memref<8xi32, #tpu.memory_space<vmem>>) semaphore(%arg43 : memref<!tpu.dma_semaphore, #tpu.memory_space<semaphore_mem>>)
        %dma_start3A_401 = tpu.memref_slice %arg16[%multiple_of3A_364] : memref<512xi32, #tpu.memory_space<vmem>> -> memref<8xi32, #tpu.memory_space<vmem>>
        %dma_start3A_402 = arith.constant 0 : i32
        %dma_start3A_403 = arith.constant 0 : i32
        %dma_start3A_404 = tpu.memref_slice %arg6[%dma_start3A_402, %dma_start3A_403] : memref<100000x512xf32, #tpu.memory_space<hbm>> -> memref<100000x512xf32, #tpu.memory_space<hbm>>
        tpu.enqueue_indirect_dma source(%dma_start3A_404 : memref<100000x512xf32, #tpu.memory_space<hbm>>) target(%arg27 : memref<8x512xf32, #tpu.memory_space<vmem>>) offsets(%dma_start3A_401 : memref<8xi32, #tpu.memory_space<vmem>>) semaphore(%arg43 : memref<!tpu.dma_semaphore, #tpu.memory_space<semaphore_mem>>)
        %dma_start3A_405 = tpu.memref_slice %arg15[%multiple_of3A_364] : memref<512xi32, #tpu.memory_space<vmem>> -> memref<8xi32, #tpu.memory_space<vmem>>
        %dma_start3A_406 = arith.constant 0 : i32
        %dma_start3A_407 = arith.constant 0 : i32
        %dma_start3A_408 = tpu.memref_slice %arg7[%dma_start3A_406, %dma_start3A_407] : memref<400x1536xf32, #tpu.memory_space<hbm>> -> memref<400x1536xf32, #tpu.memory_space<hbm>>
        tpu.enqueue_indirect_dma source(%dma_start3A_408 : memref<400x1536xf32, #tpu.memory_space<hbm>>) target(%arg28 : memref<8x1536xf32, #tpu.memory_space<vmem>>) offsets(%dma_start3A_405 : memref<8xi32, #tpu.memory_space<vmem>>) semaphore(%arg43 : memref<!tpu.dma_semaphore, #tpu.memory_space<semaphore_mem>>)
        %dma_start3A_409 = tpu.memref_slice %arg17[%multiple_of3A_364] : memref<512xi32, #tpu.memory_space<vmem>> -> memref<8xi32, #tpu.memory_space<vmem>>
        %dma_start3A_410 = arith.constant 0 : i32
        %dma_start3A_411 = arith.constant 0 : i32
        %dma_start3A_412 = tpu.memref_slice %arg8[%dma_start3A_410, %dma_start3A_411] : memref<367x1024xf32, #tpu.memory_space<hbm>> -> memref<367x1024xf32, #tpu.memory_space<hbm>>
        tpu.enqueue_indirect_dma source(%dma_start3A_412 : memref<367x1024xf32, #tpu.memory_space<hbm>>) target(%arg29 : memref<8x1024xf32, #tpu.memory_space<vmem>>) offsets(%dma_start3A_409 : memref<8xi32, #tpu.memory_space<vmem>>) semaphore(%arg43 : memref<!tpu.dma_semaphore, #tpu.memory_space<semaphore_mem>>)
      } else {
      }
      %add3A_286 = arith.constant 1 : i32
      %add3A_287 = arith.addi %mul3A_221, %add3A_286 : i32
      %mul3A_288 = arith.constant 8 : i32
      %mul3A_289 = arith.muli %add3A_287, %mul3A_288 : i32
      %multiple_of3A_290 = tpu.assume_multiple %mul3A_289, 8 : i32
      %dma_wait3A_291 = tpu.memref_slice %arg14[%multiple_of3A_290] : memref<512xi32, #tpu.memory_space<vmem>> -> memref<8xi32, #tpu.memory_space<vmem>>
      %dma_wait3A_292 = arith.constant 0 : i32
      %dma_wait3A_293 = arith.constant 0 : i32
      %dma_wait3A_294 = tpu.memref_slice %arg2[%dma_wait3A_292, %dma_wait3A_293] : memref<100000x200xf32, #tpu.memory_space<hbm>> -> memref<100000x128xf32, #tpu.memory_space<hbm>>
      tpu.wait_indirect_dma semaphore(%arg44 : memref<!tpu.dma_semaphore, #tpu.memory_space<semaphore_mem>>) src(%dma_wait3A_294 : memref<100000x128xf32, #tpu.memory_space<hbm>>) dst(%arg30 : memref<8x128xf32, #tpu.memory_space<vmem>>)
      %dma_wait3A_295 = tpu.memref_slice %arg14[%multiple_of3A_290] : memref<512xi32, #tpu.memory_space<vmem>> -> memref<8xi32, #tpu.memory_space<vmem>>
      %dma_wait3A_296 = arith.constant 0 : i32
      %dma_wait3A_297 = arith.constant 0 : i32
      %dma_wait3A_298 = tpu.memref_slice %arg3[%dma_wait3A_296, %dma_wait3A_297] : memref<100000x200xf32, #tpu.memory_space<hbm>> -> memref<100000x128xf32, #tpu.memory_space<hbm>>
      tpu.wait_indirect_dma semaphore(%arg44 : memref<!tpu.dma_semaphore, #tpu.memory_space<semaphore_mem>>) src(%dma_wait3A_298 : memref<100000x128xf32, #tpu.memory_space<hbm>>) dst(%arg31 : memref<8x128xf32, #tpu.memory_space<vmem>>)
      %dma_wait3A_299 = tpu.memref_slice %arg14[%multiple_of3A_290] : memref<512xi32, #tpu.memory_space<vmem>> -> memref<8xi32, #tpu.memory_space<vmem>>
      %dma_wait3A_300 = arith.constant 0 : i32
      %dma_wait3A_301 = arith.constant 0 : i32
      %dma_wait3A_302 = tpu.memref_slice %arg4[%dma_wait3A_300, %dma_wait3A_301] : memref<100000x200xf32, #tpu.memory_space<hbm>> -> memref<100000x128xf32, #tpu.memory_space<hbm>>
      tpu.wait_indirect_dma semaphore(%arg44 : memref<!tpu.dma_semaphore, #tpu.memory_space<semaphore_mem>>) src(%dma_wait3A_302 : memref<100000x128xf32, #tpu.memory_space<hbm>>) dst(%arg32 : memref<8x128xf32, #tpu.memory_space<vmem>>)
      %dma_wait3A_303 = tpu.memref_slice %arg14[%multiple_of3A_290] : memref<512xi32, #tpu.memory_space<vmem>> -> memref<8xi32, #tpu.memory_space<vmem>>
      %dma_wait3A_304 = arith.constant 0 : i32
      %dma_wait3A_305 = arith.constant 0 : i32
      %dma_wait3A_306 = tpu.memref_slice %arg5[%dma_wait3A_304, %dma_wait3A_305] : memref<100000x200xf32, #tpu.memory_space<hbm>> -> memref<100000x128xf32, #tpu.memory_space<hbm>>
      tpu.wait_indirect_dma semaphore(%arg44 : memref<!tpu.dma_semaphore, #tpu.memory_space<semaphore_mem>>) src(%dma_wait3A_306 : memref<100000x128xf32, #tpu.memory_space<hbm>>) dst(%arg33 : memref<8x128xf32, #tpu.memory_space<vmem>>)
      %dma_wait3A_307 = tpu.memref_slice %arg16[%multiple_of3A_290] : memref<512xi32, #tpu.memory_space<vmem>> -> memref<8xi32, #tpu.memory_space<vmem>>
      %dma_wait3A_308 = arith.constant 0 : i32
      %dma_wait3A_309 = arith.constant 0 : i32
      %dma_wait3A_310 = tpu.memref_slice %arg2[%dma_wait3A_308, %dma_wait3A_309] : memref<100000x200xf32, #tpu.memory_space<hbm>> -> memref<100000x128xf32, #tpu.memory_space<hbm>>
      tpu.wait_indirect_dma semaphore(%arg44 : memref<!tpu.dma_semaphore, #tpu.memory_space<semaphore_mem>>) src(%dma_wait3A_310 : memref<100000x128xf32, #tpu.memory_space<hbm>>) dst(%arg34 : memref<8x128xf32, #tpu.memory_space<vmem>>)
      %dma_wait3A_311 = tpu.memref_slice %arg16[%multiple_of3A_290] : memref<512xi32, #tpu.memory_space<vmem>> -> memref<8xi32, #tpu.memory_space<vmem>>
      %dma_wait3A_312 = arith.constant 0 : i32
      %dma_wait3A_313 = arith.constant 0 : i32
      %dma_wait3A_314 = tpu.memref_slice %arg3[%dma_wait3A_312, %dma_wait3A_313] : memref<100000x200xf32, #tpu.memory_space<hbm>> -> memref<100000x128xf32, #tpu.memory_space<hbm>>
      tpu.wait_indirect_dma semaphore(%arg44 : memref<!tpu.dma_semaphore, #tpu.memory_space<semaphore_mem>>) src(%dma_wait3A_314 : memref<100000x128xf32, #tpu.memory_space<hbm>>) dst(%arg35 : memref<8x128xf32, #tpu.memory_space<vmem>>)
      %dma_wait3A_315 = tpu.memref_slice %arg16[%multiple_of3A_290] : memref<512xi32, #tpu.memory_space<vmem>> -> memref<8xi32, #tpu.memory_space<vmem>>
      %dma_wait3A_316 = arith.constant 0 : i32
      %dma_wait3A_317 = arith.constant 0 : i32
      %dma_wait3A_318 = tpu.memref_slice %arg4[%dma_wait3A_316, %dma_wait3A_317] : memref<100000x200xf32, #tpu.memory_space<hbm>> -> memref<100000x128xf32, #tpu.memory_space<hbm>>
      tpu.wait_indirect_dma semaphore(%arg44 : memref<!tpu.dma_semaphore, #tpu.memory_space<semaphore_mem>>) src(%dma_wait3A_318 : memref<100000x128xf32, #tpu.memory_space<hbm>>) dst(%arg36 : memref<8x128xf32, #tpu.memory_space<vmem>>)
      %dma_wait3A_319 = tpu.memref_slice %arg16[%multiple_of3A_290] : memref<512xi32, #tpu.memory_space<vmem>> -> memref<8xi32, #tpu.memory_space<vmem>>
      %dma_wait3A_320 = arith.constant 0 : i32
      %dma_wait3A_321 = arith.constant 0 : i32
      %dma_wait3A_322 = tpu.memref_slice %arg5[%dma_wait3A_320, %dma_wait3A_321] : memref<100000x200xf32, #tpu.memory_space<hbm>> -> memref<100000x128xf32, #tpu.memory_space<hbm>>
      tpu.wait_indirect_dma semaphore(%arg44 : memref<!tpu.dma_semaphore, #tpu.memory_space<semaphore_mem>>) src(%dma_wait3A_322 : memref<100000x128xf32, #tpu.memory_space<hbm>>) dst(%arg37 : memref<8x128xf32, #tpu.memory_space<vmem>>)
      %dma_wait3A_323 = tpu.memref_slice %arg14[%multiple_of3A_290] : memref<512xi32, #tpu.memory_space<vmem>> -> memref<8xi32, #tpu.memory_space<vmem>>
      %dma_wait3A_324 = arith.constant 0 : i32
      %dma_wait3A_325 = arith.constant 0 : i32
      %dma_wait3A_326 = tpu.memref_slice %arg6[%dma_wait3A_324, %dma_wait3A_325] : memref<100000x512xf32, #tpu.memory_space<hbm>> -> memref<100000x512xf32, #tpu.memory_space<hbm>>
      tpu.wait_indirect_dma semaphore(%arg44 : memref<!tpu.dma_semaphore, #tpu.memory_space<semaphore_mem>>) src(%dma_wait3A_326 : memref<100000x512xf32, #tpu.memory_space<hbm>>) dst(%arg38 : memref<8x512xf32, #tpu.memory_space<vmem>>)
      %dma_wait3A_327 = tpu.memref_slice %arg16[%multiple_of3A_290] : memref<512xi32, #tpu.memory_space<vmem>> -> memref<8xi32, #tpu.memory_space<vmem>>
      %dma_wait3A_328 = arith.constant 0 : i32
      %dma_wait3A_329 = arith.constant 0 : i32
      %dma_wait3A_330 = tpu.memref_slice %arg6[%dma_wait3A_328, %dma_wait3A_329] : memref<100000x512xf32, #tpu.memory_space<hbm>> -> memref<100000x512xf32, #tpu.memory_space<hbm>>
      tpu.wait_indirect_dma semaphore(%arg44 : memref<!tpu.dma_semaphore, #tpu.memory_space<semaphore_mem>>) src(%dma_wait3A_330 : memref<100000x512xf32, #tpu.memory_space<hbm>>) dst(%arg39 : memref<8x512xf32, #tpu.memory_space<vmem>>)
      %dma_wait3A_331 = tpu.memref_slice %arg15[%multiple_of3A_290] : memref<512xi32, #tpu.memory_space<vmem>> -> memref<8xi32, #tpu.memory_space<vmem>>
      %dma_wait3A_332 = arith.constant 0 : i32
      %dma_wait3A_333 = arith.constant 0 : i32
      %dma_wait3A_334 = tpu.memref_slice %arg7[%dma_wait3A_332, %dma_wait3A_333] : memref<400x1536xf32, #tpu.memory_space<hbm>> -> memref<400x1536xf32, #tpu.memory_space<hbm>>
      tpu.wait_indirect_dma semaphore(%arg44 : memref<!tpu.dma_semaphore, #tpu.memory_space<semaphore_mem>>) src(%dma_wait3A_334 : memref<400x1536xf32, #tpu.memory_space<hbm>>) dst(%arg40 : memref<8x1536xf32, #tpu.memory_space<vmem>>)
      %dma_wait3A_335 = tpu.memref_slice %arg17[%multiple_of3A_290] : memref<512xi32, #tpu.memory_space<vmem>> -> memref<8xi32, #tpu.memory_space<vmem>>
      %dma_wait3A_336 = arith.constant 0 : i32
      %dma_wait3A_337 = arith.constant 0 : i32
      %dma_wait3A_338 = tpu.memref_slice %arg8[%dma_wait3A_336, %dma_wait3A_337] : memref<367x1024xf32, #tpu.memory_space<hbm>> -> memref<367x1024xf32, #tpu.memory_space<hbm>>
      tpu.wait_indirect_dma semaphore(%arg44 : memref<!tpu.dma_semaphore, #tpu.memory_space<semaphore_mem>>) src(%dma_wait3A_338 : memref<367x1024xf32, #tpu.memory_space<hbm>>) dst(%arg41 : memref<8x1024xf32, #tpu.memory_space<vmem>>)
      %add3A_339 = arith.constant 1 : i32
      %add3A_340 = arith.addi %mul3A_221, %add3A_339 : i32
      %scan3A_341 = arith.constant 0 : i32
      %scan3A_342 = arith.constant 8 : i32
      %scan3A_343 = arith.addi %scan3A_341, %scan3A_342 : i32
      %scan3A_344 = arith.constant 1 : i32
      %scan3A_345 = scf.for %scan3A_360 = %scan3A_341 to %scan3A_343 step %scan3A_344 iter_args(%scan3A_361 = %scan3A_279) -> (vector<16xf32>)  : i32 {
        %broadcast_in_dim3A_362 = arith.constant 0.000000e+00 : f32
        %broadcast_in_dim3A_363 = vector.broadcast %broadcast_in_dim3A_362 : f32 to vector<16xf32>
        %broadcast_in_dim3A_364 = arith.constant 0.000000e+00 : f32
        %broadcast_in_dim3A_365 = vector.broadcast %broadcast_in_dim3A_364 : f32 to vector<16xf32>
        %scan3A_366 = arith.constant 0 : i32
        %scan3A_367 = arith.constant 8 : i32
        %scan3A_368 = arith.addi %scan3A_366, %scan3A_367 : i32
        %scan3A_369 = arith.constant 1 : i32
        %scan3A_370:2 = scf.for %scan3A_514 = %scan3A_366 to %scan3A_368 step %scan3A_369 iter_args(%scan3A_515 = %broadcast_in_dim3A_363, %scan3A_516 = %broadcast_in_dim3A_365) -> (vector<16xf32>, vector<16xf32>)  : i32 {
          %mul3A_517 = arith.constant 16 : i32
          %mul3A_518 = arith.muli %scan3A_514, %mul3A_517 : i32
          %get3A_519 = arith.index_cast %scan3A_360 : i32 to index
          %get3A_520 = arith.index_cast %mul3A_518 : i32 to index
          %get3A_521 = tpu.vector_load %arg30[%get3A_519, %get3A_520] {strides = array<i32>} : memref<8x128xf32, #tpu.memory_space<vmem>>, vector<1x16xf32>,
          %get3A_522 = vector.shape_cast %get3A_521 : vector<1x16xf32> to vector<16xf32>
          %get3A_523 = arith.index_cast %scan3A_360 : i32 to index
          %get3A_524 = arith.index_cast %mul3A_518 : i32 to index
          %get3A_525 = tpu.vector_load %arg31[%get3A_523, %get3A_524] {strides = array<i32>} : memref<8x128xf32, #tpu.memory_space<vmem>>, vector<1x16xf32>,
          %get3A_526 = vector.shape_cast %get3A_525 : vector<1x16xf32> to vector<16xf32>
          %get3A_527 = arith.index_cast %scan3A_360 : i32 to index
          %get3A_528 = arith.index_cast %mul3A_518 : i32 to index
          %get3A_529 = tpu.vector_load %arg32[%get3A_527, %get3A_528] {strides = array<i32>} : memref<8x128xf32, #tpu.memory_space<vmem>>, vector<1x16xf32>,
          %get3A_530 = vector.shape_cast %get3A_529 : vector<1x16xf32> to vector<16xf32>
          %get3A_531 = arith.index_cast %scan3A_360 : i32 to index
          %get3A_532 = arith.index_cast %mul3A_518 : i32 to index
          %get3A_533 = tpu.vector_load %arg33[%get3A_531, %get3A_532] {strides = array<i32>} : memref<8x128xf32, #tpu.memory_space<vmem>>, vector<1x16xf32>,
          %get3A_534 = vector.shape_cast %get3A_533 : vector<1x16xf32> to vector<16xf32>
          %get3A_535 = arith.index_cast %scan3A_360 : i32 to index
          %get3A_536 = arith.index_cast %mul3A_518 : i32 to index
          %get3A_537 = tpu.vector_load %arg34[%get3A_535, %get3A_536] {strides = array<i32>} : memref<8x128xf32, #tpu.memory_space<vmem>>, vector<1x16xf32>,
          %get3A_538 = vector.shape_cast %get3A_537 : vector<1x16xf32> to vector<16xf32>
          %get3A_539 = arith.index_cast %scan3A_360 : i32 to index
          %get3A_540 = arith.index_cast %mul3A_518 : i32 to index
          %get3A_541 = tpu.vector_load %arg35[%get3A_539, %get3A_540] {strides = array<i32>} : memref<8x128xf32, #tpu.memory_space<vmem>>, vector<1x16xf32>,
          %get3A_542 = vector.shape_cast %get3A_541 : vector<1x16xf32> to vector<16xf32>
          %get3A_543 = arith.index_cast %scan3A_360 : i32 to index
          %get3A_544 = arith.index_cast %mul3A_518 : i32 to index
          %get3A_545 = tpu.vector_load %arg36[%get3A_543, %get3A_544] {strides = array<i32>} : memref<8x128xf32, #tpu.memory_space<vmem>>, vector<1x16xf32>,
          %get3A_546 = vector.shape_cast %get3A_545 : vector<1x16xf32> to vector<16xf32>
          %get3A_547 = arith.index_cast %scan3A_360 : i32 to index
          %get3A_548 = arith.index_cast %mul3A_518 : i32 to index
          %get3A_549 = tpu.vector_load %arg37[%get3A_547, %get3A_548] {strides = array<i32>} : memref<8x128xf32, #tpu.memory_space<vmem>>, vector<1x16xf32>,
          %get3A_550 = vector.shape_cast %get3A_549 : vector<1x16xf32> to vector<16xf32>
          %get3A_551 = arith.index_cast %scan3A_360 : i32 to index
          %get3A_552 = arith.index_cast %mul3A_518 : i32 to index
          %get3A_553 = tpu.vector_load %arg40[%get3A_551, %get3A_552] {strides = array<i32>} : memref<8x1536xf32, #tpu.memory_space<vmem>>, vector<1x16xf32>,
          %get3A_554 = vector.shape_cast %get3A_553 : vector<1x16xf32> to vector<16xf32>
          %add3A_555 = arith.constant 256 : i32
          %add3A_556 = arith.addi %add3A_555, %mul3A_518 : i32
          %get3A_557 = arith.index_cast %scan3A_360 : i32 to index
          %get3A_558 = arith.index_cast %add3A_556 : i32 to index
          %get3A_559 = tpu.vector_load %arg40[%get3A_557, %get3A_558] {strides = array<i32>} : memref<8x1536xf32, #tpu.memory_space<vmem>>, vector<1x16xf32>,
          %get3A_560 = vector.shape_cast %get3A_559 : vector<1x16xf32> to vector<16xf32>
          %add3A_561 = arith.constant 512 : i32
          %add3A_562 = arith.addi %add3A_561, %mul3A_518 : i32
          %get3A_563 = arith.index_cast %scan3A_360 : i32 to index
          %get3A_564 = arith.index_cast %add3A_562 : i32 to index
          %get3A_565 = tpu.vector_load %arg40[%get3A_563, %get3A_564] {strides = array<i32>} : memref<8x1536xf32, #tpu.memory_space<vmem>>, vector<1x16xf32>,
          %get3A_566 = vector.shape_cast %get3A_565 : vector<1x16xf32> to vector<16xf32>
          %add3A_567 = arith.constant 768 : i32
          %add3A_568 = arith.addi %add3A_567, %mul3A_518 : i32
          %get3A_569 = arith.index_cast %scan3A_360 : i32 to index
          %get3A_570 = arith.index_cast %add3A_568 : i32 to index
          %get3A_571 = tpu.vector_load %arg40[%get3A_569, %get3A_570] {strides = array<i32>} : memref<8x1536xf32, #tpu.memory_space<vmem>>, vector<1x16xf32>,
          %get3A_572 = vector.shape_cast %get3A_571 : vector<1x16xf32> to vector<16xf32>
          %add3A_573 = arith.constant 1024 : i32
          %add3A_574 = arith.addi %add3A_573, %mul3A_518 : i32
          %get3A_575 = arith.index_cast %scan3A_360 : i32 to index
          %get3A_576 = arith.index_cast %add3A_574 : i32 to index
          %get3A_577 = tpu.vector_load %arg40[%get3A_575, %get3A_576] {strides = array<i32>} : memref<8x1536xf32, #tpu.memory_space<vmem>>, vector<1x16xf32>,
          %get3A_578 = vector.shape_cast %get3A_577 : vector<1x16xf32> to vector<16xf32>
          %add3A_579 = arith.constant 1280 : i32
          %add3A_580 = arith.addi %add3A_579, %mul3A_518 : i32
          %get3A_581 = arith.index_cast %scan3A_360 : i32 to index
          %get3A_582 = arith.index_cast %add3A_580 : i32 to index
          %get3A_583 = tpu.vector_load %arg40[%get3A_581, %get3A_582] {strides = array<i32>} : memref<8x1536xf32, #tpu.memory_space<vmem>>, vector<1x16xf32>,
          %get3A_584 = vector.shape_cast %get3A_583 : vector<1x16xf32> to vector<16xf32>
          %get3A_585 = arith.index_cast %scan3A_360 : i32 to index
          %get3A_586 = arith.index_cast %mul3A_518 : i32 to index
          %get3A_587 = tpu.vector_load %arg41[%get3A_585, %get3A_586] {strides = array<i32>} : memref<8x1024xf32, #tpu.memory_space<vmem>>, vector<1x16xf32>,
          %get3A_588 = vector.shape_cast %get3A_587 : vector<1x16xf32> to vector<16xf32>
          %add3A_589 = arith.constant 256 : i32
          %add3A_590 = arith.addi %add3A_589, %mul3A_518 : i32
          %get3A_591 = arith.index_cast %scan3A_360 : i32 to index
          %get3A_592 = arith.index_cast %add3A_590 : i32 to index
          %get3A_593 = tpu.vector_load %arg41[%get3A_591, %get3A_592] {strides = array<i32>} : memref<8x1024xf32, #tpu.memory_space<vmem>>, vector<1x16xf32>,
          %get3A_594 = vector.shape_cast %get3A_593 : vector<1x16xf32> to vector<16xf32>
          %add3A_595 = arith.constant 512 : i32
          %add3A_596 = arith.addi %add3A_595, %mul3A_518 : i32
          %get3A_597 = arith.index_cast %scan3A_360 : i32 to index
          %get3A_598 = arith.index_cast %add3A_596 : i32 to index
          %get3A_599 = tpu.vector_load %arg41[%get3A_597, %get3A_598] {strides = array<i32>} : memref<8x1024xf32, #tpu.memory_space<vmem>>, vector<1x16xf32>,
          %get3A_600 = vector.shape_cast %get3A_599 : vector<1x16xf32> to vector<16xf32>
          %add3A_601 = arith.constant 768 : i32
          %add3A_602 = arith.addi %add3A_601, %mul3A_518 : i32
          %get3A_603 = arith.index_cast %scan3A_360 : i32 to index
          %get3A_604 = arith.index_cast %add3A_602 : i32 to index
          %get3A_605 = tpu.vector_load %arg41[%get3A_603, %get3A_604] {strides = array<i32>} : memref<8x1024xf32, #tpu.memory_space<vmem>>, vector<1x16xf32>,
          %get3A_606 = vector.shape_cast %get3A_605 : vector<1x16xf32> to vector<16xf32>
          %mul3A_607 = arith.mulf %get3A_526, %get3A_554 : vector<16xf32>
          %mul3A_608 = arith.mulf %get3A_522, %get3A_560 : vector<16xf32>
          %add3A_609 = arith.addf %mul3A_607, %mul3A_608 : vector<16xf32>
          %mul3A_610 = arith.mulf %add3A_609, %get3A_542 : vector<16xf32>
          %mul3A_611 = arith.mulf %get3A_522, %get3A_554 : vector<16xf32>
          %mul3A_612 = arith.mulf %get3A_526, %get3A_560 : vector<16xf32>
          %sub3A_613 = arith.subf %mul3A_611, %mul3A_612 : vector<16xf32>
          %mul3A_614 = arith.mulf %sub3A_613, %get3A_538 : vector<16xf32>
          %add3A_615 = arith.addf %mul3A_610, %mul3A_614 : vector<16xf32>
          %mul3A_616 = arith.mulf %get3A_526, %get3A_566 : vector<16xf32>
          %mul3A_617 = arith.mulf %get3A_522, %get3A_572 : vector<16xf32>
          %add3A_618 = arith.addf %mul3A_616, %mul3A_617 : vector<16xf32>
          %mul3A_619 = arith.mulf %add3A_618, %get3A_594 : vector<16xf32>
          %mul3A_620 = arith.mulf %get3A_522, %get3A_566 : vector<16xf32>
          %mul3A_621 = arith.mulf %get3A_526, %get3A_572 : vector<16xf32>
          %sub3A_622 = arith.subf %mul3A_620, %mul3A_621 : vector<16xf32>
          %mul3A_623 = arith.mulf %sub3A_622, %get3A_588 : vector<16xf32>
          %add3A_624 = arith.addf %mul3A_619, %mul3A_623 : vector<16xf32>
          %mul3A_625 = arith.mulf %get3A_542, %get3A_578 : vector<16xf32>
          %mul3A_626 = arith.mulf %get3A_538, %get3A_584 : vector<16xf32>
          %add3A_627 = arith.addf %mul3A_625, %mul3A_626 : vector<16xf32>
          %mul3A_628 = arith.mulf %add3A_627, %get3A_606 : vector<16xf32>
          %mul3A_629 = arith.mulf %get3A_538, %get3A_578 : vector<16xf32>
          %mul3A_630 = arith.mulf %get3A_542, %get3A_584 : vector<16xf32>
          %sub3A_631 = arith.subf %mul3A_629, %mul3A_630 : vector<16xf32>
          %mul3A_632 = arith.mulf %sub3A_631, %get3A_600 : vector<16xf32>
          %add3A_633 = arith.addf %mul3A_628, %mul3A_632 : vector<16xf32>
          %mul3A_634 = arith.mulf %get3A_534, %get3A_588 : vector<16xf32>
          %mul3A_635 = arith.mulf %get3A_530, %get3A_594 : vector<16xf32>
          %add3A_636 = arith.addf %mul3A_634, %mul3A_635 : vector<16xf32>
          %mul3A_637 = arith.mulf %add3A_636, %get3A_550 : vector<16xf32>
          %mul3A_638 = arith.mulf %get3A_530, %get3A_588 : vector<16xf32>
          %mul3A_639 = arith.mulf %get3A_534, %get3A_594 : vector<16xf32>
          %sub3A_640 = arith.subf %mul3A_638, %mul3A_639 : vector<16xf32>
          %mul3A_641 = arith.mulf %sub3A_640, %get3A_546 : vector<16xf32>
          %add3A_642 = arith.addf %mul3A_637, %mul3A_641 : vector<16xf32>
          %add3A_643 = arith.addf %add3A_624, %add3A_633 : vector<16xf32>
          %add3A_644 = arith.addf %add3A_643, %add3A_642 : vector<16xf32>
          %add3A_645 = arith.addf %scan3A_515, %add3A_615 : vector<16xf32>
          %add3A_646 = arith.addf %scan3A_516, %add3A_644 : vector<16xf32>
          scf.yield %add3A_645, %add3A_646 : vector<16xf32>, vector<16xf32>
        }
        %scan3A_371 = arith.constant 8 : i32
        %scan3A_372 = arith.constant 0 : i32
        %scan3A_373 = arith.constant 4 : i32
        %scan3A_374 = arith.addi %scan3A_372, %scan3A_373 : i32
        %scan3A_375 = arith.constant 1 : i32
        %scan3A_376:2 = scf.for %scan3A_514 = %scan3A_372 to %scan3A_374 step %scan3A_375 iter_args(%scan3A_515 = %scan3A_370#0, %scan3A_516 = %scan3A_370#1) -> (vector<16xf32>, vector<16xf32>)  : i32 {
          %mul3A_517 = arith.constant 16 : i32
          %mul3A_518 = arith.muli %scan3A_514, %mul3A_517 : i32
          %get3A_519 = arith.index_cast %scan3A_360 : i32 to index
          %get3A_520 = arith.index_cast %mul3A_518 : i32 to index
          %get3A_521 = tpu.vector_load %arg38[%get3A_519, %get3A_520] {strides = array<i32>} : memref<8x512xf32, #tpu.memory_space<vmem>>, vector<1x16xf32>,
          %get3A_522 = vector.shape_cast %get3A_521 : vector<1x16xf32> to vector<16xf32>
          %add3A_523 = arith.constant 128 : i32
          %add3A_524 = arith.addi %add3A_523, %mul3A_518 : i32
          %get3A_525 = arith.index_cast %scan3A_360 : i32 to index
          %get3A_526 = arith.index_cast %add3A_524 : i32 to index
          %get3A_527 = tpu.vector_load %arg38[%get3A_525, %get3A_526] {strides = array<i32>} : memref<8x512xf32, #tpu.memory_space<vmem>>, vector<1x16xf32>,
          %get3A_528 = vector.shape_cast %get3A_527 : vector<1x16xf32> to vector<16xf32>
          %add3A_529 = arith.constant 256 : i32
          %add3A_530 = arith.addi %add3A_529, %mul3A_518 : i32
          %get3A_531 = arith.index_cast %scan3A_360 : i32 to index
          %get3A_532 = arith.index_cast %add3A_530 : i32 to index
          %get3A_533 = tpu.vector_load %arg38[%get3A_531, %get3A_532] {strides = array<i32>} : memref<8x512xf32, #tpu.memory_space<vmem>>, vector<1x16xf32>,
          %get3A_534 = vector.shape_cast %get3A_533 : vector<1x16xf32> to vector<16xf32>
          %add3A_535 = arith.constant 384 : i32
          %add3A_536 = arith.addi %add3A_535, %mul3A_518 : i32
          %get3A_537 = arith.index_cast %scan3A_360 : i32 to index
          %get3A_538 = arith.index_cast %add3A_536 : i32 to index
          %get3A_539 = tpu.vector_load %arg38[%get3A_537, %get3A_538] {strides = array<i32>} : memref<8x512xf32, #tpu.memory_space<vmem>>, vector<1x16xf32>,
          %get3A_540 = vector.shape_cast %get3A_539 : vector<1x16xf32> to vector<16xf32>
          %get3A_541 = arith.index_cast %scan3A_360 : i32 to index
          %get3A_542 = arith.index_cast %mul3A_518 : i32 to index
          %get3A_543 = tpu.vector_load %arg39[%get3A_541, %get3A_542] {strides = array<i32>} : memref<8x512xf32, #tpu.memory_space<vmem>>, vector<1x16xf32>,
          %get3A_544 = vector.shape_cast %get3A_543 : vector<1x16xf32> to vector<16xf32>
          %add3A_545 = arith.constant 128 : i32
          %add3A_546 = arith.addi %add3A_545, %mul3A_518 : i32
          %get3A_547 = arith.index_cast %scan3A_360 : i32 to index
          %get3A_548 = arith.index_cast %add3A_546 : i32 to index
          %get3A_549 = tpu.vector_load %arg39[%get3A_547, %get3A_548] {strides = array<i32>} : memref<8x512xf32, #tpu.memory_space<vmem>>, vector<1x16xf32>,
          %get3A_550 = vector.shape_cast %get3A_549 : vector<1x16xf32> to vector<16xf32>
          %add3A_551 = arith.constant 256 : i32
          %add3A_552 = arith.addi %add3A_551, %mul3A_518 : i32
          %get3A_553 = arith.index_cast %scan3A_360 : i32 to index
          %get3A_554 = arith.index_cast %add3A_552 : i32 to index
          %get3A_555 = tpu.vector_load %arg39[%get3A_553, %get3A_554] {strides = array<i32>} : memref<8x512xf32, #tpu.memory_space<vmem>>, vector<1x16xf32>,
          %get3A_556 = vector.shape_cast %get3A_555 : vector<1x16xf32> to vector<16xf32>
          %add3A_557 = arith.constant 384 : i32
          %add3A_558 = arith.addi %add3A_557, %mul3A_518 : i32
          %get3A_559 = arith.index_cast %scan3A_360 : i32 to index
          %get3A_560 = arith.index_cast %add3A_558 : i32 to index
          %get3A_561 = tpu.vector_load %arg39[%get3A_559, %get3A_560] {strides = array<i32>} : memref<8x512xf32, #tpu.memory_space<vmem>>, vector<1x16xf32>,
          %get3A_562 = vector.shape_cast %get3A_561 : vector<1x16xf32> to vector<16xf32>
          %add3A_563 = arith.constant 128 : i32
          %add3A_564 = arith.addi %add3A_563, %mul3A_518 : i32
          %get3A_565 = arith.index_cast %scan3A_360 : i32 to index
          %get3A_566 = arith.index_cast %add3A_564 : i32 to index
          %get3A_567 = tpu.vector_load %arg40[%get3A_565, %get3A_566] {strides = array<i32>} : memref<8x1536xf32, #tpu.memory_space<vmem>>, vector<1x16xf32>,
          %get3A_568 = vector.shape_cast %get3A_567 : vector<1x16xf32> to vector<16xf32>
          %add3A_569 = arith.constant 256 : i32
          %add3A_570 = arith.addi %add3A_569, %add3A_564 : i32
          %get3A_571 = arith.index_cast %scan3A_360 : i32 to index
          %get3A_572 = arith.index_cast %add3A_570 : i32 to index
          %get3A_573 = tpu.vector_load %arg40[%get3A_571, %get3A_572] {strides = array<i32>} : memref<8x1536xf32, #tpu.memory_space<vmem>>, vector<1x16xf32>,
          %get3A_574 = vector.shape_cast %get3A_573 : vector<1x16xf32> to vector<16xf32>
          %add3A_575 = arith.constant 512 : i32
          %add3A_576 = arith.addi %add3A_575, %add3A_564 : i32
          %get3A_577 = arith.index_cast %scan3A_360 : i32 to index
          %get3A_578 = arith.index_cast %add3A_576 : i32 to index
          %get3A_579 = tpu.vector_load %arg40[%get3A_577, %get3A_578] {strides = array<i32>} : memref<8x1536xf32, #tpu.memory_space<vmem>>, vector<1x16xf32>,
          %get3A_580 = vector.shape_cast %get3A_579 : vector<1x16xf32> to vector<16xf32>
          %add3A_581 = arith.constant 768 : i32
          %add3A_582 = arith.addi %add3A_581, %add3A_564 : i32
          %get3A_583 = arith.index_cast %scan3A_360 : i32 to index
          %get3A_584 = arith.index_cast %add3A_582 : i32 to index
          %get3A_585 = tpu.vector_load %arg40[%get3A_583, %get3A_584] {strides = array<i32>} : memref<8x1536xf32, #tpu.memory_space<vmem>>, vector<1x16xf32>,
          %get3A_586 = vector.shape_cast %get3A_585 : vector<1x16xf32> to vector<16xf32>
          %add3A_587 = arith.constant 1024 : i32
          %add3A_588 = arith.addi %add3A_587, %add3A_564 : i32
          %get3A_589 = arith.index_cast %scan3A_360 : i32 to index
          %get3A_590 = arith.index_cast %add3A_588 : i32 to index
          %get3A_591 = tpu.vector_load %arg40[%get3A_589, %get3A_590] {strides = array<i32>} : memref<8x1536xf32, #tpu.memory_space<vmem>>, vector<1x16xf32>,
          %get3A_592 = vector.shape_cast %get3A_591 : vector<1x16xf32> to vector<16xf32>
          %add3A_593 = arith.constant 1280 : i32
          %add3A_594 = arith.addi %add3A_593, %add3A_564 : i32
          %get3A_595 = arith.index_cast %scan3A_360 : i32 to index
          %get3A_596 = arith.index_cast %add3A_594 : i32 to index
          %get3A_597 = tpu.vector_load %arg40[%get3A_595, %get3A_596] {strides = array<i32>} : memref<8x1536xf32, #tpu.memory_space<vmem>>, vector<1x16xf32>,
          %get3A_598 = vector.shape_cast %get3A_597 : vector<1x16xf32> to vector<16xf32>
          %get3A_599 = arith.index_cast %scan3A_360 : i32 to index
          %get3A_600 = arith.index_cast %add3A_564 : i32 to index
          %get3A_601 = tpu.vector_load %arg41[%get3A_599, %get3A_600] {strides = array<i32>} : memref<8x1024xf32, #tpu.memory_space<vmem>>, vector<1x16xf32>,
          %get3A_602 = vector.shape_cast %get3A_601 : vector<1x16xf32> to vector<16xf32>
          %add3A_603 = arith.constant 256 : i32
          %add3A_604 = arith.addi %add3A_603, %add3A_564 : i32
          %get3A_605 = arith.index_cast %scan3A_360 : i32 to index
          %get3A_606 = arith.index_cast %add3A_604 : i32 to index
          %get3A_607 = tpu.vector_load %arg41[%get3A_605, %get3A_606] {strides = array<i32>} : memref<8x1024xf32, #tpu.memory_space<vmem>>, vector<1x16xf32>,
          %get3A_608 = vector.shape_cast %get3A_607 : vector<1x16xf32> to vector<16xf32>
          %add3A_609 = arith.constant 512 : i32
          %add3A_610 = arith.addi %add3A_609, %add3A_564 : i32
          %get3A_611 = arith.index_cast %scan3A_360 : i32 to index
          %get3A_612 = arith.index_cast %add3A_610 : i32 to index
          %get3A_613 = tpu.vector_load %arg41[%get3A_611, %get3A_612] {strides = array<i32>} : memref<8x1024xf32, #tpu.memory_space<vmem>>, vector<1x16xf32>,
          %get3A_614 = vector.shape_cast %get3A_613 : vector<1x16xf32> to vector<16xf32>
          %add3A_615 = arith.constant 768 : i32
          %add3A_616 = arith.addi %add3A_615, %add3A_564 : i32
          %get3A_617 = arith.index_cast %scan3A_360 : i32 to index
          %get3A_618 = arith.index_cast %add3A_616 : i32 to index
          %get3A_619 = tpu.vector_load %arg41[%get3A_617, %get3A_618] {strides = array<i32>} : memref<8x1024xf32, #tpu.memory_space<vmem>>, vector<1x16xf32>,
          %get3A_620 = vector.shape_cast %get3A_619 : vector<1x16xf32> to vector<16xf32>
          %mul3A_621 = arith.mulf %get3A_528, %get3A_568 : vector<16xf32>
          %mul3A_622 = arith.mulf %get3A_522, %get3A_574 : vector<16xf32>
          %add3A_623 = arith.addf %mul3A_621, %mul3A_622 : vector<16xf32>
          %mul3A_624 = arith.mulf %add3A_623, %get3A_550 : vector<16xf32>
          %mul3A_625 = arith.mulf %get3A_522, %get3A_568 : vector<16xf32>
          %mul3A_626 = arith.mulf %get3A_528, %get3A_574 : vector<16xf32>
          %sub3A_627 = arith.subf %mul3A_625, %mul3A_626 : vector<16xf32>
          %mul3A_628 = arith.mulf %sub3A_627, %get3A_544 : vector<16xf32>
          %add3A_629 = arith.addf %mul3A_624, %mul3A_628 : vector<16xf32>
          %mul3A_630 = arith.mulf %get3A_528, %get3A_580 : vector<16xf32>
          %mul3A_631 = arith.mulf %get3A_522, %get3A_586 : vector<16xf32>
          %add3A_632 = arith.addf %mul3A_630, %mul3A_631 : vector<16xf32>
          %mul3A_633 = arith.mulf %add3A_632, %get3A_608 : vector<16xf32>
          %mul3A_634 = arith.mulf %get3A_522, %get3A_580 : vector<16xf32>
          %mul3A_635 = arith.mulf %get3A_528, %get3A_586 : vector<16xf32>
          %sub3A_636 = arith.subf %mul3A_634, %mul3A_635 : vector<16xf32>
          %mul3A_637 = arith.mulf %sub3A_636, %get3A_602 : vector<16xf32>
          %add3A_638 = arith.addf %mul3A_633, %mul3A_637 : vector<16xf32>
          %mul3A_639 = arith.mulf %get3A_550, %get3A_592 : vector<16xf32>
          %mul3A_640 = arith.mulf %get3A_544, %get3A_598 : vector<16xf32>
          %add3A_641 = arith.addf %mul3A_639, %mul3A_640 : vector<16xf32>
          %mul3A_642 = arith.mulf %add3A_641, %get3A_620 : vector<16xf32>
          %mul3A_643 = arith.mulf %get3A_544, %get3A_592 : vector<16xf32>
          %mul3A_644 = arith.mulf %get3A_550, %get3A_598 : vector<16xf32>
          %sub3A_645 = arith.subf %mul3A_643, %mul3A_644 : vector<16xf32>
          %mul3A_646 = arith.mulf %sub3A_645, %get3A_614 : vector<16xf32>
          %add3A_647 = arith.addf %mul3A_642, %mul3A_646 : vector<16xf32>
          %mul3A_648 = arith.mulf %get3A_540, %get3A_602 : vector<16xf32>
          %mul3A_649 = arith.mulf %get3A_534, %get3A_608 : vector<16xf32>
          %add3A_650 = arith.addf %mul3A_648, %mul3A_649 : vector<16xf32>
          %mul3A_651 = arith.mulf %add3A_650, %get3A_562 : vector<16xf32>
          %mul3A_652 = arith.mulf %get3A_534, %get3A_602 : vector<16xf32>
          %mul3A_653 = arith.mulf %get3A_540, %get3A_608 : vector<16xf32>
          %sub3A_654 = arith.subf %mul3A_652, %mul3A_653 : vector<16xf32>
          %mul3A_655 = arith.mulf %sub3A_654, %get3A_556 : vector<16xf32>
          %add3A_656 = arith.addf %mul3A_651, %mul3A_655 : vector<16xf32>
          %add3A_657 = arith.addf %add3A_638, %add3A_647 : vector<16xf32>
          %add3A_658 = arith.addf %add3A_657, %add3A_656 : vector<16xf32>
          %add3A_659 = arith.addf %scan3A_515, %add3A_629 : vector<16xf32>
          %add3A_660 = arith.addf %scan3A_516, %add3A_658 : vector<16xf32>
          scf.yield %add3A_659, %add3A_660 : vector<16xf32>, vector<16xf32>
        }
        %scan3A_377 = arith.constant 4 : i32
        %get3A = arith.index_cast %scan3A_360 : i32 to index
        %get3A_378 = arith.constant 56 : index
        %get3A_379 = tpu.vector_load %arg38[%get3A, %get3A_378] {strides = array<i32>} : memref<8x512xf32, #tpu.memory_space<vmem>>, vector<1x16xf32>,
        %get3A_380 = vector.shape_cast %get3A_379 : vector<1x16xf32> to vector<16xf32>
        %get3A_381 = arith.index_cast %scan3A_360 : i32 to index
        %get3A_382 = arith.constant 184 : index
        %get3A_383 = tpu.vector_load %arg38[%get3A_381, %get3A_382] {strides = array<i32>} : memref<8x512xf32, #tpu.memory_space<vmem>>, vector<1x16xf32>,
        %get3A_384 = vector.shape_cast %get3A_383 : vector<1x16xf32> to vector<16xf32>
        %get3A_385 = arith.index_cast %scan3A_360 : i32 to index
        %get3A_386 = arith.constant 312 : index
        %get3A_387 = tpu.vector_load %arg38[%get3A_385, %get3A_386] {strides = array<i32>} : memref<8x512xf32, #tpu.memory_space<vmem>>, vector<1x16xf32>,
        %get3A_388 = vector.shape_cast %get3A_387 : vector<1x16xf32> to vector<16xf32>
        %get3A_389 = arith.index_cast %scan3A_360 : i32 to index
        %get3A_390 = arith.constant 440 : index
        %get3A_391 = tpu.vector_load %arg38[%get3A_389, %get3A_390] {strides = array<i32>} : memref<8x512xf32, #tpu.memory_space<vmem>>, vector<1x16xf32>,
        %get3A_392 = vector.shape_cast %get3A_391 : vector<1x16xf32> to vector<16xf32>
        %get3A_393 = arith.index_cast %scan3A_360 : i32 to index
        %get3A_394 = arith.constant 56 : index
        %get3A_395 = tpu.vector_load %arg39[%get3A_393, %get3A_394] {strides = array<i32>} : memref<8x512xf32, #tpu.memory_space<vmem>>, vector<1x16xf32>,
        %get3A_396 = vector.shape_cast %get3A_395 : vector<1x16xf32> to vector<16xf32>
        %get3A_397 = arith.index_cast %scan3A_360 : i32 to index
        %get3A_398 = arith.constant 184 : index
        %get3A_399 = tpu.vector_load %arg39[%get3A_397, %get3A_398] {strides = array<i32>} : memref<8x512xf32, #tpu.memory_space<vmem>>, vector<1x16xf32>,
        %get3A_400 = vector.shape_cast %get3A_399 : vector<1x16xf32> to vector<16xf32>
        %get3A_401 = arith.index_cast %scan3A_360 : i32 to index
        %get3A_402 = arith.constant 312 : index
        %get3A_403 = tpu.vector_load %arg39[%get3A_401, %get3A_402] {strides = array<i32>} : memref<8x512xf32, #tpu.memory_space<vmem>>, vector<1x16xf32>,
        %get3A_404 = vector.shape_cast %get3A_403 : vector<1x16xf32> to vector<16xf32>
        %get3A_405 = arith.index_cast %scan3A_360 : i32 to index
        %get3A_406 = arith.constant 440 : index
        %get3A_407 = tpu.vector_load %arg39[%get3A_405, %get3A_406] {strides = array<i32>} : memref<8x512xf32, #tpu.memory_space<vmem>>, vector<1x16xf32>,
        %get3A_408 = vector.shape_cast %get3A_407 : vector<1x16xf32> to vector<16xf32>
        %get3A_409 = arith.index_cast %scan3A_360 : i32 to index
        %get3A_410 = arith.constant 184 : index
        %get3A_411 = tpu.vector_load %arg40[%get3A_409, %get3A_410] {strides = array<i32>} : memref<8x1536xf32, #tpu.memory_space<vmem>>, vector<1x16xf32>,
        %get3A_412 = vector.shape_cast %get3A_411 : vector<1x16xf32> to vector<16xf32>
        %get3A_413 = arith.index_cast %scan3A_360 : i32 to index
        %get3A_414 = arith.constant 440 : index
        %get3A_415 = tpu.vector_load %arg40[%get3A_413, %get3A_414] {strides = array<i32>} : memref<8x1536xf32, #tpu.memory_space<vmem>>, vector<1x16xf32>,
        %get3A_416 = vector.shape_cast %get3A_415 : vector<1x16xf32> to vector<16xf32>
        %get3A_417 = arith.index_cast %scan3A_360 : i32 to index
        %get3A_418 = arith.constant 696 : index
        %get3A_419 = tpu.vector_load %arg40[%get3A_417, %get3A_418] {strides = array<i32>} : memref<8x1536xf32, #tpu.memory_space<vmem>>, vector<1x16xf32>,
        %get3A_420 = vector.shape_cast %get3A_419 : vector<1x16xf32> to vector<16xf32>
        %get3A_421 = arith.index_cast %scan3A_360 : i32 to index
        %get3A_422 = arith.constant 952 : index
        %get3A_423 = tpu.vector_load %arg40[%get3A_421, %get3A_422] {strides = array<i32>} : memref<8x1536xf32, #tpu.memory_space<vmem>>, vector<1x16xf32>,
        %get3A_424 = vector.shape_cast %get3A_423 : vector<1x16xf32> to vector<16xf32>
        %get3A_425 = arith.index_cast %scan3A_360 : i32 to index
        %get3A_426 = arith.constant 1208 : index
        %get3A_427 = tpu.vector_load %arg40[%get3A_425, %get3A_426] {strides = array<i32>} : memref<8x1536xf32, #tpu.memory_space<vmem>>, vector<1x16xf32>,
        %get3A_428 = vector.shape_cast %get3A_427 : vector<1x16xf32> to vector<16xf32>
        %get3A_429 = arith.index_cast %scan3A_360 : i32 to index
        %get3A_430 = arith.constant 1464 : index
        %get3A_431 = tpu.vector_load %arg40[%get3A_429, %get3A_430] {strides = array<i32>} : memref<8x1536xf32, #tpu.memory_space<vmem>>, vector<1x16xf32>,
        %get3A_432 = vector.shape_cast %get3A_431 : vector<1x16xf32> to vector<16xf32>
        %get3A_433 = arith.index_cast %scan3A_360 : i32 to index
        %get3A_434 = arith.constant 184 : index
        %get3A_435 = tpu.vector_load %arg41[%get3A_433, %get3A_434] {strides = array<i32>} : memref<8x1024xf32, #tpu.memory_space<vmem>>, vector<1x16xf32>,
        %get3A_436 = vector.shape_cast %get3A_435 : vector<1x16xf32> to vector<16xf32>
        %get3A_437 = arith.index_cast %scan3A_360 : i32 to index
        %get3A_438 = arith.constant 440 : index
        %get3A_439 = tpu.vector_load %arg41[%get3A_437, %get3A_438] {strides = array<i32>} : memref<8x1024xf32, #tpu.memory_space<vmem>>, vector<1x16xf32>,
        %get3A_440 = vector.shape_cast %get3A_439 : vector<1x16xf32> to vector<16xf32>
        %get3A_441 = arith.index_cast %scan3A_360 : i32 to index
        %get3A_442 = arith.constant 696 : index
        %get3A_443 = tpu.vector_load %arg41[%get3A_441, %get3A_442] {strides = array<i32>} : memref<8x1024xf32, #tpu.memory_space<vmem>>, vector<1x16xf32>,
        %get3A_444 = vector.shape_cast %get3A_443 : vector<1x16xf32> to vector<16xf32>
        %get3A_445 = arith.index_cast %scan3A_360 : i32 to index
        %get3A_446 = arith.constant 952 : index
        %get3A_447 = tpu.vector_load %arg41[%get3A_445, %get3A_446] {strides = array<i32>} : memref<8x1024xf32, #tpu.memory_space<vmem>>, vector<1x16xf32>,
        %get3A_448 = vector.shape_cast %get3A_447 : vector<1x16xf32> to vector<16xf32>
        %mul3A_449 = arith.mulf %get3A_384, %get3A_412 : vector<16xf32>
        %mul3A_450 = arith.mulf %get3A_380, %get3A_416 : vector<16xf32>
        %add3A_451 = arith.addf %mul3A_449, %mul3A_450 : vector<16xf32>
        %mul3A_452 = arith.mulf %add3A_451, %get3A_400 : vector<16xf32>
        %mul3A_453 = arith.mulf %get3A_380, %get3A_412 : vector<16xf32>
        %mul3A_454 = arith.mulf %get3A_384, %get3A_416 : vector<16xf32>
        %sub3A = arith.subf %mul3A_453, %mul3A_454 : vector<16xf32>
        %mul3A_455 = arith.mulf %sub3A, %get3A_396 : vector<16xf32>
        %add3A_456 = arith.addf %mul3A_452, %mul3A_455 : vector<16xf32>
        %mul3A_457 = arith.mulf %get3A_384, %get3A_420 : vector<16xf32>
        %mul3A_458 = arith.mulf %get3A_380, %get3A_424 : vector<16xf32>
        %add3A_459 = arith.addf %mul3A_457, %mul3A_458 : vector<16xf32>
        %mul3A_460 = arith.mulf %add3A_459, %get3A_440 : vector<16xf32>
        %mul3A_461 = arith.mulf %get3A_380, %get3A_420 : vector<16xf32>
        %mul3A_462 = arith.mulf %get3A_384, %get3A_424 : vector<16xf32>
        %sub3A_463 = arith.subf %mul3A_461, %mul3A_462 : vector<16xf32>
        %mul3A_464 = arith.mulf %sub3A_463, %get3A_436 : vector<16xf32>
        %add3A_465 = arith.addf %mul3A_460, %mul3A_464 : vector<16xf32>
        %mul3A_466 = arith.mulf %get3A_400, %get3A_428 : vector<16xf32>
        %mul3A_467 = arith.mulf %get3A_396, %get3A_432 : vector<16xf32>
        %add3A_468 = arith.addf %mul3A_466, %mul3A_467 : vector<16xf32>
        %mul3A_469 = arith.mulf %add3A_468, %get3A_448 : vector<16xf32>
        %mul3A_470 = arith.mulf %get3A_396, %get3A_428 : vector<16xf32>
        %mul3A_471 = arith.mulf %get3A_400, %get3A_432 : vector<16xf32>
        %sub3A_472 = arith.subf %mul3A_470, %mul3A_471 : vector<16xf32>
        %mul3A_473 = arith.mulf %sub3A_472, %get3A_444 : vector<16xf32>
        %add3A_474 = arith.addf %mul3A_469, %mul3A_473 : vector<16xf32>
        %mul3A_475 = arith.mulf %get3A_392, %get3A_436 : vector<16xf32>
        %mul3A_476 = arith.mulf %get3A_388, %get3A_440 : vector<16xf32>
        %add3A_477 = arith.addf %mul3A_475, %mul3A_476 : vector<16xf32>
        %mul3A_478 = arith.mulf %add3A_477, %get3A_408 : vector<16xf32>
        %mul3A_479 = arith.mulf %get3A_388, %get3A_436 : vector<16xf32>
        %mul3A_480 = arith.mulf %get3A_392, %get3A_440 : vector<16xf32>
        %sub3A_481 = arith.subf %mul3A_479, %mul3A_480 : vector<16xf32>
        %mul3A_482 = arith.mulf %sub3A_481, %get3A_404 : vector<16xf32>
        %add3A_483 = arith.addf %mul3A_478, %mul3A_482 : vector<16xf32>
        %add3A_484 = arith.addf %add3A_465, %add3A_474 : vector<16xf32>
        %add3A_485 = arith.addf %add3A_484, %add3A_483 : vector<16xf32>
        %jit3A_486 = arith.constant 0.000000e+00 : f32
        %broadcast_in_dim3A_487 = vector.broadcast %jit3A_486 : f32 to vector<16xf32>
        %select_n3A_488 = arith.select %ge3A_4, %add3A_456, %broadcast_in_dim3A_487 : vector<16xi1>, vector<16xf32>
        %jit3A_489 = arith.constant 0.000000e+00 : f32
        %broadcast_in_dim3A_490 = vector.broadcast %jit3A_489 : f32 to vector<16xf32>
        %select_n3A_491 = arith.select %ge3A_4, %add3A_485, %broadcast_in_dim3A_490 : vector<16xi1>, vector<16xf32>
        %add3A_492 = arith.addf %scan3A_376#0, %select_n3A_488 : vector<16xf32>
        %add3A_493 = arith.addf %scan3A_376#1, %select_n3A_491 : vector<16xf32>
        %mul3A_494 = arith.constant 5.000000e+00 : f32
        %mul3A_495 = vector.broadcast %mul3A_494 : f32 to vector<16xf32>
        %mul3A_496 = arith.mulf %mul3A_495, %add3A_493 : vector<16xf32>
        %add3A_497 = arith.addf %add3A_492, %mul3A_496 : vector<16xf32>
        %gather3A = vector.shape_cast %broadcast_in_dim3A : vector<16x1xi32> to vector<16xi32>
        %gather3A_498 = tpu.dynamic_gather %add3A_497[%gather3A] in [0] : vector<16xf32>, vector<16xi32> -> vector<16xf32>
        %add3A_499 = arith.addf %add3A_497, %gather3A_498 : vector<16xf32>
        %gather3A_500 = vector.shape_cast %broadcast_in_dim3A_48 : vector<16x1xi32> to vector<16xi32>
        %gather3A_501 = tpu.dynamic_gather %add3A_499[%gather3A_500] in [0] : vector<16xf32>, vector<16xi32> -> vector<16xf32>
        %add3A_502 = arith.addf %add3A_499, %gather3A_501 : vector<16xf32>
        %gather3A_503 = vector.shape_cast %broadcast_in_dim3A_74 : vector<16x1xi32> to vector<16xi32>
        %gather3A_504 = tpu.dynamic_gather %add3A_502[%gather3A_503] in [0] : vector<16xf32>, vector<16xi32> -> vector<16xf32>
        %add3A_505 = arith.addf %add3A_502, %gather3A_504 : vector<16xf32>
        %gather3A_506 = vector.shape_cast %broadcast_in_dim3A_100 : vector<16x1xi32> to vector<16xi32>
        %gather3A_507 = tpu.dynamic_gather %add3A_505[%gather3A_506] in [0] : vector<16xf32>, vector<16xi32> -> vector<16xf32>
        %add3A_508 = arith.addf %add3A_505, %gather3A_507 : vector<16xf32>
        %add3A_509 = arith.constant 8 : i32
        %add3A_510 = arith.addi %scan3A_360, %add3A_509 : i32
        %eq3A_511 = vector.broadcast %add3A_510 : i32 to vector<16xi32>
        %eq3A_512 = arith.cmpi eq, %iota3A, %eq3A_511 : vector<16xi32>
        %select_n3A_513 = arith.select %eq3A_512, %add3A_508, %scan3A_361 : vector<16xi1>, vector<16xf32>
        scf.yield %select_n3A_513 : vector<16xf32>
      }
      %scan3A_346 = arith.constant 8 : i32
      %mul3A_347 = arith.constant 16 : i32
      %mul3A_348 = arith.muli %scan3A_219, %mul3A_347 : i32
      %multiple_of3A_349 = tpu.assume_multiple %mul3A_348, 16 : i32
      %swap3A = arith.index_cast %multiple_of3A_349 : i32 to index
      %swap3A_350 = tpu.vector_load %arg42[%swap3A] {strides = array<i32>} : memref<512xf32, #tpu.memory_space<vmem>>, vector<16xf32>,
      %swap3A_351 = vector.shape_cast %swap3A_350 : vector<16xf32> to vector<16xf32>
      %swap3A_352 = vector.shape_cast %scan3A_345 : vector<16xf32> to vector<16xf32>
      tpu.vector_store %arg42[%swap3A], %swap3A_352 {strides = array<i32>} : memref<512xf32, #tpu.memory_space<vmem>>, vector<16xf32>,
      %add3A_353 = arith.constant 3 : i32
      %add3A_354 = arith.addi %mul3A_221, %add3A_353 : i32
      %lt3A_355 = arith.constant 64 : i32
      %lt3A_356 = arith.cmpi slt, %add3A_354, %lt3A_355 : i32
      %convert_element_type3A_357 = arith.extui %lt3A_356 : i1 to i32
      %cond3A_358 = arith.constant 0 : i32
      %cond3A_359 = arith.cmpi ne, %convert_element_type3A_357, %cond3A_358 : i32
      scf.if %cond3A_359 {
        %add3A_360 = arith.constant 3 : i32
        %add3A_361 = arith.addi %mul3A_221, %add3A_360 : i32
        %mul3A_362 = arith.constant 8 : i32
        %mul3A_363 = arith.muli %add3A_361, %mul3A_362 : i32
        %multiple_of3A_364 = tpu.assume_multiple %mul3A_363, 8 : i32
        %dma_start3A_365 = tpu.memref_slice %arg14[%multiple_of3A_364] : memref<512xi32, #tpu.memory_space<vmem>> -> memref<8xi32, #tpu.memory_space<vmem>>
        %dma_start3A_366 = arith.constant 0 : i32
        %dma_start3A_367 = arith.constant 0 : i32
        %dma_start3A_368 = tpu.memref_slice %arg2[%dma_start3A_366, %dma_start3A_367] : memref<100000x200xf32, #tpu.memory_space<hbm>> -> memref<100000x128xf32, #tpu.memory_space<hbm>>
        tpu.enqueue_indirect_dma source(%dma_start3A_368 : memref<100000x128xf32, #tpu.memory_space<hbm>>) target(%arg30 : memref<8x128xf32, #tpu.memory_space<vmem>>) offsets(%dma_start3A_365 : memref<8xi32, #tpu.memory_space<vmem>>) semaphore(%arg44 : memref<!tpu.dma_semaphore, #tpu.memory_space<semaphore_mem>>)
        %dma_start3A_369 = tpu.memref_slice %arg14[%multiple_of3A_364] : memref<512xi32, #tpu.memory_space<vmem>> -> memref<8xi32, #tpu.memory_space<vmem>>
        %dma_start3A_370 = arith.constant 0 : i32
        %dma_start3A_371 = arith.constant 0 : i32
        %dma_start3A_372 = tpu.memref_slice %arg3[%dma_start3A_370, %dma_start3A_371] : memref<100000x200xf32, #tpu.memory_space<hbm>> -> memref<100000x128xf32, #tpu.memory_space<hbm>>
        tpu.enqueue_indirect_dma source(%dma_start3A_372 : memref<100000x128xf32, #tpu.memory_space<hbm>>) target(%arg31 : memref<8x128xf32, #tpu.memory_space<vmem>>) offsets(%dma_start3A_369 : memref<8xi32, #tpu.memory_space<vmem>>) semaphore(%arg44 : memref<!tpu.dma_semaphore, #tpu.memory_space<semaphore_mem>>)
        %dma_start3A_373 = tpu.memref_slice %arg14[%multiple_of3A_364] : memref<512xi32, #tpu.memory_space<vmem>> -> memref<8xi32, #tpu.memory_space<vmem>>
        %dma_start3A_374 = arith.constant 0 : i32
        %dma_start3A_375 = arith.constant 0 : i32
        %dma_start3A_376 = tpu.memref_slice %arg4[%dma_start3A_374, %dma_start3A_375] : memref<100000x200xf32, #tpu.memory_space<hbm>> -> memref<100000x128xf32, #tpu.memory_space<hbm>>
        tpu.enqueue_indirect_dma source(%dma_start3A_376 : memref<100000x128xf32, #tpu.memory_space<hbm>>) target(%arg32 : memref<8x128xf32, #tpu.memory_space<vmem>>) offsets(%dma_start3A_373 : memref<8xi32, #tpu.memory_space<vmem>>) semaphore(%arg44 : memref<!tpu.dma_semaphore, #tpu.memory_space<semaphore_mem>>)
        %dma_start3A_377 = tpu.memref_slice %arg14[%multiple_of3A_364] : memref<512xi32, #tpu.memory_space<vmem>> -> memref<8xi32, #tpu.memory_space<vmem>>
        %dma_start3A_378 = arith.constant 0 : i32
        %dma_start3A_379 = arith.constant 0 : i32
        %dma_start3A_380 = tpu.memref_slice %arg5[%dma_start3A_378, %dma_start3A_379] : memref<100000x200xf32, #tpu.memory_space<hbm>> -> memref<100000x128xf32, #tpu.memory_space<hbm>>
        tpu.enqueue_indirect_dma source(%dma_start3A_380 : memref<100000x128xf32, #tpu.memory_space<hbm>>) target(%arg33 : memref<8x128xf32, #tpu.memory_space<vmem>>) offsets(%dma_start3A_377 : memref<8xi32, #tpu.memory_space<vmem>>) semaphore(%arg44 : memref<!tpu.dma_semaphore, #tpu.memory_space<semaphore_mem>>)
        %dma_start3A_381 = tpu.memref_slice %arg16[%multiple_of3A_364] : memref<512xi32, #tpu.memory_space<vmem>> -> memref<8xi32, #tpu.memory_space<vmem>>
        %dma_start3A_382 = arith.constant 0 : i32
        %dma_start3A_383 = arith.constant 0 : i32
        %dma_start3A_384 = tpu.memref_slice %arg2[%dma_start3A_382, %dma_start3A_383] : memref<100000x200xf32, #tpu.memory_space<hbm>> -> memref<100000x128xf32, #tpu.memory_space<hbm>>
        tpu.enqueue_indirect_dma source(%dma_start3A_384 : memref<100000x128xf32, #tpu.memory_space<hbm>>) target(%arg34 : memref<8x128xf32, #tpu.memory_space<vmem>>) offsets(%dma_start3A_381 : memref<8xi32, #tpu.memory_space<vmem>>) semaphore(%arg44 : memref<!tpu.dma_semaphore, #tpu.memory_space<semaphore_mem>>)
        %dma_start3A_385 = tpu.memref_slice %arg16[%multiple_of3A_364] : memref<512xi32, #tpu.memory_space<vmem>> -> memref<8xi32, #tpu.memory_space<vmem>>
        %dma_start3A_386 = arith.constant 0 : i32
        %dma_start3A_387 = arith.constant 0 : i32
        %dma_start3A_388 = tpu.memref_slice %arg3[%dma_start3A_386, %dma_start3A_387] : memref<100000x200xf32, #tpu.memory_space<hbm>> -> memref<100000x128xf32, #tpu.memory_space<hbm>>
        tpu.enqueue_indirect_dma source(%dma_start3A_388 : memref<100000x128xf32, #tpu.memory_space<hbm>>) target(%arg35 : memref<8x128xf32, #tpu.memory_space<vmem>>) offsets(%dma_start3A_385 : memref<8xi32, #tpu.memory_space<vmem>>) semaphore(%arg44 : memref<!tpu.dma_semaphore, #tpu.memory_space<semaphore_mem>>)
        %dma_start3A_389 = tpu.memref_slice %arg16[%multiple_of3A_364] : memref<512xi32, #tpu.memory_space<vmem>> -> memref<8xi32, #tpu.memory_space<vmem>>
        %dma_start3A_390 = arith.constant 0 : i32
        %dma_start3A_391 = arith.constant 0 : i32
        %dma_start3A_392 = tpu.memref_slice %arg4[%dma_start3A_390, %dma_start3A_391] : memref<100000x200xf32, #tpu.memory_space<hbm>> -> memref<100000x128xf32, #tpu.memory_space<hbm>>
        tpu.enqueue_indirect_dma source(%dma_start3A_392 : memref<100000x128xf32, #tpu.memory_space<hbm>>) target(%arg36 : memref<8x128xf32, #tpu.memory_space<vmem>>) offsets(%dma_start3A_389 : memref<8xi32, #tpu.memory_space<vmem>>) semaphore(%arg44 : memref<!tpu.dma_semaphore, #tpu.memory_space<semaphore_mem>>)
        %dma_start3A_393 = tpu.memref_slice %arg16[%multiple_of3A_364] : memref<512xi32, #tpu.memory_space<vmem>> -> memref<8xi32, #tpu.memory_space<vmem>>
        %dma_start3A_394 = arith.constant 0 : i32
        %dma_start3A_395 = arith.constant 0 : i32
        %dma_start3A_396 = tpu.memref_slice %arg5[%dma_start3A_394, %dma_start3A_395] : memref<100000x200xf32, #tpu.memory_space<hbm>> -> memref<100000x128xf32, #tpu.memory_space<hbm>>
        tpu.enqueue_indirect_dma source(%dma_start3A_396 : memref<100000x128xf32, #tpu.memory_space<hbm>>) target(%arg37 : memref<8x128xf32, #tpu.memory_space<vmem>>) offsets(%dma_start3A_393 : memref<8xi32, #tpu.memory_space<vmem>>) semaphore(%arg44 : memref<!tpu.dma_semaphore, #tpu.memory_space<semaphore_mem>>)
        %dma_start3A_397 = tpu.memref_slice %arg14[%multiple_of3A_364] : memref<512xi32, #tpu.memory_space<vmem>> -> memref<8xi32, #tpu.memory_space<vmem>>
        %dma_start3A_398 = arith.constant 0 : i32
        %dma_start3A_399 = arith.constant 0 : i32
        %dma_start3A_400 = tpu.memref_slice %arg6[%dma_start3A_398, %dma_start3A_399] : memref<100000x512xf32, #tpu.memory_space<hbm>> -> memref<100000x512xf32, #tpu.memory_space<hbm>>
        tpu.enqueue_indirect_dma source(%dma_start3A_400 : memref<100000x512xf32, #tpu.memory_space<hbm>>) target(%arg38 : memref<8x512xf32, #tpu.memory_space<vmem>>) offsets(%dma_start3A_397 : memref<8xi32, #tpu.memory_space<vmem>>) semaphore(%arg44 : memref<!tpu.dma_semaphore, #tpu.memory_space<semaphore_mem>>)
        %dma_start3A_401 = tpu.memref_slice %arg16[%multiple_of3A_364] : memref<512xi32, #tpu.memory_space<vmem>> -> memref<8xi32, #tpu.memory_space<vmem>>
        %dma_start3A_402 = arith.constant 0 : i32
        %dma_start3A_403 = arith.constant 0 : i32
        %dma_start3A_404 = tpu.memref_slice %arg6[%dma_start3A_402, %dma_start3A_403] : memref<100000x512xf32, #tpu.memory_space<hbm>> -> memref<100000x512xf32, #tpu.memory_space<hbm>>
        tpu.enqueue_indirect_dma source(%dma_start3A_404 : memref<100000x512xf32, #tpu.memory_space<hbm>>) target(%arg39 : memref<8x512xf32, #tpu.memory_space<vmem>>) offsets(%dma_start3A_401 : memref<8xi32, #tpu.memory_space<vmem>>) semaphore(%arg44 : memref<!tpu.dma_semaphore, #tpu.memory_space<semaphore_mem>>)
        %dma_start3A_405 = tpu.memref_slice %arg15[%multiple_of3A_364] : memref<512xi32, #tpu.memory_space<vmem>> -> memref<8xi32, #tpu.memory_space<vmem>>
        %dma_start3A_406 = arith.constant 0 : i32
        %dma_start3A_407 = arith.constant 0 : i32
        %dma_start3A_408 = tpu.memref_slice %arg7[%dma_start3A_406, %dma_start3A_407] : memref<400x1536xf32, #tpu.memory_space<hbm>> -> memref<400x1536xf32, #tpu.memory_space<hbm>>
        tpu.enqueue_indirect_dma source(%dma_start3A_408 : memref<400x1536xf32, #tpu.memory_space<hbm>>) target(%arg40 : memref<8x1536xf32, #tpu.memory_space<vmem>>) offsets(%dma_start3A_405 : memref<8xi32, #tpu.memory_space<vmem>>) semaphore(%arg44 : memref<!tpu.dma_semaphore, #tpu.memory_space<semaphore_mem>>)
        %dma_start3A_409 = tpu.memref_slice %arg17[%multiple_of3A_364] : memref<512xi32, #tpu.memory_space<vmem>> -> memref<8xi32, #tpu.memory_space<vmem>>
        %dma_start3A_410 = arith.constant 0 : i32
        %dma_start3A_411 = arith.constant 0 : i32
        %dma_start3A_412 = tpu.memref_slice %arg8[%dma_start3A_410, %dma_start3A_411] : memref<367x1024xf32, #tpu.memory_space<hbm>> -> memref<367x1024xf32, #tpu.memory_space<hbm>>
        tpu.enqueue_indirect_dma source(%dma_start3A_412 : memref<367x1024xf32, #tpu.memory_space<hbm>>) target(%arg41 : memref<8x1024xf32, #tpu.memory_space<vmem>>) offsets(%dma_start3A_409 : memref<8xi32, #tpu.memory_space<vmem>>) semaphore(%arg44 : memref<!tpu.dma_semaphore, #tpu.memory_space<semaphore_mem>>)
      } else {
      }
    }
    %scan3A_218 = arith.constant 32 : i32
    "tpu.region"() ({
      %run_scoped3A = tpu.sem_alloc : memref<!tpu.dma_semaphore, #tpu.memory_space<semaphore_mem>>
      %dma_start3A_219 = tpu.memref_slice %arg13[%multiple_of3A] : memref<16384xf32, #tpu.memory_space<hbm>> -> memref<512xf32, #tpu.memory_space<hbm>>
      %dma_start3A_220 = tpu.memref_slice %arg13[%multiple_of3A] : memref<16384xf32, #tpu.memory_space<hbm>> -> memref<512xf32, #tpu.memory_space<hbm>>
      tpu.enqueue_dma source(%arg42 : memref<512xf32, #tpu.memory_space<vmem>>) target(%dma_start3A_220 : memref<512xf32, #tpu.memory_space<hbm>>) target_semaphore(%run_scoped3A : memref<!tpu.dma_semaphore, #tpu.memory_space<semaphore_mem>>)
      %dma_wait3A_221 = tpu.memref_slice %arg13[%multiple_of3A] : memref<16384xf32, #tpu.memory_space<hbm>> -> memref<512xf32, #tpu.memory_space<hbm>>
      %dma_wait3A_222 = tpu.memref_slice %arg13[%multiple_of3A] : memref<16384xf32, #tpu.memory_space<hbm>> -> memref<512xf32, #tpu.memory_space<hbm>>
      tpu.wait_dma2 semaphore(%run_scoped3A : memref<!tpu.dma_semaphore, #tpu.memory_space<semaphore_mem>>) src(%arg42 : memref<512xf32, #tpu.memory_space<vmem>>) dst(%dma_wait3A_222 : memref<512xf32, #tpu.memory_space<hbm>>)
      tpu.yield
    }) : () -> ()
    return
  }
}

</mosaic_0001>

<sc_bundles>
// kernel: _timeplex_sc.3.cloned.1.call-start
scs
__scs_entry_jumppad:
0x0: {  	(pc) =	sbr.rel $0x88, $3  }
0x1: {  	(tag) =	ssettag $0x0;
	lr =	simm.s32 $0x1  }
0x2: {  	[smem:$0x3F96] =	sst lr;
	_ =	strace $0xD0000000  }
0x3: {  	_ = 	snop  }
0x4: {  	_ = 	snop  }
0x5: {  	_ = 	snop  }
0x6: {  	_ = 	snop  }
0x7: {  	_ = 	snop  }
__scs_overlays_trampoline_lowered:
0x8: {  	[smem:$0x3FA5] =	sst s0  }
0x9: {  	[smem:$0x3FA6] =	sst s1  }
0xa: {  	[smem:$0x3FA7] =	sst s2  }
0xb: {  	[smem:$0x3FA8] =	sst s3  }
0xc: {  	[smem:$0x3FA9] =	sst s4  }
0xd: {  	[smem:$0x3FAA] =	sst s5  }
0xe: {  	[smem:$0x3FAB] =	sst s6  }
0xf: {  	[smem:$0x3FAC] =	sst s7  }
0x10: {  	[smem:$0x3FAD] =	sst s8  }
0x11: {  	[smem:$0x3FAE] =	sst s9;
	s0 =	simm.s32 @!p0 $0x0  }
0x12: {  	s1 =	sld [smem:$0x3F94];
	s0 =	simm.s32 @p0 $0x1  }
0x13: {  	[smem:$0x3FAF] =	sst s0;
	s0 =	simm.s32 @!p1 $0x0  }
0x14: {  	s2 =	sld [smem:$0x3F93];
	s0 =	simm.s32 @p1 $0x1  }
0x15: {  	[smem:$0x3FB0] =	sst s0;
	s0 =	simm.s32 @!p2 $0x0  }
0x16: {  	s3 =	sld [smem:$0x3FDB];
	s0 =	simm.s32 @p2 $0x1  }
0x17: {  	s4 =	simm.s32 $0x1BF5;
	[smem:$0x3FB2] =	sst s0  }
0x18: {  	s0 =	sld [smem:$0x3F95];
	_ =	swait.ge [sflag:s4], $0x0  }
0x19: {  	s7 =	sld [smem:$0x3F96]  }
0x1a: {  	s8 =	sadd.s32 $0xFFFFE003, lr  }
0x1b: {  	s9 =	sadd.s32 $0xFFFFFEF7, lr;
	s5 =	simm.s32 $0xFFFFFFFF;
	p2 =	slt.u32 s8, $0xFFFFF086  }
0x1c: {  	p1 =	slt.u32 s9, $0xF7A;
	s5 =	simm.s32 @!p2 $0x0  }
0x1d: {  	s5 =	simm.s32 @p1 $0x1;
	p0 =	seq.s32 s7, s2  }
0x1e: {  	s7 =	smul.u32 @!p0 $0xF7A, s2;
	p2 =	seq.s32 @!p0 s5, $0x0  }
0x1f: {  	s9 =	smul.u32 $0xF7A, s1;
	s8 =	simm.s32 @!p0 $0x1BF5;
	p2 =	por !p2, p0  }
0x20: {  	[sflag:s8] =	ssyncset.s32 @!p0 $0xFFFFF086;
	s6 =	sadd.s32 @!p0 s3, s7;
	s7 =	simm.s32 @!p0 $0x108  }
0x21: {  	s3 =	sadd.s32 s3, s9;
	s6 =	sadd.s32 @!p0 $0x88, s6;
	s7 =	simm.s32 @p2 $0x1082  }
0x22: {  	[simem:s7], [sflag:s8] =	dma.local @!p0 [hbm:s6], $0xF7A  }
0x23: {  	s9 =	sor.u32 $0xD0000000, s2;
	s6 =	simm.s32 $0x108;
	_ =	swait.ge @!p0 [sflag:s8], $0x0  }
0x24: {  	s3 =	sadd.s32 $0x88, s3;
	s6 =	simm.s32 @!p1 $0x1082;
	[sflag:s4] =	ssyncset.s32 $0xFFFFF086  }
0x25: {  	[simem:s6], [sflag:s4] =	dma.local [hbm:s3], $0xF7A  }
0x26: {  	[smem:$0x3F96] =	sst s1;
	(tag) =	ssettag s2;
	_ =	strace s9  }
0x27: {  	s1 =	sld [smem:$0x3FA6]  }
0x28: {  	s2 =	sld [smem:$0x3FA7]  }
0x29: {  	s4 =	sld [smem:$0x3FA9]  }
0x2a: {  	p0 =	seq.s32 s5, $0x0;
	s5 =	sld [smem:$0x3FAA]  }
0x2b: {  	s6 =	sld [smem:$0x3FAB]  }
0x2c: {  	s7 =	sld [smem:$0x3FAC]  }
0x2d: {  	s3 =	simm.s32 $0x108;
	s8 =	sld [smem:$0x3FAD]  }
0x2e: {  	s3 =	simm.s32 @!p0 $0x1082;
	s9 =	sld [smem:$0x3FAE]  }
0x2f: {  	lr =	sadd.s32 s0, s3;
	s0 =	sld [smem:$0x3FA5]  }
0x30: {  	s3 =	sld [smem:$0x3FA8]  }
0x31: {  	[smem:$0x3FB1] =	sst s10  }
0x32: {  	s10 =	sld [smem:$0x3FAF];
	_ =	sdelay $0x3  }
0x33: {  	p0 =	seq.s32 s10, $0x1;
	s10 =	sld [smem:$0x3FB1];
	_ =	sdelay $0x3  }
0x34: {  	[smem:$0x3FB1] =	sst s10  }
0x35: {  	s10 =	sld [smem:$0x3FB0];
	_ =	sdelay $0x3  }
0x36: {  	p1 =	seq.s32 s10, $0x1;
	s10 =	sld [smem:$0x3FB1];
	_ =	sdelay $0x3  }
0x37: {  	[smem:$0x3FB1] =	sst s10  }
0x38: {  	s10 =	sld [smem:$0x3FB2]  }
0x39: {  	_ = 	snop;
	(pc) =	sbr.ind lr, $3  }
0x3a: {  	_ = 	snop  }
0x3b: {  	_ = 	snop  }
0x3c: {  	p2 =	seq.s32 s10, $0x1;
	s10 =	sld [smem:$0x3FB1]  }
0x3d: {  	_ =	shalt  }
0x3e: {  	_ =	shalt  }
0x3f: {  	_ =	shalt  }
0x40: {  	_ =	shalt  }
0x41: {  	_ =	shalt  }
0x42: {  	_ =	shalt  }
0x43: {  	_ =	shalt  }
0x44: {  	_ =	shalt  }
0x45: {  	_ =	shalt  }
0x46: {  	_ =	shalt  }
0x47: {  	_ =	shalt  }
0x48: {  	_ =	shalt  }
0x49: {  	_ =	shalt  }
0x4a: {  	_ =	shalt  }
0x4b: {  	_ =	shalt  }
0x4c: {  	_ =	shalt  }
0x4d: {  	_ =	shalt  }
0x4e: {  	_ =	shalt  }
0x4f: {  	_ =	shalt  }
0x50: {  	_ =	shalt  }
0x51: {  	_ =	shalt  }
0x52: {  	_ =	shalt  }
0x53: {  	_ =	shalt  }
0x54: {  	_ =	shalt  }
0x55: {  	_ =	shalt  }
0x56: {  	_ =	shalt  }
0x57: {  	_ =	shalt  }
0x58: {  	_ =	shalt  }
0x59: {  	_ =	shalt  }
0x5a: {  	_ =	shalt  }
0x5b: {  	_ =	shalt  }
0x5c: {  	_ =	shalt  }
0x5d: {  	_ =	shalt  }
0x5e: {  	_ =	shalt  }
0x5f: {  	_ =	shalt  }
0x60: {  	_ =	shalt  }
0x61: {  	_ =	shalt  }
0x62: {  	_ =	shalt  }
0x63: {  	_ =	shalt  }
0x64: {  	_ =	shalt  }
0x65: {  	_ =	shalt  }
0x66: {  	_ =	shalt  }
0x67: {  	_ =	shalt  }
0x68: {  	_ =	shalt  }
0x69: {  	_ =	shalt  }
0x6a: {  	_ =	shalt  }
0x6b: {  	_ =	shalt  }
0x6c: {  	_ =	shalt  }
0x6d: {  	_ =	shalt  }
0x6e: {  	_ =	shalt  }
0x6f: {  	_ =	shalt  }
0x70: {  	_ =	shalt  }
0x71: {  	_ =	shalt  }
0x72: {  	_ =	shalt  }
0x73: {  	_ =	shalt  }
0x74: {  	_ =	shalt  }
0x75: {  	_ =	shalt  }
0x76: {  	_ =	shalt  }
0x77: {  	_ =	shalt  }
0x78: {  	_ =	shalt  }
0x79: {  	_ =	shalt  }
0x7a: {  	_ =	shalt  }
0x7b: {  	_ =	shalt  }
0x7c: {  	_ =	shalt  }
0x7d: {  	_ =	shalt  }
0x7e: {  	_ =	shalt  }
0x7f: {  	_ =	shalt  }
0x80: {  	_ =	shalt  }
0x81: {  	_ =	shalt  }
0x82: {  	_ =	shalt  }
0x83: {  	_ =	shalt  }
0x84: {  	_ =	shalt  }
0x85: {  	_ =	shalt  }
0x86: {  	_ =	shalt  }
0x87: {  	_ =	shalt  }
.Lfunc_end0:
.L_simem_size_0:
called_computation_lowered:
.L_overlay_start_0:
0x88: {  	s2 =	sld [smem:$0x3FD9]  }
0x89: {  	s3 =	sld [smem:$0x3FFE];
	_ =	sdelay $0x1  }
0x8a: {  	s1 =	srdreg.scid  }
0x8b: {  	s0 =	sand.u32 $0x1, s1  }
0x8c: {  	s17 =	sshll.u32 s0, $0xA;
	s2 =	sadd.s32 s3, s2  }
0x8d: {  	s2 =	sadd.s32 s2, s17  }
0x8e: {  	[smem:$0x3FBD] =	sst s2  }
0x8f: {  	_ = 	snop  }
0x90: {  	s2 =	sld [smem:$0x3FC5]  }
0x91: {  	s18 =	sld [smem:$0x3FC4]  }
0x92: {  	s4 =	sld [smem:$0x3FC3]  }
0x93: {  	s5 =	sld [smem:$0x3FC2]  }
0x94: {  	s6 =	sld [smem:$0x3FC1]  }
0x95: {  	s7 =	sld [smem:$0x3FC0]  }
0x96: {  	s8 =	sld [smem:$0x3FBF]  }
0x97: {  	s9 =	sld [smem:$0x3FD0];
	(tm) =	ssettm $0x1  }
0x98: {  	s10 =	sld [smem:$0x3FFB];
	_ =	sdelay $0x3  }
0x99: {  	_ =	strace s10  }
0x9a: {  	s10 =	sld [smem:$0x3FFC];
	_ =	sdelay $0x3  }
0x9b: {  	_ =	strace s10  }
0x9c: {  	s10 =	sld [smem:$0x3FFD];
	_ =	sdelay $0x3  }
0x9d: {  	_ =	strace s10  }
0x9e: {  	_ =	strace $0x8FFFFFFF  }
0x9f: {  	s19 =	sld [smem:$0x3FDB];
	_ =	sdelay $0x1  }
0xa0: {  	s11 =	simm.s32 $_scs_section_size  }
0xa1: {  	s12 =	simm.s32 $_size__tile_overlayer_lowered;
	s13 =	simm.s32 $_tile_overlayer_lowered  }
0xa2: {  	s22 =	simm.s32 $0x1BFF;
	s21 =	sshll.u32 s13, $0x1;
	s10 =	sadd.s32 s11, s19  }
0xa3: {  	s14 =	simm.s32 $0x0;
	s20 =	sshll.u32 s12, $0x1;
	s12 =	sadd.s32 s21, s10  }
0xa4: {  	[timem:s14], [sflag:s22] =	dma.local [hbm:s12], s20  }
0xa5: {  	_ =	swait.ge [sflag:s22], s20  }
0xa6: {  	s11 =	ssub.s32 $0x0, s20;
	[sflag:s22] =	ssyncset.done $0x0  }
0xa7: {  	[sflag:s22] =	ssyncadd.s32 s11;
	_ =	sdelay $0x1  }
0xa8: {  	s23 =	simm.s32 $0x1B8B  }
0xa9: {  	_ =	swait.ge [sflag:s23], $0x1  }
0xaa: {  	[sflag:s23] =	ssyncset.done $0x0  }
0xab: {  	s25 =	simm.s32 $0x1B8E;
	s24 =	sld [smem:$0x3FFE];
	[sflag:s23] =	ssyncadd.s32 $0xFFFFFFFF  }
0xac: {  	s26 =	simm.s32 $execute0_lowered;
	[smem:$0x3FD2] =	sst s25  }
0xad: {  	s12 =	sshll.u32 s26, $0x1;
	_ =	strace $0x80000046;
	[dreg:$0x1] =	wrdreg $0xFFFFFFFF  }
0xae: {  	s28 =	simm.s32 $_size_execute0_lowered;
	s10 =	sadd.s32 s10, s12;
	[dreg:$0x0] =	wrdreg $0x0  }
0xaf: {  	s12 =	sshll.u32 s28, $0x1;
	[dreg:$0x2] =	wrdreg s10  }
0xb0: {  	[dreg:$0x3] =	wrdreg s12  }
0xb1: {  	[dreg:$0x4] =	wrdreg $0xC0  }
0xb2: {  	_ =	task [dreg:s14], $0x5FFFF  }
0xb3: {  	[dreg:$0x1] =	wrdreg $0xFFFFFFFF  }
0xb4: {  	[dreg:$0x0] =	wrdreg $0x60  }
0xb5: {  	[dreg:$0x2] =	wrdreg s24  }
0xb6: {  	[dreg:$0x3] =	wrdreg s2  }
0xb7: {  	[dreg:$0x4] =	wrdreg s18  }
0xb8: {  	[dreg:$0x5] =	wrdreg s4  }
0xb9: {  	[dreg:$0x6] =	wrdreg s5  }
0xba: {  	[dreg:$0x7] =	wrdreg s6  }
0xbb: {  	[dreg:$0x8] =	wrdreg s7  }
0xbc: {  	[dreg:$0x9] =	wrdreg s8  }
0xbd: {  	[dreg:$0xa] =	wrdreg s9  }
0xbe: {  	[dreg:$0xb] =	wrdreg $0x9  }
0xbf: {  	_ =	task.clear_ibuf [dreg:s14], $0xCFFFF;
	_ =	strace $0x90000046  }
0xc0: {  	s29 =	simm.s32 $0x9;
	_ =	strace $0x80000048  }
0xc1: {  	_ =	swait.ge [sflag:s29], $0x1  }
0xc2: {  	[sflag:s29] =	ssyncadd.s32 $0xFFFFFFFF  }
0xc3: {  	_ =	strace $0x90000048  }
0xc4: {  	_ =	sfence  }
0xc5: {  	s30 =	sld [smem:$0x0];
	_ =	sdelay $0x2  }
0xc6: {  	s31 =	sshll.u32 s1, $0xD;
	s1 =	sshrl.u32 s1, $0x2  }
0xc7: {  	s3 =	sand.u32 $0x4000, s31;
	s1 =	sadd.s32 s1, s30  }
0xc8: {  	s0 =	sor.u32 s3, s0;
	s1 =	sshll.u32 s1, $0x11  }
0xc9: {  	s0 =	sor.u32 s1, s0  }
0xca: {  	s0 =	sadd.s32 $0x8F2B, s0  }
0xcb: {  	[sflag:s0] =	ssyncadd.remote.s32 $0x1  }
0xcc: {  	_ =	sfence.sel $0xFFFF  }
0xcd: {  	[dreg:$0x0] =	wrdreg $0xFFFFFFFF;
	(pc) =	sbr.abs _section_cstart, $3  }
0xce: {  	[dreg:$0x1] =	wrdreg $0xFFFFFFFF  }
0xcf: {  	_ =	task.clear_ibuf [dreg:s14], $0x2FFFF;
	_ =	strace $0x9FFFFFFF  }
0xd0: {  	(tm) =	ssettm $0x7FFFFFFF  }
0xd1: {  	_ =	shalt  }
tec
execute0_lowered:
.L_overlay_start_1:
0x0: {  	(tag) =	ssettag $0x1  }
0x1: {  	s0 =	rddreg [dreg:$0x0]  }
0x2: {  	s15 =	rddreg [dreg:$0x1]  }
0x3: {  	s16 =	rddreg [dreg:$0x2]  }
0x4: {  	s17 =	rddreg [dreg:$0x3]  }
0x5: {  	s1 =	rddreg [dreg:$0x4]  }
0x6: {  	s2 =	rddreg [dreg:$0x5]  }
0x7: {  	s3 =	rddreg [dreg:$0x6]  }
0x8: {  	s5 =	rddreg [dreg:$0x7]  }
0x9: {  	s10 =	rddreg [dreg:$0x8];
	s4 =	simm.s32 $0x0;
	s8 =	srdreg.scid  }
0xa: {  	s13 =	stileid.u32;
	v0 =	vimm.s32 $0x1;
	v4 =	vimm.s32 $0xFEDCBA98;
	v6 =	vimm.s32 $0x76543210;
	[smem:$0x7FF] =	sst s4  }
0xb: {  	v1 =	vlaneseq.u32;
	v2 =	vimm.s32 $0x0;
	v10 =	vimm.s32 $0x3210FEDC;
	s6 =	sadd.s32 $0x400, s0;
	s7 =	sadd.s32 $0x30D800, s0;
	s9 =	sand.u32 $0x1, s8  }
0xc: {  	vm0 =	vmmov $0x1;
	v12 =	vimm.s32 $0xBA987654;
	v13 =	vimm.s32 $0x10FEDCBA;
	s8 =	sadd.s32 $0x61AC00, s0;
	s13 =	sshll.u32 s13, $0x7;
	s25 =	sadd.s32 $0x100, s16  }
0xd: {  	v5 =	vimm.s32 $0x3;
	v15 =	vimm.s32 $0x87654321;
	vm1 =	vmmov $0xffff;
	s26 =	sadd.s32 $0x200, s16;
	s28 =	sadd.s32 $0x300, s16;
	s29 =	sadd.s32 $0x400, s16  }
0xe: {  	vm2 =	vmmov $0xff;
	s30 =	sadd.s32 $0x500, s16;
	v3 =	vmul.u32 $0x8, v1;
	v7 =	vunpack.c.l.s4.s8 v4;
	_ =	strace $0x80000047;
	[dreg:$0xe] =	wrdreg s25  }
0xf: {  	s20 =	sadd.s32 $0x100, s17;
	s21 =	sadd.s32 $0x200, s17;
	v4 =	vimm.s32 $0x2;
	v8 =	vunpack.c.l.s4.s8 v6;
	v6 =	vimm.s32 $0x4;
	[dreg:$0xf] =	wrdreg s26  }
0x10: {  	v10 =	vunpack.c.l.s4.s8 v10;
	v13 =	vunpack.c.l.s4.s8 v13;
	s11 =	ssub.s32 $0x2, s9;
	s14 =	sshll.u32 s9, $0x6;
	[dreg:$0x10] =	wrdreg s28;
	v9 =	vunpack.c.0.s8.s32 v7  }
0x11: {  	v15 =	vunpack.c.l.s4.s8 v15;
	s9 =	sadd.s32 $0x928000, s0;
	[dreg:$0x11] =	wrdreg s29;
	s19 =	sor.u32 s14, s13;
	v7 =	vimm.s32 $0x5;
	v11 =	vunpack.c.0.s8.s32 v8  }
0x12: {  	[dreg:$0x12] =	wrdreg s30;
	s12 =	sshrl.u32 s11, $0x1;
	v14 =	vunpack.c.0.s8.s32 v10;
	v10 =	vunpack.c.l.s4.s8 v12;
	s1 =	sadd.s32 s1, s19;
	v9 =	vand.u32 $0xF, v9  }
0x13: {  	s14 =	sadd.s32 $0x100, s15;
	v12 =	vimm.s32 $0xFEDCBA9;
	s22 =	sadd.s32 s2, s19;
	[dreg:$0xa] =	wrdreg s1;
	v9 =	vcombine.low v9, v11;
	v11 =	vimm.s32 $0x98765432  }
.Ltmp0:
0x14: {  	s23 =	sadd.s32 s3, s19;
	v12 =	vunpack.c.l.s4.s8 v12;
	[dreg:$0xb] =	wrdreg s22;
	v16 =	vunpack.c.0.s8.s32 v10;
	v11 =	vunpack.c.l.s4.s8 v11;
	(pc) =	sbr.rel .LBB2_1-.Ltmp0, $4  }
0x15: {  	v8 =	vimm.s32 $0x6;
	v13 =	vunpack.c.0.s8.s32 v13;
	v15 =	vunpack.c.0.s8.s32 v15;
	s18 =	ssub.s32 s11, s12;
	s24 =	sadd.s32 s5, s19;
	[dreg:$0xc] =	wrdreg s23  }
0x16: {  	s31 =	sadd.s32 s10, s19;
	s2 =	simm.s32 $0x1;
	[dreg:$0xd] =	wrdreg s24;
	v17 =	vunpack.c.0.s8.s32 v11;
	v11 =	vcombine.low v16, v14;
	v16 =	vunpack.c.0.s8.s32 v12  }
0x17: {  	s5 =	simm.s32 $0x2;
	[dreg:$0x13] =	wrdreg s31;
	s0 =	smax.u32 s18, $0x1;
	v10 =	vimm.s32 $0x7;
	v12 =	vand.u32 $0x7, v1;
	v14 =	vshrl.u32 v1, $0x3  }
0x18: {  	s3 =	simm.s32 $0x0;
	s22 =	sadd.s32 $0x300, s17;
	[dreg:$0x14] =	wrdreg s0;
	v14 =	vmul.u32 $0x8, v14;
	v13 =	vcombine.low v17, v13;
	v15 =	vcombine.low v15, v16  }
.LBB2_18:
0x19: {  	s0 =	rddreg [dreg:$0x13];
	s1 =	simm.s32 $0x12800;
	s30 =	simm.s32 $0x4  }
0x1a: {  	[hbm4b:s0+s4] =	stream.linear.scatter [tilespmem:s1], [sflag:$0x4], $0x200, $0x38;
	[tilespmem:$0x12A00] =	vst v63  }
0x1b: {  	_ =	swait.ge [sflag:s30], $0x200  }
0x1c: {  	s3 =	rddreg [dreg:$0x15]  }
0x1d: {  	s31 =	rddreg [dreg:$0x14];
	s3 =	sadd.s32 $0x1, s3  }
0x1e: {  	p0 =	sne.s32 s3, s31  }
.Ltmp1:
0x1f: {  	_ = 	snop;
	(pc) =	sbr.rel @!p0 .LBB2_19-.Ltmp1, $3  }
0x20: {  	_ =	sdelay $0x1  }
0x21: {  	[sflag:s30] =	ssyncset.done $0x0  }
0x22: {  	[sflag:s30] =	ssyncadd.s32 $0xFFFFFE00  }
.LBB2_1:
0x23: {  	[dreg:$0x15] =	wrdreg s3  }
0x24: {  	s0 =	rddreg [dreg:$0xa]  }
0x25: {  	[tilespmem:s4], [sflag:$0x3] =	stream.linear.gather [hbm4b:s0+s4], $0x200, $0x38;
	[tilespmem:$0x12A00] =	vst v63  }
0x26: {  	s23 =	rddreg [dreg:$0xb];
	s1 =	simm.s32 $0x200  }
0x27: {  	[tilespmem:s1], [sflag:$0x3] =	stream.linear.gather [hbm4b:s23+s4], $0x200, $0x38;
	[tilespmem:$0x12A00] =	vst v63  }
0x28: {  	s24 =	rddreg [dreg:$0xc];
	s25 =	simm.s32 $0x400  }
0x29: {  	[tilespmem:s25], [sflag:$0x3] =	stream.linear.gather [hbm4b:s24+s4], $0x200, $0x38;
	[tilespmem:$0x12A00] =	vst v63  }
0x2a: {  	s26 =	rddreg [dreg:$0xd];
	s28 =	simm.s32 $0x600;
	s29 =	simm.s32 $0x3  }
0x2b: {  	[tilespmem:s28], [sflag:$0x3] =	stream.linear.gather [hbm4b:s26+s4], $0x200, $0x38;
	[tilespmem:$0x12A00] =	vst v63  }
0x2c: {  	_ =	swait.ge [sflag:s29], $0x200  }
0x2d: {  	[sflag:s29] =	ssyncset.done $0x0  }
0x2e: {  	[sflag:s29] =	ssyncadd.s32 $0xFFFFFE00  }
0x2f: {  	_ =	swait.ge [sflag:s29], $0x200  }
0x30: {  	[sflag:s29] =	ssyncset.done $0x0  }
0x31: {  	[sflag:s29] =	ssyncadd.s32 $0xFFFFFE00  }
0x32: {  	_ =	swait.ge [sflag:s29], $0x200  }
0x33: {  	[sflag:s29] =	ssyncset.done $0x0  }
0x34: {  	[sflag:s29] =	ssyncadd.s32 $0xFFFFFE00  }
0x35: {  	_ =	swait.ge [sflag:s29], $0x200  }
0x36: {  	[sflag:s29] =	ssyncset.done $0x0  }
0x37: {  	[sflag:s29] =	ssyncadd.s32 $0xFFFFFE00  }
0x38: {  	v16 =	vld.msk [tilespmem:$0x0], $0xff;
	_ =	sdelay $0x4  }
0x39: {  	v17 =	vshll.u32 v16, $0x1  }
0x3a: {  	v16 =	vand.u32 $0x7, v16;
	v17 =	vand.u32 $0xFFFFFFF0, v17  }
0x3b: {  	v16 =	vor.u32 v16, v17  }
0x3c: {  	v17 =	vperm.xlane v16, v2;
	_ =	sdelay $0x1  }
0x3d: {  	v18 =	vperm.xlane v16, v0;
	v17 =	vadd.s32 v3, v17;
	_ =	sdelay $0x1  }
0x3e: {  	v19 =	vperm.xlane v16, v4;
	v18 =	vadd.s32 v3, v18;
	_ =	sdelay $0x1  }
0x3f: {  	s30 =	simm.s32 $0x800;
	v20 =	vperm.xlane v16, v5;
	v19 =	vadd.s32 v3, v19  }
0x40: {  	[tilespmem:s30], [sflag:$0x1] =	stream.indirect_vreg.gather [hbm4b:s6+s4], $0x80, v17, vm0, $0xb8;
	[tilespmem:$0x12A00] =	vst v63  }
0x41: {  	s31 =	simm.s32 $0x880;
	v59 =	vperm.xlane v16, v6;
	v17 =	vadd.s32 v3, v20  }
0x42: {  	[tilespmem:s31], [sflag:$0x1] =	stream.indirect_vreg.gather [hbm4b:s6+s4], $0x80, v18, vm0, $0xb8;
	[tilespmem:$0x12A00] =	vst v63  }
0x43: {  	s1 =	simm.s32 $0x900;
	v61 =	vperm.xlane v16, v7;
	v60 =	vadd.s32 v3, v59  }
0x44: {  	[tilespmem:s1], [sflag:$0x1] =	stream.indirect_vreg.gather [hbm4b:s6+s4], $0x80, v19, vm0, $0xb8;
	[tilespmem:$0x12A00] =	vst v63  }
0x45: {  	s3 =	simm.s32 $0x980;
	v63 =	vperm.xlane v16, v8;
	v62 =	vadd.s32 v3, v61  }
0x46: {  	[tilespmem:s3], [sflag:$0x1] =	stream.indirect_vreg.gather [hbm4b:s6+s4], $0x80, v17, vm0, $0xb8;
	[tilespmem:$0x12A00] =	vst v63  }
0x47: {  	s10 =	simm.s32 $0xA00;
	v16 =	vperm.xlane v16, v10;
	v17 =	vadd.s32 v3, v63  }
0x48: {  	[tilespmem:s10], [sflag:$0x1] =	stream.indirect_vreg.gather [hbm4b:s6+s4], $0x80, v60, vm0, $0xb8;
	[tilespmem:$0x12A00] =	vst v63  }
0x49: {  	s11 =	simm.s32 $0xA80;
	v16 =	vadd.s32 v3, v16  }
0x4a: {  	[tilespmem:s11], [sflag:$0x1] =	stream.indirect_vreg.gather [hbm4b:s6+s4], $0x80, v62, vm0, $0xb8;
	[tilespmem:$0x12A00] =	vst v63  }
0x4b: {  	s12 =	simm.s32 $0xB00  }
0x4c: {  	[tilespmem:s12], [sflag:$0x1] =	stream.indirect_vreg.gather [hbm4b:s6+s4], $0x80, v17, vm0, $0xb8;
	[tilespmem:$0x12A00] =	vst v63  }
0x4d: {  	s13 =	simm.s32 $0xB80  }
0x4e: {  	[tilespmem:s13], [sflag:$0x1] =	stream.indirect_vreg.gather [hbm4b:s6+s4], $0x80, v16, vm0, $0xb8;
	[tilespmem:$0x12A00] =	vst v63  }
0x4f: {  	v16 =	vld.msk [tilespmem:$0x0], $0xff;
	_ =	sdelay $0x4  }
0x50: {  	v17 =	vshll.u32 v16, $0x1  }
0x51: {  	v16 =	vand.u32 $0x7, v16;
	v17 =	vand.u32 $0xFFFFFFF0, v17  }
0x52: {  	v16 =	vor.u32 v16, v17  }
0x53: {  	v17 =	vperm.xlane v16, v2;
	_ =	sdelay $0x1  }
0x54: {  	v24 =	vperm.xlane v16, v0;
	v17 =	vadd.s32 v3, v17;
	_ =	sdelay $0x1  }
0x55: {  	v25 =	vperm.xlane v16, v4;
	v18 =	vadd.s32 v3, v24;
	_ =	sdelay $0x1  }
0x56: {  	s15 =	simm.s32 $0xC00;
	v26 =	vperm.xlane v16, v5;
	v19 =	vadd.s32 v3, v25  }
0x57: {  	[tilespmem:s15], [sflag:$0x1] =	stream.indirect_vreg.gather [hbm4b:s7+s4], $0x80, v17, vm0, $0xb8;
	[tilespmem:$0x12A00] =	vst v63  }
0x58: {  	s16 =	simm.s32 $0xC80;
	v27 =	vperm.xlane v16, v6;
	v17 =	vadd.s32 v3, v26  }
0x59: {  	[tilespmem:s16], [sflag:$0x1] =	stream.indirect_vreg.gather [hbm4b:s7+s4], $0x80, v18, vm0, $0xb8;
	[tilespmem:$0x12A00] =	vst v63  }
0x5a: {  	s17 =	simm.s32 $0xD00;
	v29 =	vperm.xlane v16, v7;
	v28 =	vadd.s32 v3, v27  }
0x5b: {  	[tilespmem:s17], [sflag:$0x1] =	stream.indirect_vreg.gather [hbm4b:s7+s4], $0x80, v19, vm0, $0xb8;
	[tilespmem:$0x12A00] =	vst v63  }
0x5c: {  	s18 =	simm.s32 $0xD80;
	v31 =	vperm.xlane v16, v8;
	v30 =	vadd.s32 v3, v29  }
0x5d: {  	[tilespmem:s18], [sflag:$0x1] =	stream.indirect_vreg.gather [hbm4b:s7+s4], $0x80, v17, vm0, $0xb8;
	[tilespmem:$0x12A00] =	vst v63  }
0x5e: {  	s19 =	simm.s32 $0xE00;
	v16 =	vperm.xlane v16, v10;
	v17 =	vadd.s32 v3, v31  }
0x5f: {  	[tilespmem:s19], [sflag:$0x1] =	stream.indirect_vreg.gather [hbm4b:s7+s4], $0x80, v28, vm0, $0xb8;
	[tilespmem:$0x12A00] =	vst v63  }
0x60: {  	s23 =	simm.s32 $0xE80;
	v16 =	vadd.s32 v3, v16  }
0x61: {  	[tilespmem:s23], [sflag:$0x1] =	stream.indirect_vreg.gather [hbm4b:s7+s4], $0x80, v30, vm0, $0xb8;
	[tilespmem:$0x12A00] =	vst v63  }
0x62: {  	s24 =	simm.s32 $0xF00  }
0x63: {  	[tilespmem:s24], [sflag:$0x1] =	stream.indirect_vreg.gather [hbm4b:s7+s4], $0x80, v17, vm0, $0xb8;
	[tilespmem:$0x12A00] =	vst v63  }
0x64: {  	s25 =	simm.s32 $0xF80  }
0x65: {  	[tilespmem:s25], [sflag:$0x1] =	stream.indirect_vreg.gather [hbm4b:s7+s4], $0x80, v16, vm0, $0xb8;
	[tilespmem:$0x12A00] =	vst v63  }
0x66: {  	v16 =	vld.msk [tilespmem:$0x0], $0xff;
	_ =	sdelay $0x4  }
0x67: {  	v17 =	vshll.u32 v16, $0x1  }
0x68: {  	v16 =	vand.u32 $0x7, v16;
	v17 =	vand.u32 $0xFFFFFFF0, v17  }
0x69: {  	v16 =	vor.u32 v16, v17  }
0x6a: {  	v17 =	vperm.xlane v16, v2;
	_ =	sdelay $0x1  }
0x6b: {  	v32 =	vperm.xlane v16, v0;
	v17 =	vadd.s32 v3, v17;
	_ =	sdelay $0x1  }
0x6c: {  	v33 =	vperm.xlane v16, v4;
	v18 =	vadd.s32 v3, v32;
	_ =	sdelay $0x1  }
0x6d: {  	s26 =	simm.s32 $0x1000;
	v34 =	vperm.xlane v16, v5;
	v19 =	vadd.s32 v3, v33  }
0x6e: {  	[tilespmem:s26], [sflag:$0x1] =	stream.indirect_vreg.gather [hbm4b:s8+s4], $0x80, v17, vm0, $0xb8;
	[tilespmem:$0x12A00] =	vst v63  }
0x6f: {  	s28 =	simm.s32 $0x1080;
	v35 =	vperm.xlane v16, v6;
	v17 =	vadd.s32 v3, v34  }
0x70: {  	[tilespmem:s28], [sflag:$0x1] =	stream.indirect_vreg.gather [hbm4b:s8+s4], $0x80, v18, vm0, $0xb8;
	[tilespmem:$0x12A00] =	vst v63  }
0x71: {  	s29 =	simm.s32 $0x1100;
	v37 =	vperm.xlane v16, v7;
	v36 =	vadd.s32 v3, v35  }
0x72: {  	[tilespmem:s29], [sflag:$0x1] =	stream.indirect_vreg.gather [hbm4b:s8+s4], $0x80, v19, vm0, $0xb8;
	[tilespmem:$0x12A00] =	vst v63  }
0x73: {  	s30 =	simm.s32 $0x1180;
	v39 =	vperm.xlane v16, v8;
	v38 =	vadd.s32 v3, v37  }
0x74: {  	[tilespmem:s30], [sflag:$0x1] =	stream.indirect_vreg.gather [hbm4b:s8+s4], $0x80, v17, vm0, $0xb8;
	[tilespmem:$0x12A00] =	vst v63  }
0x75: {  	s31 =	simm.s32 $0x1200;
	v16 =	vperm.xlane v16, v10;
	v17 =	vadd.s32 v3, v39  }
0x76: {  	[tilespmem:s31], [sflag:$0x1] =	stream.indirect_vreg.gather [hbm4b:s8+s4], $0x80, v36, vm0, $0xb8;
	[tilespmem:$0x12A00] =	vst v63  }
0x77: {  	s1 =	simm.s32 $0x1280;
	v16 =	vadd.s32 v3, v16  }
0x78: {  	[tilespmem:s1], [sflag:$0x1] =	stream.indirect_vreg.gather [hbm4b:s8+s4], $0x80, v38, vm0, $0xb8;
	[tilespmem:$0x12A00] =	vst v63  }
0x79: {  	s3 =	simm.s32 $0x1300  }
0x7a: {  	[tilespmem:s3], [sflag:$0x1] =	stream.indirect_vreg.gather [hbm4b:s8+s4], $0x80, v17, vm0, $0xb8;
	[tilespmem:$0x12A00] =	vst v63  }
0x7b: {  	s10 =	simm.s32 $0x1380  }
0x7c: {  	[tilespmem:s10], [sflag:$0x1] =	stream.indirect_vreg.gather [hbm4b:s8+s4], $0x80, v16, vm0, $0xb8;
	[tilespmem:$0x12A00] =	vst v63  }
0x7d: {  	v16 =	vld.msk [tilespmem:$0x0], $0xff;
	_ =	sdelay $0x4  }
0x7e: {  	v17 =	vshll.u32 v16, $0x1  }
0x7f: {  	v16 =	vand.u32 $0x7, v16;
	v17 =	vand.u32 $0xFFFFFFF0, v17  }
0x80: {  	v16 =	vor.u32 v16, v17  }
0x81: {  	v17 =	vperm.xlane v16, v2;
	_ =	sdelay $0x1  }
0x82: {  	v40 =	vperm.xlane v16, v0;
	v17 =	vadd.s32 v3, v17;
	_ =	sdelay $0x1  }
0x83: {  	v41 =	vperm.xlane v16, v4;
	v18 =	vadd.s32 v3, v40;
	_ =	sdelay $0x1  }
0x84: {  	s11 =	simm.s32 $0x1400;
	v42 =	vperm.xlane v16, v5;
	v19 =	vadd.s32 v3, v41  }
0x85: {  	[tilespmem:s11], [sflag:$0x1] =	stream.indirect_vreg.gather [hbm4b:s9+s4], $0x80, v17, vm0, $0xb8;
	[tilespmem:$0x12A00] =	vst v63  }
0x86: {  	s12 =	simm.s32 $0x1480;
	v43 =	vperm.xlane v16, v6;
	v17 =	vadd.s32 v3, v42  }
0x87: {  	[tilespmem:s12], [sflag:$0x1] =	stream.indirect_vreg.gather [hbm4b:s9+s4], $0x80, v18, vm0, $0xb8;
	[tilespmem:$0x12A00] =	vst v63  }
0x88: {  	s13 =	simm.s32 $0x1500;
	v45 =	vperm.xlane v16, v7;
	v44 =	vadd.s32 v3, v43  }
0x89: {  	[tilespmem:s13], [sflag:$0x1] =	stream.indirect_vreg.gather [hbm4b:s9+s4], $0x80, v19, vm0, $0xb8;
	[tilespmem:$0x12A00] =	vst v63  }
0x8a: {  	s15 =	simm.s32 $0x1580;
	v47 =	vperm.xlane v16, v8;
	v46 =	vadd.s32 v3, v45  }
0x8b: {  	[tilespmem:s15], [sflag:$0x1] =	stream.indirect_vreg.gather [hbm4b:s9+s4], $0x80, v17, vm0, $0xb8;
	[tilespmem:$0x12A00] =	vst v63  }
0x8c: {  	s16 =	simm.s32 $0x1600;
	v16 =	vperm.xlane v16, v10;
	v17 =	vadd.s32 v3, v47  }
0x8d: {  	[tilespmem:s16], [sflag:$0x1] =	stream.indirect_vreg.gather [hbm4b:s9+s4], $0x80, v44, vm0, $0xb8;
	[tilespmem:$0x12A00] =	vst v63  }
0x8e: {  	s17 =	simm.s32 $0x1680;
	v16 =	vadd.s32 v3, v16  }
0x8f: {  	[tilespmem:s17], [sflag:$0x1] =	stream.indirect_vreg.gather [hbm4b:s9+s4], $0x80, v46, vm0, $0xb8;
	[tilespmem:$0x12A00] =	vst v63  }
0x90: {  	s18 =	simm.s32 $0x1700  }
0x91: {  	[tilespmem:s18], [sflag:$0x1] =	stream.indirect_vreg.gather [hbm4b:s9+s4], $0x80, v17, vm0, $0xb8;
	[tilespmem:$0x12A00] =	vst v63  }
0x92: {  	s19 =	simm.s32 $0x1780  }
0x93: {  	[tilespmem:s19], [sflag:$0x1] =	stream.indirect_vreg.gather [hbm4b:s9+s4], $0x80, v16, vm0, $0xb8;
	[tilespmem:$0x12A00] =	vst v63  }
0x94: {  	v16 =	vld.msk [tilespmem:$0x400], $0xff;
	_ =	sdelay $0x4  }
0x95: {  	v17 =	vshll.u32 v16, $0x1  }
0x96: {  	v16 =	vand.u32 $0x7, v16;
	v17 =	vand.u32 $0xFFFFFFF0, v17  }
0x97: {  	v16 =	vor.u32 v16, v17  }
0x98: {  	v17 =	vperm.xlane v16, v2;
	_ =	sdelay $0x1  }
0x99: {  	v48 =	vperm.xlane v16, v0;
	v17 =	vadd.s32 v3, v17;
	_ =	sdelay $0x1  }
0x9a: {  	v49 =	vperm.xlane v16, v4;
	v18 =	vadd.s32 v3, v48;
	_ =	sdelay $0x1  }
0x9b: {  	s23 =	simm.s32 $0x1800;
	v50 =	vperm.xlane v16, v5;
	v19 =	vadd.s32 v3, v49  }
0x9c: {  	[tilespmem:s23], [sflag:$0x1] =	stream.indirect_vreg.gather [hbm4b:s6+s4], $0x80, v17, vm0, $0xb8;
	[tilespmem:$0x12A00] =	vst v63  }
0x9d: {  	s24 =	simm.s32 $0x1880;
	v51 =	vperm.xlane v16, v6;
	v17 =	vadd.s32 v3, v50  }
0x9e: {  	[tilespmem:s24], [sflag:$0x1] =	stream.indirect_vreg.gather [hbm4b:s6+s4], $0x80, v18, vm0, $0xb8;
	[tilespmem:$0x12A00] =	vst v63  }
0x9f: {  	s25 =	simm.s32 $0x1900;
	v53 =	vperm.xlane v16, v7;
	v52 =	vadd.s32 v3, v51  }
0xa0: {  	[tilespmem:s25], [sflag:$0x1] =	stream.indirect_vreg.gather [hbm4b:s6+s4], $0x80, v19, vm0, $0xb8;
	[tilespmem:$0x12A00] =	vst v63  }
0xa1: {  	s26 =	simm.s32 $0x1980;
	v55 =	vperm.xlane v16, v8;
	v54 =	vadd.s32 v3, v53  }
0xa2: {  	[tilespmem:s26], [sflag:$0x1] =	stream.indirect_vreg.gather [hbm4b:s6+s4], $0x80, v17, vm0, $0xb8;
	[tilespmem:$0x12A00] =	vst v63  }
0xa3: {  	s28 =	simm.s32 $0x1A00;
	v16 =	vperm.xlane v16, v10;
	v17 =	vadd.s32 v3, v55  }
0xa4: {  	[tilespmem:s28], [sflag:$0x1] =	stream.indirect_vreg.gather [hbm4b:s6+s4], $0x80, v52, vm0, $0xb8;
	[tilespmem:$0x12A00] =	vst v63  }
0xa5: {  	s29 =	simm.s32 $0x1A80;
	v16 =	vadd.s32 v3, v16  }
0xa6: {  	[tilespmem:s29], [sflag:$0x1] =	stream.indirect_vreg.gather [hbm4b:s6+s4], $0x80, v54, vm0, $0xb8;
	[tilespmem:$0x12A00] =	vst v63  }
0xa7: {  	s30 =	simm.s32 $0x1B00  }
0xa8: {  	[tilespmem:s30], [sflag:$0x1] =	stream.indirect_vreg.gather [hbm4b:s6+s4], $0x80, v17, vm0, $0xb8;
	[tilespmem:$0x12A00] =	vst v63  }
0xa9: {  	s31 =	simm.s32 $0x1B80  }
0xaa: {  	[tilespmem:s31], [sflag:$0x1] =	stream.indirect_vreg.gather [hbm4b:s6+s4], $0x80, v16, vm0, $0xb8;
	[tilespmem:$0x12A00] =	vst v63  }
0xab: {  	v16 =	vld.msk [tilespmem:$0x400], $0xff;
	_ =	sdelay $0x4  }
0xac: {  	v17 =	vshll.u32 v16, $0x1  }
0xad: {  	v16 =	vand.u32 $0x7, v16;
	v17 =	vand.u32 $0xFFFFFFF0, v17  }
0xae: {  	v16 =	vor.u32 v16, v17  }
0xaf: {  	v17 =	vperm.xlane v16, v2;
	_ =	sdelay $0x1  }
0xb0: {  	v56 =	vperm.xlane v16, v0;
	v17 =	vadd.s32 v3, v17;
	_ =	sdelay $0x1  }
0xb1: {  	v57 =	vperm.xlane v16, v4;
	v18 =	vadd.s32 v3, v56;
	_ =	sdelay $0x1  }
0xb2: {  	s1 =	simm.s32 $0x1C00;
	v58 =	vperm.xlane v16, v5;
	v19 =	vadd.s32 v3, v57  }
0xb3: {  	[tilespmem:s1], [sflag:$0x1] =	stream.indirect_vreg.gather [hbm4b:s7+s4], $0x80, v17, vm0, $0xb8;
	[tilespmem:$0x12A00] =	vst v63  }
0xb4: {  	s3 =	simm.s32 $0x1C80;
	v59 =	vperm.xlane v16, v6;
	v17 =	vadd.s32 v3, v58  }
0xb5: {  	[tilespmem:s3], [sflag:$0x1] =	stream.indirect_vreg.gather [hbm4b:s7+s4], $0x80, v18, vm0, $0xb8;
	[tilespmem:$0x12A00] =	vst v63  }
0xb6: {  	s10 =	simm.s32 $0x1D00;
	v61 =	vperm.xlane v16, v7;
	v60 =	vadd.s32 v3, v59  }
0xb7: {  	[tilespmem:s10], [sflag:$0x1] =	stream.indirect_vreg.gather [hbm4b:s7+s4], $0x80, v19, vm0, $0xb8;
	[tilespmem:$0x12A00] =	vst v63  }
0xb8: {  	s11 =	simm.s32 $0x1D80;
	v63 =	vperm.xlane v16, v8;
	v62 =	vadd.s32 v3, v61  }
0xb9: {  	[tilespmem:s11], [sflag:$0x1] =	stream.indirect_vreg.gather [hbm4b:s7+s4], $0x80, v17, vm0, $0xb8;
	[tilespmem:$0x12A00] =	vst v63  }
0xba: {  	s12 =	simm.s32 $0x1E00;
	v16 =	vperm.xlane v16, v10;
	v17 =	vadd.s32 v3, v63  }
0xbb: {  	[tilespmem:s12], [sflag:$0x1] =	stream.indirect_vreg.gather [hbm4b:s7+s4], $0x80, v60, vm0, $0xb8;
	[tilespmem:$0x12A00] =	vst v63  }
0xbc: {  	s13 =	simm.s32 $0x1E80;
	v16 =	vadd.s32 v3, v16  }
0xbd: {  	[tilespmem:s13], [sflag:$0x1] =	stream.indirect_vreg.gather [hbm4b:s7+s4], $0x80, v62, vm0, $0xb8;
	[tilespmem:$0x12A00] =	vst v63  }
0xbe: {  	s15 =	simm.s32 $0x1F00  }
0xbf: {  	[tilespmem:s15], [sflag:$0x1] =	stream.indirect_vreg.gather [hbm4b:s7+s4], $0x80, v17, vm0, $0xb8;
	[tilespmem:$0x12A00] =	vst v63  }
0xc0: {  	s16 =	simm.s32 $0x1F80  }
0xc1: {  	[tilespmem:s16], [sflag:$0x1] =	stream.indirect_vreg.gather [hbm4b:s7+s4], $0x80, v16, vm0, $0xb8;
	[tilespmem:$0x12A00] =	vst v63  }
0xc2: {  	v16 =	vld.msk [tilespmem:$0x400], $0xff;
	_ =	sdelay $0x4  }
0xc3: {  	v17 =	vshll.u32 v16, $0x1  }
0xc4: {  	v16 =	vand.u32 $0x7, v16;
	v17 =	vand.u32 $0xFFFFFFF0, v17  }
0xc5: {  	v16 =	vor.u32 v16, v17  }
0xc6: {  	v17 =	vperm.xlane v16, v2;
	_ =	sdelay $0x1  }
0xc7: {  	v24 =	vperm.xlane v16, v0;
	v17 =	vadd.s32 v3, v17;
	_ =	sdelay $0x1  }
0xc8: {  	v25 =	vperm.xlane v16, v4;
	v18 =	vadd.s32 v3, v24;
	_ =	sdelay $0x1  }
0xc9: {  	s17 =	simm.s32 $0x2000;
	v26 =	vperm.xlane v16, v5;
	v19 =	vadd.s32 v3, v25  }
0xca: {  	[tilespmem:s17], [sflag:$0x1] =	stream.indirect_vreg.gather [hbm4b:s8+s4], $0x80, v17, vm0, $0xb8;
	[tilespmem:$0x12A00] =	vst v63  }
0xcb: {  	s18 =	simm.s32 $0x2080;
	v27 =	vperm.xlane v16, v6;
	v17 =	vadd.s32 v3, v26  }
0xcc: {  	[tilespmem:s18], [sflag:$0x1] =	stream.indirect_vreg.gather [hbm4b:s8+s4], $0x80, v18, vm0, $0xb8;
	[tilespmem:$0x12A00] =	vst v63  }
0xcd: {  	s19 =	simm.s32 $0x2100;
	v29 =	vperm.xlane v16, v7;
	v28 =	vadd.s32 v3, v27  }
0xce: {  	[tilespmem:s19], [sflag:$0x1] =	stream.indirect_vreg.gather [hbm4b:s8+s4], $0x80, v19, vm0, $0xb8;
	[tilespmem:$0x12A00] =	vst v63  }
0xcf: {  	s23 =	simm.s32 $0x2180;
	v31 =	vperm.xlane v16, v8;
	v30 =	vadd.s32 v3, v29  }
0xd0: {  	[tilespmem:s23], [sflag:$0x1] =	stream.indirect_vreg.gather [hbm4b:s8+s4], $0x80, v17, vm0, $0xb8;
	[tilespmem:$0x12A00] =	vst v63  }
0xd1: {  	s24 =	simm.s32 $0x2200;
	v16 =	vperm.xlane v16, v10;
	v17 =	vadd.s32 v3, v31  }
0xd2: {  	[tilespmem:s24], [sflag:$0x1] =	stream.indirect_vreg.gather [hbm4b:s8+s4], $0x80, v28, vm0, $0xb8;
	[tilespmem:$0x12A00] =	vst v63  }
0xd3: {  	s25 =	simm.s32 $0x2280;
	v16 =	vadd.s32 v3, v16  }
0xd4: {  	[tilespmem:s25], [sflag:$0x1] =	stream.indirect_vreg.gather [hbm4b:s8+s4], $0x80, v30, vm0, $0xb8;
	[tilespmem:$0x12A00] =	vst v63  }
0xd5: {  	s26 =	simm.s32 $0x2300  }
0xd6: {  	[tilespmem:s26], [sflag:$0x1] =	stream.indirect_vreg.gather [hbm4b:s8+s4], $0x80, v17, vm0, $0xb8;
	[tilespmem:$0x12A00] =	vst v63  }
0xd7: {  	s28 =	simm.s32 $0x2380  }
0xd8: {  	[tilespmem:s28], [sflag:$0x1] =	stream.indirect_vreg.gather [hbm4b:s8+s4], $0x80, v16, vm0, $0xb8;
	[tilespmem:$0x12A00] =	vst v63  }
0xd9: {  	v16 =	vld.msk [tilespmem:$0x400], $0xff;
	_ =	sdelay $0x4  }
0xda: {  	v17 =	vshll.u32 v16, $0x1  }
0xdb: {  	v16 =	vand.u32 $0x7, v16;
	v17 =	vand.u32 $0xFFFFFFF0, v17  }
0xdc: {  	v16 =	vor.u32 v16, v17  }
0xdd: {  	v17 =	vperm.xlane v16, v2;
	_ =	sdelay $0x1  }
0xde: {  	v32 =	vperm.xlane v16, v0;
	v17 =	vadd.s32 v3, v17;
	_ =	sdelay $0x1  }
0xdf: {  	v33 =	vperm.xlane v16, v4;
	v18 =	vadd.s32 v3, v32;
	_ =	sdelay $0x1  }
0xe0: {  	s29 =	simm.s32 $0x2400;
	v34 =	vperm.xlane v16, v5;
	v19 =	vadd.s32 v3, v33  }
0xe1: {  	[tilespmem:s29], [sflag:$0x1] =	stream.indirect_vreg.gather [hbm4b:s9+s4], $0x80, v17, vm0, $0xb8;
	[tilespmem:$0x12A00] =	vst v63  }
0xe2: {  	s30 =	simm.s32 $0x2480;
	v35 =	vperm.xlane v16, v6;
	v17 =	vadd.s32 v3, v34  }
0xe3: {  	[tilespmem:s30], [sflag:$0x1] =	stream.indirect_vreg.gather [hbm4b:s9+s4], $0x80, v18, vm0, $0xb8;
	[tilespmem:$0x12A00] =	vst v63  }
0xe4: {  	s31 =	simm.s32 $0x2500;
	v37 =	vperm.xlane v16, v7;
	v36 =	vadd.s32 v3, v35  }
0xe5: {  	[tilespmem:s31], [sflag:$0x1] =	stream.indirect_vreg.gather [hbm4b:s9+s4], $0x80, v19, vm0, $0xb8;
	[tilespmem:$0x12A00] =	vst v63  }
0xe6: {  	s1 =	simm.s32 $0x2580;
	v39 =	vperm.xlane v16, v8;
	v38 =	vadd.s32 v3, v37  }
0xe7: {  	[tilespmem:s1], [sflag:$0x1] =	stream.indirect_vreg.gather [hbm4b:s9+s4], $0x80, v17, vm0, $0xb8;
	[tilespmem:$0x12A00] =	vst v63  }
0xe8: {  	s3 =	simm.s32 $0x2600;
	v16 =	vperm.xlane v16, v10;
	v17 =	vadd.s32 v3, v39  }
0xe9: {  	[tilespmem:s3], [sflag:$0x1] =	stream.indirect_vreg.gather [hbm4b:s9+s4], $0x80, v36, vm0, $0xb8;
	[tilespmem:$0x12A00] =	vst v63  }
0xea: {  	s10 =	simm.s32 $0x2680;
	v16 =	vadd.s32 v3, v16  }
0xeb: {  	[tilespmem:s10], [sflag:$0x1] =	stream.indirect_vreg.gather [hbm4b:s9+s4], $0x80, v38, vm0, $0xb8;
	[tilespmem:$0x12A00] =	vst v63  }
0xec: {  	s11 =	simm.s32 $0x2700  }
0xed: {  	[tilespmem:s11], [sflag:$0x1] =	stream.indirect_vreg.gather [hbm4b:s9+s4], $0x80, v17, vm0, $0xb8;
	[tilespmem:$0x12A00] =	vst v63  }
0xee: {  	s12 =	simm.s32 $0x2780  }
0xef: {  	[tilespmem:s12], [sflag:$0x1] =	stream.indirect_vreg.gather [hbm4b:s9+s4], $0x80, v16, vm0, $0xb8;
	[tilespmem:$0x12A00] =	vst v63  }
0xf0: {  	v16 =	vld.msk [tilespmem:$0x0], $0xff;
	_ =	sdelay $0x4  }
0xf1: {  	v17 =	vshll.u32 v16, $0x2  }
0xf2: {  	v16 =	vand.u32 $0x7, v16;
	v17 =	vand.u32 $0xFFFFFFE0, v17  }
0xf3: {  	v16 =	vor.u32 v16, v17  }
0xf4: {  	v16 =	vperm.xlane v16, v12;
	_ =	sdelay $0x1  }
0xf5: {  	v16 =	vadd.s32 v14, v16;
	_ =	sdelay $0x3  }
0xf6: {  	s0 =	rddreg [dreg:$0x1];
	s13 =	simm.s32 $0x2800  }
0xf7: {  	[tilespmem:s13], [sflag:$0x1] =	stream.indirect_vreg.gather [hbm4b:s0+s4], $0x80, v16, vm1, $0xb8;
	[tilespmem:$0x12A00] =	vst v63  }
0xf8: {  	s15 =	simm.s32 $0x3000  }
0xf9: {  	[tilespmem:s15], [sflag:$0x1] =	stream.indirect_vreg.gather [hbm4b:s14+s4], $0x80, v16, vm1, $0xb8;
	[tilespmem:$0x12A00] =	vst v63  }
0xfa: {  	v16 =	vld.msk [tilespmem:$0x400], $0xff;
	_ =	sdelay $0x4  }
0xfb: {  	v17 =	vshll.u32 v16, $0x2  }
0xfc: {  	v16 =	vand.u32 $0x7, v16;
	v17 =	vand.u32 $0xFFFFFFE0, v17  }
0xfd: {  	v16 =	vor.u32 v16, v17  }
0xfe: {  	v16 =	vperm.xlane v16, v12;
	_ =	sdelay $0x1  }
0xff: {  	v16 =	vadd.s32 v14, v16;
	_ =	sdelay $0x3  }
0x100: {  	s16 =	simm.s32 $0x3800  }
0x101: {  	[tilespmem:s16], [sflag:$0x1] =	stream.indirect_vreg.gather [hbm4b:s0+s4], $0x80, v16, vm1, $0xb8;
	[tilespmem:$0x12A00] =	vst v63  }
0x102: {  	s17 =	simm.s32 $0x4000  }
0x103: {  	[tilespmem:s17], [sflag:$0x1] =	stream.indirect_vreg.gather [hbm4b:s14+s4], $0x80, v16, vm1, $0xb8;
	[tilespmem:$0x12A00] =	vst v63  }
0x104: {  	v16 =	vld.msk [tilespmem:$0x200], $0xff;
	_ =	sdelay $0x4  }
0x105: {  	v17 =	vshrl.u32 v16, $0x3  }
0x106: {  	v17 =	vmul.u32 $0x60, v17  }
0x107: {  	v16 =	vand.u32 $0x7, v16  }
0x108: {  	v16 =	vor.u32 v16, v17  }
0x109: {  	v16 =	vperm.xlane v16, v12;
	_ =	sdelay $0x1  }
0x10a: {  	v16 =	vadd.s32 v14, v16;
	_ =	sdelay $0x3  }
0x10b: {  	s18 =	simm.s32 $0x4800;
	s1 =	rddreg [dreg:$0x2]  }
0x10c: {  	[tilespmem:s18], [sflag:$0x1] =	stream.indirect_vreg.gather [hbm4b:s1+s4], $0x80, v16, vm1, $0xb8;
	[tilespmem:$0x12A00] =	vst v63  }
0x10d: {  	s19 =	simm.s32 $0x5000;
	s10 =	rddreg [dreg:$0xe]  }
0x10e: {  	[tilespmem:s19], [sflag:$0x1] =	stream.indirect_vreg.gather [hbm4b:s10+s4], $0x80, v16, vm1, $0xb8;
	[tilespmem:$0x12A00] =	vst v63  }
0x10f: {  	s23 =	simm.s32 $0x5800;
	s11 =	rddreg [dreg:$0xf]  }
0x110: {  	[tilespmem:s23], [sflag:$0x1] =	stream.indirect_vreg.gather [hbm4b:s11+s4], $0x80, v16, vm1, $0xb8;
	[tilespmem:$0x12A00] =	vst v63  }
0x111: {  	s24 =	simm.s32 $0x6000;
	s12 =	rddreg [dreg:$0x10]  }
0x112: {  	[tilespmem:s24], [sflag:$0x1] =	stream.indirect_vreg.gather [hbm4b:s12+s4], $0x80, v16, vm1, $0xb8;
	[tilespmem:$0x12A00] =	vst v63  }
0x113: {  	s25 =	simm.s32 $0x6800;
	s13 =	rddreg [dreg:$0x11]  }
0x114: {  	[tilespmem:s25], [sflag:$0x1] =	stream.indirect_vreg.gather [hbm4b:s13+s4], $0x80, v16, vm1, $0xb8;
	[tilespmem:$0x12A00] =	vst v63  }
0x115: {  	s26 =	simm.s32 $0x7000;
	s15 =	rddreg [dreg:$0x12]  }
0x116: {  	[tilespmem:s26], [sflag:$0x1] =	stream.indirect_vreg.gather [hbm4b:s15+s4], $0x80, v16, vm1, $0xb8;
	[tilespmem:$0x12A00] =	vst v63  }
0x117: {  	v16 =	vld.msk [tilespmem:$0x600], $0xff;
	_ =	sdelay $0x4  }
0x118: {  	v17 =	vshll.u32 v16, $0x3  }
0x119: {  	v16 =	vand.u32 $0x7, v16;
	v17 =	vand.u32 $0xFFFFFFC0, v17  }
0x11a: {  	v16 =	vor.u32 v16, v17  }
0x11b: {  	v16 =	vperm.xlane v16, v12;
	_ =	sdelay $0x1  }
0x11c: {  	v16 =	vadd.s32 v14, v16;
	_ =	sdelay $0x3  }
0x11d: {  	s3 =	rddreg [dreg:$0x3];
	s16 =	simm.s32 $0x7800  }
0x11e: {  	[tilespmem:s16], [sflag:$0x1] =	stream.indirect_vreg.gather [hbm4b:s3+s4], $0x80, v16, vm1, $0xb8;
	[tilespmem:$0x12A00] =	vst v63  }
0x11f: {  	s28 =	simm.s32 $0x8000  }
0x120: {  	[tilespmem:s28], [sflag:$0x1] =	stream.indirect_vreg.gather [hbm4b:s20+s4], $0x80, v16, vm1, $0xb8;
	[tilespmem:$0x12A00] =	vst v63  }
0x121: {  	s29 =	simm.s32 $0x8800  }
0x122: {  	[tilespmem:s29], [sflag:$0x1] =	stream.indirect_vreg.gather [hbm4b:s21+s4], $0x80, v16, vm1, $0xb8;
	[tilespmem:$0x12A00] =	vst v63  }
0x123: {  	s30 =	simm.s32 $0x9000  }
0x124: {  	[tilespmem:s30], [sflag:$0x1] =	stream.indirect_vreg.gather [hbm4b:s22+s4], $0x80, v16, vm1, $0xb8;
	[tilespmem:$0x12A00] =	vst v63  }
0x125: {  	v16 =	vld.msk [tilespmem:$0x8], $0xff;
	_ =	sdelay $0x4  }
0x126: {  	v17 =	vshll.u32 v16, $0x1  }
0x127: {  	v16 =	vand.u32 $0x7, v16;
	v17 =	vand.u32 $0xFFFFFFF0, v17  }
0x128: {  	v16 =	vor.u32 v16, v17  }
0x129: {  	v17 =	vperm.xlane v16, v2;
	_ =	sdelay $0x1  }
0x12a: {  	v40 =	vperm.xlane v16, v0;
	v17 =	vadd.s32 v3, v17;
	_ =	sdelay $0x1  }
0x12b: {  	v41 =	vperm.xlane v16, v4;
	v18 =	vadd.s32 v3, v40;
	_ =	sdelay $0x1  }
0x12c: {  	s31 =	simm.s32 $0x9800;
	v42 =	vperm.xlane v16, v5;
	v19 =	vadd.s32 v3, v41  }
0x12d: {  	[tilespmem:s31], [sflag:$0x2] =	stream.indirect_vreg.gather [hbm4b:s6+s4], $0x80, v17, vm0, $0xb8;
	[tilespmem:$0x12A00] =	vst v63  }
0x12e: {  	s17 =	simm.s32 $0x9880;
	v43 =	vperm.xlane v16, v6;
	v17 =	vadd.s32 v3, v42  }
0x12f: {  	[tilespmem:s17], [sflag:$0x2] =	stream.indirect_vreg.gather [hbm4b:s6+s4], $0x80, v18, vm0, $0xb8;
	[tilespmem:$0x12A00] =	vst v63  }
0x130: {  	s18 =	simm.s32 $0x9900;
	v45 =	vperm.xlane v16, v7;
	v44 =	vadd.s32 v3, v43  }
0x131: {  	[tilespmem:s18], [sflag:$0x2] =	stream.indirect_vreg.gather [hbm4b:s6+s4], $0x80, v19, vm0, $0xb8;
	[tilespmem:$0x12A00] =	vst v63  }
0x132: {  	s19 =	simm.s32 $0x9980;
	v47 =	vperm.xlane v16, v8;
	v46 =	vadd.s32 v3, v45  }
0x133: {  	[tilespmem:s19], [sflag:$0x2] =	stream.indirect_vreg.gather [hbm4b:s6+s4], $0x80, v17, vm0, $0xb8;
	[tilespmem:$0x12A00] =	vst v63  }
0x134: {  	s23 =	simm.s32 $0x9A00;
	v16 =	vperm.xlane v16, v10;
	v17 =	vadd.s32 v3, v47  }
0x135: {  	[tilespmem:s23], [sflag:$0x2] =	stream.indirect_vreg.gather [hbm4b:s6+s4], $0x80, v44, vm0, $0xb8;
	[tilespmem:$0x12A00] =	vst v63  }
0x136: {  	s24 =	simm.s32 $0x9A80;
	v16 =	vadd.s32 v3, v16  }
0x137: {  	[tilespmem:s24], [sflag:$0x2] =	stream.indirect_vreg.gather [hbm4b:s6+s4], $0x80, v46, vm0, $0xb8;
	[tilespmem:$0x12A00] =	vst v63  }
0x138: {  	s25 =	simm.s32 $0x9B00  }
0x139: {  	[tilespmem:s25], [sflag:$0x2] =	stream.indirect_vreg.gather [hbm4b:s6+s4], $0x80, v17, vm0, $0xb8;
	[tilespmem:$0x12A00] =	vst v63  }
0x13a: {  	s26 =	simm.s32 $0x9B80  }
0x13b: {  	[tilespmem:s26], [sflag:$0x2] =	stream.indirect_vreg.gather [hbm4b:s6+s4], $0x80, v16, vm0, $0xb8;
	[tilespmem:$0x12A00] =	vst v63  }
0x13c: {  	v16 =	vld.msk [tilespmem:$0x8], $0xff;
	_ =	sdelay $0x4  }
0x13d: {  	v17 =	vshll.u32 v16, $0x1  }
0x13e: {  	v16 =	vand.u32 $0x7, v16;
	v17 =	vand.u32 $0xFFFFFFF0, v17  }
0x13f: {  	v16 =	vor.u32 v16, v17  }
0x140: {  	v17 =	vperm.xlane v16, v2;
	_ =	sdelay $0x1  }
0x141: {  	v48 =	vperm.xlane v16, v0;
	v17 =	vadd.s32 v3, v17;
	_ =	sdelay $0x1  }
0x142: {  	v49 =	vperm.xlane v16, v4;
	v18 =	vadd.s32 v3, v48;
	_ =	sdelay $0x1  }
0x143: {  	s28 =	simm.s32 $0x9C00;
	v50 =	vperm.xlane v16, v5;
	v19 =	vadd.s32 v3, v49  }
0x144: {  	[tilespmem:s28], [sflag:$0x2] =	stream.indirect_vreg.gather [hbm4b:s7+s4], $0x80, v17, vm0, $0xb8;
	[tilespmem:$0x12A00] =	vst v63  }
0x145: {  	s29 =	simm.s32 $0x9C80;
	v51 =	vperm.xlane v16, v6;
	v17 =	vadd.s32 v3, v50  }
0x146: {  	[tilespmem:s29], [sflag:$0x2] =	stream.indirect_vreg.gather [hbm4b:s7+s4], $0x80, v18, vm0, $0xb8;
	[tilespmem:$0x12A00] =	vst v63  }
0x147: {  	s30 =	simm.s32 $0x9D00;
	v53 =	vperm.xlane v16, v7;
	v52 =	vadd.s32 v3, v51  }
0x148: {  	[tilespmem:s30], [sflag:$0x2] =	stream.indirect_vreg.gather [hbm4b:s7+s4], $0x80, v19, vm0, $0xb8;
	[tilespmem:$0x12A00] =	vst v63  }
0x149: {  	s31 =	simm.s32 $0x9D80;
	v55 =	vperm.xlane v16, v8;
	v54 =	vadd.s32 v3, v53  }
0x14a: {  	[tilespmem:s31], [sflag:$0x2] =	stream.indirect_vreg.gather [hbm4b:s7+s4], $0x80, v17, vm0, $0xb8;
	[tilespmem:$0x12A00] =	vst v63  }
0x14b: {  	s17 =	simm.s32 $0x9E00;
	v16 =	vperm.xlane v16, v10;
	v17 =	vadd.s32 v3, v55  }
0x14c: {  	[tilespmem:s17], [sflag:$0x2] =	stream.indirect_vreg.gather [hbm4b:s7+s4], $0x80, v52, vm0, $0xb8;
	[tilespmem:$0x12A00] =	vst v63  }
0x14d: {  	s18 =	simm.s32 $0x9E80;
	v16 =	vadd.s32 v3, v16  }
0x14e: {  	[tilespmem:s18], [sflag:$0x2] =	stream.indirect_vreg.gather [hbm4b:s7+s4], $0x80, v54, vm0, $0xb8;
	[tilespmem:$0x12A00] =	vst v63  }
0x14f: {  	s19 =	simm.s32 $0x9F00  }
0x150: {  	[tilespmem:s19], [sflag:$0x2] =	stream.indirect_vreg.gather [hbm4b:s7+s4], $0x80, v17, vm0, $0xb8;
	[tilespmem:$0x12A00] =	vst v63  }
0x151: {  	s23 =	simm.s32 $0x9F80  }
0x152: {  	[tilespmem:s23], [sflag:$0x2] =	stream.indirect_vreg.gather [hbm4b:s7+s4], $0x80, v16, vm0, $0xb8;
	[tilespmem:$0x12A00] =	vst v63  }
0x153: {  	v16 =	vld.msk [tilespmem:$0x8], $0xff;
	_ =	sdelay $0x4  }
0x154: {  	v17 =	vshll.u32 v16, $0x1  }
0x155: {  	v16 =	vand.u32 $0x7, v16;
	v17 =	vand.u32 $0xFFFFFFF0, v17  }
0x156: {  	v16 =	vor.u32 v16, v17  }
0x157: {  	v17 =	vperm.xlane v16, v2;
	_ =	sdelay $0x1  }
0x158: {  	v56 =	vperm.xlane v16, v0;
	v17 =	vadd.s32 v3, v17;
	_ =	sdelay $0x1  }
0x159: {  	v57 =	vperm.xlane v16, v4;
	v18 =	vadd.s32 v3, v56;
	_ =	sdelay $0x1  }
0x15a: {  	s24 =	simm.s32 $0xA000;
	v58 =	vperm.xlane v16, v5;
	v19 =	vadd.s32 v3, v57  }
0x15b: {  	[tilespmem:s24], [sflag:$0x2] =	stream.indirect_vreg.gather [hbm4b:s8+s4], $0x80, v17, vm0, $0xb8;
	[tilespmem:$0x12A00] =	vst v63  }
0x15c: {  	s25 =	simm.s32 $0xA080;
	v59 =	vperm.xlane v16, v6;
	v17 =	vadd.s32 v3, v58  }
0x15d: {  	[tilespmem:s25], [sflag:$0x2] =	stream.indirect_vreg.gather [hbm4b:s8+s4], $0x80, v18, vm0, $0xb8;
	[tilespmem:$0x12A00] =	vst v63  }
0x15e: {  	s26 =	simm.s32 $0xA100;
	v61 =	vperm.xlane v16, v7;
	v60 =	vadd.s32 v3, v59  }
0x15f: {  	[tilespmem:s26], [sflag:$0x2] =	stream.indirect_vreg.gather [hbm4b:s8+s4], $0x80, v19, vm0, $0xb8;
	[tilespmem:$0x12A00] =	vst v63  }
0x160: {  	s28 =	simm.s32 $0xA180;
	v63 =	vperm.xlane v16, v8;
	v62 =	vadd.s32 v3, v61  }
0x161: {  	[tilespmem:s28], [sflag:$0x2] =	stream.indirect_vreg.gather [hbm4b:s8+s4], $0x80, v17, vm0, $0xb8;
	[tilespmem:$0x12A00] =	vst v63  }
0x162: {  	s29 =	simm.s32 $0xA200;
	v16 =	vperm.xlane v16, v10;
	v17 =	vadd.s32 v3, v63  }
0x163: {  	[tilespmem:s29], [sflag:$0x2] =	stream.indirect_vreg.gather [hbm4b:s8+s4], $0x80, v60, vm0, $0xb8;
	[tilespmem:$0x12A00] =	vst v63  }
0x164: {  	s30 =	simm.s32 $0xA280;
	v16 =	vadd.s32 v3, v16  }
0x165: {  	[tilespmem:s30], [sflag:$0x2] =	stream.indirect_vreg.gather [hbm4b:s8+s4], $0x80, v62, vm0, $0xb8;
	[tilespmem:$0x12A00] =	vst v63  }
0x166: {  	s31 =	simm.s32 $0xA300  }
0x167: {  	[tilespmem:s31], [sflag:$0x2] =	stream.indirect_vreg.gather [hbm4b:s8+s4], $0x80, v17, vm0, $0xb8;
	[tilespmem:$0x12A00] =	vst v63  }
0x168: {  	s17 =	simm.s32 $0xA380  }
0x169: {  	[tilespmem:s17], [sflag:$0x2] =	stream.indirect_vreg.gather [hbm4b:s8+s4], $0x80, v16, vm0, $0xb8;
	[tilespmem:$0x12A00] =	vst v63  }
0x16a: {  	v16 =	vld.msk [tilespmem:$0x8], $0xff;
	_ =	sdelay $0x4  }
0x16b: {  	v17 =	vshll.u32 v16, $0x1  }
0x16c: {  	v16 =	vand.u32 $0x7, v16;
	v17 =	vand.u32 $0xFFFFFFF0, v17  }
0x16d: {  	v16 =	vor.u32 v16, v17  }
0x16e: {  	v17 =	vperm.xlane v16, v2;
	_ =	sdelay $0x1  }
0x16f: {  	v24 =	vperm.xlane v16, v0;
	v17 =	vadd.s32 v3, v17;
	_ =	sdelay $0x1  }
0x170: {  	v25 =	vperm.xlane v16, v4;
	v18 =	vadd.s32 v3, v24;
	_ =	sdelay $0x1  }
0x171: {  	s18 =	simm.s32 $0xA400;
	v26 =	vperm.xlane v16, v5;
	v19 =	vadd.s32 v3, v25  }
0x172: {  	[tilespmem:s18], [sflag:$0x2] =	stream.indirect_vreg.gather [hbm4b:s9+s4], $0x80, v17, vm0, $0xb8;
	[tilespmem:$0x12A00] =	vst v63  }
0x173: {  	s19 =	simm.s32 $0xA480;
	v27 =	vperm.xlane v16, v6;
	v17 =	vadd.s32 v3, v26  }
0x174: {  	[tilespmem:s19], [sflag:$0x2] =	stream.indirect_vreg.gather [hbm4b:s9+s4], $0x80, v18, vm0, $0xb8;
	[tilespmem:$0x12A00] =	vst v63  }
0x175: {  	s23 =	simm.s32 $0xA500;
	v29 =	vperm.xlane v16, v7;
	v28 =	vadd.s32 v3, v27  }
0x176: {  	[tilespmem:s23], [sflag:$0x2] =	stream.indirect_vreg.gather [hbm4b:s9+s4], $0x80, v19, vm0, $0xb8;
	[tilespmem:$0x12A00] =	vst v63  }
0x177: {  	s24 =	simm.s32 $0xA580;
	v31 =	vperm.xlane v16, v8;
	v30 =	vadd.s32 v3, v29  }
0x178: {  	[tilespmem:s24], [sflag:$0x2] =	stream.indirect_vreg.gather [hbm4b:s9+s4], $0x80, v17, vm0, $0xb8;
	[tilespmem:$0x12A00] =	vst v63  }
0x179: {  	s25 =	simm.s32 $0xA600;
	v16 =	vperm.xlane v16, v10;
	v17 =	vadd.s32 v3, v31  }
0x17a: {  	[tilespmem:s25], [sflag:$0x2] =	stream.indirect_vreg.gather [hbm4b:s9+s4], $0x80, v28, vm0, $0xb8;
	[tilespmem:$0x12A00] =	vst v63  }
0x17b: {  	s26 =	simm.s32 $0xA680;
	v16 =	vadd.s32 v3, v16  }
0x17c: {  	[tilespmem:s26], [sflag:$0x2] =	stream.indirect_vreg.gather [hbm4b:s9+s4], $0x80, v30, vm0, $0xb8;
	[tilespmem:$0x12A00] =	vst v63  }
0x17d: {  	s28 =	simm.s32 $0xA700  }
0x17e: {  	[tilespmem:s28], [sflag:$0x2] =	stream.indirect_vreg.gather [hbm4b:s9+s4], $0x80, v17, vm0, $0xb8;
	[tilespmem:$0x12A00] =	vst v63  }
0x17f: {  	s29 =	simm.s32 $0xA780  }
0x180: {  	[tilespmem:s29], [sflag:$0x2] =	stream.indirect_vreg.gather [hbm4b:s9+s4], $0x80, v16, vm0, $0xb8;
	[tilespmem:$0x12A00] =	vst v63  }
0x181: {  	v16 =	vld.msk [tilespmem:$0x408], $0xff;
	_ =	sdelay $0x4  }
0x182: {  	v17 =	vshll.u32 v16, $0x1  }
0x183: {  	v16 =	vand.u32 $0x7, v16;
	v17 =	vand.u32 $0xFFFFFFF0, v17  }
0x184: {  	v16 =	vor.u32 v16, v17  }
0x185: {  	v17 =	vperm.xlane v16, v2;
	_ =	sdelay $0x1  }
0x186: {  	v32 =	vperm.xlane v16, v0;
	v17 =	vadd.s32 v3, v17;
	_ =	sdelay $0x1  }
0x187: {  	v33 =	vperm.xlane v16, v4;
	v18 =	vadd.s32 v3, v32;
	_ =	sdelay $0x1  }
0x188: {  	s30 =	simm.s32 $0xA800;
	v34 =	vperm.xlane v16, v5;
	v19 =	vadd.s32 v3, v33  }
0x189: {  	[tilespmem:s30], [sflag:$0x2] =	stream.indirect_vreg.gather [hbm4b:s6+s4], $0x80, v17, vm0, $0xb8;
	[tilespmem:$0x12A00] =	vst v63  }
0x18a: {  	s31 =	simm.s32 $0xA880;
	v35 =	vperm.xlane v16, v6;
	v17 =	vadd.s32 v3, v34  }
0x18b: {  	[tilespmem:s31], [sflag:$0x2] =	stream.indirect_vreg.gather [hbm4b:s6+s4], $0x80, v18, vm0, $0xb8;
	[tilespmem:$0x12A00] =	vst v63  }
0x18c: {  	s17 =	simm.s32 $0xA900;
	v37 =	vperm.xlane v16, v7;
	v36 =	vadd.s32 v3, v35  }
0x18d: {  	[tilespmem:s17], [sflag:$0x2] =	stream.indirect_vreg.gather [hbm4b:s6+s4], $0x80, v19, vm0, $0xb8;
	[tilespmem:$0x12A00] =	vst v63  }
0x18e: {  	s18 =	simm.s32 $0xA980;
	v39 =	vperm.xlane v16, v8;
	v38 =	vadd.s32 v3, v37  }
0x18f: {  	[tilespmem:s18], [sflag:$0x2] =	stream.indirect_vreg.gather [hbm4b:s6+s4], $0x80, v17, vm0, $0xb8;
	[tilespmem:$0x12A00] =	vst v63  }
0x190: {  	s19 =	simm.s32 $0xAA00;
	v16 =	vperm.xlane v16, v10;
	v17 =	vadd.s32 v3, v39  }
0x191: {  	[tilespmem:s19], [sflag:$0x2] =	stream.indirect_vreg.gather [hbm4b:s6+s4], $0x80, v36, vm0, $0xb8;
	[tilespmem:$0x12A00] =	vst v63  }
0x192: {  	s23 =	simm.s32 $0xAA80;
	v16 =	vadd.s32 v3, v16  }
0x193: {  	[tilespmem:s23], [sflag:$0x2] =	stream.indirect_vreg.gather [hbm4b:s6+s4], $0x80, v38, vm0, $0xb8;
	[tilespmem:$0x12A00] =	vst v63  }
0x194: {  	s24 =	simm.s32 $0xAB00  }
0x195: {  	[tilespmem:s24], [sflag:$0x2] =	stream.indirect_vreg.gather [hbm4b:s6+s4], $0x80, v17, vm0, $0xb8;
	[tilespmem:$0x12A00] =	vst v63  }
0x196: {  	s25 =	simm.s32 $0xAB80  }
0x197: {  	[tilespmem:s25], [sflag:$0x2] =	stream.indirect_vreg.gather [hbm4b:s6+s4], $0x80, v16, vm0, $0xb8;
	[tilespmem:$0x12A00] =	vst v63  }
0x198: {  	v16 =	vld.msk [tilespmem:$0x408], $0xff;
	_ =	sdelay $0x4  }
0x199: {  	v17 =	vshll.u32 v16, $0x1  }
0x19a: {  	v16 =	vand.u32 $0x7, v16;
	v17 =	vand.u32 $0xFFFFFFF0, v17  }
0x19b: {  	v16 =	vor.u32 v16, v17  }
0x19c: {  	v17 =	vperm.xlane v16, v2;
	_ =	sdelay $0x1  }
0x19d: {  	v40 =	vperm.xlane v16, v0;
	v17 =	vadd.s32 v3, v17;
	_ =	sdelay $0x1  }
0x19e: {  	v41 =	vperm.xlane v16, v4;
	v18 =	vadd.s32 v3, v40;
	_ =	sdelay $0x1  }
0x19f: {  	s26 =	simm.s32 $0xAC00;
	v42 =	vperm.xlane v16, v5;
	v19 =	vadd.s32 v3, v41  }
0x1a0: {  	[tilespmem:s26], [sflag:$0x2] =	stream.indirect_vreg.gather [hbm4b:s7+s4], $0x80, v17, vm0, $0xb8;
	[tilespmem:$0x12A00] =	vst v63  }
0x1a1: {  	s28 =	simm.s32 $0xAC80;
	v43 =	vperm.xlane v16, v6;
	v17 =	vadd.s32 v3, v42  }
0x1a2: {  	[tilespmem:s28], [sflag:$0x2] =	stream.indirect_vreg.gather [hbm4b:s7+s4], $0x80, v18, vm0, $0xb8;
	[tilespmem:$0x12A00] =	vst v63  }
0x1a3: {  	s29 =	simm.s32 $0xAD00;
	v45 =	vperm.xlane v16, v7;
	v44 =	vadd.s32 v3, v43  }
0x1a4: {  	[tilespmem:s29], [sflag:$0x2] =	stream.indirect_vreg.gather [hbm4b:s7+s4], $0x80, v19, vm0, $0xb8;
	[tilespmem:$0x12A00] =	vst v63  }
0x1a5: {  	s30 =	simm.s32 $0xAD80;
	v47 =	vperm.xlane v16, v8;
	v46 =	vadd.s32 v3, v45  }
0x1a6: {  	[tilespmem:s30], [sflag:$0x2] =	stream.indirect_vreg.gather [hbm4b:s7+s4], $0x80, v17, vm0, $0xb8;
	[tilespmem:$0x12A00] =	vst v63  }
0x1a7: {  	s31 =	simm.s32 $0xAE00;
	v16 =	vperm.xlane v16, v10;
	v17 =	vadd.s32 v3, v47  }
0x1a8: {  	[tilespmem:s31], [sflag:$0x2] =	stream.indirect_vreg.gather [hbm4b:s7+s4], $0x80, v44, vm0, $0xb8;
	[tilespmem:$0x12A00] =	vst v63  }
0x1a9: {  	s17 =	simm.s32 $0xAE80;
	v16 =	vadd.s32 v3, v16  }
0x1aa: {  	[tilespmem:s17], [sflag:$0x2] =	stream.indirect_vreg.gather [hbm4b:s7+s4], $0x80, v46, vm0, $0xb8;
	[tilespmem:$0x12A00] =	vst v63  }
0x1ab: {  	s18 =	simm.s32 $0xAF00  }
0x1ac: {  	[tilespmem:s18], [sflag:$0x2] =	stream.indirect_vreg.gather [hbm4b:s7+s4], $0x80, v17, vm0, $0xb8;
	[tilespmem:$0x12A00] =	vst v63  }
0x1ad: {  	s19 =	simm.s32 $0xAF80  }
0x1ae: {  	[tilespmem:s19], [sflag:$0x2] =	stream.indirect_vreg.gather [hbm4b:s7+s4], $0x80, v16, vm0, $0xb8;
	[tilespmem:$0x12A00] =	vst v63  }
0x1af: {  	v16 =	vld.msk [tilespmem:$0x408], $0xff;
	_ =	sdelay $0x4  }
0x1b0: {  	v17 =	vshll.u32 v16, $0x1  }
0x1b1: {  	v16 =	vand.u32 $0x7, v16;
	v17 =	vand.u32 $0xFFFFFFF0, v17  }
0x1b2: {  	v16 =	vor.u32 v16, v17  }
0x1b3: {  	v17 =	vperm.xlane v16, v2;
	_ =	sdelay $0x1  }
0x1b4: {  	v48 =	vperm.xlane v16, v0;
	v17 =	vadd.s32 v3, v17;
	_ =	sdelay $0x1  }
0x1b5: {  	v49 =	vperm.xlane v16, v4;
	v18 =	vadd.s32 v3, v48;
	_ =	sdelay $0x1  }
0x1b6: {  	s23 =	simm.s32 $0xB000;
	v50 =	vperm.xlane v16, v5;
	v19 =	vadd.s32 v3, v49  }
0x1b7: {  	[tilespmem:s23], [sflag:$0x2] =	stream.indirect_vreg.gather [hbm4b:s8+s4], $0x80, v17, vm0, $0xb8;
	[tilespmem:$0x12A00] =	vst v63  }
0x1b8: {  	s24 =	simm.s32 $0xB080;
	v51 =	vperm.xlane v16, v6;
	v17 =	vadd.s32 v3, v50  }
0x1b9: {  	[tilespmem:s24], [sflag:$0x2] =	stream.indirect_vreg.gather [hbm4b:s8+s4], $0x80, v18, vm0, $0xb8;
	[tilespmem:$0x12A00] =	vst v63  }
0x1ba: {  	s25 =	simm.s32 $0xB100;
	v53 =	vperm.xlane v16, v7;
	v52 =	vadd.s32 v3, v51  }
0x1bb: {  	[tilespmem:s25], [sflag:$0x2] =	stream.indirect_vreg.gather [hbm4b:s8+s4], $0x80, v19, vm0, $0xb8;
	[tilespmem:$0x12A00] =	vst v63  }
0x1bc: {  	s26 =	simm.s32 $0xB180;
	v55 =	vperm.xlane v16, v8;
	v54 =	vadd.s32 v3, v53  }
0x1bd: {  	[tilespmem:s26], [sflag:$0x2] =	stream.indirect_vreg.gather [hbm4b:s8+s4], $0x80, v17, vm0, $0xb8;
	[tilespmem:$0x12A00] =	vst v63  }
0x1be: {  	s28 =	simm.s32 $0xB200;
	v16 =	vperm.xlane v16, v10;
	v17 =	vadd.s32 v3, v55  }
0x1bf: {  	[tilespmem:s28], [sflag:$0x2] =	stream.indirect_vreg.gather [hbm4b:s8+s4], $0x80, v52, vm0, $0xb8;
	[tilespmem:$0x12A00] =	vst v63  }
0x1c0: {  	s29 =	simm.s32 $0xB280;
	v16 =	vadd.s32 v3, v16  }
0x1c1: {  	[tilespmem:s29], [sflag:$0x2] =	stream.indirect_vreg.gather [hbm4b:s8+s4], $0x80, v54, vm0, $0xb8;
	[tilespmem:$0x12A00] =	vst v63  }
0x1c2: {  	s30 =	simm.s32 $0xB300  }
0x1c3: {  	[tilespmem:s30], [sflag:$0x2] =	stream.indirect_vreg.gather [hbm4b:s8+s4], $0x80, v17, vm0, $0xb8;
	[tilespmem:$0x12A00] =	vst v63  }
0x1c4: {  	s31 =	simm.s32 $0xB380  }
0x1c5: {  	[tilespmem:s31], [sflag:$0x2] =	stream.indirect_vreg.gather [hbm4b:s8+s4], $0x80, v16, vm0, $0xb8;
	[tilespmem:$0x12A00] =	vst v63  }
0x1c6: {  	v16 =	vld.msk [tilespmem:$0x408], $0xff;
	_ =	sdelay $0x4  }
0x1c7: {  	v17 =	vshll.u32 v16, $0x1  }
0x1c8: {  	v16 =	vand.u32 $0x7, v16;
	v17 =	vand.u32 $0xFFFFFFF0, v17  }
0x1c9: {  	v16 =	vor.u32 v16, v17  }
0x1ca: {  	v17 =	vperm.xlane v16, v2;
	_ =	sdelay $0x1  }
0x1cb: {  	v56 =	vperm.xlane v16, v0;
	v17 =	vadd.s32 v3, v17;
	_ =	sdelay $0x1  }
0x1cc: {  	v57 =	vperm.xlane v16, v4;
	v18 =	vadd.s32 v3, v56;
	_ =	sdelay $0x1  }
0x1cd: {  	s17 =	simm.s32 $0xB400;
	v58 =	vperm.xlane v16, v5;
	v19 =	vadd.s32 v3, v57  }
0x1ce: {  	[tilespmem:s17], [sflag:$0x2] =	stream.indirect_vreg.gather [hbm4b:s9+s4], $0x80, v17, vm0, $0xb8;
	[tilespmem:$0x12A00] =	vst v63  }
0x1cf: {  	s18 =	simm.s32 $0xB480;
	v59 =	vperm.xlane v16, v6;
	v17 =	vadd.s32 v3, v58  }
0x1d0: {  	[tilespmem:s18], [sflag:$0x2] =	stream.indirect_vreg.gather [hbm4b:s9+s4], $0x80, v18, vm0, $0xb8;
	[tilespmem:$0x12A00] =	vst v63  }
0x1d1: {  	s19 =	simm.s32 $0xB500;
	v61 =	vperm.xlane v16, v7;
	v60 =	vadd.s32 v3, v59  }
0x1d2: {  	[tilespmem:s19], [sflag:$0x2] =	stream.indirect_vreg.gather [hbm4b:s9+s4], $0x80, v19, vm0, $0xb8;
	[tilespmem:$0x12A00] =	vst v63  }
0x1d3: {  	s23 =	simm.s32 $0xB580;
	v63 =	vperm.xlane v16, v8;
	v62 =	vadd.s32 v3, v61  }
0x1d4: {  	[tilespmem:s23], [sflag:$0x2] =	stream.indirect_vreg.gather [hbm4b:s9+s4], $0x80, v17, vm0, $0xb8;
	[tilespmem:$0x12A00] =	vst v63  }
0x1d5: {  	s24 =	simm.s32 $0xB600;
	v16 =	vperm.xlane v16, v10;
	v17 =	vadd.s32 v3, v63  }
0x1d6: {  	[tilespmem:s24], [sflag:$0x2] =	stream.indirect_vreg.gather [hbm4b:s9+s4], $0x80, v60, vm0, $0xb8;
	[tilespmem:$0x12A00] =	vst v63  }
0x1d7: {  	s25 =	simm.s32 $0xB680;
	v16 =	vadd.s32 v3, v16  }
0x1d8: {  	[tilespmem:s25], [sflag:$0x2] =	stream.indirect_vreg.gather [hbm4b:s9+s4], $0x80, v62, vm0, $0xb8;
	[tilespmem:$0x12A00] =	vst v63  }
0x1d9: {  	s26 =	simm.s32 $0xB700  }
0x1da: {  	[tilespmem:s26], [sflag:$0x2] =	stream.indirect_vreg.gather [hbm4b:s9+s4], $0x80, v17, vm0, $0xb8;
	[tilespmem:$0x12A00] =	vst v63  }
0x1db: {  	s28 =	simm.s32 $0xB780  }
0x1dc: {  	[tilespmem:s28], [sflag:$0x2] =	stream.indirect_vreg.gather [hbm4b:s9+s4], $0x80, v16, vm0, $0xb8;
	[tilespmem:$0x12A00] =	vst v63  }
0x1dd: {  	v16 =	vld.msk [tilespmem:$0x8], $0xff;
	_ =	sdelay $0x4  }
0x1de: {  	v17 =	vshll.u32 v16, $0x2  }
0x1df: {  	v16 =	vand.u32 $0x7, v16;
	v17 =	vand.u32 $0xFFFFFFE0, v17  }
0x1e0: {  	v16 =	vor.u32 v16, v17  }
0x1e1: {  	v16 =	vperm.xlane v16, v12;
	_ =	sdelay $0x1  }
0x1e2: {  	v16 =	vadd.s32 v14, v16;
	_ =	sdelay $0x3  }
0x1e3: {  	s29 =	simm.s32 $0xB800  }
0x1e4: {  	[tilespmem:s29], [sflag:$0x2] =	stream.indirect_vreg.gather [hbm4b:s0+s4], $0x80, v16, vm1, $0xb8;
	[tilespmem:$0x12A00] =	vst v63  }
0x1e5: {  	s30 =	simm.s32 $0xC000  }
0x1e6: {  	[tilespmem:s30], [sflag:$0x2] =	stream.indirect_vreg.gather [hbm4b:s14+s4], $0x80, v16, vm1, $0xb8;
	[tilespmem:$0x12A00] =	vst v63  }
0x1e7: {  	v16 =	vld.msk [tilespmem:$0x408], $0xff;
	_ =	sdelay $0x4  }
0x1e8: {  	v17 =	vshll.u32 v16, $0x2  }
0x1e9: {  	v16 =	vand.u32 $0x7, v16;
	v17 =	vand.u32 $0xFFFFFFE0, v17  }
0x1ea: {  	v16 =	vor.u32 v16, v17  }
0x1eb: {  	v16 =	vperm.xlane v16, v12;
	_ =	sdelay $0x1  }
0x1ec: {  	v16 =	vadd.s32 v14, v16;
	_ =	sdelay $0x3  }
0x1ed: {  	s31 =	simm.s32 $0xC800  }
0x1ee: {  	[tilespmem:s31], [sflag:$0x2] =	stream.indirect_vreg.gather [hbm4b:s0+s4], $0x80, v16, vm1, $0xb8;
	[tilespmem:$0x12A00] =	vst v63  }
0x1ef: {  	s17 =	simm.s32 $0xD000  }
0x1f0: {  	[tilespmem:s17], [sflag:$0x2] =	stream.indirect_vreg.gather [hbm4b:s14+s4], $0x80, v16, vm1, $0xb8;
	[tilespmem:$0x12A00] =	vst v63  }
0x1f1: {  	v16 =	vld.msk [tilespmem:$0x208], $0xff;
	_ =	sdelay $0x4  }
0x1f2: {  	v17 =	vshrl.u32 v16, $0x3  }
0x1f3: {  	v17 =	vmul.u32 $0x60, v17  }
0x1f4: {  	v16 =	vand.u32 $0x7, v16  }
0x1f5: {  	v16 =	vor.u32 v16, v17  }
0x1f6: {  	v16 =	vperm.xlane v16, v12;
	_ =	sdelay $0x1  }
0x1f7: {  	v16 =	vadd.s32 v14, v16;
	_ =	sdelay $0x3  }
0x1f8: {  	s18 =	simm.s32 $0xD800  }
0x1f9: {  	[tilespmem:s18], [sflag:$0x2] =	stream.indirect_vreg.gather [hbm4b:s1+s4], $0x80, v16, vm1, $0xb8;
	[tilespmem:$0x12A00] =	vst v63  }
0x1fa: {  	s19 =	simm.s32 $0xE000  }
0x1fb: {  	[tilespmem:s19], [sflag:$0x2] =	stream.indirect_vreg.gather [hbm4b:s10+s4], $0x80, v16, vm1, $0xb8;
	[tilespmem:$0x12A00] =	vst v63  }
0x1fc: {  	s23 =	simm.s32 $0xE800  }
0x1fd: {  	[tilespmem:s23], [sflag:$0x2] =	stream.indirect_vreg.gather [hbm4b:s11+s4], $0x80, v16, vm1, $0xb8;
	[tilespmem:$0x12A00] =	vst v63  }
0x1fe: {  	s24 =	simm.s32 $0xF000  }
0x1ff: {  	[tilespmem:s24], [sflag:$0x2] =	stream.indirect_vreg.gather [hbm4b:s12+s4], $0x80, v16, vm1, $0xb8;
	[tilespmem:$0x12A00] =	vst v63  }
0x200: {  	s25 =	simm.s32 $0xF800  }
0x201: {  	[tilespmem:s25], [sflag:$0x2] =	stream.indirect_vreg.gather [hbm4b:s13+s4], $0x80, v16, vm1, $0xb8;
	[tilespmem:$0x12A00] =	vst v63  }
0x202: {  	s26 =	simm.s32 $0x10000  }
0x203: {  	[tilespmem:s26], [sflag:$0x2] =	stream.indirect_vreg.gather [hbm4b:s15+s4], $0x80, v16, vm1, $0xb8;
	[tilespmem:$0x12A00] =	vst v63  }
0x204: {  	v16 =	vld.msk [tilespmem:$0x608], $0xff;
	_ =	sdelay $0x4  }
0x205: {  	v17 =	vshll.u32 v16, $0x3  }
0x206: {  	v16 =	vand.u32 $0x7, v16;
	v17 =	vand.u32 $0xFFFFFFC0, v17  }
0x207: {  	v16 =	vor.u32 v16, v17  }
0x208: {  	v16 =	vperm.xlane v16, v12;
	_ =	sdelay $0x1  }
0x209: {  	v16 =	vadd.s32 v14, v16;
	_ =	sdelay $0x3  }
0x20a: {  	s28 =	simm.s32 $0x10800  }
0x20b: {  	[tilespmem:s28], [sflag:$0x2] =	stream.indirect_vreg.gather [hbm4b:s3+s4], $0x80, v16, vm1, $0xb8;
	[tilespmem:$0x12A00] =	vst v63  }
0x20c: {  	s29 =	simm.s32 $0x11000  }
0x20d: {  	[tilespmem:s29], [sflag:$0x2] =	stream.indirect_vreg.gather [hbm4b:s20+s4], $0x80, v16, vm1, $0xb8;
	[tilespmem:$0x12A00] =	vst v63  }
0x20e: {  	s30 =	simm.s32 $0x11800  }
0x20f: {  	[tilespmem:s30], [sflag:$0x2] =	stream.indirect_vreg.gather [hbm4b:s21+s4], $0x80, v16, vm1, $0xb8;
	[tilespmem:$0x12A00] =	vst v63  }
0x210: {  	s31 =	simm.s32 $0x12000;
	s25 =	simm.s32 $0x0  }
0x211: {  	[tilespmem:s31], [sflag:$0x2] =	stream.indirect_vreg.gather [hbm4b:s22+s4], $0x80, v16, vm1, $0xb8;
	[tilespmem:$0x12A00] =	vst v63  }
.LBB2_2:
0x212: {  	_ =	swait.ge [sflag:s2], $0x400  }
0x213: {  	[sflag:s2] =	ssyncset.done $0x0  }
0x214: {  	[sflag:s2] =	ssyncadd.s32 $0xFFFFFC00  }
0x215: {  	_ =	swait.ge [sflag:s2], $0x400  }
0x216: {  	[sflag:s2] =	ssyncset.done $0x0  }
0x217: {  	[sflag:s2] =	ssyncadd.s32 $0xFFFFFC00  }
0x218: {  	_ =	swait.ge [sflag:s2], $0x400  }
0x219: {  	[sflag:s2] =	ssyncset.done $0x0  }
0x21a: {  	[sflag:s2] =	ssyncadd.s32 $0xFFFFFC00  }
0x21b: {  	_ =	swait.ge [sflag:s2], $0x400  }
0x21c: {  	[sflag:s2] =	ssyncset.done $0x0  }
0x21d: {  	[sflag:s2] =	ssyncadd.s32 $0xFFFFFC00  }
0x21e: {  	_ =	swait.ge [sflag:s2], $0x400  }
0x21f: {  	[sflag:s2] =	ssyncset.done $0x0  }
0x220: {  	[sflag:s2] =	ssyncadd.s32 $0xFFFFFC00  }
0x221: {  	_ =	swait.ge [sflag:s2], $0x400  }
0x222: {  	[sflag:s2] =	ssyncset.done $0x0  }
0x223: {  	[sflag:s2] =	ssyncadd.s32 $0xFFFFFC00  }
0x224: {  	_ =	swait.ge [sflag:s2], $0x400  }
0x225: {  	[sflag:s2] =	ssyncset.done $0x0  }
0x226: {  	[sflag:s2] =	ssyncadd.s32 $0xFFFFFC00  }
0x227: {  	_ =	swait.ge [sflag:s2], $0x400  }
0x228: {  	[sflag:s2] =	ssyncset.done $0x0  }
0x229: {  	[sflag:s2] =	ssyncadd.s32 $0xFFFFFC00  }
0x22a: {  	_ =	swait.ge [sflag:s2], $0x1000  }
0x22b: {  	[sflag:s2] =	ssyncset.done $0x0  }
0x22c: {  	[sflag:s2] =	ssyncadd.s32 $0xFFFFF000  }
0x22d: {  	_ =	swait.ge [sflag:s2], $0x1000  }
0x22e: {  	s26 =	simm.s32 $0x0;
	[sflag:s2] =	ssyncset.done $0x0  }
0x22f: {  	s28 =	simm.s32 $0x2400;
	s10 =	simm.s32 $0x2000;
	[sflag:s2] =	ssyncadd.s32 $0xFFFFF000  }
0x230: {  	s11 =	simm.s32 $0x6000;
	s12 =	simm.s32 $0x1C00;
	_ =	swait.ge [sflag:s2], $0x3000  }
0x231: {  	s13 =	simm.s32 $0x1800;
	s23 =	simm.s32 $0x8800;
	[sflag:s2] =	ssyncset.done $0x0  }
0x232: {  	s24 =	simm.s32 $0x1400;
	s29 =	simm.s32 $0x1000;
	[sflag:s2] =	ssyncadd.s32 $0xFFFFD000  }
0x233: {  	s30 =	simm.s32 $0x800;
	s31 =	simm.s32 $0xC00;
	_ =	swait.ge [sflag:s2], $0x2000  }
0x234: {  	s3 =	simm.s32 $0x3400;
	s1 =	simm.s32 $0x4400;
	[sflag:s2] =	ssyncset.done $0x0  }
0x235: {  	v16 =	vimm.f32 $0.0e+00;
	s0 =	simm.s32 $0x6400;
	s15 =	simm.s32 $0x8C00;
	[sflag:s2] =	ssyncadd.s32 $0xFFFFE000  }
.LBB2_3:
0x236: {  	v18 =	vmov s29  }
0x237: {  	v19 =	vmov s24  }
0x238: {  	v17 =	vmov s23;
	_ =	sdelay $0x1  }
0x239: {  	v20 =	vmov s30;
	s16 =	simm.s32 $0x0  }
0x23a: {  	v22 =	vmov s31;
	v21 =	vld.idx.msk [tilespmem:v18+s16+$0x0 ss:$0x1], $0xffff  }
0x23b: {  	v24 =	vmov s13;
	v29 =	vld.idx.msk [tilespmem:v19+s16+$0x0 ss:$0x1], $0xffff  }
0x23c: {  	v26 =	vmov s12;
	v30 =	vld.idx.msk [tilespmem:v17+s16+$0xFFFFF000 ss:$0x1], $0xffff  }
0x23d: {  	v25 =	vmov s11;
	v31 =	vld.idx.msk [tilespmem:v17+s16+$0xFFFFF800 ss:$0x1], $0xffff  }
0x23e: {  	v35 =	vld.idx.msk [tilespmem:v20+s16+$0x0 ss:$0x1], $0xffff  }
0x23f: {  	v38 =	vld.idx.msk [tilespmem:v22+s16+$0x0 ss:$0x1], $0xffff  }
0x240: {  	v23 =	vld.idx.msk [tilespmem:v24+s16+$0x0 ss:$0x1], $0xffff  }
0x241: {  	v39 =	vld.idx.msk [tilespmem:v26+s16+$0x0 ss:$0x1], $0xffff  }
0x242: {  	v32 =	vld.idx.msk [tilespmem:v25+s16+$0xFFFFF800 ss:$0x1], $0xffff  }
0x243: {  	v27 =	vmov s10;
	v33 =	vld.idx.msk [tilespmem:v25+s16+$0x0 ss:$0x1], $0xffff  }
0x244: {  	v34 =	vld.idx.msk [tilespmem:v25+s16+$0x800 ss:$0x1], $0xffff  }
0x245: {  	v36 =	vld.idx.msk [tilespmem:v25+s16+$0x1000 ss:$0x1], $0xffff  }
0x246: {  	v28 =	vmov s28;
	v40 =	vld.idx.msk [tilespmem:v25+s16+$0xFFFFE800 ss:$0x1], $0xffff;
	v42 =	vmul.f32 v30, v29  }
0x247: {  	v41 =	vld.idx.msk [tilespmem:v25+s16+$0xFFFFF000 ss:$0x1], $0xffff;
	v43 =	vmul.f32 v31, v21;
	v45 =	vmul.f32 v32, v38  }
0x248: {  	v37 =	vld.idx.msk [tilespmem:v27+s16+$0x0 ss:$0x1], $0xffff;
	v46 =	vmul.f32 v33, v35;
	v48 =	vmul.f32 v32, v35  }
0x249: {  	v44 =	vld.idx.msk [tilespmem:v17+s16+$0x0 ss:$0x1], $0xffff;
	v49 =	vmul.f32 v33, v38;
	v51 =	vmul.f32 v34, v39  }
0x24a: {  	v47 =	vld.idx.msk [tilespmem:v17+s16+$0x800 ss:$0x1], $0xffff;
	v52 =	vmul.f32 v36, v23;
	v53 =	vmul.f32 v34, v23  }
0x24b: {  	s17 =	simm.s32 $0x10;
	v50 =	vld.idx.msk [tilespmem:v28+s16+$0x0 ss:$0x1], $0xffff;
	v36 =	vmul.f32 v36, v39;
	v21 =	vmul.f32 v30, v21  }
0x24c: {  	v33 =	vld.idx.msk [tilespmem:v18+s17+$0x0 ss:$0x1], $0xffff;
	v59 =	vmul.f32 v31, v29;
	v61 =	vmul.f32 v40, v38  }
0x24d: {  	v32 =	vld.idx.msk [tilespmem:v19+s17+$0x0 ss:$0x1], $0xffff;
	v62 =	vmul.f32 v41, v35;
	v45 =	vadd.f32 v46, v45;
	v57 =	vsub.f32 v48, v49  }
0x24e: {  	v34 =	vld.idx.msk [tilespmem:v17+s17+$0xFFFFF000 ss:$0x1], $0xffff;
	v35 =	vmul.f32 v40, v35;
	v58 =	vadd.f32 v52, v51;
	v36 =	vsub.f32 v53, v36  }
0x24f: {  	v29 =	vld.idx.msk [tilespmem:v17+s17+$0xFFFFF800 ss:$0x1], $0xffff;
	v42 =	vadd.f32 v43, v42;
	v45 =	vmul.f32 v31, v45;
	v46 =	vmul.f32 v30, v57  }
0x250: {  	v40 =	vld.idx.msk [tilespmem:v25+s17+$0xFFFFF800 ss:$0x1], $0xffff;
	v21 =	vsub.f32 v21, v59;
	v60 =	vmul.f32 v47, v58;
	v44 =	vmul.f32 v44, v36  }
0x251: {  	v41 =	vmul.f32 v41, v38;
	v38 =	vld.idx.msk [tilespmem:v25+s17+$0x800 ss:$0x1], $0xffff;
	v42 =	vmul.f32 v42, v50  }
0x252: {  	v30 =	vld.idx.msk [tilespmem:v20+s17+$0x0 ss:$0x1], $0xffff;
	v21 =	vmul.f32 v21, v37;
	v45 =	vadd.f32 v45, v46;
	v43 =	vadd.f32 v60, v44  }
0x253: {  	v36 =	vld.idx.msk [tilespmem:v24+s17+$0x0 ss:$0x1], $0xffff  }
0x254: {  	v37 =	vld.idx.msk [tilespmem:v26+s17+$0x0 ss:$0x1], $0xffff;
	v21 =	vadd.f32 v21, v42;
	v43 =	vadd.f32 v43, v45  }
0x255: {  	v63 =	vadd.f32 v62, v61;
	v31 =	vld.idx.msk [tilespmem:v22+s17+$0x0 ss:$0x1], $0xffff  }
0x256: {  	v42 =	vld.idx.msk [tilespmem:v25+s17+$0x0 ss:$0x1], $0xffff;
	v44 =	vsub.f32 v35, v41;
	v43 =	vadd.f32 v43, v21  }
0x257: {  	s18 =	simm.s32 $0x80;
	s16 =	sshll.u32 s26, $0x7;
	v39 =	vmul.f32 v63, v39;
	v41 =	vld.idx.msk [tilespmem:v25+s17+$0x1000 ss:$0x1], $0xffff;
	v35 =	vimm.f32 $0.0e+00;
	v21 =	vimm.f32 $0.0e+00  }
.LBB2_4:
0x258: {  	p0 =	sne.s32 s18, $0x1C0;
	v45 =	vld.idx.msk [tilespmem:v25+s17+$0xFFFFE800 ss:$0x1], $0xffff;
	v44 =	vmul.f32 v44, v23;
	v35 =	vadd.f32 v43, v35;
	v23 =	vmov v36  }
0x259: {  	v46 =	vmov v37;
	v43 =	vld.idx.msk [tilespmem:v25+s17+$0xFFFFF000 ss:$0x1], $0xffff  }
0x25a: {  	v36 =	vmul.f32 v34, v32;
	v47 =	vmul.f32 v29, v33;
	v37 =	vld.idx.msk [tilespmem:v27+s17+$0x0 ss:$0x1], $0xffff;
	v39 =	vadd.f32 v44, v39  }
0x25b: {  	v48 =	vmul.f32 v40, v31;
	v49 =	vmul.f32 v42, v30;
	v44 =	vld.idx.msk [tilespmem:v17+s17+$0x0 ss:$0x1], $0xffff  }
0x25c: {  	v40 =	vmul.f32 v40, v30;
	v42 =	vmul.f32 v42, v31;
	v50 =	vld.idx.msk [tilespmem:v17+s17+$0x800 ss:$0x1], $0xffff;
	v21 =	vadd.f32 v39, v21  }
0x25d: {  	v51 =	vmul.f32 v38, v46;
	v52 =	vmul.f32 v41, v23;
	v39 =	vld.idx.msk [tilespmem:v28+s17+$0x0 ss:$0x1], $0xffff;
	s17 =	sshra.s32 s18, $0x2  }
0x25e: {  	v38 =	vmul.f32 v38, v23;
	v41 =	vmul.f32 v41, v46;
	v53 =	vld.idx.msk [tilespmem:v18+s17+$0x0 ss:$0x1], $0xffff  }
0x25f: {  	v33 =	vmul.f32 v34, v33;
	v48 =	vadd.f32 v49, v48;
	v40 =	vsub.f32 v40, v42;
	v54 =	vld.idx.msk [tilespmem:v19+s17+$0x0 ss:$0x1], $0xffff  }
0x260: {  	v32 =	vmul.f32 v29, v32;
	v42 =	vadd.f32 v52, v51;
	v38 =	vsub.f32 v38, v41;
	v49 =	vld.idx.msk [tilespmem:v17+s17+$0xFFFFF000 ss:$0x1], $0xffff  }
0x261: {  	v36 =	vadd.f32 v47, v36;
	v41 =	vmul.f32 v29, v48;
	v34 =	vmul.f32 v34, v40;
	v29 =	vld.idx.msk [tilespmem:v17+s17+$0xFFFFF800 ss:$0x1], $0xffff  }
0x262: {  	v38 =	vmul.f32 v44, v38;
	v40 =	vmul.f32 v50, v42;
	v42 =	vsub.f32 v33, v32;
	v47 =	vld.idx.msk [tilespmem:v20+s17+$0x0 ss:$0x1], $0xffff  }
0x263: {  	v44 =	vmul.f32 v45, v31;
	v39 =	vmul.f32 v36, v39;
	v48 =	vld.idx.msk [tilespmem:v22+s17+$0x0 ss:$0x1], $0xffff  }
0x264: {  	v51 =	vadd.f32 v41, v34;
	v38 =	vadd.f32 v40, v38;
	v41 =	vmul.f32 v42, v37;
	v36 =	vld.idx.msk [tilespmem:v24+s17+$0x0 ss:$0x1], $0xffff  }
.Ltmp2:
0x265: {  	v52 =	vmul.f32 v45, v30;
	v50 =	vmul.f32 v43, v30;
	v33 =	vmovc v53;
	v32 =	vmov v54;
	v37 =	vld.idx.msk [tilespmem:v26+s17+$0x0 ss:$0x1], $0xffff;
	(pc) =	sbr.rel @p0 .LBB2_4-.Ltmp2, $4  }
0x266: {  	v53 =	vmul.f32 v43, v31;
	v39 =	vadd.f32 v41, v39;
	v41 =	vadd.f32 v38, v51;
	v40 =	vld.idx.msk [tilespmem:v25+s17+$0xFFFFF800 ss:$0x1], $0xffff  }
0x267: {  	v45 =	vadd.f32 v50, v44;
	v34 =	vmov v49;
	v42 =	vld.idx.msk [tilespmem:v25+s17+$0x0 ss:$0x1], $0xffff  }
0x268: {  	v44 =	vsub.f32 v52, v53;
	v43 =	vadd.f32 v41, v39;
	v30 =	vmov v47;
	v38 =	vld.idx.msk [tilespmem:v25+s17+$0x800 ss:$0x1], $0xffff  }
0x269: {  	s18 =	sadd.s32 $0x40, s18;
	v39 =	vmul.f32 v45, v46;
	v31 =	vmov v48;
	v41 =	vld.idx.msk [tilespmem:v25+s17+$0x1000 ss:$0x1], $0xffff  }
0x26a: {  	_ =	sdelay $0x3  }
0x26b: {  	v22 =	vld.idx.msk [tilespmem:v25+s17+$0xFFFFE800 ss:$0x1], $0xffff  }
0x26c: {  	v25 =	vld.idx.msk [tilespmem:v25+s17+$0xFFFFF000 ss:$0x1], $0xffff;
	v19 =	vmov s3  }
0x26d: {  	v26 =	vld.idx.msk [tilespmem:v27+s17+$0x0 ss:$0x1], $0xffff  }
0x26e: {  	v27 =	vld.idx.msk [tilespmem:v17+s17+$0x0 ss:$0x1], $0xffff;
	v18 =	vmov s15  }
0x26f: {  	v45 =	vld.idx.msk [tilespmem:v17+s17+$0x800 ss:$0x1], $0xffff  }
0x270: {  	v28 =	vld.idx.msk [tilespmem:v28+s17+$0x0 ss:$0x1], $0xffff;
	s18 =	simm.s32 $0x0  }
0x271: {  	v23 =	vmul.f32 v44, v23;
	v46 =	vld.idx.msk [tilespmem:v19+s18+$0xFFFFFC00 ss:$0x1], $0xffff  }
0x272: {  	v44 =	vmul.f32 v34, v32;
	v20 =	vmov s1;
	v48 =	vmul.f32 v29, v33;
	v47 =	vld.idx.msk [tilespmem:v19+s18+$0x0 ss:$0x1], $0xffff  }
0x273: {  	v59 =	vmul.f32 v34, v33;
	v60 =	vmul.f32 v29, v32;
	v49 =	vld.idx.msk [tilespmem:v18+s18+$0xFFFFF000 ss:$0x1], $0xffff  }
0x274: {  	v17 =	vmov s0;
	v24 =	vmul.f32 v40, v31;
	v62 =	vmul.f32 v40, v30;
	v51 =	vld.idx.msk [tilespmem:v18+s18+$0xFFFFF800 ss:$0x1], $0xffff  }
0x275: {  	v50 =	vmul.f32 v42, v30;
	v63 =	vmul.f32 v42, v31;
	v53 =	vld.idx.msk [tilespmem:v19+s18+$0xFFFFF400 ss:$0x1], $0xffff  }
0x276: {  	v32 =	vsub.f32 v59, v60;
	v52 =	vmul.f32 v38, v37;
	v57 =	vmul.f32 v38, v36;
	v55 =	vld.idx.msk [tilespmem:v19+s18+$0xFFFFF800 ss:$0x1], $0xffff  }
0x277: {  	v54 =	vmul.f32 v41, v36;
	v58 =	vmul.f32 v41, v37;
	v50 =	vadd.f32 v50, v24;
	v24 =	vld.idx.msk [tilespmem:v20+s18+$0xFFFFF400 ss:$0x1], $0xffff  }
0x278: {  	v40 =	vsub.f32 v62, v63;
	v42 =	vld.idx.msk [tilespmem:v20+s18+$0xFFFFF800 ss:$0x1], $0xffff;
	v63 =	vmul.f32 v22, v31;
	v22 =	vmul.f32 v22, v30  }
0x279: {  	v43 =	vadd.f32 v43, v35;
	v35 =	vld.idx.msk [tilespmem:v17+s18+$0xFFFFF800 ss:$0x1], $0xffff;
	v30 =	vmul.f32 v25, v30;
	v25 =	vmul.f32 v25, v31  }
0x27a: {  	v56 =	vld.idx.msk [tilespmem:v17+s18+$0x0 ss:$0x1], $0xffff;
	v26 =	vmul.f32 v32, v26;
	v29 =	vmul.f32 v29, v50;
	v62 =	vadd.f32 v54, v52  }
0x27b: {  	v31 =	vld.idx.msk [tilespmem:v17+s18+$0x800 ss:$0x1], $0xffff;
	v61 =	vmul.f32 v34, v40;
	v38 =	vsub.f32 v57, v58;
	v57 =	vadd.f32 v48, v44  }
0x27c: {  	v58 =	vld.idx.msk [tilespmem:v17+s18+$0x1000 ss:$0x1], $0xffff;
	v30 =	vadd.f32 v30, v63;
	v22 =	vsub.f32 v22, v25;
	v40 =	vmul.f32 v45, v62  }
0x27d: {  	v52 =	vld.idx.msk [tilespmem:v20+s18+$0x0 ss:$0x1], $0xffff;
	v25 =	vadd.f32 v23, v39;
	v27 =	vmul.f32 v27, v38;
	v23 =	vmul.f32 v57, v28  }
0x27e: {  	v38 =	vld.idx.msk [tilespmem:v17+s18+$0xFFFFE800 ss:$0x1], $0xffff;
	v29 =	vadd.f32 v29, v61;
	v32 =	vmul.f32 v30, v37;
	v34 =	vmul.f32 v22, v36  }
0x27f: {  	v28 =	vld.idx.msk [tilespmem:v17+s18+$0xFFFFF000 ss:$0x1], $0xffff;
	v22 =	vadd.f32 v40, v27;
	v59 =	vmul.f32 v49, v47;
	v60 =	vmul.f32 v51, v46  }
0x280: {  	v61 =	vld.idx.msk [tilespmem:v18+s18+$0x0 ss:$0x1], $0xffff;
	v26 =	vadd.f32 v26, v23;
	v23 =	vmul.f32 v35, v55;
	v27 =	vmul.f32 v56, v53  }
0x281: {  	v62 =	vld.idx.msk [tilespmem:v18+s18+$0x800 ss:$0x1], $0xffff;
	v21 =	vadd.f32 v25, v21;
	v54 =	vmul.f32 v31, v42;
	v33 =	vmul.f32 v58, v42  }
0x282: {  	s17 =	simm.s32 $0x10;
	v36 =	vld.idx.msk [tilespmem:v20+s18+$0xFFFFFC00 ss:$0x1], $0xffff;
	v63 =	vadd.f32 v22, v29;
	v22 =	vmul.f32 v35, v53;
	v29 =	vmul.f32 v56, v55  }
0x283: {  	v30 =	vld.idx.msk [tilespmem:v19+s17+$0xFFFFFC00 ss:$0x1], $0xffff;
	v56 =	vmul.f32 v58, v24;
	v23 =	vadd.f32 v27, v23;
	v27 =	vmul.f32 v31, v24  }
0x284: {  	v25 =	vld.idx.msk [tilespmem:v20+s17+$0xFFFFF400 ss:$0x1], $0xffff;
	v46 =	vmul.f32 v49, v46;
	v34 =	vadd.f32 v34, v32;
	v22 =	vsub.f32 v22, v29  }
0x285: {  	v47 =	vmul.f32 v51, v47;
	v32 =	vld.idx.msk [tilespmem:v17+s17+$0xFFFFF800 ss:$0x1], $0xffff;
	v45 =	vadd.f32 v56, v54;
	v33 =	vsub.f32 v27, v33  }
0x286: {  	v31 =	vld.idx.msk [tilespmem:v18+s17+$0xFFFFF000 ss:$0x1], $0xffff;
	v37 =	vadd.f32 v60, v59;
	v57 =	vmul.f32 v51, v23;
	v49 =	vmul.f32 v49, v22  }
0x287: {  	v59 =	vsub.f32 v46, v47;
	v29 =	vld.idx.msk [tilespmem:v19+s17+$0x0 ss:$0x1], $0xffff;
	v58 =	vmul.f32 v62, v45;
	v33 =	vmul.f32 v61, v33  }
0x288: {  	v60 =	vmul.f32 v38, v55;
	v27 =	vld.idx.msk [tilespmem:v18+s17+$0xFFFFF800 ss:$0x1], $0xffff;
	v35 =	vmul.f32 v37, v52  }
0x289: {  	v23 =	vld.idx.msk [tilespmem:v19+s17+$0xFFFFF400 ss:$0x1], $0xffff;
	v36 =	vmul.f32 v59, v36;
	v61 =	vadd.f32 v57, v49;
	v33 =	vadd.f32 v58, v33  }
0x28a: {  	v38 =	vmul.f32 v38, v53;
	v44 =	vadd.f32 v63, v26;
	v26 =	vld.idx.msk [tilespmem:v20+s17+$0xFFFFF800 ss:$0x1], $0xffff;
	v62 =	vmul.f32 v28, v53  }
0x28b: {  	v63 =	vmul.f32 v28, v55;
	v22 =	vld.idx.msk [tilespmem:v19+s17+$0xFFFFF800 ss:$0x1], $0xffff;
	v36 =	vadd.f32 v36, v35;
	v37 =	vadd.f32 v33, v61  }
0x28c: {  	v35 =	vld.idx.msk [tilespmem:v17+s17+$0x0 ss:$0x1], $0xffff;
	v28 =	vadd.f32 v44, v43;
	v39 =	vadd.f32 v62, v60  }
0x28d: {  	v38 =	vsub.f32 v38, v63;
	v33 =	vld.idx.msk [tilespmem:v17+s17+$0x800 ss:$0x1], $0xffff;
	v37 =	vadd.f32 v37, v36  }
0x28e: {  	s18 =	simm.s32 $0x80;
	v21 =	vadd.f32 v34, v21;
	v34 =	vmul.f32 v39, v42;
	v36 =	vld.idx.msk [tilespmem:v17+s17+$0x1000 ss:$0x1], $0xffff  }
.LBB2_6:
0x28f: {  	p0 =	sne.s32 s18, $0xC0;
	v39 =	vld.idx.msk [tilespmem:v17+s17+$0xFFFFE800 ss:$0x1], $0xffff;
	v38 =	vmul.f32 v38, v24;
	v28 =	vadd.f32 v37, v28;
	v24 =	vmov v25  }
0x290: {  	v40 =	vmov v26;
	v37 =	vld.idx.msk [tilespmem:v17+s17+$0xFFFFF000 ss:$0x1], $0xffff  }
0x291: {  	v25 =	vmul.f32 v31, v29;
	v41 =	vmul.f32 v27, v30;
	v26 =	vld.idx.msk [tilespmem:v20+s17+$0xFFFFFC00 ss:$0x1], $0xffff;
	v34 =	vadd.f32 v38, v34  }
0x292: {  	v42 =	vmul.f32 v32, v22;
	v43 =	vmul.f32 v35, v23;
	v38 =	vld.idx.msk [tilespmem:v18+s17+$0x0 ss:$0x1], $0xffff  }
0x293: {  	v32 =	vmul.f32 v32, v23;
	v35 =	vmul.f32 v35, v22;
	v44 =	vld.idx.msk [tilespmem:v18+s17+$0x800 ss:$0x1], $0xffff;
	v21 =	vadd.f32 v34, v21  }
0x294: {  	v45 =	vmul.f32 v33, v40;
	v46 =	vmul.f32 v36, v24;
	v34 =	vld.idx.msk [tilespmem:v20+s17+$0x0 ss:$0x1], $0xffff;
	s17 =	sshra.s32 s18, $0x2  }
0x295: {  	v33 =	vmul.f32 v33, v24;
	v36 =	vmul.f32 v36, v40;
	v47 =	vld.idx.msk [tilespmem:v19+s17+$0xFFFFFC00 ss:$0x1], $0xffff  }
0x296: {  	v30 =	vmul.f32 v31, v30;
	v42 =	vadd.f32 v43, v42;
	v32 =	vsub.f32 v32, v35;
	v48 =	vld.idx.msk [tilespmem:v19+s17+$0x0 ss:$0x1], $0xffff  }
0x297: {  	v29 =	vmul.f32 v27, v29;
	v35 =	vadd.f32 v46, v45;
	v33 =	vsub.f32 v33, v36;
	v43 =	vld.idx.msk [tilespmem:v18+s17+$0xFFFFF000 ss:$0x1], $0xffff  }
0x298: {  	v25 =	vadd.f32 v41, v25;
	v36 =	vmul.f32 v27, v42;
	v31 =	vmul.f32 v31, v32;
	v27 =	vld.idx.msk [tilespmem:v18+s17+$0xFFFFF800 ss:$0x1], $0xffff  }
0x299: {  	v33 =	vmul.f32 v38, v33;
	v32 =	vmul.f32 v44, v35;
	v44 =	vsub.f32 v30, v29;
	v41 =	vld.idx.msk [tilespmem:v19+s17+$0xFFFFF400 ss:$0x1], $0xffff  }
0x29a: {  	v38 =	vmul.f32 v39, v22;
	v34 =	vmul.f32 v25, v34;
	v42 =	vld.idx.msk [tilespmem:v19+s17+$0xFFFFF800 ss:$0x1], $0xffff  }
0x29b: {  	v45 =	vadd.f32 v36, v31;
	v33 =	vadd.f32 v32, v33;
	v35 =	vmul.f32 v44, v26;
	v25 =	vld.idx.msk [tilespmem:v20+s17+$0xFFFFF400 ss:$0x1], $0xffff  }
.Ltmp3:
0x29c: {  	v36 =	vmul.f32 v37, v23;
	v44 =	vmul.f32 v39, v23;
	v30 =	vmovc v47;
	v29 =	vmov v48;
	v26 =	vld.idx.msk [tilespmem:v20+s17+$0xFFFFF800 ss:$0x1], $0xffff;
	(pc) =	sbr.rel @p0 .LBB2_6-.Ltmp3, $4  }
0x29d: {  	v46 =	vmul.f32 v37, v22;
	v34 =	vadd.f32 v35, v34;
	v37 =	vadd.f32 v33, v45;
	v32 =	vld.idx.msk [tilespmem:v17+s17+$0xFFFFF800 ss:$0x1], $0xffff  }
0x29e: {  	v39 =	vadd.f32 v36, v38;
	v31 =	vmov v43;
	v35 =	vld.idx.msk [tilespmem:v17+s17+$0x0 ss:$0x1], $0xffff  }
0x29f: {  	v38 =	vsub.f32 v44, v46;
	v37 =	vadd.f32 v37, v34;
	v23 =	vmov v41;
	v33 =	vld.idx.msk [tilespmem:v17+s17+$0x800 ss:$0x1], $0xffff  }
0x2a0: {  	s18 =	sadd.s32 $0x40, s18;
	v34 =	vmul.f32 v39, v40;
	v22 =	vmov v42;
	v36 =	vld.idx.msk [tilespmem:v17+s17+$0x1000 ss:$0x1], $0xffff  }
0x2a1: {  	_ =	sdelay $0x3  }
0x2a2: {  	v39 =	vld.idx.msk [tilespmem:v20+s17+$0xFFFFFC00 ss:$0x1], $0xffff  }
0x2a3: {  	v40 =	vld.idx.msk [tilespmem:v18+s17+$0x0 ss:$0x1], $0xffff  }
0x2a4: {  	v18 =	vld.idx.msk [tilespmem:v18+s17+$0x800 ss:$0x1], $0xffff  }
0x2a5: {  	v20 =	vld.idx.msk [tilespmem:v20+s17+$0x0 ss:$0x1], $0xffff  }
0x2a6: {  	v24 =	vmul.f32 v38, v24;
	v38 =	vld.msk [tilespmem:s16+$0x2840], $0xff  }
0x2a7: {  	v43 =	vld.msk [tilespmem:s16+$0x2C40], $0xff  }
0x2a8: {  	v46 =	vld.msk [tilespmem:s16+$0x3040], $0xff  }
0x2a9: {  	v41 =	vmul.f32 v31, v29;
	v42 =	vmul.f32 v27, v30;
	v47 =	vld.msk [tilespmem:s16+$0x3840], $0xff  }
0x2aa: {  	v59 =	vld.msk [tilespmem:s16+$0x4C40], $0xff;
	v60 =	vmul.f32 v31, v30;
	v61 =	vmul.f32 v27, v29  }
0x2ab: {  	v62 =	vld.msk [tilespmem:s16+$0x5C40], $0xff;
	v44 =	vmul.f32 v32, v22;
	v55 =	vmul.f32 v32, v23  }
0x2ac: {  	v53 =	vld.msk [tilespmem:s16+$0x5440], $0xff;
	v45 =	vmul.f32 v35, v23;
	v56 =	vmul.f32 v35, v22;
	v52 =	vadd.f32 v42, v41  }
0x2ad: {  	v50 =	vld.msk [tilespmem:s16+$0x3C40], $0xff;
	v29 =	vsub.f32 v60, v61;
	v48 =	vmul.f32 v33, v26;
	v57 =	vmul.f32 v33, v25  }
0x2ae: {  	v54 =	vld.msk [tilespmem:s16+$0x6C40], $0xff;
	v28 =	vadd.f32 v37, v28;
	v49 =	vmul.f32 v36, v25;
	v58 =	vmul.f32 v36, v26  }
0x2af: {  	v32 =	vsub.f32 v55, v56;
	v55 =	vld.msk [tilespmem:s16+$0x7440], $0xff;
	v20 =	vmul.f32 v52, v20;
	v29 =	vmul.f32 v29, v39  }
0x2b0: {  	v44 =	vadd.f32 v45, v44;
	v56 =	vld.msk [tilespmem:s16+$0x7C40], $0xff;
	v39 =	vmul.f32 v59, v43;
	v41 =	vmul.f32 v59, v38  }
0x2b1: {  	v35 =	vmul.f32 v62, v38;
	v30 =	vmul.f32 v53, v43;
	v48 =	vadd.f32 v49, v48;
	v49 =	vld.msk [tilespmem:s16+$0x6440], $0xff  }
0x2b2: {  	v33 =	vsub.f32 v57, v58;
	v63 =	vmul.f32 v27, v44;
	v51 =	vmul.f32 v31, v32  }
0x2b3: {  	v24 =	vadd.f32 v24, v34;
	v60 =	vld.msk [tilespmem:s16+$0x3440], $0xff;
	v58 =	vmul.f32 v62, v43;
	v18 =	vmul.f32 v18, v48  }
0x2b4: {  	v57 =	vld.msk [tilespmem:s16+$0x8440], $0xff;
	v33 =	vmul.f32 v40, v33;
	v27 =	vadd.f32 v63, v51;
	v63 =	vmul.f32 v54, v50  }
0x2b5: {  	v19 =	vld.idx.msk [tilespmem:v17+s17+$0xFFFFE800 ss:$0x1], $0xffff;
	v20 =	vadd.f32 v29, v20;
	v48 =	vmul.f32 v55, v47;
	v32 =	vmul.f32 v55, v50  }
0x2b6: {  	v62 =	vld.msk [tilespmem:s16+$0x9440], $0xff;
	v30 =	vsub.f32 v41, v30;
	v37 =	vmul.f32 v56, v46;
	v59 =	vmul.f32 v49, v38  }
0x2b7: {  	v61 =	vld.msk [tilespmem:s16+$0x8C40], $0xff;
	v18 =	vadd.f32 v18, v33;
	v36 =	vmul.f32 v49, v43;
	v38 =	vmul.f32 v53, v38  }
0x2b8: {  	v52 =	vld.msk [tilespmem:s16+$0x4440], $0xff;
	v49 =	vmul.f32 v54, v47;
	v53 =	vmul.f32 v56, v60;
	v42 =	vadd.f32 v59, v58  }
0x2b9: {  	v51 =	vld.msk [tilespmem:s16+$0x4040], $0xff;
	v54 =	vmul.f32 v57, v46;
	v35 =	vsub.f32 v35, v36;
	v36 =	vadd.f32 v48, v63  }
0x2ba: {  	v17 =	vld.idx.msk [tilespmem:v17+s17+$0xFFFFF000 ss:$0x1], $0xffff;
	v31 =	vmul.f32 v57, v60;
	v32 =	vsub.f32 v49, v32;
	v42 =	vmul.f32 v57, v42  }
0x2bb: {  	v29 =	vadd.f32 v54, v53;
	v35 =	vmul.f32 v56, v35;
	v55 =	vmul.f32 v62, v36  }
0x2bc: {  	v31 =	vsub.f32 v37, v31;
	v32 =	vmul.f32 v61, v32;
	v56 =	vmul.f32 v19, v22  }
0x2bd: {  	v18 =	vadd.f32 v18, v27;
	v19 =	vmul.f32 v19, v23;
	v29 =	vmul.f32 v29, v52  }
0x2be: {  	v31 =	vmul.f32 v31, v51;
	v58 =	vadd.f32 v42, v35;
	v27 =	vadd.f32 v55, v32  }
0x2bf: {  	v59 =	vadd.f32 v38, v39;
	v57 =	vmul.f32 v17, v23;
	v17 =	vmul.f32 v17, v22  }
0x2c0: {  	v29 =	vadd.f32 v31, v29;
	v27 =	vadd.f32 v27, v58  }
0x2c1: {  	v23 =	vadd.f32 v57, v56;
	v17 =	vsub.f32 v19, v17  }
0x2c2: {  	v60 =	vmul.f32 v30, v47;
	v19 =	vmul.f32 v59, v50;
	v27 =	vadd.f32 v27, v29  }
0x2c3: {  	v18 =	vadd.f32 v18, v20;
	v61 =	vmul.f32 v23, v26;
	v17 =	vmul.f32 v17, v25  }
0x2c4: {  	v21 =	vadd.f32 v24, v21;
	v19 =	vadd.f32 v60, v19;
	v62 =	vperm.xlane v27, v9  }
0x2c5: {  	v18 =	vadd.f32 v18, v28;
	v17 =	vadd.f32 v17, v61  }
0x2c6: {  	v19 =	vperm.xlane v19, v9;
	v63 =	vsel vm2, $0x0, v62  }
0x2c7: {  	v17 =	vadd.f32 v17, v21;
	v18 =	vadd.f32 v63, v18  }
0x2c8: {  	v19 =	vsel vm2, $0x0, v19  }
0x2c9: {  	v17 =	vadd.f32 v19, v17;
	v18 =	vmul.f32 $5.000000000e+00, v18;
	_ =	sdelay $0x1  }
0x2ca: {  	v17 =	vadd.f32 v18, v17;
	_ =	sdelay $0x1  }
0x2cb: {  	v18 =	vperm.xlane v17, v9;
	_ =	sdelay $0x1  }
0x2cc: {  	v17 =	vadd.f32 v17, v18;
	_ =	sdelay $0x1  }
0x2cd: {  	v18 =	vperm.xlane v17, v11;
	_ =	sdelay $0x1  }
0x2ce: {  	v17 =	vadd.f32 v17, v18;
	_ =	sdelay $0x1  }
0x2cf: {  	v18 =	vperm.xlane v17, v13;
	_ =	sdelay $0x1  }
0x2d0: {  	v17 =	vadd.f32 v17, v18;
	v18 =	vmov s26;
	s26 =	sadd.s32 $0x1, s26  }
0x2d1: {  	p0 =	sne.s32 s26, $0x8  }
.Ltmp4:
0x2d2: {  	s28 =	sadd.s32 $0x80, s28;
	s10 =	sadd.s32 $0x80, s10;
	v19 =	vperm.xlane v17, v15;
	(pc) =	sbr.rel @p0 .LBB2_3-.Ltmp4, $4  }
0x2d3: {  	s11 =	sadd.s32 $0x80, s11;
	s12 =	sadd.s32 $0x80, s12;
	s13 =	sadd.s32 $0x80, s13  }
0x2d4: {  	s23 =	sadd.s32 $0x80, s23;
	s24 =	sadd.s32 $0x80, s24;
	s29 =	sadd.s32 $0x80, s29;
	v17 =	vadd.f32 v17, v19  }
0x2d5: {  	s30 =	sadd.s32 $0x80, s30;
	s31 =	sadd.s32 $0x80, s31;
	s3 =	sadd.s32 $0x80, s3;
	vm3 =	veq.s32 v18, v1  }
0x2d6: {  	s1 =	sadd.s32 $0x80, s1;
	s0 =	sadd.s32 $0x80, s0;
	s15 =	sadd.s32 $0x80, s15;
	v16 =	vsel vm3, v17, v16  }
0x2d7: {  	p0 =	seq.s32 s25, $0x1F  }
.Ltmp5:
0x2d8: {  	_ = 	snop;
	(pc) =	sbr.rel @p0 .LBB2_10-.Ltmp5, $2  }
0x2d9: {  	_ =	sdelay $0x2  }
0x2da: {  	s26 =	sshll.u32 s25, $0x4  }
0x2db: {  	v17 =	vld.msk [tilespmem:s26+$0x10], $0xff;
	_ =	sdelay $0x4  }
0x2dc: {  	v18 =	vshll.u32 v17, $0x1  }
0x2dd: {  	v17 =	vand.u32 $0x7, v17;
	v18 =	vand.u32 $0xFFFFFFF0, v18  }
0x2de: {  	v17 =	vor.u32 v17, v18  }
0x2df: {  	v18 =	vperm.xlane v17, v2;
	_ =	sdelay $0x1  }
0x2e0: {  	v19 =	vperm.xlane v17, v0;
	v18 =	vadd.s32 v3, v18;
	_ =	sdelay $0x1  }
0x2e1: {  	v20 =	vperm.xlane v17, v4;
	v19 =	vadd.s32 v3, v19;
	_ =	sdelay $0x1  }
0x2e2: {  	s0 =	simm.s32 $0x800;
	v21 =	vperm.xlane v17, v5;
	v20 =	vadd.s32 v3, v20  }
0x2e3: {  	[tilespmem:s0], [sflag:$0x1] =	stream.indirect_vreg.gather [hbm4b:s6+s4], $0x80, v18, vm0, $0xb8;
	[tilespmem:$0x12A00] =	vst v63  }
0x2e4: {  	s3 =	simm.s32 $0x880;
	v58 =	vperm.xlane v17, v6;
	v18 =	vadd.s32 v3, v21  }
0x2e5: {  	[tilespmem:s3], [sflag:$0x1] =	stream.indirect_vreg.gather [hbm4b:s6+s4], $0x80, v19, vm0, $0xb8;
	[tilespmem:$0x12A00] =	vst v63  }
0x2e6: {  	s10 =	simm.s32 $0x900;
	v59 =	vperm.xlane v17, v7;
	v19 =	vadd.s32 v3, v58  }
0x2e7: {  	[tilespmem:s10], [sflag:$0x1] =	stream.indirect_vreg.gather [hbm4b:s6+s4], $0x80, v20, vm0, $0xb8;
	[tilespmem:$0x12A00] =	vst v63  }
0x2e8: {  	s11 =	simm.s32 $0x980;
	v61 =	vperm.xlane v17, v8;
	v60 =	vadd.s32 v3, v59  }
0x2e9: {  	[tilespmem:s11], [sflag:$0x1] =	stream.indirect_vreg.gather [hbm4b:s6+s4], $0x80, v18, vm0, $0xb8;
	[tilespmem:$0x12A00] =	vst v63  }
0x2ea: {  	s12 =	simm.s32 $0xA00;
	v17 =	vperm.xlane v17, v10;
	v18 =	vadd.s32 v3, v61  }
0x2eb: {  	[tilespmem:s12], [sflag:$0x1] =	stream.indirect_vreg.gather [hbm4b:s6+s4], $0x80, v19, vm0, $0xb8;
	[tilespmem:$0x12A00] =	vst v63  }
0x2ec: {  	s13 =	simm.s32 $0xA80;
	v17 =	vadd.s32 v3, v17  }
0x2ed: {  	[tilespmem:s13], [sflag:$0x1] =	stream.indirect_vreg.gather [hbm4b:s6+s4], $0x80, v60, vm0, $0xb8;
	[tilespmem:$0x12A00] =	vst v63  }
0x2ee: {  	s15 =	simm.s32 $0xB00  }
0x2ef: {  	[tilespmem:s15], [sflag:$0x1] =	stream.indirect_vreg.gather [hbm4b:s6+s4], $0x80, v18, vm0, $0xb8;
	[tilespmem:$0x12A00] =	vst v63  }
0x2f0: {  	s16 =	simm.s32 $0xB80  }
0x2f1: {  	[tilespmem:s16], [sflag:$0x1] =	stream.indirect_vreg.gather [hbm4b:s6+s4], $0x80, v17, vm0, $0xb8;
	[tilespmem:$0x12A00] =	vst v63  }
0x2f2: {  	v17 =	vld.msk [tilespmem:s26+$0x10], $0xff;
	_ =	sdelay $0x4  }
0x2f3: {  	v18 =	vshll.u32 v17, $0x1  }
0x2f4: {  	v17 =	vand.u32 $0x7, v17;
	v18 =	vand.u32 $0xFFFFFFF0, v18  }
0x2f5: {  	v17 =	vor.u32 v17, v18  }
0x2f6: {  	v18 =	vperm.xlane v17, v2;
	_ =	sdelay $0x1  }
0x2f7: {  	v19 =	vperm.xlane v17, v0;
	v18 =	vadd.s32 v3, v18;
	_ =	sdelay $0x1  }
0x2f8: {  	v62 =	vperm.xlane v17, v4;
	v19 =	vadd.s32 v3, v19;
	_ =	sdelay $0x1  }
0x2f9: {  	s17 =	simm.s32 $0xC00;
	v63 =	vperm.xlane v17, v5;
	v20 =	vadd.s32 v3, v62  }
0x2fa: {  	[tilespmem:s17], [sflag:$0x1] =	stream.indirect_vreg.gather [hbm4b:s7+s4], $0x80, v18, vm0, $0xb8;
	[tilespmem:$0x12A00] =	vst v63  }
0x2fb: {  	s18 =	simm.s32 $0xC80;
	v24 =	vperm.xlane v17, v6;
	v18 =	vadd.s32 v3, v63  }
0x2fc: {  	[tilespmem:s18], [sflag:$0x1] =	stream.indirect_vreg.gather [hbm4b:s7+s4], $0x80, v19, vm0, $0xb8;
	[tilespmem:$0x12A00] =	vst v63  }
0x2fd: {  	s19 =	simm.s32 $0xD00;
	v25 =	vperm.xlane v17, v7;
	v19 =	vadd.s32 v3, v24  }
0x2fe: {  	[tilespmem:s19], [sflag:$0x1] =	stream.indirect_vreg.gather [hbm4b:s7+s4], $0x80, v20, vm0, $0xb8;
	[tilespmem:$0x12A00] =	vst v63  }
0x2ff: {  	s23 =	simm.s32 $0xD80;
	v27 =	vperm.xlane v17, v8;
	v26 =	vadd.s32 v3, v25  }
0x300: {  	[tilespmem:s23], [sflag:$0x1] =	stream.indirect_vreg.gather [hbm4b:s7+s4], $0x80, v18, vm0, $0xb8;
	[tilespmem:$0x12A00] =	vst v63  }
0x301: {  	s24 =	simm.s32 $0xE00;
	v17 =	vperm.xlane v17, v10;
	v18 =	vadd.s32 v3, v27  }
0x302: {  	[tilespmem:s24], [sflag:$0x1] =	stream.indirect_vreg.gather [hbm4b:s7+s4], $0x80, v19, vm0, $0xb8;
	[tilespmem:$0x12A00] =	vst v63  }
0x303: {  	s28 =	simm.s32 $0xE80;
	v17 =	vadd.s32 v3, v17  }
0x304: {  	[tilespmem:s28], [sflag:$0x1] =	stream.indirect_vreg.gather [hbm4b:s7+s4], $0x80, v26, vm0, $0xb8;
	[tilespmem:$0x12A00] =	vst v63  }
0x305: {  	s29 =	simm.s32 $0xF00  }
0x306: {  	[tilespmem:s29], [sflag:$0x1] =	stream.indirect_vreg.gather [hbm4b:s7+s4], $0x80, v18, vm0, $0xb8;
	[tilespmem:$0x12A00] =	vst v63  }
0x307: {  	s30 =	simm.s32 $0xF80  }
0x308: {  	[tilespmem:s30], [sflag:$0x1] =	stream.indirect_vreg.gather [hbm4b:s7+s4], $0x80, v17, vm0, $0xb8;
	[tilespmem:$0x12A00] =	vst v63  }
0x309: {  	v17 =	vld.msk [tilespmem:s26+$0x10], $0xff;
	_ =	sdelay $0x4  }
0x30a: {  	v18 =	vshll.u32 v17, $0x1  }
0x30b: {  	v17 =	vand.u32 $0x7, v17;
	v18 =	vand.u32 $0xFFFFFFF0, v18  }
0x30c: {  	v17 =	vor.u32 v17, v18  }
0x30d: {  	v18 =	vperm.xlane v17, v2;
	_ =	sdelay $0x1  }
0x30e: {  	v19 =	vperm.xlane v17, v0;
	v18 =	vadd.s32 v3, v18;
	_ =	sdelay $0x1  }
0x30f: {  	v28 =	vperm.xlane v17, v4;
	v19 =	vadd.s32 v3, v19;
	_ =	sdelay $0x1  }
0x310: {  	s31 =	simm.s32 $0x1000;
	v29 =	vperm.xlane v17, v5;
	v20 =	vadd.s32 v3, v28  }
0x311: {  	[tilespmem:s31], [sflag:$0x1] =	stream.indirect_vreg.gather [hbm4b:s8+s4], $0x80, v18, vm0, $0xb8;
	[tilespmem:$0x12A00] =	vst v63  }
0x312: {  	s1 =	simm.s32 $0x1080;
	v30 =	vperm.xlane v17, v6;
	v18 =	vadd.s32 v3, v29  }
0x313: {  	[tilespmem:s1], [sflag:$0x1] =	stream.indirect_vreg.gather [hbm4b:s8+s4], $0x80, v19, vm0, $0xb8;
	[tilespmem:$0x12A00] =	vst v63  }
0x314: {  	s3 =	simm.s32 $0x1100;
	v31 =	vperm.xlane v17, v7;
	v19 =	vadd.s32 v3, v30  }
0x315: {  	[tilespmem:s3], [sflag:$0x1] =	stream.indirect_vreg.gather [hbm4b:s8+s4], $0x80, v20, vm0, $0xb8;
	[tilespmem:$0x12A00] =	vst v63  }
0x316: {  	s10 =	simm.s32 $0x1180;
	v33 =	vperm.xlane v17, v8;
	v32 =	vadd.s32 v3, v31  }
0x317: {  	[tilespmem:s10], [sflag:$0x1] =	stream.indirect_vreg.gather [hbm4b:s8+s4], $0x80, v18, vm0, $0xb8;
	[tilespmem:$0x12A00] =	vst v63  }
0x318: {  	s11 =	simm.s32 $0x1200;
	v17 =	vperm.xlane v17, v10;
	v18 =	vadd.s32 v3, v33  }
0x319: {  	[tilespmem:s11], [sflag:$0x1] =	stream.indirect_vreg.gather [hbm4b:s8+s4], $0x80, v19, vm0, $0xb8;
	[tilespmem:$0x12A00] =	vst v63  }
0x31a: {  	s12 =	simm.s32 $0x1280;
	v17 =	vadd.s32 v3, v17  }
0x31b: {  	[tilespmem:s12], [sflag:$0x1] =	stream.indirect_vreg.gather [hbm4b:s8+s4], $0x80, v32, vm0, $0xb8;
	[tilespmem:$0x12A00] =	vst v63  }
0x31c: {  	s13 =	simm.s32 $0x1300  }
0x31d: {  	[tilespmem:s13], [sflag:$0x1] =	stream.indirect_vreg.gather [hbm4b:s8+s4], $0x80, v18, vm0, $0xb8;
	[tilespmem:$0x12A00] =	vst v63  }
0x31e: {  	s15 =	simm.s32 $0x1380  }
0x31f: {  	[tilespmem:s15], [sflag:$0x1] =	stream.indirect_vreg.gather [hbm4b:s8+s4], $0x80, v17, vm0, $0xb8;
	[tilespmem:$0x12A00] =	vst v63  }
0x320: {  	v17 =	vld.msk [tilespmem:s26+$0x10], $0xff;
	_ =	sdelay $0x4  }
0x321: {  	v18 =	vshll.u32 v17, $0x1  }
0x322: {  	v17 =	vand.u32 $0x7, v17;
	v18 =	vand.u32 $0xFFFFFFF0, v18  }
0x323: {  	v17 =	vor.u32 v17, v18  }
0x324: {  	v18 =	vperm.xlane v17, v2;
	_ =	sdelay $0x1  }
0x325: {  	v19 =	vperm.xlane v17, v0;
	v18 =	vadd.s32 v3, v18;
	_ =	sdelay $0x1  }
0x326: {  	v34 =	vperm.xlane v17, v4;
	v19 =	vadd.s32 v3, v19;
	_ =	sdelay $0x1  }
0x327: {  	s16 =	simm.s32 $0x1400;
	v35 =	vperm.xlane v17, v5;
	v20 =	vadd.s32 v3, v34  }
0x328: {  	[tilespmem:s16], [sflag:$0x1] =	stream.indirect_vreg.gather [hbm4b:s9+s4], $0x80, v18, vm0, $0xb8;
	[tilespmem:$0x12A00] =	vst v63  }
0x329: {  	s17 =	simm.s32 $0x1480;
	v36 =	vperm.xlane v17, v6;
	v18 =	vadd.s32 v3, v35  }
0x32a: {  	[tilespmem:s17], [sflag:$0x1] =	stream.indirect_vreg.gather [hbm4b:s9+s4], $0x80, v19, vm0, $0xb8;
	[tilespmem:$0x12A00] =	vst v63  }
0x32b: {  	s18 =	simm.s32 $0x1500;
	v37 =	vperm.xlane v17, v7;
	v19 =	vadd.s32 v3, v36  }
0x32c: {  	[tilespmem:s18], [sflag:$0x1] =	stream.indirect_vreg.gather [hbm4b:s9+s4], $0x80, v20, vm0, $0xb8;
	[tilespmem:$0x12A00] =	vst v63  }
0x32d: {  	s19 =	simm.s32 $0x1580;
	v39 =	vperm.xlane v17, v8;
	v38 =	vadd.s32 v3, v37  }
0x32e: {  	[tilespmem:s19], [sflag:$0x1] =	stream.indirect_vreg.gather [hbm4b:s9+s4], $0x80, v18, vm0, $0xb8;
	[tilespmem:$0x12A00] =	vst v63  }
0x32f: {  	s23 =	simm.s32 $0x1600;
	v17 =	vperm.xlane v17, v10;
	v18 =	vadd.s32 v3, v39  }
0x330: {  	[tilespmem:s23], [sflag:$0x1] =	stream.indirect_vreg.gather [hbm4b:s9+s4], $0x80, v19, vm0, $0xb8;
	[tilespmem:$0x12A00] =	vst v63  }
0x331: {  	s24 =	simm.s32 $0x1680;
	v17 =	vadd.s32 v3, v17  }
0x332: {  	[tilespmem:s24], [sflag:$0x1] =	stream.indirect_vreg.gather [hbm4b:s9+s4], $0x80, v38, vm0, $0xb8;
	[tilespmem:$0x12A00] =	vst v63  }
0x333: {  	s28 =	simm.s32 $0x1700  }
0x334: {  	[tilespmem:s28], [sflag:$0x1] =	stream.indirect_vreg.gather [hbm4b:s9+s4], $0x80, v18, vm0, $0xb8;
	[tilespmem:$0x12A00] =	vst v63  }
0x335: {  	s29 =	simm.s32 $0x1780  }
0x336: {  	[tilespmem:s29], [sflag:$0x1] =	stream.indirect_vreg.gather [hbm4b:s9+s4], $0x80, v17, vm0, $0xb8;
	[tilespmem:$0x12A00] =	vst v63  }
0x337: {  	v17 =	vld.msk [tilespmem:s26+$0x410], $0xff;
	_ =	sdelay $0x4  }
0x338: {  	v18 =	vshll.u32 v17, $0x1  }
0x339: {  	v17 =	vand.u32 $0x7, v17;
	v18 =	vand.u32 $0xFFFFFFF0, v18  }
0x33a: {  	v17 =	vor.u32 v17, v18  }
0x33b: {  	v18 =	vperm.xlane v17, v2;
	_ =	sdelay $0x1  }
0x33c: {  	v19 =	vperm.xlane v17, v0;
	v18 =	vadd.s32 v3, v18;
	_ =	sdelay $0x1  }
0x33d: {  	v40 =	vperm.xlane v17, v4;
	v19 =	vadd.s32 v3, v19;
	_ =	sdelay $0x1  }
0x33e: {  	s30 =	simm.s32 $0x1800;
	v41 =	vperm.xlane v17, v5;
	v20 =	vadd.s32 v3, v40  }
0x33f: {  	[tilespmem:s30], [sflag:$0x1] =	stream.indirect_vreg.gather [hbm4b:s6+s4], $0x80, v18, vm0, $0xb8;
	[tilespmem:$0x12A00] =	vst v63  }
0x340: {  	s31 =	simm.s32 $0x1880;
	v42 =	vperm.xlane v17, v6;
	v18 =	vadd.s32 v3, v41  }
0x341: {  	[tilespmem:s31], [sflag:$0x1] =	stream.indirect_vreg.gather [hbm4b:s6+s4], $0x80, v19, vm0, $0xb8;
	[tilespmem:$0x12A00] =	vst v63  }
0x342: {  	s1 =	simm.s32 $0x1900;
	v43 =	vperm.xlane v17, v7;
	v19 =	vadd.s32 v3, v42  }
0x343: {  	[tilespmem:s1], [sflag:$0x1] =	stream.indirect_vreg.gather [hbm4b:s6+s4], $0x80, v20, vm0, $0xb8;
	[tilespmem:$0x12A00] =	vst v63  }
0x344: {  	s3 =	simm.s32 $0x1980;
	v45 =	vperm.xlane v17, v8;
	v44 =	vadd.s32 v3, v43  }
0x345: {  	[tilespmem:s3], [sflag:$0x1] =	stream.indirect_vreg.gather [hbm4b:s6+s4], $0x80, v18, vm0, $0xb8;
	[tilespmem:$0x12A00] =	vst v63  }
0x346: {  	s10 =	simm.s32 $0x1A00;
	v17 =	vperm.xlane v17, v10;
	v18 =	vadd.s32 v3, v45  }
0x347: {  	[tilespmem:s10], [sflag:$0x1] =	stream.indirect_vreg.gather [hbm4b:s6+s4], $0x80, v19, vm0, $0xb8;
	[tilespmem:$0x12A00] =	vst v63  }
0x348: {  	s11 =	simm.s32 $0x1A80;
	v17 =	vadd.s32 v3, v17  }
0x349: {  	[tilespmem:s11], [sflag:$0x1] =	stream.indirect_vreg.gather [hbm4b:s6+s4], $0x80, v44, vm0, $0xb8;
	[tilespmem:$0x12A00] =	vst v63  }
0x34a: {  	s12 =	simm.s32 $0x1B00  }
0x34b: {  	[tilespmem:s12], [sflag:$0x1] =	stream.indirect_vreg.gather [hbm4b:s6+s4], $0x80, v18, vm0, $0xb8;
	[tilespmem:$0x12A00] =	vst v63  }
0x34c: {  	s13 =	simm.s32 $0x1B80  }
0x34d: {  	[tilespmem:s13], [sflag:$0x1] =	stream.indirect_vreg.gather [hbm4b:s6+s4], $0x80, v17, vm0, $0xb8;
	[tilespmem:$0x12A00] =	vst v63  }
0x34e: {  	v17 =	vld.msk [tilespmem:s26+$0x410], $0xff;
	_ =	sdelay $0x4  }
0x34f: {  	v18 =	vshll.u32 v17, $0x1  }
0x350: {  	v17 =	vand.u32 $0x7, v17;
	v18 =	vand.u32 $0xFFFFFFF0, v18  }
0x351: {  	v17 =	vor.u32 v17, v18  }
0x352: {  	v18 =	vperm.xlane v17, v2;
	_ =	sdelay $0x1  }
0x353: {  	v19 =	vperm.xlane v17, v0;
	v18 =	vadd.s32 v3, v18;
	_ =	sdelay $0x1  }
0x354: {  	v46 =	vperm.xlane v17, v4;
	v19 =	vadd.s32 v3, v19;
	_ =	sdelay $0x1  }
0x355: {  	s15 =	simm.s32 $0x1C00;
	v47 =	vperm.xlane v17, v5;
	v20 =	vadd.s32 v3, v46  }
0x356: {  	[tilespmem:s15], [sflag:$0x1] =	stream.indirect_vreg.gather [hbm4b:s7+s4], $0x80, v18, vm0, $0xb8;
	[tilespmem:$0x12A00] =	vst v63  }
0x357: {  	s16 =	simm.s32 $0x1C80;
	v48 =	vperm.xlane v17, v6;
	v18 =	vadd.s32 v3, v47  }
0x358: {  	[tilespmem:s16], [sflag:$0x1] =	stream.indirect_vreg.gather [hbm4b:s7+s4], $0x80, v19, vm0, $0xb8;
	[tilespmem:$0x12A00] =	vst v63  }
0x359: {  	s17 =	simm.s32 $0x1D00;
	v49 =	vperm.xlane v17, v7;
	v19 =	vadd.s32 v3, v48  }
0x35a: {  	[tilespmem:s17], [sflag:$0x1] =	stream.indirect_vreg.gather [hbm4b:s7+s4], $0x80, v20, vm0, $0xb8;
	[tilespmem:$0x12A00] =	vst v63  }
0x35b: {  	s18 =	simm.s32 $0x1D80;
	v51 =	vperm.xlane v17, v8;
	v50 =	vadd.s32 v3, v49  }
0x35c: {  	[tilespmem:s18], [sflag:$0x1] =	stream.indirect_vreg.gather [hbm4b:s7+s4], $0x80, v18, vm0, $0xb8;
	[tilespmem:$0x12A00] =	vst v63  }
0x35d: {  	s19 =	simm.s32 $0x1E00;
	v17 =	vperm.xlane v17, v10;
	v18 =	vadd.s32 v3, v51  }
0x35e: {  	[tilespmem:s19], [sflag:$0x1] =	stream.indirect_vreg.gather [hbm4b:s7+s4], $0x80, v19, vm0, $0xb8;
	[tilespmem:$0x12A00] =	vst v63  }
0x35f: {  	s23 =	simm.s32 $0x1E80;
	v17 =	vadd.s32 v3, v17  }
0x360: {  	[tilespmem:s23], [sflag:$0x1] =	stream.indirect_vreg.gather [hbm4b:s7+s4], $0x80, v50, vm0, $0xb8;
	[tilespmem:$0x12A00] =	vst v63  }
0x361: {  	s24 =	simm.s32 $0x1F00  }
0x362: {  	[tilespmem:s24], [sflag:$0x1] =	stream.indirect_vreg.gather [hbm4b:s7+s4], $0x80, v18, vm0, $0xb8;
	[tilespmem:$0x12A00] =	vst v63  }
0x363: {  	s28 =	simm.s32 $0x1F80  }
0x364: {  	[tilespmem:s28], [sflag:$0x1] =	stream.indirect_vreg.gather [hbm4b:s7+s4], $0x80, v17, vm0, $0xb8;
	[tilespmem:$0x12A00] =	vst v63  }
0x365: {  	v17 =	vld.msk [tilespmem:s26+$0x410], $0xff;
	_ =	sdelay $0x4  }
0x366: {  	v18 =	vshll.u32 v17, $0x1  }
0x367: {  	v17 =	vand.u32 $0x7, v17;
	v18 =	vand.u32 $0xFFFFFFF0, v18  }
0x368: {  	v17 =	vor.u32 v17, v18  }
0x369: {  	v18 =	vperm.xlane v17, v2;
	_ =	sdelay $0x1  }
0x36a: {  	v19 =	vperm.xlane v17, v0;
	v18 =	vadd.s32 v3, v18;
	_ =	sdelay $0x1  }
0x36b: {  	v52 =	vperm.xlane v17, v4;
	v19 =	vadd.s32 v3, v19;
	_ =	sdelay $0x1  }
0x36c: {  	s29 =	simm.s32 $0x2000;
	v53 =	vperm.xlane v17, v5;
	v20 =	vadd.s32 v3, v52  }
0x36d: {  	[tilespmem:s29], [sflag:$0x1] =	stream.indirect_vreg.gather [hbm4b:s8+s4], $0x80, v18, vm0, $0xb8;
	[tilespmem:$0x12A00] =	vst v63  }
0x36e: {  	s30 =	simm.s32 $0x2080;
	v54 =	vperm.xlane v17, v6;
	v18 =	vadd.s32 v3, v53  }
0x36f: {  	[tilespmem:s30], [sflag:$0x1] =	stream.indirect_vreg.gather [hbm4b:s8+s4], $0x80, v19, vm0, $0xb8;
	[tilespmem:$0x12A00] =	vst v63  }
0x370: {  	s31 =	simm.s32 $0x2100;
	v55 =	vperm.xlane v17, v7;
	v19 =	vadd.s32 v3, v54  }
0x371: {  	[tilespmem:s31], [sflag:$0x1] =	stream.indirect_vreg.gather [hbm4b:s8+s4], $0x80, v20, vm0, $0xb8;
	[tilespmem:$0x12A00] =	vst v63  }
0x372: {  	s1 =	simm.s32 $0x2180;
	v57 =	vperm.xlane v17, v8;
	v56 =	vadd.s32 v3, v55  }
0x373: {  	[tilespmem:s1], [sflag:$0x1] =	stream.indirect_vreg.gather [hbm4b:s8+s4], $0x80, v18, vm0, $0xb8;
	[tilespmem:$0x12A00] =	vst v63  }
0x374: {  	s3 =	simm.s32 $0x2200;
	v17 =	vperm.xlane v17, v10;
	v18 =	vadd.s32 v3, v57  }
0x375: {  	[tilespmem:s3], [sflag:$0x1] =	stream.indirect_vreg.gather [hbm4b:s8+s4], $0x80, v19, vm0, $0xb8;
	[tilespmem:$0x12A00] =	vst v63  }
0x376: {  	s10 =	simm.s32 $0x2280;
	v17 =	vadd.s32 v3, v17  }
0x377: {  	[tilespmem:s10], [sflag:$0x1] =	stream.indirect_vreg.gather [hbm4b:s8+s4], $0x80, v56, vm0, $0xb8;
	[tilespmem:$0x12A00] =	vst v63  }
0x378: {  	s11 =	simm.s32 $0x2300  }
0x379: {  	[tilespmem:s11], [sflag:$0x1] =	stream.indirect_vreg.gather [hbm4b:s8+s4], $0x80, v18, vm0, $0xb8;
	[tilespmem:$0x12A00] =	vst v63  }
0x37a: {  	s12 =	simm.s32 $0x2380  }
0x37b: {  	[tilespmem:s12], [sflag:$0x1] =	stream.indirect_vreg.gather [hbm4b:s8+s4], $0x80, v17, vm0, $0xb8;
	[tilespmem:$0x12A00] =	vst v63  }
0x37c: {  	v17 =	vld.msk [tilespmem:s26+$0x410], $0xff;
	_ =	sdelay $0x4  }
0x37d: {  	v18 =	vshll.u32 v17, $0x1  }
0x37e: {  	v17 =	vand.u32 $0x7, v17;
	v18 =	vand.u32 $0xFFFFFFF0, v18  }
0x37f: {  	v17 =	vor.u32 v17, v18  }
0x380: {  	v18 =	vperm.xlane v17, v2;
	_ =	sdelay $0x1  }
0x381: {  	v19 =	vperm.xlane v17, v0;
	v18 =	vadd.s32 v3, v18;
	_ =	sdelay $0x1  }
0x382: {  	v58 =	vperm.xlane v17, v4;
	v19 =	vadd.s32 v3, v19;
	_ =	sdelay $0x1  }
0x383: {  	s13 =	simm.s32 $0x2400;
	v59 =	vperm.xlane v17, v5;
	v20 =	vadd.s32 v3, v58  }
0x384: {  	[tilespmem:s13], [sflag:$0x1] =	stream.indirect_vreg.gather [hbm4b:s9+s4], $0x80, v18, vm0, $0xb8;
	[tilespmem:$0x12A00] =	vst v63  }
0x385: {  	s15 =	simm.s32 $0x2480;
	v60 =	vperm.xlane v17, v6;
	v18 =	vadd.s32 v3, v59  }
0x386: {  	[tilespmem:s15], [sflag:$0x1] =	stream.indirect_vreg.gather [hbm4b:s9+s4], $0x80, v19, vm0, $0xb8;
	[tilespmem:$0x12A00] =	vst v63  }
0x387: {  	s16 =	simm.s32 $0x2500;
	v61 =	vperm.xlane v17, v7;
	v19 =	vadd.s32 v3, v60  }
0x388: {  	[tilespmem:s16], [sflag:$0x1] =	stream.indirect_vreg.gather [hbm4b:s9+s4], $0x80, v20, vm0, $0xb8;
	[tilespmem:$0x12A00] =	vst v63  }
0x389: {  	s17 =	simm.s32 $0x2580;
	v63 =	vperm.xlane v17, v8;
	v62 =	vadd.s32 v3, v61  }
0x38a: {  	[tilespmem:s17], [sflag:$0x1] =	stream.indirect_vreg.gather [hbm4b:s9+s4], $0x80, v18, vm0, $0xb8;
	[tilespmem:$0x12A00] =	vst v63  }
0x38b: {  	s18 =	simm.s32 $0x2600;
	v17 =	vperm.xlane v17, v10;
	v18 =	vadd.s32 v3, v63  }
0x38c: {  	[tilespmem:s18], [sflag:$0x1] =	stream.indirect_vreg.gather [hbm4b:s9+s4], $0x80, v19, vm0, $0xb8;
	[tilespmem:$0x12A00] =	vst v63  }
0x38d: {  	s19 =	simm.s32 $0x2680;
	v17 =	vadd.s32 v3, v17  }
0x38e: {  	[tilespmem:s19], [sflag:$0x1] =	stream.indirect_vreg.gather [hbm4b:s9+s4], $0x80, v62, vm0, $0xb8;
	[tilespmem:$0x12A00] =	vst v63  }
0x38f: {  	s23 =	simm.s32 $0x2700  }
0x390: {  	[tilespmem:s23], [sflag:$0x1] =	stream.indirect_vreg.gather [hbm4b:s9+s4], $0x80, v18, vm0, $0xb8;
	[tilespmem:$0x12A00] =	vst v63  }
0x391: {  	s24 =	simm.s32 $0x2780  }
0x392: {  	[tilespmem:s24], [sflag:$0x1] =	stream.indirect_vreg.gather [hbm4b:s9+s4], $0x80, v17, vm0, $0xb8;
	[tilespmem:$0x12A00] =	vst v63  }
0x393: {  	v17 =	vld.msk [tilespmem:s26+$0x10], $0xff;
	_ =	sdelay $0x4  }
0x394: {  	v18 =	vshll.u32 v17, $0x2  }
0x395: {  	v17 =	vand.u32 $0x7, v17;
	v18 =	vand.u32 $0xFFFFFFE0, v18  }
0x396: {  	v17 =	vor.u32 v17, v18  }
0x397: {  	v17 =	vperm.xlane v17, v12;
	_ =	sdelay $0x1  }
0x398: {  	v17 =	vadd.s32 v14, v17;
	_ =	sdelay $0x3  }
0x399: {  	s28 =	rddreg [dreg:$0x1];
	s1 =	simm.s32 $0x2800  }
0x39a: {  	[tilespmem:s1], [sflag:$0x1] =	stream.indirect_vreg.gather [hbm4b:s28+s4], $0x80, v17, vm1, $0xb8;
	[tilespmem:$0x12A00] =	vst v63  }
0x39b: {  	s29 =	simm.s32 $0x3000  }
0x39c: {  	[tilespmem:s29], [sflag:$0x1] =	stream.indirect_vreg.gather [hbm4b:s14+s4], $0x80, v17, vm1, $0xb8;
	[tilespmem:$0x12A00] =	vst v63  }
0x39d: {  	v17 =	vld.msk [tilespmem:s26+$0x410], $0xff;
	_ =	sdelay $0x4  }
0x39e: {  	v18 =	vshll.u32 v17, $0x2  }
0x39f: {  	v17 =	vand.u32 $0x7, v17;
	v18 =	vand.u32 $0xFFFFFFE0, v18  }
0x3a0: {  	v17 =	vor.u32 v17, v18  }
0x3a1: {  	v17 =	vperm.xlane v17, v12;
	_ =	sdelay $0x1  }
0x3a2: {  	v17 =	vadd.s32 v14, v17;
	_ =	sdelay $0x3  }
0x3a3: {  	s30 =	simm.s32 $0x3800  }
0x3a4: {  	[tilespmem:s30], [sflag:$0x1] =	stream.indirect_vreg.gather [hbm4b:s28+s4], $0x80, v17, vm1, $0xb8;
	[tilespmem:$0x12A00] =	vst v63  }
0x3a5: {  	s31 =	simm.s32 $0x4000  }
0x3a6: {  	[tilespmem:s31], [sflag:$0x1] =	stream.indirect_vreg.gather [hbm4b:s14+s4], $0x80, v17, vm1, $0xb8;
	[tilespmem:$0x12A00] =	vst v63  }
0x3a7: {  	v17 =	vld.msk [tilespmem:s26+$0x210], $0xff;
	_ =	sdelay $0x4  }
0x3a8: {  	v18 =	vshrl.u32 v17, $0x3  }
0x3a9: {  	v18 =	vmul.u32 $0x60, v18  }
0x3aa: {  	v17 =	vand.u32 $0x7, v17  }
0x3ab: {  	v17 =	vor.u32 v17, v18  }
0x3ac: {  	v17 =	vperm.xlane v17, v12;
	_ =	sdelay $0x1  }
0x3ad: {  	v17 =	vadd.s32 v14, v17;
	_ =	sdelay $0x3  }
0x3ae: {  	s3 =	simm.s32 $0x4800;
	s1 =	rddreg [dreg:$0x2]  }
0x3af: {  	[tilespmem:s3], [sflag:$0x1] =	stream.indirect_vreg.gather [hbm4b:s1+s4], $0x80, v17, vm1, $0xb8;
	[tilespmem:$0x12A00] =	vst v63  }
0x3b0: {  	s10 =	rddreg [dreg:$0xe];
	s11 =	simm.s32 $0x5000  }
0x3b1: {  	[tilespmem:s11], [sflag:$0x1] =	stream.indirect_vreg.gather [hbm4b:s10+s4], $0x80, v17, vm1, $0xb8;
	[tilespmem:$0x12A00] =	vst v63  }
0x3b2: {  	s12 =	rddreg [dreg:$0xf];
	s13 =	simm.s32 $0x5800  }
0x3b3: {  	[tilespmem:s13], [sflag:$0x1] =	stream.indirect_vreg.gather [hbm4b:s12+s4], $0x80, v17, vm1, $0xb8;
	[tilespmem:$0x12A00] =	vst v63  }
0x3b4: {  	s15 =	rddreg [dreg:$0x10];
	s16 =	simm.s32 $0x6000  }
0x3b5: {  	[tilespmem:s16], [sflag:$0x1] =	stream.indirect_vreg.gather [hbm4b:s15+s4], $0x80, v17, vm1, $0xb8;
	[tilespmem:$0x12A00] =	vst v63  }
0x3b6: {  	s17 =	rddreg [dreg:$0x11];
	s18 =	simm.s32 $0x6800  }
0x3b7: {  	[tilespmem:s18], [sflag:$0x1] =	stream.indirect_vreg.gather [hbm4b:s17+s4], $0x80, v17, vm1, $0xb8;
	[tilespmem:$0x12A00] =	vst v63  }
0x3b8: {  	s19 =	rddreg [dreg:$0x12];
	s23 =	simm.s32 $0x7000  }
0x3b9: {  	[tilespmem:s23], [sflag:$0x1] =	stream.indirect_vreg.gather [hbm4b:s19+s4], $0x80, v17, vm1, $0xb8;
	[tilespmem:$0x12A00] =	vst v63  }
0x3ba: {  	v17 =	vld.msk [tilespmem:s26+$0x610], $0xff;
	_ =	sdelay $0x4  }
0x3bb: {  	v18 =	vshll.u32 v17, $0x3  }
0x3bc: {  	v17 =	vand.u32 $0x7, v17;
	v18 =	vand.u32 $0xFFFFFFC0, v18  }
0x3bd: {  	v17 =	vor.u32 v17, v18  }
0x3be: {  	v17 =	vperm.xlane v17, v12;
	_ =	sdelay $0x1  }
0x3bf: {  	v17 =	vadd.s32 v14, v17;
	_ =	sdelay $0x3  }
0x3c0: {  	s24 =	rddreg [dreg:$0x3];
	s28 =	simm.s32 $0x7800  }
0x3c1: {  	[tilespmem:s28], [sflag:$0x1] =	stream.indirect_vreg.gather [hbm4b:s24+s4], $0x80, v17, vm1, $0xb8;
	[tilespmem:$0x12A00] =	vst v63  }
0x3c2: {  	s29 =	simm.s32 $0x8000  }
0x3c3: {  	[tilespmem:s29], [sflag:$0x1] =	stream.indirect_vreg.gather [hbm4b:s20+s4], $0x80, v17, vm1, $0xb8;
	[tilespmem:$0x12A00] =	vst v63  }
0x3c4: {  	s30 =	simm.s32 $0x8800  }
0x3c5: {  	[tilespmem:s30], [sflag:$0x1] =	stream.indirect_vreg.gather [hbm4b:s21+s4], $0x80, v17, vm1, $0xb8;
	[tilespmem:$0x12A00] =	vst v63  }
0x3c6: {  	s31 =	simm.s32 $0x9000  }
0x3c7: {  	[tilespmem:s31], [sflag:$0x1] =	stream.indirect_vreg.gather [hbm4b:s22+s4], $0x80, v17, vm1, $0xb8;
	[tilespmem:$0x12A00] =	vst v63  }
.LBB2_10:
0x3c8: {  	_ =	swait.ge [sflag:s5], $0x400  }
0x3c9: {  	[sflag:s5] =	ssyncset.done $0x0  }
0x3ca: {  	[sflag:s5] =	ssyncadd.s32 $0xFFFFFC00  }
0x3cb: {  	_ =	swait.ge [sflag:s5], $0x400  }
0x3cc: {  	[sflag:s5] =	ssyncset.done $0x0  }
0x3cd: {  	[sflag:s5] =	ssyncadd.s32 $0xFFFFFC00  }
0x3ce: {  	_ =	swait.ge [sflag:s5], $0x400  }
0x3cf: {  	[sflag:s5] =	ssyncset.done $0x0  }
0x3d0: {  	[sflag:s5] =	ssyncadd.s32 $0xFFFFFC00  }
0x3d1: {  	_ =	swait.ge [sflag:s5], $0x400  }
0x3d2: {  	[sflag:s5] =	ssyncset.done $0x0  }
0x3d3: {  	[sflag:s5] =	ssyncadd.s32 $0xFFFFFC00  }
0x3d4: {  	_ =	swait.ge [sflag:s5], $0x400  }
0x3d5: {  	[sflag:s5] =	ssyncset.done $0x0  }
0x3d6: {  	[sflag:s5] =	ssyncadd.s32 $0xFFFFFC00  }
0x3d7: {  	_ =	swait.ge [sflag:s5], $0x400  }
0x3d8: {  	[sflag:s5] =	ssyncset.done $0x0  }
0x3d9: {  	[sflag:s5] =	ssyncadd.s32 $0xFFFFFC00  }
0x3da: {  	_ =	swait.ge [sflag:s5], $0x400  }
0x3db: {  	[sflag:s5] =	ssyncset.done $0x0  }
0x3dc: {  	[sflag:s5] =	ssyncadd.s32 $0xFFFFFC00  }
0x3dd: {  	_ =	swait.ge [sflag:s5], $0x400  }
0x3de: {  	[sflag:s5] =	ssyncset.done $0x0  }
0x3df: {  	[sflag:s5] =	ssyncadd.s32 $0xFFFFFC00  }
0x3e0: {  	_ =	swait.ge [sflag:s5], $0x1000  }
0x3e1: {  	[sflag:s5] =	ssyncset.done $0x0  }
0x3e2: {  	[sflag:s5] =	ssyncadd.s32 $0xFFFFF000  }
0x3e3: {  	_ =	swait.ge [sflag:s5], $0x1000  }
0x3e4: {  	s28 =	simm.s32 $0x0;
	[sflag:s5] =	ssyncset.done $0x0  }
0x3e5: {  	s10 =	simm.s32 $0xB400;
	s11 =	simm.s32 $0xB000;
	[sflag:s5] =	ssyncadd.s32 $0xFFFFF000  }
0x3e6: {  	s12 =	simm.s32 $0xF000;
	s13 =	simm.s32 $0xAC00;
	_ =	swait.ge [sflag:s5], $0x3000  }
0x3e7: {  	s23 =	simm.s32 $0xA800;
	s24 =	simm.s32 $0x11800;
	[sflag:s5] =	ssyncset.done $0x0  }
0x3e8: {  	s29 =	simm.s32 $0xA400;
	s30 =	simm.s32 $0xA000;
	[sflag:s5] =	ssyncadd.s32 $0xFFFFD000  }
0x3e9: {  	s31 =	simm.s32 $0x9800;
	s3 =	simm.s32 $0x9C00;
	_ =	swait.ge [sflag:s5], $0x2000  }
0x3ea: {  	s1 =	simm.s32 $0xC400;
	s0 =	simm.s32 $0xD400;
	[sflag:s5] =	ssyncset.done $0x0  }
0x3eb: {  	s15 =	simm.s32 $0xF400;
	s16 =	simm.s32 $0x11C00;
	[sflag:s5] =	ssyncadd.s32 $0xFFFFE000  }
.LBB2_11:
0x3ec: {  	v18 =	vmov s30  }
0x3ed: {  	v19 =	vmov s29  }
0x3ee: {  	v17 =	vmov s24;
	_ =	sdelay $0x1  }
0x3ef: {  	v20 =	vmov s31;
	s17 =	simm.s32 $0x0  }
0x3f0: {  	v22 =	vmov s3;
	v21 =	vld.idx.msk [tilespmem:v18+s17+$0x0 ss:$0x1], $0xffff  }
0x3f1: {  	v24 =	vmov s23;
	v29 =	vld.idx.msk [tilespmem:v19+s17+$0x0 ss:$0x1], $0xffff  }
0x3f2: {  	v26 =	vmov s13;
	v30 =	vld.idx.msk [tilespmem:v17+s17+$0xFFFFF000 ss:$0x1], $0xffff  }
0x3f3: {  	v25 =	vmov s12;
	v31 =	vld.idx.msk [tilespmem:v17+s17+$0xFFFFF800 ss:$0x1], $0xffff  }
0x3f4: {  	v35 =	vld.idx.msk [tilespmem:v20+s17+$0x0 ss:$0x1], $0xffff  }
0x3f5: {  	v38 =	vld.idx.msk [tilespmem:v22+s17+$0x0 ss:$0x1], $0xffff  }
0x3f6: {  	v23 =	vld.idx.msk [tilespmem:v24+s17+$0x0 ss:$0x1], $0xffff  }
0x3f7: {  	v39 =	vld.idx.msk [tilespmem:v26+s17+$0x0 ss:$0x1], $0xffff  }
0x3f8: {  	v32 =	vld.idx.msk [tilespmem:v25+s17+$0xFFFFF800 ss:$0x1], $0xffff  }
0x3f9: {  	v27 =	vmov s11;
	v33 =	vld.idx.msk [tilespmem:v25+s17+$0x0 ss:$0x1], $0xffff  }
0x3fa: {  	v34 =	vld.idx.msk [tilespmem:v25+s17+$0x800 ss:$0x1], $0xffff  }
0x3fb: {  	v36 =	vld.idx.msk [tilespmem:v25+s17+$0x1000 ss:$0x1], $0xffff  }
0x3fc: {  	v28 =	vmov s10;
	v40 =	vld.idx.msk [tilespmem:v25+s17+$0xFFFFE800 ss:$0x1], $0xffff;
	v42 =	vmul.f32 v30, v29  }
0x3fd: {  	v41 =	vld.idx.msk [tilespmem:v25+s17+$0xFFFFF000 ss:$0x1], $0xffff;
	v43 =	vmul.f32 v31, v21;
	v45 =	vmul.f32 v32, v38  }
0x3fe: {  	v37 =	vld.idx.msk [tilespmem:v27+s17+$0x0 ss:$0x1], $0xffff;
	v46 =	vmul.f32 v33, v35;
	v48 =	vmul.f32 v32, v35  }
0x3ff: {  	v44 =	vld.idx.msk [tilespmem:v17+s17+$0x0 ss:$0x1], $0xffff;
	v49 =	vmul.f32 v33, v38;
	v51 =	vmul.f32 v34, v39  }
0x400: {  	v47 =	vld.idx.msk [tilespmem:v17+s17+$0x800 ss:$0x1], $0xffff;
	v52 =	vmul.f32 v36, v23;
	v53 =	vmul.f32 v34, v23  }
0x401: {  	s18 =	simm.s32 $0x10;
	v50 =	vld.idx.msk [tilespmem:v28+s17+$0x0 ss:$0x1], $0xffff;
	v36 =	vmul.f32 v36, v39;
	v21 =	vmul.f32 v30, v21  }
0x402: {  	v33 =	vld.idx.msk [tilespmem:v18+s18+$0x0 ss:$0x1], $0xffff;
	v56 =	vmul.f32 v31, v29;
	v58 =	vmul.f32 v40, v38  }
0x403: {  	v32 =	vld.idx.msk [tilespmem:v19+s18+$0x0 ss:$0x1], $0xffff;
	v59 =	vmul.f32 v41, v35;
	v45 =	vadd.f32 v46, v45;
	v54 =	vsub.f32 v48, v49  }
0x404: {  	v34 =	vld.idx.msk [tilespmem:v17+s18+$0xFFFFF000 ss:$0x1], $0xffff;
	v60 =	vmul.f32 v40, v35;
	v55 =	vadd.f32 v52, v51;
	v36 =	vsub.f32 v53, v36  }
0x405: {  	v29 =	vld.idx.msk [tilespmem:v17+s18+$0xFFFFF800 ss:$0x1], $0xffff;
	v42 =	vadd.f32 v43, v42;
	v45 =	vmul.f32 v31, v45;
	v46 =	vmul.f32 v30, v54  }
0x406: {  	v40 =	vld.idx.msk [tilespmem:v25+s18+$0xFFFFF800 ss:$0x1], $0xffff;
	v21 =	vsub.f32 v21, v56;
	v57 =	vmul.f32 v47, v55;
	v44 =	vmul.f32 v44, v36  }
0x407: {  	v61 =	vmul.f32 v41, v38;
	v41 =	vld.idx.msk [tilespmem:v25+s18+$0x0 ss:$0x1], $0xffff;
	v42 =	vmul.f32 v42, v50  }
0x408: {  	v38 =	vld.idx.msk [tilespmem:v25+s18+$0x800 ss:$0x1], $0xffff;
	v21 =	vmul.f32 v21, v37;
	v45 =	vadd.f32 v45, v46;
	v43 =	vadd.f32 v57, v44  }
0x409: {  	v36 =	vld.idx.msk [tilespmem:v24+s18+$0x0 ss:$0x1], $0xffff  }
0x40a: {  	v37 =	vld.idx.msk [tilespmem:v26+s18+$0x0 ss:$0x1], $0xffff;
	v21 =	vadd.f32 v21, v42;
	v62 =	vadd.f32 v43, v45  }
0x40b: {  	v63 =	vadd.f32 v59, v58;
	v30 =	vld.idx.msk [tilespmem:v20+s18+$0x0 ss:$0x1], $0xffff  }
0x40c: {  	v31 =	vld.idx.msk [tilespmem:v22+s18+$0x0 ss:$0x1], $0xffff;
	v44 =	vsub.f32 v60, v61;
	v43 =	vadd.f32 v62, v21  }
0x40d: {  	s19 =	simm.s32 $0x80;
	s17 =	sshll.u32 s28, $0x7;
	v35 =	vimm.f32 $0.0e+00;
	v39 =	vmul.f32 v63, v39;
	v42 =	vld.idx.msk [tilespmem:v25+s18+$0x1000 ss:$0x1], $0xffff;
	v21 =	vimm.f32 $0.0e+00  }
.LBB2_12:
0x40e: {  	p1 =	sne.s32 s19, $0x1C0;
	v45 =	vld.idx.msk [tilespmem:v25+s18+$0xFFFFE800 ss:$0x1], $0xffff;
	v44 =	vmul.f32 v44, v23;
	v35 =	vadd.f32 v43, v35;
	v23 =	vmov v36  }
0x40f: {  	v46 =	vmov v37;
	v43 =	vld.idx.msk [tilespmem:v25+s18+$0xFFFFF000 ss:$0x1], $0xffff  }
0x410: {  	v36 =	vmul.f32 v34, v32;
	v47 =	vmul.f32 v29, v33;
	v37 =	vld.idx.msk [tilespmem:v27+s18+$0x0 ss:$0x1], $0xffff;
	v39 =	vadd.f32 v44, v39  }
0x411: {  	v48 =	vmul.f32 v40, v31;
	v49 =	vmul.f32 v41, v30;
	v44 =	vld.idx.msk [tilespmem:v17+s18+$0x0 ss:$0x1], $0xffff  }
0x412: {  	v40 =	vmul.f32 v40, v30;
	v41 =	vmul.f32 v41, v31;
	v50 =	vld.idx.msk [tilespmem:v17+s18+$0x800 ss:$0x1], $0xffff;
	v21 =	vadd.f32 v39, v21  }
0x413: {  	v51 =	vmul.f32 v38, v46;
	v52 =	vmul.f32 v42, v23;
	v39 =	vld.idx.msk [tilespmem:v28+s18+$0x0 ss:$0x1], $0xffff;
	s18 =	sshra.s32 s19, $0x2  }
0x414: {  	v38 =	vmul.f32 v38, v23;
	v42 =	vmul.f32 v42, v46;
	v53 =	vld.idx.msk [tilespmem:v18+s18+$0x0 ss:$0x1], $0xffff  }
0x415: {  	v33 =	vmul.f32 v34, v33;
	v48 =	vadd.f32 v49, v48;
	v40 =	vsub.f32 v40, v41;
	v54 =	vld.idx.msk [tilespmem:v19+s18+$0x0 ss:$0x1], $0xffff  }
0x416: {  	v32 =	vmul.f32 v29, v32;
	v41 =	vadd.f32 v52, v51;
	v38 =	vsub.f32 v38, v42;
	v49 =	vld.idx.msk [tilespmem:v17+s18+$0xFFFFF000 ss:$0x1], $0xffff  }
0x417: {  	v36 =	vadd.f32 v47, v36;
	v42 =	vmul.f32 v29, v48;
	v34 =	vmul.f32 v34, v40;
	v29 =	vld.idx.msk [tilespmem:v17+s18+$0xFFFFF800 ss:$0x1], $0xffff  }
0x418: {  	v38 =	vmul.f32 v44, v38;
	v40 =	vmul.f32 v50, v41;
	v50 =	vsub.f32 v33, v32;
	v47 =	vld.idx.msk [tilespmem:v20+s18+$0x0 ss:$0x1], $0xffff  }
0x419: {  	v44 =	vmul.f32 v45, v31;
	v39 =	vmul.f32 v36, v39;
	v48 =	vld.idx.msk [tilespmem:v22+s18+$0x0 ss:$0x1], $0xffff  }
0x41a: {  	v51 =	vadd.f32 v42, v34;
	v38 =	vadd.f32 v40, v38;
	v41 =	vmul.f32 v50, v37;
	v36 =	vld.idx.msk [tilespmem:v24+s18+$0x0 ss:$0x1], $0xffff  }
.Ltmp6:
0x41b: {  	v42 =	vmul.f32 v43, v30;
	v50 =	vmul.f32 v45, v30;
	v33 =	vmovc v53;
	v32 =	vmov v54;
	v37 =	vld.idx.msk [tilespmem:v26+s18+$0x0 ss:$0x1], $0xffff;
	(pc) =	sbr.rel @p1 .LBB2_12-.Ltmp6, $4  }
0x41c: {  	v52 =	vmul.f32 v43, v31;
	v39 =	vadd.f32 v41, v39;
	v43 =	vadd.f32 v38, v51;
	v40 =	vld.idx.msk [tilespmem:v25+s18+$0xFFFFF800 ss:$0x1], $0xffff  }
0x41d: {  	v45 =	vadd.f32 v42, v44;
	v34 =	vmov v49;
	v41 =	vld.idx.msk [tilespmem:v25+s18+$0x0 ss:$0x1], $0xffff  }
0x41e: {  	v44 =	vsub.f32 v50, v52;
	v43 =	vadd.f32 v43, v39;
	v30 =	vmov v47;
	v38 =	vld.idx.msk [tilespmem:v25+s18+$0x800 ss:$0x1], $0xffff  }
0x41f: {  	s19 =	sadd.s32 $0x40, s19;
	v39 =	vmul.f32 v45, v46;
	v31 =	vmov v48;
	v42 =	vld.idx.msk [tilespmem:v25+s18+$0x1000 ss:$0x1], $0xffff  }
0x420: {  	_ =	sdelay $0x3  }
0x421: {  	v22 =	vld.idx.msk [tilespmem:v25+s18+$0xFFFFE800 ss:$0x1], $0xffff  }
0x422: {  	v25 =	vld.idx.msk [tilespmem:v25+s18+$0xFFFFF000 ss:$0x1], $0xffff;
	v19 =	vmov s1  }
0x423: {  	v26 =	vld.idx.msk [tilespmem:v27+s18+$0x0 ss:$0x1], $0xffff  }
0x424: {  	v27 =	vld.idx.msk [tilespmem:v17+s18+$0x0 ss:$0x1], $0xffff;
	v18 =	vmov s16  }
0x425: {  	v45 =	vld.idx.msk [tilespmem:v17+s18+$0x800 ss:$0x1], $0xffff  }
0x426: {  	v28 =	vld.idx.msk [tilespmem:v28+s18+$0x0 ss:$0x1], $0xffff;
	s19 =	simm.s32 $0x0  }
0x427: {  	v23 =	vmul.f32 v44, v23;
	v46 =	vld.idx.msk [tilespmem:v19+s19+$0xFFFFFC00 ss:$0x1], $0xffff  }
0x428: {  	v44 =	vmul.f32 v34, v32;
	v20 =	vmov s0;
	v48 =	vmul.f32 v29, v33;
	v47 =	vld.idx.msk [tilespmem:v19+s19+$0x0 ss:$0x1], $0xffff  }
0x429: {  	v59 =	vmul.f32 v34, v33;
	v60 =	vmul.f32 v29, v32;
	v49 =	vld.idx.msk [tilespmem:v18+s19+$0xFFFFF000 ss:$0x1], $0xffff  }
0x42a: {  	v17 =	vmov s15;
	v24 =	vmul.f32 v40, v31;
	v62 =	vmul.f32 v40, v30;
	v51 =	vld.idx.msk [tilespmem:v18+s19+$0xFFFFF800 ss:$0x1], $0xffff  }
0x42b: {  	v50 =	vmul.f32 v41, v30;
	v63 =	vmul.f32 v41, v31;
	v53 =	vld.idx.msk [tilespmem:v19+s19+$0xFFFFF400 ss:$0x1], $0xffff  }
0x42c: {  	v32 =	vsub.f32 v59, v60;
	v52 =	vmul.f32 v38, v37;
	v57 =	vmul.f32 v38, v36;
	v55 =	vld.idx.msk [tilespmem:v19+s19+$0xFFFFF800 ss:$0x1], $0xffff  }
0x42d: {  	v54 =	vmul.f32 v42, v36;
	v58 =	vmul.f32 v42, v37;
	v50 =	vadd.f32 v50, v24;
	v24 =	vld.idx.msk [tilespmem:v20+s19+$0xFFFFF400 ss:$0x1], $0xffff  }
0x42e: {  	v40 =	vsub.f32 v62, v63;
	v41 =	vld.idx.msk [tilespmem:v20+s19+$0xFFFFF800 ss:$0x1], $0xffff;
	v63 =	vmul.f32 v22, v31;
	v22 =	vmul.f32 v22, v30  }
0x42f: {  	v43 =	vadd.f32 v43, v35;
	v35 =	vld.idx.msk [tilespmem:v17+s19+$0xFFFFF800 ss:$0x1], $0xffff;
	v30 =	vmul.f32 v25, v30;
	v25 =	vmul.f32 v25, v31  }
0x430: {  	v56 =	vld.idx.msk [tilespmem:v17+s19+$0x0 ss:$0x1], $0xffff;
	v26 =	vmul.f32 v32, v26;
	v29 =	vmul.f32 v29, v50;
	v62 =	vadd.f32 v54, v52  }
0x431: {  	v31 =	vld.idx.msk [tilespmem:v17+s19+$0x800 ss:$0x1], $0xffff;
	v61 =	vmul.f32 v34, v40;
	v38 =	vsub.f32 v57, v58;
	v57 =	vadd.f32 v48, v44  }
0x432: {  	v58 =	vld.idx.msk [tilespmem:v17+s19+$0x1000 ss:$0x1], $0xffff;
	v30 =	vadd.f32 v30, v63;
	v22 =	vsub.f32 v22, v25;
	v40 =	vmul.f32 v45, v62  }
0x433: {  	v52 =	vld.idx.msk [tilespmem:v20+s19+$0x0 ss:$0x1], $0xffff;
	v25 =	vadd.f32 v23, v39;
	v27 =	vmul.f32 v27, v38;
	v23 =	vmul.f32 v57, v28  }
0x434: {  	v38 =	vld.idx.msk [tilespmem:v17+s19+$0xFFFFE800 ss:$0x1], $0xffff;
	v29 =	vadd.f32 v29, v61;
	v32 =	vmul.f32 v30, v37;
	v34 =	vmul.f32 v22, v36  }
0x435: {  	v28 =	vld.idx.msk [tilespmem:v17+s19+$0xFFFFF000 ss:$0x1], $0xffff;
	v22 =	vadd.f32 v40, v27;
	v59 =	vmul.f32 v49, v47;
	v60 =	vmul.f32 v51, v46  }
0x436: {  	v61 =	vld.idx.msk [tilespmem:v18+s19+$0x0 ss:$0x1], $0xffff;
	v26 =	vadd.f32 v26, v23;
	v23 =	vmul.f32 v35, v55;
	v27 =	vmul.f32 v56, v53  }
0x437: {  	v62 =	vld.idx.msk [tilespmem:v18+s19+$0x800 ss:$0x1], $0xffff;
	v21 =	vadd.f32 v25, v21;
	v54 =	vmul.f32 v31, v41;
	v33 =	vmul.f32 v58, v41  }
0x438: {  	s18 =	simm.s32 $0x10;
	v36 =	vld.idx.msk [tilespmem:v20+s19+$0xFFFFFC00 ss:$0x1], $0xffff;
	v63 =	vadd.f32 v22, v29;
	v22 =	vmul.f32 v35, v53;
	v29 =	vmul.f32 v56, v55  }
0x439: {  	v30 =	vld.idx.msk [tilespmem:v19+s18+$0xFFFFFC00 ss:$0x1], $0xffff;
	v56 =	vmul.f32 v58, v24;
	v23 =	vadd.f32 v27, v23;
	v27 =	vmul.f32 v31, v24  }
0x43a: {  	v25 =	vld.idx.msk [tilespmem:v20+s18+$0xFFFFF400 ss:$0x1], $0xffff;
	v46 =	vmul.f32 v49, v46;
	v34 =	vadd.f32 v34, v32;
	v22 =	vsub.f32 v22, v29  }
0x43b: {  	v47 =	vmul.f32 v51, v47;
	v32 =	vld.idx.msk [tilespmem:v17+s18+$0xFFFFF800 ss:$0x1], $0xffff;
	v45 =	vadd.f32 v56, v54;
	v33 =	vsub.f32 v27, v33  }
0x43c: {  	v31 =	vld.idx.msk [tilespmem:v18+s18+$0xFFFFF000 ss:$0x1], $0xffff;
	v37 =	vadd.f32 v60, v59;
	v57 =	vmul.f32 v51, v23;
	v49 =	vmul.f32 v49, v22  }
0x43d: {  	v59 =	vsub.f32 v46, v47;
	v29 =	vld.idx.msk [tilespmem:v19+s18+$0x0 ss:$0x1], $0xffff;
	v58 =	vmul.f32 v62, v45;
	v33 =	vmul.f32 v61, v33  }
0x43e: {  	v60 =	vmul.f32 v38, v55;
	v27 =	vld.idx.msk [tilespmem:v18+s18+$0xFFFFF800 ss:$0x1], $0xffff;
	v35 =	vmul.f32 v37, v52  }
0x43f: {  	v23 =	vld.idx.msk [tilespmem:v19+s18+$0xFFFFF400 ss:$0x1], $0xffff;
	v36 =	vmul.f32 v59, v36;
	v61 =	vadd.f32 v57, v49;
	v33 =	vadd.f32 v58, v33  }
0x440: {  	v38 =	vmul.f32 v38, v53;
	v44 =	vadd.f32 v63, v26;
	v26 =	vld.idx.msk [tilespmem:v20+s18+$0xFFFFF800 ss:$0x1], $0xffff;
	v62 =	vmul.f32 v28, v53  }
0x441: {  	v63 =	vmul.f32 v28, v55;
	v22 =	vld.idx.msk [tilespmem:v19+s18+$0xFFFFF800 ss:$0x1], $0xffff;
	v36 =	vadd.f32 v36, v35;
	v37 =	vadd.f32 v33, v61  }
0x442: {  	v35 =	vld.idx.msk [tilespmem:v17+s18+$0x0 ss:$0x1], $0xffff;
	v28 =	vadd.f32 v44, v43;
	v39 =	vadd.f32 v62, v60  }
0x443: {  	v38 =	vsub.f32 v38, v63;
	v33 =	vld.idx.msk [tilespmem:v17+s18+$0x800 ss:$0x1], $0xffff;
	v37 =	vadd.f32 v37, v36  }
0x444: {  	s19 =	simm.s32 $0x80;
	v21 =	vadd.f32 v34, v21;
	v34 =	vmul.f32 v39, v41;
	v36 =	vld.idx.msk [tilespmem:v17+s18+$0x1000 ss:$0x1], $0xffff  }
.LBB2_14:
0x445: {  	p1 =	sne.s32 s19, $0xC0;
	v39 =	vld.idx.msk [tilespmem:v17+s18+$0xFFFFE800 ss:$0x1], $0xffff;
	v38 =	vmul.f32 v38, v24;
	v28 =	vadd.f32 v37, v28;
	v24 =	vmov v25  }
0x446: {  	v40 =	vmov v26;
	v37 =	vld.idx.msk [tilespmem:v17+s18+$0xFFFFF000 ss:$0x1], $0xffff  }
0x447: {  	v25 =	vmul.f32 v31, v29;
	v41 =	vmul.f32 v27, v30;
	v26 =	vld.idx.msk [tilespmem:v20+s18+$0xFFFFFC00 ss:$0x1], $0xffff;
	v34 =	vadd.f32 v38, v34  }
0x448: {  	v42 =	vmul.f32 v32, v22;
	v43 =	vmul.f32 v35, v23;
	v38 =	vld.idx.msk [tilespmem:v18+s18+$0x0 ss:$0x1], $0xffff  }
0x449: {  	v32 =	vmul.f32 v32, v23;
	v35 =	vmul.f32 v35, v22;
	v44 =	vld.idx.msk [tilespmem:v18+s18+$0x800 ss:$0x1], $0xffff;
	v21 =	vadd.f32 v34, v21  }
0x44a: {  	v45 =	vmul.f32 v33, v40;
	v46 =	vmul.f32 v36, v24;
	v34 =	vld.idx.msk [tilespmem:v20+s18+$0x0 ss:$0x1], $0xffff;
	s18 =	sshra.s32 s19, $0x2  }
0x44b: {  	v33 =	vmul.f32 v33, v24;
	v36 =	vmul.f32 v36, v40;
	v47 =	vld.idx.msk [tilespmem:v19+s18+$0xFFFFFC00 ss:$0x1], $0xffff  }
0x44c: {  	v30 =	vmul.f32 v31, v30;
	v42 =	vadd.f32 v43, v42;
	v32 =	vsub.f32 v32, v35;
	v48 =	vld.idx.msk [tilespmem:v19+s18+$0x0 ss:$0x1], $0xffff  }
0x44d: {  	v29 =	vmul.f32 v27, v29;
	v35 =	vadd.f32 v46, v45;
	v33 =	vsub.f32 v33, v36;
	v43 =	vld.idx.msk [tilespmem:v18+s18+$0xFFFFF000 ss:$0x1], $0xffff  }
0x44e: {  	v25 =	vadd.f32 v41, v25;
	v36 =	vmul.f32 v27, v42;
	v31 =	vmul.f32 v31, v32;
	v27 =	vld.idx.msk [tilespmem:v18+s18+$0xFFFFF800 ss:$0x1], $0xffff  }
0x44f: {  	v33 =	vmul.f32 v38, v33;
	v32 =	vmul.f32 v44, v35;
	v44 =	vsub.f32 v30, v29;
	v41 =	vld.idx.msk [tilespmem:v19+s18+$0xFFFFF400 ss:$0x1], $0xffff  }
0x450: {  	v38 =	vmul.f32 v39, v22;
	v34 =	vmul.f32 v25, v34;
	v42 =	vld.idx.msk [tilespmem:v19+s18+$0xFFFFF800 ss:$0x1], $0xffff  }
0x451: {  	v45 =	vadd.f32 v36, v31;
	v33 =	vadd.f32 v32, v33;
	v35 =	vmul.f32 v44, v26;
	v25 =	vld.idx.msk [tilespmem:v20+s18+$0xFFFFF400 ss:$0x1], $0xffff  }
.Ltmp7:
0x452: {  	v36 =	vmul.f32 v37, v23;
	v44 =	vmul.f32 v39, v23;
	v30 =	vmovc v47;
	v29 =	vmov v48;
	v26 =	vld.idx.msk [tilespmem:v20+s18+$0xFFFFF800 ss:$0x1], $0xffff;
	(pc) =	sbr.rel @p1 .LBB2_14-.Ltmp7, $4  }
0x453: {  	v46 =	vmul.f32 v37, v22;
	v34 =	vadd.f32 v35, v34;
	v37 =	vadd.f32 v33, v45;
	v32 =	vld.idx.msk [tilespmem:v17+s18+$0xFFFFF800 ss:$0x1], $0xffff  }
0x454: {  	v39 =	vadd.f32 v36, v38;
	v31 =	vmov v43;
	v35 =	vld.idx.msk [tilespmem:v17+s18+$0x0 ss:$0x1], $0xffff  }
0x455: {  	v38 =	vsub.f32 v44, v46;
	v37 =	vadd.f32 v37, v34;
	v23 =	vmov v41;
	v33 =	vld.idx.msk [tilespmem:v17+s18+$0x800 ss:$0x1], $0xffff  }
0x456: {  	s19 =	sadd.s32 $0x40, s19;
	v34 =	vmul.f32 v39, v40;
	v22 =	vmov v42;
	v36 =	vld.idx.msk [tilespmem:v17+s18+$0x1000 ss:$0x1], $0xffff  }
0x457: {  	_ =	sdelay $0x3  }
0x458: {  	v39 =	vld.idx.msk [tilespmem:v20+s18+$0xFFFFFC00 ss:$0x1], $0xffff  }
0x459: {  	v40 =	vld.idx.msk [tilespmem:v18+s18+$0x0 ss:$0x1], $0xffff  }
0x45a: {  	v18 =	vld.idx.msk [tilespmem:v18+s18+$0x800 ss:$0x1], $0xffff  }
0x45b: {  	v20 =	vld.idx.msk [tilespmem:v20+s18+$0x0 ss:$0x1], $0xffff  }
0x45c: {  	v24 =	vmul.f32 v38, v24;
	v38 =	vld.msk [tilespmem:s17+$0xB840], $0xff  }
0x45d: {  	v43 =	vld.msk [tilespmem:s17+$0xBC40], $0xff  }
0x45e: {  	v46 =	vld.msk [tilespmem:s17+$0xC040], $0xff  }
0x45f: {  	v41 =	vmul.f32 v31, v29;
	v42 =	vmul.f32 v27, v30;
	v47 =	vld.msk [tilespmem:s17+$0xC840], $0xff  }
0x460: {  	v59 =	vld.msk [tilespmem:s17+$0xDC40], $0xff;
	v60 =	vmul.f32 v31, v30;
	v61 =	vmul.f32 v27, v29  }
0x461: {  	v62 =	vld.msk [tilespmem:s17+$0xEC40], $0xff;
	v44 =	vmul.f32 v32, v22;
	v55 =	vmul.f32 v32, v23  }
0x462: {  	v53 =	vld.msk [tilespmem:s17+$0xE440], $0xff;
	v45 =	vmul.f32 v35, v23;
	v56 =	vmul.f32 v35, v22;
	v52 =	vadd.f32 v42, v41  }
0x463: {  	v50 =	vld.msk [tilespmem:s17+$0xCC40], $0xff;
	v29 =	vsub.f32 v60, v61;
	v48 =	vmul.f32 v33, v26;
	v57 =	vmul.f32 v33, v25  }
0x464: {  	v54 =	vld.msk [tilespmem:s17+$0xFC40], $0xff;
	v28 =	vadd.f32 v37, v28;
	v49 =	vmul.f32 v36, v25;
	v58 =	vmul.f32 v36, v26  }
0x465: {  	v32 =	vsub.f32 v55, v56;
	v55 =	vld.msk [tilespmem:s17+$0x10440], $0xff;
	v20 =	vmul.f32 v52, v20;
	v29 =	vmul.f32 v29, v39  }
0x466: {  	v44 =	vadd.f32 v45, v44;
	v56 =	vld.msk [tilespmem:s17+$0x10C40], $0xff;
	v39 =	vmul.f32 v59, v43;
	v41 =	vmul.f32 v59, v38  }
0x467: {  	v35 =	vmul.f32 v62, v38;
	v30 =	vmul.f32 v53, v43;
	v48 =	vadd.f32 v49, v48;
	v49 =	vld.msk [tilespmem:s17+$0xF440], $0xff  }
0x468: {  	v33 =	vsub.f32 v57, v58;
	v63 =	vmul.f32 v27, v44;
	v51 =	vmul.f32 v31, v32  }
0x469: {  	v24 =	vadd.f32 v24, v34;
	v60 =	vld.msk [tilespmem:s17+$0xC440], $0xff;
	v58 =	vmul.f32 v62, v43;
	v18 =	vmul.f32 v18, v48  }
0x46a: {  	v57 =	vld.msk [tilespmem:s17+$0x11440], $0xff;
	v33 =	vmul.f32 v40, v33;
	v27 =	vadd.f32 v63, v51;
	v63 =	vmul.f32 v54, v50  }
0x46b: {  	v19 =	vld.idx.msk [tilespmem:v17+s18+$0xFFFFE800 ss:$0x1], $0xffff;
	v20 =	vadd.f32 v29, v20;
	v48 =	vmul.f32 v55, v47;
	v32 =	vmul.f32 v55, v50  }
0x46c: {  	v62 =	vld.msk [tilespmem:s17+$0x12440], $0xff;
	v30 =	vsub.f32 v41, v30;
	v37 =	vmul.f32 v56, v46;
	v59 =	vmul.f32 v49, v38  }
0x46d: {  	v61 =	vld.msk [tilespmem:s17+$0x11C40], $0xff;
	v18 =	vadd.f32 v18, v33;
	v36 =	vmul.f32 v49, v43;
	v38 =	vmul.f32 v53, v38  }
0x46e: {  	v52 =	vld.msk [tilespmem:s17+$0xD440], $0xff;
	v49 =	vmul.f32 v54, v47;
	v53 =	vmul.f32 v56, v60;
	v42 =	vadd.f32 v59, v58  }
0x46f: {  	v51 =	vld.msk [tilespmem:s17+$0xD040], $0xff;
	v54 =	vmul.f32 v57, v46;
	v35 =	vsub.f32 v35, v36;
	v36 =	vadd.f32 v48, v63  }
0x470: {  	v17 =	vld.idx.msk [tilespmem:v17+s18+$0xFFFFF000 ss:$0x1], $0xffff;
	v31 =	vmul.f32 v57, v60;
	v32 =	vsub.f32 v49, v32;
	v42 =	vmul.f32 v57, v42  }
0x471: {  	v29 =	vadd.f32 v54, v53;
	v35 =	vmul.f32 v56, v35;
	v55 =	vmul.f32 v62, v36  }
0x472: {  	v31 =	vsub.f32 v37, v31;
	v32 =	vmul.f32 v61, v32;
	v56 =	vmul.f32 v19, v22  }
0x473: {  	v18 =	vadd.f32 v18, v27;
	v19 =	vmul.f32 v19, v23;
	v29 =	vmul.f32 v29, v52  }
0x474: {  	v31 =	vmul.f32 v31, v51;
	v58 =	vadd.f32 v42, v35;
	v27 =	vadd.f32 v55, v32  }
0x475: {  	v59 =	vadd.f32 v38, v39;
	v57 =	vmul.f32 v17, v23;
	v17 =	vmul.f32 v17, v22  }
0x476: {  	v29 =	vadd.f32 v31, v29;
	v27 =	vadd.f32 v27, v58  }
0x477: {  	v23 =	vadd.f32 v57, v56;
	v17 =	vsub.f32 v19, v17  }
0x478: {  	v60 =	vmul.f32 v30, v47;
	v19 =	vmul.f32 v59, v50;
	v27 =	vadd.f32 v27, v29  }
0x479: {  	v18 =	vadd.f32 v18, v20;
	v61 =	vmul.f32 v23, v26;
	v17 =	vmul.f32 v17, v25  }
0x47a: {  	v21 =	vadd.f32 v24, v21;
	v19 =	vadd.f32 v60, v19;
	v62 =	vperm.xlane v27, v9  }
0x47b: {  	v18 =	vadd.f32 v18, v28;
	v17 =	vadd.f32 v17, v61  }
0x47c: {  	v19 =	vperm.xlane v19, v9;
	v63 =	vsel vm2, $0x0, v62  }
0x47d: {  	v17 =	vadd.f32 v17, v21;
	v18 =	vadd.f32 v63, v18  }
0x47e: {  	v19 =	vsel vm2, $0x0, v19  }
0x47f: {  	v17 =	vadd.f32 v19, v17;
	v18 =	vmul.f32 $5.000000000e+00, v18;
	_ =	sdelay $0x1  }
0x480: {  	v17 =	vadd.f32 v18, v17;
	_ =	sdelay $0x1  }
0x481: {  	v18 =	vperm.xlane v17, v9;
	_ =	sdelay $0x1  }
0x482: {  	v17 =	vadd.f32 v17, v18;
	_ =	sdelay $0x1  }
0x483: {  	v18 =	vperm.xlane v17, v11;
	_ =	sdelay $0x1  }
0x484: {  	v17 =	vadd.f32 v17, v18;
	_ =	sdelay $0x1  }
0x485: {  	v18 =	vperm.xlane v17, v13;
	_ =	sdelay $0x1  }
0x486: {  	s19 =	sor.u32 $0x8, s28;
	s28 =	sadd.s32 $0x1, s28;
	v17 =	vadd.f32 v17, v18  }
0x487: {  	p1 =	sne.s32 s28, $0x8  }
.Ltmp8:
0x488: {  	s10 =	sadd.s32 $0x80, s10;
	s11 =	sadd.s32 $0x80, s11;
	v18 =	vperm.xlane v17, v15;
	(pc) =	sbr.rel @p1 .LBB2_11-.Ltmp8, $4  }
0x489: {  	s12 =	sadd.s32 $0x80, s12;
	s13 =	sadd.s32 $0x80, s13;
	s23 =	sadd.s32 $0x80, s23  }
0x48a: {  	s24 =	sadd.s32 $0x80, s24;
	s29 =	sadd.s32 $0x80, s29;
	s30 =	sadd.s32 $0x80, s30;
	v17 =	vadd.f32 v17, v18;
	v18 =	vmov s19  }
0x48b: {  	s31 =	sadd.s32 $0x80, s31;
	s3 =	sadd.s32 $0x80, s3;
	s1 =	sadd.s32 $0x80, s1;
	vm3 =	veq.s32 v18, v1  }
0x48c: {  	s0 =	sadd.s32 $0x80, s0;
	s15 =	sadd.s32 $0x80, s15;
	s16 =	sadd.s32 $0x80, s16;
	v16 =	vsel vm3, v17, v16  }
.Ltmp9:
0x48d: {  	(pc) =	sbr.rel @p0 .LBB2_18-.Ltmp9, $3  }
0x48e: {  	_ =	sdelay $0x1  }
0x48f: {  	s0 =	sand.u32 $0x3FFFFFF0, s26  }
0x490: {  	[tilespmem:s0+$0x12800] =	vst v16  }
0x491: {  	v16 =	vld.msk [tilespmem:s26+$0x18], $0xff;
	_ =	sdelay $0x4  }
0x492: {  	v17 =	vshll.u32 v16, $0x1  }
0x493: {  	v16 =	vand.u32 $0x7, v16;
	v17 =	vand.u32 $0xFFFFFFF0, v17  }
0x494: {  	v16 =	vor.u32 v16, v17  }
0x495: {  	v17 =	vperm.xlane v16, v2;
	_ =	sdelay $0x1  }
0x496: {  	v18 =	vperm.xlane v16, v0;
	v17 =	vadd.s32 v3, v17;
	_ =	sdelay $0x1  }
0x497: {  	v19 =	vperm.xlane v16, v4;
	v18 =	vadd.s32 v3, v18;
	_ =	sdelay $0x1  }
0x498: {  	s0 =	simm.s32 $0x9800;
	v20 =	vperm.xlane v16, v5;
	v19 =	vadd.s32 v3, v19  }
0x499: {  	[tilespmem:s0], [sflag:$0x2] =	stream.indirect_vreg.gather [hbm4b:s6+s4], $0x80, v17, vm0, $0xb8;
	[tilespmem:$0x12A00] =	vst v63  }
0x49a: {  	s10 =	simm.s32 $0x9880;
	v43 =	vperm.xlane v16, v6;
	v17 =	vadd.s32 v3, v20  }
0x49b: {  	[tilespmem:s10], [sflag:$0x2] =	stream.indirect_vreg.gather [hbm4b:s6+s4], $0x80, v18, vm0, $0xb8;
	[tilespmem:$0x12A00] =	vst v63  }
0x49c: {  	s11 =	simm.s32 $0x9900;
	v45 =	vperm.xlane v16, v7;
	v44 =	vadd.s32 v3, v43  }
0x49d: {  	[tilespmem:s11], [sflag:$0x2] =	stream.indirect_vreg.gather [hbm4b:s6+s4], $0x80, v19, vm0, $0xb8;
	[tilespmem:$0x12A00] =	vst v63  }
0x49e: {  	s12 =	simm.s32 $0x9980;
	v47 =	vperm.xlane v16, v8;
	v46 =	vadd.s32 v3, v45  }
0x49f: {  	[tilespmem:s12], [sflag:$0x2] =	stream.indirect_vreg.gather [hbm4b:s6+s4], $0x80, v17, vm0, $0xb8;
	[tilespmem:$0x12A00] =	vst v63  }
0x4a0: {  	s13 =	simm.s32 $0x9A00;
	v16 =	vperm.xlane v16, v10;
	v17 =	vadd.s32 v3, v47  }
0x4a1: {  	[tilespmem:s13], [sflag:$0x2] =	stream.indirect_vreg.gather [hbm4b:s6+s4], $0x80, v44, vm0, $0xb8;
	[tilespmem:$0x12A00] =	vst v63  }
0x4a2: {  	s15 =	simm.s32 $0x9A80;
	v16 =	vadd.s32 v3, v16  }
0x4a3: {  	[tilespmem:s15], [sflag:$0x2] =	stream.indirect_vreg.gather [hbm4b:s6+s4], $0x80, v46, vm0, $0xb8;
	[tilespmem:$0x12A00] =	vst v63  }
0x4a4: {  	s16 =	simm.s32 $0x9B00  }
0x4a5: {  	[tilespmem:s16], [sflag:$0x2] =	stream.indirect_vreg.gather [hbm4b:s6+s4], $0x80, v17, vm0, $0xb8;
	[tilespmem:$0x12A00] =	vst v63  }
0x4a6: {  	s17 =	simm.s32 $0x9B80  }
0x4a7: {  	[tilespmem:s17], [sflag:$0x2] =	stream.indirect_vreg.gather [hbm4b:s6+s4], $0x80, v16, vm0, $0xb8;
	[tilespmem:$0x12A00] =	vst v63  }
0x4a8: {  	v16 =	vld.msk [tilespmem:s26+$0x18], $0xff;
	_ =	sdelay $0x4  }
0x4a9: {  	v17 =	vshll.u32 v16, $0x1  }
0x4aa: {  	v16 =	vand.u32 $0x7, v16;
	v17 =	vand.u32 $0xFFFFFFF0, v17  }
0x4ab: {  	v16 =	vor.u32 v16, v17  }
0x4ac: {  	v17 =	vperm.xlane v16, v2;
	_ =	sdelay $0x1  }
0x4ad: {  	v48 =	vperm.xlane v16, v0;
	v17 =	vadd.s32 v3, v17;
	_ =	sdelay $0x1  }
0x4ae: {  	v49 =	vperm.xlane v16, v4;
	v18 =	vadd.s32 v3, v48;
	_ =	sdelay $0x1  }
0x4af: {  	s18 =	simm.s32 $0x9C00;
	v50 =	vperm.xlane v16, v5;
	v19 =	vadd.s32 v3, v49  }
0x4b0: {  	[tilespmem:s18], [sflag:$0x2] =	stream.indirect_vreg.gather [hbm4b:s7+s4], $0x80, v17, vm0, $0xb8;
	[tilespmem:$0x12A00] =	vst v63  }
0x4b1: {  	s19 =	simm.s32 $0x9C80;
	v51 =	vperm.xlane v16, v6;
	v17 =	vadd.s32 v3, v50  }
0x4b2: {  	[tilespmem:s19], [sflag:$0x2] =	stream.indirect_vreg.gather [hbm4b:s7+s4], $0x80, v18, vm0, $0xb8;
	[tilespmem:$0x12A00] =	vst v63  }
0x4b3: {  	s23 =	simm.s32 $0x9D00;
	v53 =	vperm.xlane v16, v7;
	v52 =	vadd.s32 v3, v51  }
0x4b4: {  	[tilespmem:s23], [sflag:$0x2] =	stream.indirect_vreg.gather [hbm4b:s7+s4], $0x80, v19, vm0, $0xb8;
	[tilespmem:$0x12A00] =	vst v63  }
0x4b5: {  	s24 =	simm.s32 $0x9D80;
	v55 =	vperm.xlane v16, v8;
	v54 =	vadd.s32 v3, v53  }
0x4b6: {  	[tilespmem:s24], [sflag:$0x2] =	stream.indirect_vreg.gather [hbm4b:s7+s4], $0x80, v17, vm0, $0xb8;
	[tilespmem:$0x12A00] =	vst v63  }
0x4b7: {  	s28 =	simm.s32 $0x9E00;
	v16 =	vperm.xlane v16, v10;
	v17 =	vadd.s32 v3, v55  }
0x4b8: {  	[tilespmem:s28], [sflag:$0x2] =	stream.indirect_vreg.gather [hbm4b:s7+s4], $0x80, v52, vm0, $0xb8;
	[tilespmem:$0x12A00] =	vst v63  }
0x4b9: {  	s29 =	simm.s32 $0x9E80;
	v16 =	vadd.s32 v3, v16  }
0x4ba: {  	[tilespmem:s29], [sflag:$0x2] =	stream.indirect_vreg.gather [hbm4b:s7+s4], $0x80, v54, vm0, $0xb8;
	[tilespmem:$0x12A00] =	vst v63  }
0x4bb: {  	s30 =	simm.s32 $0x9F00  }
0x4bc: {  	[tilespmem:s30], [sflag:$0x2] =	stream.indirect_vreg.gather [hbm4b:s7+s4], $0x80, v17, vm0, $0xb8;
	[tilespmem:$0x12A00] =	vst v63  }
0x4bd: {  	s31 =	simm.s32 $0x9F80  }
0x4be: {  	[tilespmem:s31], [sflag:$0x2] =	stream.indirect_vreg.gather [hbm4b:s7+s4], $0x80, v16, vm0, $0xb8;
	[tilespmem:$0x12A00] =	vst v63  }
0x4bf: {  	v16 =	vld.msk [tilespmem:s26+$0x18], $0xff;
	_ =	sdelay $0x4  }
0x4c0: {  	v17 =	vshll.u32 v16, $0x1  }
0x4c1: {  	v16 =	vand.u32 $0x7, v16;
	v17 =	vand.u32 $0xFFFFFFF0, v17  }
0x4c2: {  	v16 =	vor.u32 v16, v17  }
0x4c3: {  	v17 =	vperm.xlane v16, v2;
	_ =	sdelay $0x1  }
0x4c4: {  	v56 =	vperm.xlane v16, v0;
	v17 =	vadd.s32 v3, v17;
	_ =	sdelay $0x1  }
0x4c5: {  	v57 =	vperm.xlane v16, v4;
	v18 =	vadd.s32 v3, v56;
	_ =	sdelay $0x1  }
0x4c6: {  	s1 =	simm.s32 $0xA000;
	v58 =	vperm.xlane v16, v5;
	v19 =	vadd.s32 v3, v57  }
0x4c7: {  	[tilespmem:s1], [sflag:$0x2] =	stream.indirect_vreg.gather [hbm4b:s8+s4], $0x80, v17, vm0, $0xb8;
	[tilespmem:$0x12A00] =	vst v63  }
0x4c8: {  	s3 =	simm.s32 $0xA080;
	v59 =	vperm.xlane v16, v6;
	v17 =	vadd.s32 v3, v58  }
0x4c9: {  	[tilespmem:s3], [sflag:$0x2] =	stream.indirect_vreg.gather [hbm4b:s8+s4], $0x80, v18, vm0, $0xb8;
	[tilespmem:$0x12A00] =	vst v63  }
0x4ca: {  	s10 =	simm.s32 $0xA100;
	v61 =	vperm.xlane v16, v7;
	v60 =	vadd.s32 v3, v59  }
0x4cb: {  	[tilespmem:s10], [sflag:$0x2] =	stream.indirect_vreg.gather [hbm4b:s8+s4], $0x80, v19, vm0, $0xb8;
	[tilespmem:$0x12A00] =	vst v63  }
0x4cc: {  	s11 =	simm.s32 $0xA180;
	v63 =	vperm.xlane v16, v8;
	v62 =	vadd.s32 v3, v61  }
0x4cd: {  	[tilespmem:s11], [sflag:$0x2] =	stream.indirect_vreg.gather [hbm4b:s8+s4], $0x80, v17, vm0, $0xb8;
	[tilespmem:$0x12A00] =	vst v63  }
0x4ce: {  	s12 =	simm.s32 $0xA200;
	v16 =	vperm.xlane v16, v10;
	v17 =	vadd.s32 v3, v63  }
0x4cf: {  	[tilespmem:s12], [sflag:$0x2] =	stream.indirect_vreg.gather [hbm4b:s8+s4], $0x80, v60, vm0, $0xb8;
	[tilespmem:$0x12A00] =	vst v63  }
0x4d0: {  	s13 =	simm.s32 $0xA280;
	v16 =	vadd.s32 v3, v16  }
0x4d1: {  	[tilespmem:s13], [sflag:$0x2] =	stream.indirect_vreg.gather [hbm4b:s8+s4], $0x80, v62, vm0, $0xb8;
	[tilespmem:$0x12A00] =	vst v63  }
0x4d2: {  	s15 =	simm.s32 $0xA300  }
0x4d3: {  	[tilespmem:s15], [sflag:$0x2] =	stream.indirect_vreg.gather [hbm4b:s8+s4], $0x80, v17, vm0, $0xb8;
	[tilespmem:$0x12A00] =	vst v63  }
0x4d4: {  	s16 =	simm.s32 $0xA380  }
0x4d5: {  	[tilespmem:s16], [sflag:$0x2] =	stream.indirect_vreg.gather [hbm4b:s8+s4], $0x80, v16, vm0, $0xb8;
	[tilespmem:$0x12A00] =	vst v63  }
0x4d6: {  	v16 =	vld.msk [tilespmem:s26+$0x18], $0xff;
	_ =	sdelay $0x4  }
0x4d7: {  	v17 =	vshll.u32 v16, $0x1  }
0x4d8: {  	v16 =	vand.u32 $0x7, v16;
	v17 =	vand.u32 $0xFFFFFFF0, v17  }
0x4d9: {  	v16 =	vor.u32 v16, v17  }
0x4da: {  	v17 =	vperm.xlane v16, v2;
	_ =	sdelay $0x1  }
0x4db: {  	v24 =	vperm.xlane v16, v0;
	v17 =	vadd.s32 v3, v17;
	_ =	sdelay $0x1  }
0x4dc: {  	v25 =	vperm.xlane v16, v4;
	v18 =	vadd.s32 v3, v24;
	_ =	sdelay $0x1  }
0x4dd: {  	s17 =	simm.s32 $0xA400;
	v26 =	vperm.xlane v16, v5;
	v19 =	vadd.s32 v3, v25  }
0x4de: {  	[tilespmem:s17], [sflag:$0x2] =	stream.indirect_vreg.gather [hbm4b:s9+s4], $0x80, v17, vm0, $0xb8;
	[tilespmem:$0x12A00] =	vst v63  }
0x4df: {  	s18 =	simm.s32 $0xA480;
	v27 =	vperm.xlane v16, v6;
	v17 =	vadd.s32 v3, v26  }
0x4e0: {  	[tilespmem:s18], [sflag:$0x2] =	stream.indirect_vreg.gather [hbm4b:s9+s4], $0x80, v18, vm0, $0xb8;
	[tilespmem:$0x12A00] =	vst v63  }
0x4e1: {  	s19 =	simm.s32 $0xA500;
	v29 =	vperm.xlane v16, v7;
	v28 =	vadd.s32 v3, v27  }
0x4e2: {  	[tilespmem:s19], [sflag:$0x2] =	stream.indirect_vreg.gather [hbm4b:s9+s4], $0x80, v19, vm0, $0xb8;
	[tilespmem:$0x12A00] =	vst v63  }
0x4e3: {  	s23 =	simm.s32 $0xA580;
	v31 =	vperm.xlane v16, v8;
	v30 =	vadd.s32 v3, v29  }
0x4e4: {  	[tilespmem:s23], [sflag:$0x2] =	stream.indirect_vreg.gather [hbm4b:s9+s4], $0x80, v17, vm0, $0xb8;
	[tilespmem:$0x12A00] =	vst v63  }
0x4e5: {  	s24 =	simm.s32 $0xA600;
	v16 =	vperm.xlane v16, v10;
	v17 =	vadd.s32 v3, v31  }
0x4e6: {  	[tilespmem:s24], [sflag:$0x2] =	stream.indirect_vreg.gather [hbm4b:s9+s4], $0x80, v28, vm0, $0xb8;
	[tilespmem:$0x12A00] =	vst v63  }
0x4e7: {  	s28 =	simm.s32 $0xA680;
	v16 =	vadd.s32 v3, v16  }
0x4e8: {  	[tilespmem:s28], [sflag:$0x2] =	stream.indirect_vreg.gather [hbm4b:s9+s4], $0x80, v30, vm0, $0xb8;
	[tilespmem:$0x12A00] =	vst v63  }
0x4e9: {  	s29 =	simm.s32 $0xA700  }
0x4ea: {  	[tilespmem:s29], [sflag:$0x2] =	stream.indirect_vreg.gather [hbm4b:s9+s4], $0x80, v17, vm0, $0xb8;
	[tilespmem:$0x12A00] =	vst v63  }
0x4eb: {  	s30 =	simm.s32 $0xA780  }
0x4ec: {  	[tilespmem:s30], [sflag:$0x2] =	stream.indirect_vreg.gather [hbm4b:s9+s4], $0x80, v16, vm0, $0xb8;
	[tilespmem:$0x12A00] =	vst v63  }
0x4ed: {  	v16 =	vld.msk [tilespmem:s26+$0x418], $0xff;
	_ =	sdelay $0x4  }
0x4ee: {  	v17 =	vshll.u32 v16, $0x1  }
0x4ef: {  	v16 =	vand.u32 $0x7, v16;
	v17 =	vand.u32 $0xFFFFFFF0, v17  }
0x4f0: {  	v16 =	vor.u32 v16, v17  }
0x4f1: {  	v17 =	vperm.xlane v16, v2;
	_ =	sdelay $0x1  }
0x4f2: {  	v32 =	vperm.xlane v16, v0;
	v17 =	vadd.s32 v3, v17;
	_ =	sdelay $0x1  }
0x4f3: {  	v33 =	vperm.xlane v16, v4;
	v18 =	vadd.s32 v3, v32;
	_ =	sdelay $0x1  }
0x4f4: {  	s31 =	simm.s32 $0xA800;
	v34 =	vperm.xlane v16, v5;
	v19 =	vadd.s32 v3, v33  }
0x4f5: {  	[tilespmem:s31], [sflag:$0x2] =	stream.indirect_vreg.gather [hbm4b:s6+s4], $0x80, v17, vm0, $0xb8;
	[tilespmem:$0x12A00] =	vst v63  }
0x4f6: {  	s1 =	simm.s32 $0xA880;
	v35 =	vperm.xlane v16, v6;
	v17 =	vadd.s32 v3, v34  }
0x4f7: {  	[tilespmem:s1], [sflag:$0x2] =	stream.indirect_vreg.gather [hbm4b:s6+s4], $0x80, v18, vm0, $0xb8;
	[tilespmem:$0x12A00] =	vst v63  }
0x4f8: {  	s3 =	simm.s32 $0xA900;
	v37 =	vperm.xlane v16, v7;
	v36 =	vadd.s32 v3, v35  }
0x4f9: {  	[tilespmem:s3], [sflag:$0x2] =	stream.indirect_vreg.gather [hbm4b:s6+s4], $0x80, v19, vm0, $0xb8;
	[tilespmem:$0x12A00] =	vst v63  }
0x4fa: {  	s10 =	simm.s32 $0xA980;
	v39 =	vperm.xlane v16, v8;
	v38 =	vadd.s32 v3, v37  }
0x4fb: {  	[tilespmem:s10], [sflag:$0x2] =	stream.indirect_vreg.gather [hbm4b:s6+s4], $0x80, v17, vm0, $0xb8;
	[tilespmem:$0x12A00] =	vst v63  }
0x4fc: {  	s11 =	simm.s32 $0xAA00;
	v16 =	vperm.xlane v16, v10;
	v17 =	vadd.s32 v3, v39  }
0x4fd: {  	[tilespmem:s11], [sflag:$0x2] =	stream.indirect_vreg.gather [hbm4b:s6+s4], $0x80, v36, vm0, $0xb8;
	[tilespmem:$0x12A00] =	vst v63  }
0x4fe: {  	s12 =	simm.s32 $0xAA80;
	v16 =	vadd.s32 v3, v16  }
0x4ff: {  	[tilespmem:s12], [sflag:$0x2] =	stream.indirect_vreg.gather [hbm4b:s6+s4], $0x80, v38, vm0, $0xb8;
	[tilespmem:$0x12A00] =	vst v63  }
0x500: {  	s13 =	simm.s32 $0xAB00  }
0x501: {  	[tilespmem:s13], [sflag:$0x2] =	stream.indirect_vreg.gather [hbm4b:s6+s4], $0x80, v17, vm0, $0xb8;
	[tilespmem:$0x12A00] =	vst v63  }
0x502: {  	s15 =	simm.s32 $0xAB80  }
0x503: {  	[tilespmem:s15], [sflag:$0x2] =	stream.indirect_vreg.gather [hbm4b:s6+s4], $0x80, v16, vm0, $0xb8;
	[tilespmem:$0x12A00] =	vst v63  }
0x504: {  	v16 =	vld.msk [tilespmem:s26+$0x418], $0xff;
	_ =	sdelay $0x4  }
0x505: {  	v17 =	vshll.u32 v16, $0x1  }
0x506: {  	v16 =	vand.u32 $0x7, v16;
	v17 =	vand.u32 $0xFFFFFFF0, v17  }
0x507: {  	v16 =	vor.u32 v16, v17  }
0x508: {  	v17 =	vperm.xlane v16, v2;
	_ =	sdelay $0x1  }
0x509: {  	v40 =	vperm.xlane v16, v0;
	v17 =	vadd.s32 v3, v17;
	_ =	sdelay $0x1  }
0x50a: {  	v41 =	vperm.xlane v16, v4;
	v18 =	vadd.s32 v3, v40;
	_ =	sdelay $0x1  }
0x50b: {  	s16 =	simm.s32 $0xAC00;
	v42 =	vperm.xlane v16, v5;
	v19 =	vadd.s32 v3, v41  }
0x50c: {  	[tilespmem:s16], [sflag:$0x2] =	stream.indirect_vreg.gather [hbm4b:s7+s4], $0x80, v17, vm0, $0xb8;
	[tilespmem:$0x12A00] =	vst v63  }
0x50d: {  	s17 =	simm.s32 $0xAC80;
	v43 =	vperm.xlane v16, v6;
	v17 =	vadd.s32 v3, v42  }
0x50e: {  	[tilespmem:s17], [sflag:$0x2] =	stream.indirect_vreg.gather [hbm4b:s7+s4], $0x80, v18, vm0, $0xb8;
	[tilespmem:$0x12A00] =	vst v63  }
0x50f: {  	s18 =	simm.s32 $0xAD00;
	v45 =	vperm.xlane v16, v7;
	v44 =	vadd.s32 v3, v43  }
0x510: {  	[tilespmem:s18], [sflag:$0x2] =	stream.indirect_vreg.gather [hbm4b:s7+s4], $0x80, v19, vm0, $0xb8;
	[tilespmem:$0x12A00] =	vst v63  }
0x511: {  	s19 =	simm.s32 $0xAD80;
	v47 =	vperm.xlane v16, v8;
	v46 =	vadd.s32 v3, v45  }
0x512: {  	[tilespmem:s19], [sflag:$0x2] =	stream.indirect_vreg.gather [hbm4b:s7+s4], $0x80, v17, vm0, $0xb8;
	[tilespmem:$0x12A00] =	vst v63  }
0x513: {  	s23 =	simm.s32 $0xAE00;
	v16 =	vperm.xlane v16, v10;
	v17 =	vadd.s32 v3, v47  }
0x514: {  	[tilespmem:s23], [sflag:$0x2] =	stream.indirect_vreg.gather [hbm4b:s7+s4], $0x80, v44, vm0, $0xb8;
	[tilespmem:$0x12A00] =	vst v63  }
0x515: {  	s24 =	simm.s32 $0xAE80;
	v16 =	vadd.s32 v3, v16  }
0x516: {  	[tilespmem:s24], [sflag:$0x2] =	stream.indirect_vreg.gather [hbm4b:s7+s4], $0x80, v46, vm0, $0xb8;
	[tilespmem:$0x12A00] =	vst v63  }
0x517: {  	s28 =	simm.s32 $0xAF00  }
0x518: {  	[tilespmem:s28], [sflag:$0x2] =	stream.indirect_vreg.gather [hbm4b:s7+s4], $0x80, v17, vm0, $0xb8;
	[tilespmem:$0x12A00] =	vst v63  }
0x519: {  	s29 =	simm.s32 $0xAF80  }
0x51a: {  	[tilespmem:s29], [sflag:$0x2] =	stream.indirect_vreg.gather [hbm4b:s7+s4], $0x80, v16, vm0, $0xb8;
	[tilespmem:$0x12A00] =	vst v63  }
0x51b: {  	v16 =	vld.msk [tilespmem:s26+$0x418], $0xff;
	_ =	sdelay $0x4  }
0x51c: {  	v17 =	vshll.u32 v16, $0x1  }
0x51d: {  	v16 =	vand.u32 $0x7, v16;
	v17 =	vand.u32 $0xFFFFFFF0, v17  }
0x51e: {  	v16 =	vor.u32 v16, v17  }
0x51f: {  	v17 =	vperm.xlane v16, v2;
	_ =	sdelay $0x1  }
0x520: {  	v48 =	vperm.xlane v16, v0;
	v17 =	vadd.s32 v3, v17;
	_ =	sdelay $0x1  }
0x521: {  	v49 =	vperm.xlane v16, v4;
	v18 =	vadd.s32 v3, v48;
	_ =	sdelay $0x1  }
0x522: {  	s30 =	simm.s32 $0xB000;
	v50 =	vperm.xlane v16, v5;
	v19 =	vadd.s32 v3, v49  }
0x523: {  	[tilespmem:s30], [sflag:$0x2] =	stream.indirect_vreg.gather [hbm4b:s8+s4], $0x80, v17, vm0, $0xb8;
	[tilespmem:$0x12A00] =	vst v63  }
0x524: {  	s31 =	simm.s32 $0xB080;
	v51 =	vperm.xlane v16, v6;
	v17 =	vadd.s32 v3, v50  }
0x525: {  	[tilespmem:s31], [sflag:$0x2] =	stream.indirect_vreg.gather [hbm4b:s8+s4], $0x80, v18, vm0, $0xb8;
	[tilespmem:$0x12A00] =	vst v63  }
0x526: {  	s1 =	simm.s32 $0xB100;
	v53 =	vperm.xlane v16, v7;
	v52 =	vadd.s32 v3, v51  }
0x527: {  	[tilespmem:s1], [sflag:$0x2] =	stream.indirect_vreg.gather [hbm4b:s8+s4], $0x80, v19, vm0, $0xb8;
	[tilespmem:$0x12A00] =	vst v63  }
0x528: {  	s3 =	simm.s32 $0xB180;
	v55 =	vperm.xlane v16, v8;
	v54 =	vadd.s32 v3, v53  }
0x529: {  	[tilespmem:s3], [sflag:$0x2] =	stream.indirect_vreg.gather [hbm4b:s8+s4], $0x80, v17, vm0, $0xb8;
	[tilespmem:$0x12A00] =	vst v63  }
0x52a: {  	s10 =	simm.s32 $0xB200;
	v16 =	vperm.xlane v16, v10;
	v17 =	vadd.s32 v3, v55  }
0x52b: {  	[tilespmem:s10], [sflag:$0x2] =	stream.indirect_vreg.gather [hbm4b:s8+s4], $0x80, v52, vm0, $0xb8;
	[tilespmem:$0x12A00] =	vst v63  }
0x52c: {  	s11 =	simm.s32 $0xB280;
	v16 =	vadd.s32 v3, v16  }
0x52d: {  	[tilespmem:s11], [sflag:$0x2] =	stream.indirect_vreg.gather [hbm4b:s8+s4], $0x80, v54, vm0, $0xb8;
	[tilespmem:$0x12A00] =	vst v63  }
0x52e: {  	s12 =	simm.s32 $0xB300  }
0x52f: {  	[tilespmem:s12], [sflag:$0x2] =	stream.indirect_vreg.gather [hbm4b:s8+s4], $0x80, v17, vm0, $0xb8;
	[tilespmem:$0x12A00] =	vst v63  }
0x530: {  	s13 =	simm.s32 $0xB380  }
0x531: {  	[tilespmem:s13], [sflag:$0x2] =	stream.indirect_vreg.gather [hbm4b:s8+s4], $0x80, v16, vm0, $0xb8;
	[tilespmem:$0x12A00] =	vst v63  }
0x532: {  	v16 =	vld.msk [tilespmem:s26+$0x418], $0xff;
	_ =	sdelay $0x4  }
0x533: {  	v17 =	vshll.u32 v16, $0x1  }
0x534: {  	v16 =	vand.u32 $0x7, v16;
	v17 =	vand.u32 $0xFFFFFFF0, v17  }
0x535: {  	v16 =	vor.u32 v16, v17  }
0x536: {  	v17 =	vperm.xlane v16, v2;
	_ =	sdelay $0x1  }
0x537: {  	v56 =	vperm.xlane v16, v0;
	v17 =	vadd.s32 v3, v17;
	_ =	sdelay $0x1  }
0x538: {  	v57 =	vperm.xlane v16, v4;
	v18 =	vadd.s32 v3, v56;
	_ =	sdelay $0x1  }
0x539: {  	s15 =	simm.s32 $0xB400;
	v58 =	vperm.xlane v16, v5;
	v19 =	vadd.s32 v3, v57  }
0x53a: {  	[tilespmem:s15], [sflag:$0x2] =	stream.indirect_vreg.gather [hbm4b:s9+s4], $0x80, v17, vm0, $0xb8;
	[tilespmem:$0x12A00] =	vst v63  }
0x53b: {  	s16 =	simm.s32 $0xB480;
	v59 =	vperm.xlane v16, v6;
	v17 =	vadd.s32 v3, v58  }
0x53c: {  	[tilespmem:s16], [sflag:$0x2] =	stream.indirect_vreg.gather [hbm4b:s9+s4], $0x80, v18, vm0, $0xb8;
	[tilespmem:$0x12A00] =	vst v63  }
0x53d: {  	s17 =	simm.s32 $0xB500;
	v61 =	vperm.xlane v16, v7;
	v60 =	vadd.s32 v3, v59  }
0x53e: {  	[tilespmem:s17], [sflag:$0x2] =	stream.indirect_vreg.gather [hbm4b:s9+s4], $0x80, v19, vm0, $0xb8;
	[tilespmem:$0x12A00] =	vst v63  }
0x53f: {  	s18 =	simm.s32 $0xB580;
	v63 =	vperm.xlane v16, v8;
	v62 =	vadd.s32 v3, v61  }
0x540: {  	[tilespmem:s18], [sflag:$0x2] =	stream.indirect_vreg.gather [hbm4b:s9+s4], $0x80, v17, vm0, $0xb8;
	[tilespmem:$0x12A00] =	vst v63  }
0x541: {  	s19 =	simm.s32 $0xB600;
	v16 =	vperm.xlane v16, v10;
	v17 =	vadd.s32 v3, v63  }
0x542: {  	[tilespmem:s19], [sflag:$0x2] =	stream.indirect_vreg.gather [hbm4b:s9+s4], $0x80, v60, vm0, $0xb8;
	[tilespmem:$0x12A00] =	vst v63  }
0x543: {  	s23 =	simm.s32 $0xB680;
	v16 =	vadd.s32 v3, v16  }
0x544: {  	[tilespmem:s23], [sflag:$0x2] =	stream.indirect_vreg.gather [hbm4b:s9+s4], $0x80, v62, vm0, $0xb8;
	[tilespmem:$0x12A00] =	vst v63  }
0x545: {  	s24 =	simm.s32 $0xB700  }
0x546: {  	[tilespmem:s24], [sflag:$0x2] =	stream.indirect_vreg.gather [hbm4b:s9+s4], $0x80, v17, vm0, $0xb8;
	[tilespmem:$0x12A00] =	vst v63  }
0x547: {  	s28 =	simm.s32 $0xB780  }
0x548: {  	[tilespmem:s28], [sflag:$0x2] =	stream.indirect_vreg.gather [hbm4b:s9+s4], $0x80, v16, vm0, $0xb8;
	[tilespmem:$0x12A00] =	vst v63  }
0x549: {  	v16 =	vld.msk [tilespmem:s26+$0x18], $0xff;
	_ =	sdelay $0x4  }
0x54a: {  	v17 =	vshll.u32 v16, $0x2  }
0x54b: {  	v16 =	vand.u32 $0x7, v16;
	v17 =	vand.u32 $0xFFFFFFE0, v17  }
0x54c: {  	v16 =	vor.u32 v16, v17  }
0x54d: {  	v16 =	vperm.xlane v16, v12;
	_ =	sdelay $0x1  }
0x54e: {  	v16 =	vadd.s32 v14, v16;
	_ =	sdelay $0x3  }
0x54f: {  	s29 =	rddreg [dreg:$0x1];
	s1 =	simm.s32 $0xB800  }
0x550: {  	[tilespmem:s1], [sflag:$0x2] =	stream.indirect_vreg.gather [hbm4b:s29+s4], $0x80, v16, vm1, $0xb8;
	[tilespmem:$0x12A00] =	vst v63  }
0x551: {  	s30 =	simm.s32 $0xC000  }
0x552: {  	[tilespmem:s30], [sflag:$0x2] =	stream.indirect_vreg.gather [hbm4b:s14+s4], $0x80, v16, vm1, $0xb8;
	[tilespmem:$0x12A00] =	vst v63  }
0x553: {  	v16 =	vld.msk [tilespmem:s26+$0x418], $0xff;
	_ =	sdelay $0x4  }
0x554: {  	v17 =	vshll.u32 v16, $0x2  }
0x555: {  	v16 =	vand.u32 $0x7, v16;
	v17 =	vand.u32 $0xFFFFFFE0, v17  }
0x556: {  	v16 =	vor.u32 v16, v17  }
0x557: {  	v16 =	vperm.xlane v16, v12;
	_ =	sdelay $0x1  }
0x558: {  	v16 =	vadd.s32 v14, v16;
	_ =	sdelay $0x3  }
0x559: {  	s31 =	simm.s32 $0xC800  }
0x55a: {  	[tilespmem:s31], [sflag:$0x2] =	stream.indirect_vreg.gather [hbm4b:s29+s4], $0x80, v16, vm1, $0xb8;
	[tilespmem:$0x12A00] =	vst v63  }
0x55b: {  	s1 =	simm.s32 $0xD000  }
0x55c: {  	[tilespmem:s1], [sflag:$0x2] =	stream.indirect_vreg.gather [hbm4b:s14+s4], $0x80, v16, vm1, $0xb8;
	[tilespmem:$0x12A00] =	vst v63  }
0x55d: {  	v16 =	vld.msk [tilespmem:s26+$0x218], $0xff;
	_ =	sdelay $0x4  }
0x55e: {  	v17 =	vshrl.u32 v16, $0x3  }
0x55f: {  	v17 =	vmul.u32 $0x60, v17  }
0x560: {  	v16 =	vand.u32 $0x7, v16  }
0x561: {  	v16 =	vor.u32 v16, v17  }
0x562: {  	v16 =	vperm.xlane v16, v12;
	_ =	sdelay $0x1  }
0x563: {  	v16 =	vadd.s32 v14, v16;
	_ =	sdelay $0x3  }
0x564: {  	s3 =	rddreg [dreg:$0x2];
	s10 =	simm.s32 $0xD800  }
0x565: {  	[tilespmem:s10], [sflag:$0x2] =	stream.indirect_vreg.gather [hbm4b:s3+s4], $0x80, v16, vm1, $0xb8;
	[tilespmem:$0x12A00] =	vst v63  }
0x566: {  	s11 =	rddreg [dreg:$0xe];
	s12 =	simm.s32 $0xE000  }
0x567: {  	[tilespmem:s12], [sflag:$0x2] =	stream.indirect_vreg.gather [hbm4b:s11+s4], $0x80, v16, vm1, $0xb8;
	[tilespmem:$0x12A00] =	vst v63  }
0x568: {  	s13 =	rddreg [dreg:$0xf];
	s15 =	simm.s32 $0xE800  }
0x569: {  	[tilespmem:s15], [sflag:$0x2] =	stream.indirect_vreg.gather [hbm4b:s13+s4], $0x80, v16, vm1, $0xb8;
	[tilespmem:$0x12A00] =	vst v63  }
0x56a: {  	s16 =	rddreg [dreg:$0x10];
	s17 =	simm.s32 $0xF000  }
0x56b: {  	[tilespmem:s17], [sflag:$0x2] =	stream.indirect_vreg.gather [hbm4b:s16+s4], $0x80, v16, vm1, $0xb8;
	[tilespmem:$0x12A00] =	vst v63  }
0x56c: {  	s18 =	rddreg [dreg:$0x11];
	s19 =	simm.s32 $0xF800  }
0x56d: {  	[tilespmem:s19], [sflag:$0x2] =	stream.indirect_vreg.gather [hbm4b:s18+s4], $0x80, v16, vm1, $0xb8;
	[tilespmem:$0x12A00] =	vst v63  }
0x56e: {  	s23 =	rddreg [dreg:$0x12];
	s24 =	simm.s32 $0x10000  }
0x56f: {  	[tilespmem:s24], [sflag:$0x2] =	stream.indirect_vreg.gather [hbm4b:s23+s4], $0x80, v16, vm1, $0xb8;
	[tilespmem:$0x12A00] =	vst v63  }
0x570: {  	v16 =	vld.msk [tilespmem:s26+$0x618], $0xff;
	_ =	sdelay $0x4  }
0x571: {  	v17 =	vshll.u32 v16, $0x3  }
0x572: {  	v16 =	vand.u32 $0x7, v16;
	v17 =	vand.u32 $0xFFFFFFC0, v17  }
0x573: {  	v16 =	vor.u32 v16, v17  }
0x574: {  	v16 =	vperm.xlane v16, v12;
	_ =	sdelay $0x1  }
0x575: {  	v16 =	vadd.s32 v14, v16;
	_ =	sdelay $0x3  }
0x576: {  	s28 =	simm.s32 $0x10800;
	s26 =	rddreg [dreg:$0x3]  }
0x577: {  	[tilespmem:s28], [sflag:$0x2] =	stream.indirect_vreg.gather [hbm4b:s26+s4], $0x80, v16, vm1, $0xb8;
	[tilespmem:$0x12A00] =	vst v63  }
0x578: {  	s29 =	simm.s32 $0x11000  }
0x579: {  	[tilespmem:s29], [sflag:$0x2] =	stream.indirect_vreg.gather [hbm4b:s20+s4], $0x80, v16, vm1, $0xb8;
	[tilespmem:$0x12A00] =	vst v63  }
.Ltmp10:
0x57a: {  	_ = 	snop;
	(pc) =	sbr.rel .LBB2_2-.Ltmp10, $4  }
0x57b: {  	s30 =	simm.s32 $0x11800  }
0x57c: {  	[tilespmem:s30], [sflag:$0x2] =	stream.indirect_vreg.gather [hbm4b:s21+s4], $0x80, v16, vm1, $0xb8;
	[tilespmem:$0x12A00] =	vst v63  }
0x57d: {  	s25 =	sadd.s32 $0x1, s25;
	s31 =	simm.s32 $0x12000  }
0x57e: {  	[tilespmem:s31], [sflag:$0x2] =	stream.indirect_vreg.gather [hbm4b:s22+s4], $0x80, v16, vm1, $0xb8;
	[tilespmem:$0x12A00] =	vst v63  }
.LBB2_19:
0x57f: {  	_ =	sfence.sel $0x180000  }
0x580: {  	[bflag:$0x0] =	sbarrier.arrive $0xFFFF  }
0x581: {  	_ =	strace $0x90000047  }
0x582: {  	s0 =	stileid.u32;
	[bflag:$0x2] =	sbarrier.arrive $0xFFFF  }
0x583: {  	p0 =	sne.s32 s0, $0x0;
	s0 =	rddreg [dreg:$0x9]  }
0x584: {  	s0 =	sadd.s32 @!p0 $0x100000, s0  }
0x585: {  	[sflag:s0] =	ssyncadd.tile.s32 @!p0 $0x1;
	_ =	shalt  }
.Lfunc_end2:
_tile_overlayer_lowered:
.L_overlay_start_2:
0x586: {  	(tag) =	ssettag $0x2  }
0x587: {  	s0 =	rddreg [dreg:$0x0];
	s2 =	stileid.u32  }
0x588: {  	s1 =	rddreg [dreg:$0x1];
	p0 =	sne.s32 s2, $0x0  }
0x589: {  	s3 =	rddreg [dreg:$0x2];
	[bflag:$0x3] =	sbarrier.arrive $0xFFFF;
	s2 =	simm.s32 @!p0 $0x1C04  }
0x58a: {  	[timem:s3], [sflag:s2] =	dma.local @!p0 [hbm:s0], s1  }
0x58b: {  	s0 =	simm.s32 @!p0 $0x4  }
0x58c: {  	_ =	swait.ge @!p0 [sflag:s0], s1  }
0x58d: {  	s1 =	ssub.s32 @!p0 $0x0, s1;
	[sflag:s0] =	ssyncset.done @!p0 $0x0  }
0x58e: {  	[sflag:s0] =	ssyncadd.s32 @!p0 s1  }
0x58f: {  	[bflag:$0x3] =	sbarrier.arrive $0xFFFF  }
0x590: {  	_ =	shalt  }

</sc_bundles>
